<compile_context>
chip_gen: v7x
topology: tpu7x:2x2x1
jax: 0.10.2.dev20260603
libtpu: 0.0.44.dev20260713+nightly
codegen_flags: <defaults>
</compile_context>

<pallas_src>
import functools

import jax
import jax.numpy as jnp
from jax import lax
from jax.experimental import pallas as pl
from jax.experimental.pallas import tpu as pltpu
from jax.experimental.pallas import tpu_sc as plsc

_N = 10000
_D = 128
_E = 320000
_MAXBP = 3
_EPS = 1e-5

_NC = 2
_NS = 16
_NW = _NC * _NS
_K = 80
_NSTEP = _E // _NW // _K
_NSEC = 4
_SCH = 32
_WCH = 80
_NCHK = _N // _WCH

_MESH = plsc.VectorSubcoreMesh(core_axis_name="c", subcore_axis_name="s")
_PREC = lax.Precision.HIGHEST


def _dot(a, b):
    return jnp.dot(a, b, precision=_PREC, preferred_element_type=jnp.float32)


def _bn_in(h, g, b):
    n = h.shape[0]
    hc = h.reshape(8, n // 8, _D)
    mu = jnp.sum(jnp.sum(hc, axis=1), axis=0) * (1.0 / n)
    dv = h - mu
    dc = (dv * dv).reshape(8, n // 8, _D)
    var = jnp.sum(jnp.sum(dc, axis=1), axis=0) * (1.0 / n)
    return g * dv / jnp.sqrt(var + _EPS) + b



def _sc_spmm(y, src4, dst4, zrows):

    @functools.partial(
        pl.kernel,
        out_type=jax.ShapeDtypeStruct((_NC, _N, _D), jnp.float32),
        mesh=_MESH,
        scratch_types=[
            pltpu.VMEM((_SCH, _K), jnp.int32),
            pltpu.VMEM((_SCH, _K), jnp.int32),
            pltpu.VMEM((_K, _D), jnp.float32),
            pltpu.VMEM((_K, _D), jnp.float32),
            pltpu.VMEM_SHARED((_N, _D), jnp.float32),
            pltpu.SemaphoreType.DMA,
            pltpu.SemaphoreType.DMA,
        ],
    )
    def k(y_hbm, src_hbm, dst_hbm, z_hbm, out_hbm, src_v, dst_v,
          rows0, rows1, acc, sg0, sg1):
        c = lax.axis_index("c")
        s = lax.axis_index("s")
        tile = c * _NS + s

        pltpu.sync_copy(z_hbm, rows0)

        @pl.loop(0, pl.cdiv(_NCHK, _NS))
        def _(z):
            ch = s + z * _NS

            @pl.when(ch < _NCHK)
            def _():
                pltpu.sync_copy(rows0, acc.at[pl.ds(ch * _WCH, _WCH)])

        plsc.subcore_barrier()

        def gather(e, buf, sem):
            pltpu.async_copy(y_hbm.at[src_v.at[e]], buf, sem)

        def gwait(e, buf, sem):
            pltpu.make_async_copy(y_hbm.at[src_v.at[e]], buf, sem).wait()

        def scat(e, buf):
            pltpu.sync_copy(buf, acc.at[dst_v.at[e]], add=True)

        for sec in range(_NSEC):
            nch = _SCH if sec < _NSEC - 1 else _NSTEP - (_NSEC - 1) * _SCH
            start = nch % 2
            pltpu.sync_copy(src_hbm.at[tile, sec], src_v)
            pltpu.sync_copy(dst_hbm.at[tile, sec], dst_v)
            if start:
                pltpu.async_copy(y_hbm.at[src_v.at[0]], rows0, sg0).wait()
                scat(0, rows0)
            gather(start, rows0, sg0)

            @pl.loop(0, (nch - start) // 2)
            def _(p):
                e0 = start + 2 * p
                gwait(e0, rows0, sg0)
                gather(e0 + 1, rows1, sg1)
                scat(e0, rows0)

                @pl.when(e0 + 2 < nch)
                def _():
                    gather(e0 + 2, rows0, sg0)

                gwait(e0 + 1, rows1, sg1)
                scat(e0 + 1, rows1)

        plsc.subcore_barrier()

        @pl.loop(0, pl.cdiv(_NCHK, _NS))
        def _(z):
            ch = s + z * _NS

            @pl.when(ch < _NCHK)
            def _():
                pltpu.sync_copy(acc.at[pl.ds(ch * _WCH, _WCH)], rows0)
                pltpu.sync_copy(rows0, out_hbm.at[c, pl.ds(ch * _WCH, _WCH)])

    return k(y, src4, dst4, zrows)


def _sc_degree(dst3, zrows, ones):

    @functools.partial(
        pl.kernel,
        out_type=jax.ShapeDtypeStruct((_NC, _N, _D), jnp.float32),
        mesh=_MESH,
        scratch_types=[
            pltpu.VMEM((_NSTEP, _K), jnp.int32),
            pltpu.VMEM((_K, _D), jnp.float32),
            pltpu.VMEM((_WCH, _D), jnp.float32),
            pltpu.VMEM_SHARED((_N, _D), jnp.float32),
            pltpu.SemaphoreType.DMA,
        ],
    )
    def k(dst_hbm, z_hbm, one_hbm, out_hbm, dst_v, ones_v, zb_v, acc, sem):
        c = lax.axis_index("c")
        s = lax.axis_index("s")
        tile = c * _NS + s

        pltpu.sync_copy(dst_hbm.at[tile], dst_v)
        pltpu.sync_copy(z_hbm, zb_v)
        pltpu.sync_copy(one_hbm, ones_v)

        @pl.loop(0, pl.cdiv(_NCHK, _NS))
        def _(z):
            ch = s + z * _NS

            @pl.when(ch < _NCHK)
            def _():
                pltpu.sync_copy(zb_v, acc.at[pl.ds(ch * _WCH, _WCH)])

        plsc.subcore_barrier()

        @pl.loop(0, _NSTEP // 4)
        def _(g):
            for i in range(4):
                pltpu.async_copy(ones_v, acc.at[dst_v.at[4 * g + i]], sem,
                                 add=True)
            for i in range(4):
                pltpu.make_async_copy(ones_v, acc.at[dst_v.at[4 * g + i]],
                                      sem).wait()

        @pl.loop(4 * (_NSTEP // 4), _NSTEP)
        def _(j):
            pltpu.sync_copy(ones_v, acc.at[dst_v.at[j]], add=True)

        plsc.subcore_barrier()

        @pl.loop(0, pl.cdiv(_NCHK, _NS))
        def _(z):
            ch = s + z * _NS

            @pl.when(ch < _NCHK)
            def _():
                pltpu.sync_copy(acc.at[pl.ds(ch * _WCH, _WCH)], zb_v)
                pltpu.sync_copy(zb_v, out_hbm.at[c, pl.ds(ch * _WCH, _WCH)])

    return k(dst3, zrows, ones)



def _tc_prelude(x, W_in, b_in, g1, bb1):
    def k(x_r, w_r, b_r, g_r, bb_r, h_r):
        h = jnp.maximum(_dot(x_r[...], w_r[...].T) + b_r[...], 0.0)
        h_r[...] = _bn_in(h, g_r[...], bb_r[...])

    return pl.pallas_call(
        k, out_shape=jax.ShapeDtypeStruct((_N, _D), jnp.float32)
    )(x, W_in, b_in, g1, bb1)


def _tc_prepare(h0, W_gcn, degp):

    def k(h_r, w_r, p_r, y_r, dinv_r):
        dinv = 1.0 / jnp.sqrt(1.0 + p_r[0] + p_r[1])
        dinv_r[...] = dinv
        y_r[...] = dinv * _dot(h_r[...], w_r[...].T)

    return pl.pallas_call(
        k,
        out_shape=(
            jax.ShapeDtypeStruct((_N, _D), jnp.float32),
            jax.ShapeDtypeStruct((_N, _D), jnp.float32),
        ),
    )(h0, W_gcn, degp)


_GB = 2000


def _tc_gru(h, y, dinv, part, W_ih, b_ih, W_hh, b_hh, b_gcn):

    def k(h_r, y_r, dinv_r, p_r, wih_r, bih_r, whh_r, bhh_r, bg_r,
          hn_r, ss_r):
        i = pl.program_id(0)
        hh = h_r[...]
        cc = dinv_r[...] * (p_r[0] + p_r[1] + y_r[...]) + bg_r[...]
        wih = wih_r[...]
        whh = whh_r[...]
        bih = bih_r[...]
        bhh = bhh_r[...]
        r = jax.nn.sigmoid(_dot(hh, wih[0:_D].T) + bih[0:_D]
                           + _dot(cc, whh[0:_D].T) + bhh[0:_D])
        z = jax.nn.sigmoid(_dot(hh, wih[_D:2 * _D].T) + bih[_D:2 * _D]
                           + _dot(cc, whh[_D:2 * _D].T) + bhh[_D:2 * _D])
        n_ = jnp.tanh(_dot(hh, wih[2 * _D:].T) + bih[2 * _D:]
                      + r * (_dot(cc, whh[2 * _D:].T) + bhh[2 * _D:]))
        hn = (1.0 - z) * n_ + z * cc
        hn_r[...] = hn

        @pl.when(i == 0)
        def _():
            ss_r[...] = jnp.zeros((1, _D), jnp.float32)

        ss_r[...] += jnp.sum(hn, axis=0, keepdims=True)

    row = lambda i: (i, 0)
    whole = lambda i: (0, 0)
    return pl.pallas_call(
        k,
        grid=(_N // _GB,),
        in_specs=[
            pl.BlockSpec((_GB, _D), row),
            pl.BlockSpec((_GB, _D), row),
            pl.BlockSpec((_GB, _D), row),
            pl.BlockSpec((2, _GB, _D), lambda i: (0, i, 0)),
            pl.BlockSpec((3 * _D, _D), whole),
            pl.BlockSpec((3 * _D,), lambda i: (0,)),
            pl.BlockSpec((3 * _D, _D), whole),
            pl.BlockSpec((3 * _D,), lambda i: (0,)),
            pl.BlockSpec((_D,), lambda i: (0,)),
        ],
        out_specs=(
            pl.BlockSpec((_GB, _D), row),
            pl.BlockSpec((1, _D), whole),
        ),
        out_shape=(
            jax.ShapeDtypeStruct((_N, _D), jnp.float32),
            jax.ShapeDtypeStruct((1, _D), jnp.float32),
        ),
    )(h, y, dinv, part, W_ih, b_ih, W_hh, b_hh, b_gcn)


def _tc_var(hn, ss):

    def k(hn_r, ss_r, sq_r):
        i = pl.program_id(0)
        d = hn_r[...] - ss_r[...] * (1.0 / _N)

        @pl.when(i == 0)
        def _():
            sq_r[...] = jnp.zeros((1, _D), jnp.float32)

        sq_r[...] += jnp.sum(d * d, axis=0, keepdims=True)

    row = lambda i: (i, 0)
    whole = lambda i: (0, 0)
    return pl.pallas_call(
        k,
        grid=(_N // _GB,),
        in_specs=[
            pl.BlockSpec((_GB, _D), row),
            pl.BlockSpec((1, _D), whole),
        ],
        out_specs=pl.BlockSpec((1, _D), whole),
        out_shape=jax.ShapeDtypeStruct((1, _D), jnp.float32),
    )(hn, ss)


def _tc_post(hn, ss, sq, g2, bb2, max_x, W_gcn, dinv):

    def k(hn_r, ss_r, sq_r, g_r, bb_r, mx_r, w_r, dinv_r, hb_r, mxo_r, y_r):
        mu = ss_r[...] * (1.0 / _N)
        var = sq_r[...] * (1.0 / _N)
        hb = g_r[...] * (hn_r[...] - mu) / jnp.sqrt(var + _EPS) + bb_r[...]
        hb_r[...] = hb
        mxo_r[...] = jnp.maximum(mx_r[...], hb)
        y_r[...] = dinv_r[...] * _dot(hb, w_r[...].T)

    row = lambda i: (i, 0)
    whole = lambda i: (0, 0)
    return pl.pallas_call(
        k,
        grid=(_N // _GB,),
        in_specs=[
            pl.BlockSpec((_GB, _D), row),
            pl.BlockSpec((1, _D), whole),
            pl.BlockSpec((1, _D), whole),
            pl.BlockSpec((_D,), lambda i: (0,)),
            pl.BlockSpec((_D,), lambda i: (0,)),
            pl.BlockSpec((_GB, _D), row),
            pl.BlockSpec((_D, _D), whole),
            pl.BlockSpec((_GB, _D), row),
        ],
        out_specs=(
            pl.BlockSpec((_GB, _D), row),
            pl.BlockSpec((_GB, _D), row),
            pl.BlockSpec((_GB, _D), row),
        ),
        out_shape=(
            jax.ShapeDtypeStruct((_N, _D), jnp.float32),
            jax.ShapeDtypeStruct((_N, _D), jnp.float32),
            jax.ShapeDtypeStruct((_N, _D), jnp.float32),
        ),
    )(hn, ss, sq, g2, bb2, max_x, W_gcn, dinv)


def _tc_head(mx, g3, bb3, W_h, b_h2, g4, bb4, W_o, b_o):
    def k(mx_r, g3_r, bb3_r, wh_r, bh_r, g4_r, bb4_r, wo_r, bo_r, o_r):
        t = _bn_in(mx_r[...], g3_r[...], bb3_r[...])
        u = _bn_in(_dot(t, wh_r[...].T) + bh_r[...], g4_r[...], bb4_r[...])
        u = jnp.maximum(u, 0.0)
        o_r[...] = jnp.sum(u * wo_r[...], axis=1, keepdims=True) + bo_r[0]

    return pl.pallas_call(
        k, out_shape=jax.ShapeDtypeStruct((_N, 1), jnp.float32)
    )(mx, g3, bb3, W_h, b_h2, g4, bb4, W_o, b_o)



def kernel(x, edge_index, W_in, b_in, g1, bb1, W_gcn, b_gcn, W_ih, b_ih,
           W_hh, b_hh, g2, bb2, g3, bb3, W_h, b_h2, g4, bb4, W_o, b_o):
    src3 = edge_index[0].reshape(_NW, _NSTEP, _K)
    dst3 = edge_index[1].reshape(_NW, _NSTEP, _K)
    pad = ((0, 0), (0, _NSEC * _SCH - _NSTEP), (0, 0))
    src4 = jnp.pad(src3, pad).reshape(_NW, _NSEC, _SCH, _K)
    dst4 = jnp.pad(dst3, pad).reshape(_NW, _NSEC, _SCH, _K)
    zrows = jnp.zeros((_WCH, _D), jnp.float32)
    ones = jnp.ones((_K, _D), jnp.float32)

    degp = _sc_degree(dst3, zrows, ones)
    h = _tc_prelude(x, W_in, b_in, g1, bb1)
    max_x = h
    y, dinv = _tc_prepare(h, W_gcn, degp)

    for _ in range(_MAXBP):
        part = _sc_spmm(y, src4, dst4, zrows)
        hn, ss = _tc_gru(h, y, dinv, part, W_ih, b_ih, W_hh, b_hh, b_gcn)
        sq = _tc_var(hn, ss)
        h, max_x, y = _tc_post(hn, ss, sq, g2, bb2, max_x, W_gcn, dinv)

    return _tc_head(max_x, g3, bb3, W_h, b_h2, g4, bb4, W_o, b_o)

# --- scband reference (transcript-rebuilt; emitter-appended) ---
"""Pipeline reference for scband-qwe-net-49675591746193 (READ-ONLY COPY).

The authoritative reference and input builder live on the scoring server;
editing this copy changes nothing except your own understanding.
"""

import jax, jax.numpy as jnp
import numpy as np

N = 10000
D = 128
E = 320000
MAXBP = 3
OUT = 1

def _bn(x, g, b):
    mu = jnp.mean(x, axis=0)
    var = jnp.mean((x - mu) ** 2, axis=0)
    return g * (x - mu) / jnp.sqrt(var + 1e-5) + b

def _gcn(x, src, dst, W, b):
    n = x.shape[0]
    xw = x @ W.T
    loop = jnp.arange(n, dtype=src.dtype)
    s = jnp.concatenate([src, loop])
    d = jnp.concatenate([dst, loop])
    deg = jnp.zeros((n,), x.dtype).at[d].add(1.0)
    dinv = jnp.where(deg > 0, 1.0 / jnp.sqrt(deg), 0.0)
    norm = dinv[s] * dinv[d]
    msg = xw[s] * norm[:, None]
    out = jnp.zeros_like(xw).at[d].add(msg)
    return out + b

def _gru(inp, h, W_ih, b_ih, W_hh, b_hh):
    gi = inp @ W_ih.T + b_ih
    gh = h @ W_hh.T + b_hh
    i_r, i_z, i_n = jnp.split(gi, 3, axis=1)
    h_r, h_z, h_n = jnp.split(gh, 3, axis=1)
    r = jax.nn.sigmoid(i_r + h_r)
    z = jax.nn.sigmoid(i_z + h_z)
    n_ = jnp.tanh(i_n + r * h_n)
    return (1.0 - z) * n_ + z * h

def setup_inputs(seed: int = 0):
    key = jax.random.key(seed)
    ks = jax.random.split(key, 16)
    s = 1.0 / np.sqrt(D)
    inp = {
        "x": jax.random.normal(ks[0], (N, D), jnp.float32),
        "edge_index": jax.random.randint(ks[1], (2, E), 0, N, dtype=jnp.int32),
        "W_in": jax.random.normal(ks[2], (D, D), jnp.float32) * s,
        "b_in": jnp.zeros((D,), jnp.float32),
        "g1": jnp.ones((D,), jnp.float32),
        "bb1": jnp.zeros((D,), jnp.float32),
        "W_gcn": jax.random.normal(ks[3], (D, D), jnp.float32) * s,
        "b_gcn": jnp.zeros((D,), jnp.float32),
        "W_ih": jax.random.normal(ks[4], (3 * D, D), jnp.float32) * s,
        "b_ih": jnp.zeros((3 * D,), jnp.float32),
        "W_hh": jax.random.normal(ks[5], (3 * D, D), jnp.float32) * s,
        "b_hh": jnp.zeros((3 * D,), jnp.float32),
        "g2": jnp.ones((D,), jnp.float32),
        "bb2": jnp.zeros((D,), jnp.float32),
        "g3": jnp.ones((D,), jnp.float32),
        "bb3": jnp.zeros((D,), jnp.float32),
        "W_h": jax.random.normal(ks[6], (D, D), jnp.float32) * s,
        "b_h2": jnp.zeros((D,), jnp.float32),
        "g4": jnp.ones((D,), jnp.float32),
        "bb4": jnp.zeros((D,), jnp.float32),
        "W_o": jax.random.normal(ks[7], (OUT, D), jnp.float32) * s,
        "b_o": jnp.zeros((OUT,), jnp.float32),
    }
    return inp

def reference(x, edge_index, W_in, b_in, g1, bb1, W_gcn, b_gcn, W_ih, b_ih, W_hh, b_hh, g2, bb2, g3, bb3, W_h, b_h2, g4, bb4, W_o, b_o):
    src, dst = edge_index[0], edge_index[1]
    # decoder.inputLayer: Linear -> LeakyReLU(slope=0 since inTraining=True) -> BatchNorm1d (training stats)
    h = _bn(jax.nn.leaky_relu(x @ W_in.T + b_in, 0.0), g1, bb1)
    max_x = h
    for _ in range(MAXBP):
        pre = h
        c = _gcn(h, src, dst, W_gcn, b_gcn)
        h = _gru(pre, c, W_ih, b_ih, W_hh, b_hh)
        h = _bn(h, g2, bb2)
        max_x = jnp.maximum(max_x, h)
    h = _bn(max_x, g3, bb3)
    # encoder: Linear -> BN -> LeakyReLU(0), auxFeatDim=0 so no concat, then out Linear
    h = jax.nn.leaky_relu(_bn(h @ W_h.T + b_h2, g4, bb4), 0.0)
    return h @ W_o.T + b_o

if __name__ == "__main__":
    import jax
    _d = setup_inputs()
    print(jax.jit(kernel)(*tuple(_d.values())))

</pallas_src>

<mosaic_0001>
#map = affine_map<(d0, d1) -> (0, 0)>
#map1 = affine_map<(d0, d1) -> (0, 0, 0, 0)>
#map2 = affine_map<(d0, d1) -> (0, 0, 0)>
module attributes {stable_mosaic.version = 14 : i64} {
  func.func @k(%arg0: i32, %arg1: i32, %arg2: memref<10000x128xf32, #tpu.memory_space<hbm>>, %arg3: memref<32x4x32x80xi32, #tpu.memory_space<hbm>>, %arg4: memref<32x4x32x80xi32, #tpu.memory_space<hbm>>, %arg5: memref<80x128xf32, #tpu.memory_space<hbm>>, %arg6: memref<2x10000x128xf32, #tpu.memory_space<hbm>>, %arg7: memref<32x80xi32, #tpu.memory_space<vmem>>, %arg8: memref<32x80xi32, #tpu.memory_space<vmem>>, %arg9: memref<80x128xf32, #tpu.memory_space<vmem>>, %arg10: memref<80x128xf32, #tpu.memory_space<vmem>>, %arg11: memref<10000x128xf32, #tpu.memory_space<vmem_shared>>, %arg12: memref<!tpu.dma_semaphore, #tpu.memory_space<semaphore_mem>>, %arg13: memref<!tpu.dma_semaphore, #tpu.memory_space<semaphore_mem>>) attributes {dimension_semantics = [#tpu.dimension_semantics<core_parallel>, #tpu.dimension_semantics<subcore_parallel>], iteration_bounds = array<i64: 2, 16>, scalar_prefetch = 0 : i64, scratch_operands = 7 : i64, tpu.core_type = #tpu.core_type<sc_vector_subcore>, window_params = [{transform_indices = #map}, {transform_indices = #map1}, {transform_indices = #map1}, {transform_indices = #map}, {transform_indices = #map2}]} {
    %mul3A = arith.constant 16 : i32
    %mul3A_0 = arith.muli %arg0, %mul3A : i32
    %add3A = arith.addi %mul3A_0, %arg1 : i32
    "tpu.region"() ({
      %run_scoped3A_79 = tpu.sem_alloc : memref<!tpu.dma_semaphore, #tpu.memory_space<semaphore_mem>>
      tpu.enqueue_dma source(%arg5 : memref<80x128xf32, #tpu.memory_space<hbm>>) target(%arg9 : memref<80x128xf32, #tpu.memory_space<vmem>>) target_semaphore(%run_scoped3A_79 : memref<!tpu.dma_semaphore, #tpu.memory_space<semaphore_mem>>)
      tpu.wait_dma2 semaphore(%run_scoped3A_79 : memref<!tpu.dma_semaphore, #tpu.memory_space<semaphore_mem>>) src(%arg5 : memref<80x128xf32, #tpu.memory_space<hbm>>) dst(%arg9 : memref<80x128xf32, #tpu.memory_space<vmem>>)
      tpu.yield
    }) : () -> ()
    %scan3A = arith.constant 0 : i32
    %scan3A_1 = arith.constant 8 : i32
    %scan3A_2 = arith.addi %scan3A, %scan3A_1 : i32
    %scan3A_3 = arith.constant 1 : i32
    scf.for %scan3A_79 = %scan3A to %scan3A_2 step %scan3A_3  : i32 {
      %mul3A_80 = arith.constant 1 : i32
      %mul3A_81 = arith.muli %scan3A_79, %mul3A_80 : i32
      %add3A_82 = arith.constant 0 : i32
      %add3A_83 = arith.addi %add3A_82, %mul3A_81 : i32
      %mul3A_84 = arith.constant 16 : i32
      %mul3A_85 = arith.muli %add3A_83, %mul3A_84 : i32
      %add3A_86 = arith.addi %arg1, %mul3A_85 : i32
      %lt3A = arith.constant 125 : i32
      %lt3A_87 = arith.cmpi slt, %add3A_86, %lt3A : i32
      %convert_element_type3A = arith.extui %lt3A_87 : i1 to i32
      %cond3A = arith.constant 0 : i32
      %cond3A_88 = arith.cmpi ne, %convert_element_type3A, %cond3A : i32
      scf.if %cond3A_88 {
        %mul3A_89 = arith.constant 80 : i32
        %mul3A_90 = arith.muli %add3A_86, %mul3A_89 : i32
        "tpu.region"() ({
          %run_scoped3A_91 = tpu.sem_alloc : memref<!tpu.dma_semaphore, #tpu.memory_space<semaphore_mem>>
          %dma_start3A_92 = arith.constant 0 : i32
          %dma_start3A_93 = tpu.memref_slice %arg11[%mul3A_90, %dma_start3A_92] : memref<10000x128xf32, #tpu.memory_space<vmem_shared>> -> memref<80x128xf32, #tpu.memory_space<vmem_shared>>
          %dma_start3A_94 = arith.constant 0 : i32
          %dma_start3A_95 = tpu.memref_slice %arg11[%mul3A_90, %dma_start3A_94] : memref<10000x128xf32, #tpu.memory_space<vmem_shared>> -> memref<80x128xf32, #tpu.memory_space<vmem_shared>>
          tpu.enqueue_dma source(%arg9 : memref<80x128xf32, #tpu.memory_space<vmem>>) target(%dma_start3A_95 : memref<80x128xf32, #tpu.memory_space<vmem_shared>>) target_semaphore(%run_scoped3A_91 : memref<!tpu.dma_semaphore, #tpu.memory_space<semaphore_mem>>)
          %dma_wait3A_96 = arith.constant 0 : i32
          %dma_wait3A_97 = tpu.memref_slice %arg11[%mul3A_90, %dma_wait3A_96] : memref<10000x128xf32, #tpu.memory_space<vmem_shared>> -> memref<80x128xf32, #tpu.memory_space<vmem_shared>>
          %dma_wait3A_98 = arith.constant 0 : i32
          %dma_wait3A_99 = tpu.memref_slice %arg11[%mul3A_90, %dma_wait3A_98] : memref<10000x128xf32, #tpu.memory_space<vmem_shared>> -> memref<80x128xf32, #tpu.memory_space<vmem_shared>>
          tpu.wait_dma2 semaphore(%run_scoped3A_91 : memref<!tpu.dma_semaphore, #tpu.memory_space<semaphore_mem>>) src(%arg9 : memref<80x128xf32, #tpu.memory_space<vmem>>) dst(%dma_wait3A_99 : memref<80x128xf32, #tpu.memory_space<vmem_shared>>)
          tpu.yield
        }) : () -> ()
      } else {
      }
    }
    %scan3A_4 = arith.constant 8 : i32
    %barrier3A = arith.constant 0 : index
    tpu.barrier barrier_id(%barrier3A)
    %run_scoped3A = arith.constant 0 : i32
    "tpu.region"() ({
      %run_scoped3A_79 = tpu.sem_alloc : memref<!tpu.dma_semaphore, #tpu.memory_space<semaphore_mem>>
      %dma_start3A_80 = arith.constant 0 : i32
      %dma_start3A_81 = arith.constant 0 : i32
      %dma_start3A_82 = tpu.memref_slice %arg3[%add3A, %run_scoped3A, %dma_start3A_80, %dma_start3A_81] : memref<32x4x32x80xi32, #tpu.memory_space<hbm>> -> memref<1x1x32x80xi32, #tpu.memory_space<hbm>>
      %dma_start3A_83 = tpu.memref_squeeze %dma_start3A_82 : memref<1x1x32x80xi32, #tpu.memory_space<hbm>> -> memref<32x80xi32, #tpu.memory_space<hbm>>
      %dma_start3A_84 = arith.constant 0 : i32
      %dma_start3A_85 = arith.constant 0 : i32
      %dma_start3A_86 = tpu.memref_slice %arg3[%add3A, %run_scoped3A, %dma_start3A_84, %dma_start3A_85] : memref<32x4x32x80xi32, #tpu.memory_space<hbm>> -> memref<1x1x32x80xi32, #tpu.memory_space<hbm>>
      %dma_start3A_87 = tpu.memref_squeeze %dma_start3A_86 : memref<1x1x32x80xi32, #tpu.memory_space<hbm>> -> memref<32x80xi32, #tpu.memory_space<hbm>>
      tpu.enqueue_dma source(%dma_start3A_87 : memref<32x80xi32, #tpu.memory_space<hbm>>) target(%arg7 : memref<32x80xi32, #tpu.memory_space<vmem>>) target_semaphore(%run_scoped3A_79 : memref<!tpu.dma_semaphore, #tpu.memory_space<semaphore_mem>>)
      %dma_wait3A_88 = arith.constant 0 : i32
      %dma_wait3A_89 = arith.constant 0 : i32
      %dma_wait3A_90 = tpu.memref_slice %arg3[%add3A, %run_scoped3A, %dma_wait3A_88, %dma_wait3A_89] : memref<32x4x32x80xi32, #tpu.memory_space<hbm>> -> memref<1x1x32x80xi32, #tpu.memory_space<hbm>>
      %dma_wait3A_91 = tpu.memref_squeeze %dma_wait3A_90 : memref<1x1x32x80xi32, #tpu.memory_space<hbm>> -> memref<32x80xi32, #tpu.memory_space<hbm>>
      %dma_wait3A_92 = arith.constant 0 : i32
      %dma_wait3A_93 = arith.constant 0 : i32
      %dma_wait3A_94 = tpu.memref_slice %arg3[%add3A, %run_scoped3A, %dma_wait3A_92, %dma_wait3A_93] : memref<32x4x32x80xi32, #tpu.memory_space<hbm>> -> memref<1x1x32x80xi32, #tpu.memory_space<hbm>>
      %dma_wait3A_95 = tpu.memref_squeeze %dma_wait3A_94 : memref<1x1x32x80xi32, #tpu.memory_space<hbm>> -> memref<32x80xi32, #tpu.memory_space<hbm>>
      tpu.wait_dma2 semaphore(%run_scoped3A_79 : memref<!tpu.dma_semaphore, #tpu.memory_space<semaphore_mem>>) src(%dma_wait3A_95 : memref<32x80xi32, #tpu.memory_space<hbm>>) dst(%arg7 : memref<32x80xi32, #tpu.memory_space<vmem>>)
      tpu.yield
    }) : () -> ()
    %run_scoped3A_5 = arith.constant 0 : i32
    "tpu.region"() ({
      %run_scoped3A_79 = tpu.sem_alloc : memref<!tpu.dma_semaphore, #tpu.memory_space<semaphore_mem>>
      %dma_start3A_80 = arith.constant 0 : i32
      %dma_start3A_81 = arith.constant 0 : i32
      %dma_start3A_82 = tpu.memref_slice %arg4[%add3A, %run_scoped3A_5, %dma_start3A_80, %dma_start3A_81] : memref<32x4x32x80xi32, #tpu.memory_space<hbm>> -> memref<1x1x32x80xi32, #tpu.memory_space<hbm>>
      %dma_start3A_83 = tpu.memref_squeeze %dma_start3A_82 : memref<1x1x32x80xi32, #tpu.memory_space<hbm>> -> memref<32x80xi32, #tpu.memory_space<hbm>>
      %dma_start3A_84 = arith.constant 0 : i32
      %dma_start3A_85 = arith.constant 0 : i32
      %dma_start3A_86 = tpu.memref_slice %arg4[%add3A, %run_scoped3A_5, %dma_start3A_84, %dma_start3A_85] : memref<32x4x32x80xi32, #tpu.memory_space<hbm>> -> memref<1x1x32x80xi32, #tpu.memory_space<hbm>>
      %dma_start3A_87 = tpu.memref_squeeze %dma_start3A_86 : memref<1x1x32x80xi32, #tpu.memory_space<hbm>> -> memref<32x80xi32, #tpu.memory_space<hbm>>
      tpu.enqueue_dma source(%dma_start3A_87 : memref<32x80xi32, #tpu.memory_space<hbm>>) target(%arg8 : memref<32x80xi32, #tpu.memory_space<vmem>>) target_semaphore(%run_scoped3A_79 : memref<!tpu.dma_semaphore, #tpu.memory_space<semaphore_mem>>)
      %dma_wait3A_88 = arith.constant 0 : i32
      %dma_wait3A_89 = arith.constant 0 : i32
      %dma_wait3A_90 = tpu.memref_slice %arg4[%add3A, %run_scoped3A_5, %dma_wait3A_88, %dma_wait3A_89] : memref<32x4x32x80xi32, #tpu.memory_space<hbm>> -> memref<1x1x32x80xi32, #tpu.memory_space<hbm>>
      %dma_wait3A_91 = tpu.memref_squeeze %dma_wait3A_90 : memref<1x1x32x80xi32, #tpu.memory_space<hbm>> -> memref<32x80xi32, #tpu.memory_space<hbm>>
      %dma_wait3A_92 = arith.constant 0 : i32
      %dma_wait3A_93 = arith.constant 0 : i32
      %dma_wait3A_94 = tpu.memref_slice %arg4[%add3A, %run_scoped3A_5, %dma_wait3A_92, %dma_wait3A_93] : memref<32x4x32x80xi32, #tpu.memory_space<hbm>> -> memref<1x1x32x80xi32, #tpu.memory_space<hbm>>
      %dma_wait3A_95 = tpu.memref_squeeze %dma_wait3A_94 : memref<1x1x32x80xi32, #tpu.memory_space<hbm>> -> memref<32x80xi32, #tpu.memory_space<hbm>>
      tpu.wait_dma2 semaphore(%run_scoped3A_79 : memref<!tpu.dma_semaphore, #tpu.memory_space<semaphore_mem>>) src(%dma_wait3A_95 : memref<32x80xi32, #tpu.memory_space<hbm>>) dst(%arg8 : memref<32x80xi32, #tpu.memory_space<vmem>>)
      tpu.yield
    }) : () -> ()
    %dma_start3A = arith.constant 0 : i32
    %dma_start3A_6 = arith.constant 0 : i32
    %dma_start3A_7 = tpu.memref_slice %arg7[%dma_start3A, %dma_start3A_6] : memref<32x80xi32, #tpu.memory_space<vmem>> -> memref<1x80xi32, #tpu.memory_space<vmem>>
    %dma_start3A_8 = tpu.memref_squeeze %dma_start3A_7 : memref<1x80xi32, #tpu.memory_space<vmem>> -> memref<80xi32, #tpu.memory_space<vmem>>
    %dma_start3A_9 = arith.constant 0 : i32
    %dma_start3A_10 = arith.constant 0 : i32
    %dma_start3A_11 = tpu.memref_slice %arg2[%dma_start3A_9, %dma_start3A_10] : memref<10000x128xf32, #tpu.memory_space<hbm>> -> memref<10000x128xf32, #tpu.memory_space<hbm>>
    tpu.enqueue_indirect_dma source(%dma_start3A_11 : memref<10000x128xf32, #tpu.memory_space<hbm>>) target(%arg9 : memref<80x128xf32, #tpu.memory_space<vmem>>) offsets(%dma_start3A_8 : memref<80xi32, #tpu.memory_space<vmem>>) semaphore(%arg12 : memref<!tpu.dma_semaphore, #tpu.memory_space<semaphore_mem>>)
    %scan3A_12 = arith.constant 0 : i32
    %scan3A_13 = arith.constant 16 : i32
    %scan3A_14 = arith.addi %scan3A_12, %scan3A_13 : i32
    %scan3A_15 = arith.constant 1 : i32
    scf.for %scan3A_79 = %scan3A_12 to %scan3A_14 step %scan3A_15  : i32 {
      %mul3A_80 = arith.constant 1 : i32
      %mul3A_81 = arith.muli %scan3A_79, %mul3A_80 : i32
      %add3A_82 = arith.constant 0 : i32
      %add3A_83 = arith.addi %add3A_82, %mul3A_81 : i32
      %mul3A_84 = arith.constant 2 : i32
      %mul3A_85 = arith.muli %mul3A_84, %add3A_83 : i32
      %add3A_86 = arith.constant 0 : i32
      %add3A_87 = arith.addi %add3A_86, %mul3A_85 : i32
      %dma_wait3A_88 = arith.constant 0 : i32
      %dma_wait3A_89 = tpu.memref_slice %arg7[%add3A_87, %dma_wait3A_88] : memref<32x80xi32, #tpu.memory_space<vmem>> -> memref<1x80xi32, #tpu.memory_space<vmem>>
      %dma_wait3A_90 = tpu.memref_squeeze %dma_wait3A_89 : memref<1x80xi32, #tpu.memory_space<vmem>> -> memref<80xi32, #tpu.memory_space<vmem>>
      %dma_wait3A_91 = arith.constant 0 : i32
      %dma_wait3A_92 = arith.constant 0 : i32
      %dma_wait3A_93 = tpu.memref_slice %arg2[%dma_wait3A_91, %dma_wait3A_92] : memref<10000x128xf32, #tpu.memory_space<hbm>> -> memref<10000x128xf32, #tpu.memory_space<hbm>>
      tpu.wait_indirect_dma semaphore(%arg12 : memref<!tpu.dma_semaphore, #tpu.memory_space<semaphore_mem>>) src(%dma_wait3A_93 : memref<10000x128xf32, #tpu.memory_space<hbm>>) dst(%arg9 : memref<80x128xf32, #tpu.memory_space<vmem>>)
      %add3A_94 = arith.constant 1 : i32
      %add3A_95 = arith.addi %add3A_87, %add3A_94 : i32
      %dma_start3A_96 = arith.constant 0 : i32
      %dma_start3A_97 = tpu.memref_slice %arg7[%add3A_95, %dma_start3A_96] : memref<32x80xi32, #tpu.memory_space<vmem>> -> memref<1x80xi32, #tpu.memory_space<vmem>>
      %dma_start3A_98 = tpu.memref_squeeze %dma_start3A_97 : memref<1x80xi32, #tpu.memory_space<vmem>> -> memref<80xi32, #tpu.memory_space<vmem>>
      %dma_start3A_99 = arith.constant 0 : i32
      %dma_start3A_100 = arith.constant 0 : i32
      %dma_start3A_101 = tpu.memref_slice %arg2[%dma_start3A_99, %dma_start3A_100] : memref<10000x128xf32, #tpu.memory_space<hbm>> -> memref<10000x128xf32, #tpu.memory_space<hbm>>
      tpu.enqueue_indirect_dma source(%dma_start3A_101 : memref<10000x128xf32, #tpu.memory_space<hbm>>) target(%arg10 : memref<80x128xf32, #tpu.memory_space<vmem>>) offsets(%dma_start3A_98 : memref<80xi32, #tpu.memory_space<vmem>>) semaphore(%arg13 : memref<!tpu.dma_semaphore, #tpu.memory_space<semaphore_mem>>)
      "tpu.region"() ({
        %run_scoped3A_116 = tpu.sem_alloc : memref<!tpu.dma_semaphore, #tpu.memory_space<semaphore_mem>>
        %dma_start3A_117 = arith.constant 0 : i32
        %dma_start3A_118 = tpu.memref_slice %arg8[%add3A_87, %dma_start3A_117] : memref<32x80xi32, #tpu.memory_space<vmem>> -> memref<1x80xi32, #tpu.memory_space<vmem>>
        %dma_start3A_119 = tpu.memref_squeeze %dma_start3A_118 : memref<1x80xi32, #tpu.memory_space<vmem>> -> memref<80xi32, #tpu.memory_space<vmem>>
        %dma_start3A_120 = arith.constant 0 : i32
        %dma_start3A_121 = arith.constant 0 : i32
        %dma_start3A_122 = tpu.memref_slice %arg11[%dma_start3A_120, %dma_start3A_121] : memref<10000x128xf32, #tpu.memory_space<vmem_shared>> -> memref<10000x128xf32, #tpu.memory_space<vmem_shared>>
        tpu.enqueue_indirect_dma source(%arg9 : memref<80x128xf32, #tpu.memory_space<vmem>>) target(%dma_start3A_122 : memref<10000x128xf32, #tpu.memory_space<vmem_shared>>) offsets(%dma_start3A_119 : memref<80xi32, #tpu.memory_space<vmem>>) semaphore(%run_scoped3A_116 : memref<!tpu.dma_semaphore, #tpu.memory_space<semaphore_mem>>) {add = true}
        %dma_wait3A_123 = arith.constant 0 : i32
        %dma_wait3A_124 = tpu.memref_slice %arg8[%add3A_87, %dma_wait3A_123] : memref<32x80xi32, #tpu.memory_space<vmem>> -> memref<1x80xi32, #tpu.memory_space<vmem>>
        %dma_wait3A_125 = tpu.memref_squeeze %dma_wait3A_124 : memref<1x80xi32, #tpu.memory_space<vmem>> -> memref<80xi32, #tpu.memory_space<vmem>>
        %dma_wait3A_126 = arith.constant 0 : i32
        %dma_wait3A_127 = arith.constant 0 : i32
        %dma_wait3A_128 = tpu.memref_slice %arg11[%dma_wait3A_126, %dma_wait3A_127] : memref<10000x128xf32, #tpu.memory_space<vmem_shared>> -> memref<10000x128xf32, #tpu.memory_space<vmem_shared>>
        tpu.wait_indirect_dma semaphore(%run_scoped3A_116 : memref<!tpu.dma_semaphore, #tpu.memory_space<semaphore_mem>>) src(%arg9 : memref<80x128xf32, #tpu.memory_space<vmem>>) dst(%dma_wait3A_128 : memref<10000x128xf32, #tpu.memory_space<vmem_shared>>)
        tpu.yield
      }) : () -> ()
      %add3A_102 = arith.constant 2 : i32
      %add3A_103 = arith.addi %add3A_87, %add3A_102 : i32
      %lt3A = arith.constant 32 : i32
      %lt3A_104 = arith.cmpi slt, %add3A_103, %lt3A : i32
      %convert_element_type3A = arith.extui %lt3A_104 : i1 to i32
      %cond3A = arith.constant 0 : i32
      %cond3A_105 = arith.cmpi ne, %convert_element_type3A, %cond3A : i32
      scf.if %cond3A_105 {
        %add3A_116 = arith.constant 2 : i32
        %add3A_117 = arith.addi %add3A_87, %add3A_116 : i32
        %dma_start3A_118 = arith.constant 0 : i32
        %dma_start3A_119 = tpu.memref_slice %arg7[%add3A_117, %dma_start3A_118] : memref<32x80xi32, #tpu.memory_space<vmem>> -> memref<1x80xi32, #tpu.memory_space<vmem>>
        %dma_start3A_120 = tpu.memref_squeeze %dma_start3A_119 : memref<1x80xi32, #tpu.memory_space<vmem>> -> memref<80xi32, #tpu.memory_space<vmem>>
        %dma_start3A_121 = arith.constant 0 : i32
        %dma_start3A_122 = arith.constant 0 : i32
        %dma_start3A_123 = tpu.memref_slice %arg2[%dma_start3A_121, %dma_start3A_122] : memref<10000x128xf32, #tpu.memory_space<hbm>> -> memref<10000x128xf32, #tpu.memory_space<hbm>>
        tpu.enqueue_indirect_dma source(%dma_start3A_123 : memref<10000x128xf32, #tpu.memory_space<hbm>>) target(%arg9 : memref<80x128xf32, #tpu.memory_space<vmem>>) offsets(%dma_start3A_120 : memref<80xi32, #tpu.memory_space<vmem>>) semaphore(%arg12 : memref<!tpu.dma_semaphore, #tpu.memory_space<semaphore_mem>>)
      } else {
      }
      %add3A_106 = arith.constant 1 : i32
      %add3A_107 = arith.addi %add3A_87, %add3A_106 : i32
      %dma_wait3A_108 = arith.constant 0 : i32
      %dma_wait3A_109 = tpu.memref_slice %arg7[%add3A_107, %dma_wait3A_108] : memref<32x80xi32, #tpu.memory_space<vmem>> -> memref<1x80xi32, #tpu.memory_space<vmem>>
      %dma_wait3A_110 = tpu.memref_squeeze %dma_wait3A_109 : memref<1x80xi32, #tpu.memory_space<vmem>> -> memref<80xi32, #tpu.memory_space<vmem>>
      %dma_wait3A_111 = arith.constant 0 : i32
      %dma_wait3A_112 = arith.constant 0 : i32
      %dma_wait3A_113 = tpu.memref_slice %arg2[%dma_wait3A_111, %dma_wait3A_112] : memref<10000x128xf32, #tpu.memory_space<hbm>> -> memref<10000x128xf32, #tpu.memory_space<hbm>>
      tpu.wait_indirect_dma semaphore(%arg13 : memref<!tpu.dma_semaphore, #tpu.memory_space<semaphore_mem>>) src(%dma_wait3A_113 : memref<10000x128xf32, #tpu.memory_space<hbm>>) dst(%arg10 : memref<80x128xf32, #tpu.memory_space<vmem>>)
      %add3A_114 = arith.constant 1 : i32
      %add3A_115 = arith.addi %add3A_87, %add3A_114 : i32
      "tpu.region"() ({
        %run_scoped3A_116 = tpu.sem_alloc : memref<!tpu.dma_semaphore, #tpu.memory_space<semaphore_mem>>
        %dma_start3A_117 = arith.constant 0 : i32
        %dma_start3A_118 = tpu.memref_slice %arg8[%add3A_115, %dma_start3A_117] : memref<32x80xi32, #tpu.memory_space<vmem>> -> memref<1x80xi32, #tpu.memory_space<vmem>>
        %dma_start3A_119 = tpu.memref_squeeze %dma_start3A_118 : memref<1x80xi32, #tpu.memory_space<vmem>> -> memref<80xi32, #tpu.memory_space<vmem>>
        %dma_start3A_120 = arith.constant 0 : i32
        %dma_start3A_121 = arith.constant 0 : i32
        %dma_start3A_122 = tpu.memref_slice %arg11[%dma_start3A_120, %dma_start3A_121] : memref<10000x128xf32, #tpu.memory_space<vmem_shared>> -> memref<10000x128xf32, #tpu.memory_space<vmem_shared>>
        tpu.enqueue_indirect_dma source(%arg10 : memref<80x128xf32, #tpu.memory_space<vmem>>) target(%dma_start3A_122 : memref<10000x128xf32, #tpu.memory_space<vmem_shared>>) offsets(%dma_start3A_119 : memref<80xi32, #tpu.memory_space<vmem>>) semaphore(%run_scoped3A_116 : memref<!tpu.dma_semaphore, #tpu.memory_space<semaphore_mem>>) {add = true}
        %dma_wait3A_123 = arith.constant 0 : i32
        %dma_wait3A_124 = tpu.memref_slice %arg8[%add3A_115, %dma_wait3A_123] : memref<32x80xi32, #tpu.memory_space<vmem>> -> memref<1x80xi32, #tpu.memory_space<vmem>>
        %dma_wait3A_125 = tpu.memref_squeeze %dma_wait3A_124 : memref<1x80xi32, #tpu.memory_space<vmem>> -> memref<80xi32, #tpu.memory_space<vmem>>
        %dma_wait3A_126 = arith.constant 0 : i32
        %dma_wait3A_127 = arith.constant 0 : i32
        %dma_wait3A_128 = tpu.memref_slice %arg11[%dma_wait3A_126, %dma_wait3A_127] : memref<10000x128xf32, #tpu.memory_space<vmem_shared>> -> memref<10000x128xf32, #tpu.memory_space<vmem_shared>>
        tpu.wait_indirect_dma semaphore(%run_scoped3A_116 : memref<!tpu.dma_semaphore, #tpu.memory_space<semaphore_mem>>) src(%arg10 : memref<80x128xf32, #tpu.memory_space<vmem>>) dst(%dma_wait3A_128 : memref<10000x128xf32, #tpu.memory_space<vmem_shared>>)
        tpu.yield
      }) : () -> ()
    }
    %scan3A_16 = arith.constant 16 : i32
    %run_scoped3A_17 = arith.constant 1 : i32
    "tpu.region"() ({
      %run_scoped3A_79 = tpu.sem_alloc : memref<!tpu.dma_semaphore, #tpu.memory_space<semaphore_mem>>
      %dma_start3A_80 = arith.constant 0 : i32
      %dma_start3A_81 = arith.constant 0 : i32
      %dma_start3A_82 = tpu.memref_slice %arg3[%add3A, %run_scoped3A_17, %dma_start3A_80, %dma_start3A_81] : memref<32x4x32x80xi32, #tpu.memory_space<hbm>> -> memref<1x1x32x80xi32, #tpu.memory_space<hbm>>
      %dma_start3A_83 = tpu.memref_squeeze %dma_start3A_82 : memref<1x1x32x80xi32, #tpu.memory_space<hbm>> -> memref<32x80xi32, #tpu.memory_space<hbm>>
      %dma_start3A_84 = arith.constant 0 : i32
      %dma_start3A_85 = arith.constant 0 : i32
      %dma_start3A_86 = tpu.memref_slice %arg3[%add3A, %run_scoped3A_17, %dma_start3A_84, %dma_start3A_85] : memref<32x4x32x80xi32, #tpu.memory_space<hbm>> -> memref<1x1x32x80xi32, #tpu.memory_space<hbm>>
      %dma_start3A_87 = tpu.memref_squeeze %dma_start3A_86 : memref<1x1x32x80xi32, #tpu.memory_space<hbm>> -> memref<32x80xi32, #tpu.memory_space<hbm>>
      tpu.enqueue_dma source(%dma_start3A_87 : memref<32x80xi32, #tpu.memory_space<hbm>>) target(%arg7 : memref<32x80xi32, #tpu.memory_space<vmem>>) target_semaphore(%run_scoped3A_79 : memref<!tpu.dma_semaphore, #tpu.memory_space<semaphore_mem>>)
      %dma_wait3A_88 = arith.constant 0 : i32
      %dma_wait3A_89 = arith.constant 0 : i32
      %dma_wait3A_90 = tpu.memref_slice %arg3[%add3A, %run_scoped3A_17, %dma_wait3A_88, %dma_wait3A_89] : memref<32x4x32x80xi32, #tpu.memory_space<hbm>> -> memref<1x1x32x80xi32, #tpu.memory_space<hbm>>
      %dma_wait3A_91 = tpu.memref_squeeze %dma_wait3A_90 : memref<1x1x32x80xi32, #tpu.memory_space<hbm>> -> memref<32x80xi32, #tpu.memory_space<hbm>>
      %dma_wait3A_92 = arith.constant 0 : i32
      %dma_wait3A_93 = arith.constant 0 : i32
      %dma_wait3A_94 = tpu.memref_slice %arg3[%add3A, %run_scoped3A_17, %dma_wait3A_92, %dma_wait3A_93] : memref<32x4x32x80xi32, #tpu.memory_space<hbm>> -> memref<1x1x32x80xi32, #tpu.memory_space<hbm>>
      %dma_wait3A_95 = tpu.memref_squeeze %dma_wait3A_94 : memref<1x1x32x80xi32, #tpu.memory_space<hbm>> -> memref<32x80xi32, #tpu.memory_space<hbm>>
      tpu.wait_dma2 semaphore(%run_scoped3A_79 : memref<!tpu.dma_semaphore, #tpu.memory_space<semaphore_mem>>) src(%dma_wait3A_95 : memref<32x80xi32, #tpu.memory_space<hbm>>) dst(%arg7 : memref<32x80xi32, #tpu.memory_space<vmem>>)
      tpu.yield
    }) : () -> ()
    %run_scoped3A_18 = arith.constant 1 : i32
    "tpu.region"() ({
      %run_scoped3A_79 = tpu.sem_alloc : memref<!tpu.dma_semaphore, #tpu.memory_space<semaphore_mem>>
      %dma_start3A_80 = arith.constant 0 : i32
      %dma_start3A_81 = arith.constant 0 : i32
      %dma_start3A_82 = tpu.memref_slice %arg4[%add3A, %run_scoped3A_18, %dma_start3A_80, %dma_start3A_81] : memref<32x4x32x80xi32, #tpu.memory_space<hbm>> -> memref<1x1x32x80xi32, #tpu.memory_space<hbm>>
      %dma_start3A_83 = tpu.memref_squeeze %dma_start3A_82 : memref<1x1x32x80xi32, #tpu.memory_space<hbm>> -> memref<32x80xi32, #tpu.memory_space<hbm>>
      %dma_start3A_84 = arith.constant 0 : i32
      %dma_start3A_85 = arith.constant 0 : i32
      %dma_start3A_86 = tpu.memref_slice %arg4[%add3A, %run_scoped3A_18, %dma_start3A_84, %dma_start3A_85] : memref<32x4x32x80xi32, #tpu.memory_space<hbm>> -> memref<1x1x32x80xi32, #tpu.memory_space<hbm>>
      %dma_start3A_87 = tpu.memref_squeeze %dma_start3A_86 : memref<1x1x32x80xi32, #tpu.memory_space<hbm>> -> memref<32x80xi32, #tpu.memory_space<hbm>>
      tpu.enqueue_dma source(%dma_start3A_87 : memref<32x80xi32, #tpu.memory_space<hbm>>) target(%arg8 : memref<32x80xi32, #tpu.memory_space<vmem>>) target_semaphore(%run_scoped3A_79 : memref<!tpu.dma_semaphore, #tpu.memory_space<semaphore_mem>>)
      %dma_wait3A_88 = arith.constant 0 : i32
      %dma_wait3A_89 = arith.constant 0 : i32
      %dma_wait3A_90 = tpu.memref_slice %arg4[%add3A, %run_scoped3A_18, %dma_wait3A_88, %dma_wait3A_89] : memref<32x4x32x80xi32, #tpu.memory_space<hbm>> -> memref<1x1x32x80xi32, #tpu.memory_space<hbm>>
      %dma_wait3A_91 = tpu.memref_squeeze %dma_wait3A_90 : memref<1x1x32x80xi32, #tpu.memory_space<hbm>> -> memref<32x80xi32, #tpu.memory_space<hbm>>
      %dma_wait3A_92 = arith.constant 0 : i32
      %dma_wait3A_93 = arith.constant 0 : i32
      %dma_wait3A_94 = tpu.memref_slice %arg4[%add3A, %run_scoped3A_18, %dma_wait3A_92, %dma_wait3A_93] : memref<32x4x32x80xi32, #tpu.memory_space<hbm>> -> memref<1x1x32x80xi32, #tpu.memory_space<hbm>>
      %dma_wait3A_95 = tpu.memref_squeeze %dma_wait3A_94 : memref<1x1x32x80xi32, #tpu.memory_space<hbm>> -> memref<32x80xi32, #tpu.memory_space<hbm>>
      tpu.wait_dma2 semaphore(%run_scoped3A_79 : memref<!tpu.dma_semaphore, #tpu.memory_space<semaphore_mem>>) src(%dma_wait3A_95 : memref<32x80xi32, #tpu.memory_space<hbm>>) dst(%arg8 : memref<32x80xi32, #tpu.memory_space<vmem>>)
      tpu.yield
    }) : () -> ()
    %dma_start3A_19 = arith.constant 0 : i32
    %dma_start3A_20 = arith.constant 0 : i32
    %dma_start3A_21 = tpu.memref_slice %arg7[%dma_start3A_19, %dma_start3A_20] : memref<32x80xi32, #tpu.memory_space<vmem>> -> memref<1x80xi32, #tpu.memory_space<vmem>>
    %dma_start3A_22 = tpu.memref_squeeze %dma_start3A_21 : memref<1x80xi32, #tpu.memory_space<vmem>> -> memref<80xi32, #tpu.memory_space<vmem>>
    %dma_start3A_23 = arith.constant 0 : i32
    %dma_start3A_24 = arith.constant 0 : i32
    %dma_start3A_25 = tpu.memref_slice %arg2[%dma_start3A_23, %dma_start3A_24] : memref<10000x128xf32, #tpu.memory_space<hbm>> -> memref<10000x128xf32, #tpu.memory_space<hbm>>
    tpu.enqueue_indirect_dma source(%dma_start3A_25 : memref<10000x128xf32, #tpu.memory_space<hbm>>) target(%arg9 : memref<80x128xf32, #tpu.memory_space<vmem>>) offsets(%dma_start3A_22 : memref<80xi32, #tpu.memory_space<vmem>>) semaphore(%arg12 : memref<!tpu.dma_semaphore, #tpu.memory_space<semaphore_mem>>)
    %scan3A_26 = arith.constant 0 : i32
    %scan3A_27 = arith.constant 16 : i32
    %scan3A_28 = arith.addi %scan3A_26, %scan3A_27 : i32
    %scan3A_29 = arith.constant 1 : i32
    scf.for %scan3A_79 = %scan3A_26 to %scan3A_28 step %scan3A_29  : i32 {
      %mul3A_80 = arith.constant 1 : i32
      %mul3A_81 = arith.muli %scan3A_79, %mul3A_80 : i32
      %add3A_82 = arith.constant 0 : i32
      %add3A_83 = arith.addi %add3A_82, %mul3A_81 : i32
      %mul3A_84 = arith.constant 2 : i32
      %mul3A_85 = arith.muli %mul3A_84, %add3A_83 : i32
      %add3A_86 = arith.constant 0 : i32
      %add3A_87 = arith.addi %add3A_86, %mul3A_85 : i32
      %dma_wait3A_88 = arith.constant 0 : i32
      %dma_wait3A_89 = tpu.memref_slice %arg7[%add3A_87, %dma_wait3A_88] : memref<32x80xi32, #tpu.memory_space<vmem>> -> memref<1x80xi32, #tpu.memory_space<vmem>>
      %dma_wait3A_90 = tpu.memref_squeeze %dma_wait3A_89 : memref<1x80xi32, #tpu.memory_space<vmem>> -> memref<80xi32, #tpu.memory_space<vmem>>
      %dma_wait3A_91 = arith.constant 0 : i32
      %dma_wait3A_92 = arith.constant 0 : i32
      %dma_wait3A_93 = tpu.memref_slice %arg2[%dma_wait3A_91, %dma_wait3A_92] : memref<10000x128xf32, #tpu.memory_space<hbm>> -> memref<10000x128xf32, #tpu.memory_space<hbm>>
      tpu.wait_indirect_dma semaphore(%arg12 : memref<!tpu.dma_semaphore, #tpu.memory_space<semaphore_mem>>) src(%dma_wait3A_93 : memref<10000x128xf32, #tpu.memory_space<hbm>>) dst(%arg9 : memref<80x128xf32, #tpu.memory_space<vmem>>)
      %add3A_94 = arith.constant 1 : i32
      %add3A_95 = arith.addi %add3A_87, %add3A_94 : i32
      %dma_start3A_96 = arith.constant 0 : i32
      %dma_start3A_97 = tpu.memref_slice %arg7[%add3A_95, %dma_start3A_96] : memref<32x80xi32, #tpu.memory_space<vmem>> -> memref<1x80xi32, #tpu.memory_space<vmem>>
      %dma_start3A_98 = tpu.memref_squeeze %dma_start3A_97 : memref<1x80xi32, #tpu.memory_space<vmem>> -> memref<80xi32, #tpu.memory_space<vmem>>
      %dma_start3A_99 = arith.constant 0 : i32
      %dma_start3A_100 = arith.constant 0 : i32
      %dma_start3A_101 = tpu.memref_slice %arg2[%dma_start3A_99, %dma_start3A_100] : memref<10000x128xf32, #tpu.memory_space<hbm>> -> memref<10000x128xf32, #tpu.memory_space<hbm>>
      tpu.enqueue_indirect_dma source(%dma_start3A_101 : memref<10000x128xf32, #tpu.memory_space<hbm>>) target(%arg10 : memref<80x128xf32, #tpu.memory_space<vmem>>) offsets(%dma_start3A_98 : memref<80xi32, #tpu.memory_space<vmem>>) semaphore(%arg13 : memref<!tpu.dma_semaphore, #tpu.memory_space<semaphore_mem>>)
      "tpu.region"() ({
        %run_scoped3A_116 = tpu.sem_alloc : memref<!tpu.dma_semaphore, #tpu.memory_space<semaphore_mem>>
        %dma_start3A_117 = arith.constant 0 : i32
        %dma_start3A_118 = tpu.memref_slice %arg8[%add3A_87, %dma_start3A_117] : memref<32x80xi32, #tpu.memory_space<vmem>> -> memref<1x80xi32, #tpu.memory_space<vmem>>
        %dma_start3A_119 = tpu.memref_squeeze %dma_start3A_118 : memref<1x80xi32, #tpu.memory_space<vmem>> -> memref<80xi32, #tpu.memory_space<vmem>>
        %dma_start3A_120 = arith.constant 0 : i32
        %dma_start3A_121 = arith.constant 0 : i32
        %dma_start3A_122 = tpu.memref_slice %arg11[%dma_start3A_120, %dma_start3A_121] : memref<10000x128xf32, #tpu.memory_space<vmem_shared>> -> memref<10000x128xf32, #tpu.memory_space<vmem_shared>>
        tpu.enqueue_indirect_dma source(%arg9 : memref<80x128xf32, #tpu.memory_space<vmem>>) target(%dma_start3A_122 : memref<10000x128xf32, #tpu.memory_space<vmem_shared>>) offsets(%dma_start3A_119 : memref<80xi32, #tpu.memory_space<vmem>>) semaphore(%run_scoped3A_116 : memref<!tpu.dma_semaphore, #tpu.memory_space<semaphore_mem>>) {add = true}
        %dma_wait3A_123 = arith.constant 0 : i32
        %dma_wait3A_124 = tpu.memref_slice %arg8[%add3A_87, %dma_wait3A_123] : memref<32x80xi32, #tpu.memory_space<vmem>> -> memref<1x80xi32, #tpu.memory_space<vmem>>
        %dma_wait3A_125 = tpu.memref_squeeze %dma_wait3A_124 : memref<1x80xi32, #tpu.memory_space<vmem>> -> memref<80xi32, #tpu.memory_space<vmem>>
        %dma_wait3A_126 = arith.constant 0 : i32
        %dma_wait3A_127 = arith.constant 0 : i32
        %dma_wait3A_128 = tpu.memref_slice %arg11[%dma_wait3A_126, %dma_wait3A_127] : memref<10000x128xf32, #tpu.memory_space<vmem_shared>> -> memref<10000x128xf32, #tpu.memory_space<vmem_shared>>
        tpu.wait_indirect_dma semaphore(%run_scoped3A_116 : memref<!tpu.dma_semaphore, #tpu.memory_space<semaphore_mem>>) src(%arg9 : memref<80x128xf32, #tpu.memory_space<vmem>>) dst(%dma_wait3A_128 : memref<10000x128xf32, #tpu.memory_space<vmem_shared>>)
        tpu.yield
      }) : () -> ()
      %add3A_102 = arith.constant 2 : i32
      %add3A_103 = arith.addi %add3A_87, %add3A_102 : i32
      %lt3A = arith.constant 32 : i32
      %lt3A_104 = arith.cmpi slt, %add3A_103, %lt3A : i32
      %convert_element_type3A = arith.extui %lt3A_104 : i1 to i32
      %cond3A = arith.constant 0 : i32
      %cond3A_105 = arith.cmpi ne, %convert_element_type3A, %cond3A : i32
      scf.if %cond3A_105 {
        %add3A_116 = arith.constant 2 : i32
        %add3A_117 = arith.addi %add3A_87, %add3A_116 : i32
        %dma_start3A_118 = arith.constant 0 : i32
        %dma_start3A_119 = tpu.memref_slice %arg7[%add3A_117, %dma_start3A_118] : memref<32x80xi32, #tpu.memory_space<vmem>> -> memref<1x80xi32, #tpu.memory_space<vmem>>
        %dma_start3A_120 = tpu.memref_squeeze %dma_start3A_119 : memref<1x80xi32, #tpu.memory_space<vmem>> -> memref<80xi32, #tpu.memory_space<vmem>>
        %dma_start3A_121 = arith.constant 0 : i32
        %dma_start3A_122 = arith.constant 0 : i32
        %dma_start3A_123 = tpu.memref_slice %arg2[%dma_start3A_121, %dma_start3A_122] : memref<10000x128xf32, #tpu.memory_space<hbm>> -> memref<10000x128xf32, #tpu.memory_space<hbm>>
        tpu.enqueue_indirect_dma source(%dma_start3A_123 : memref<10000x128xf32, #tpu.memory_space<hbm>>) target(%arg9 : memref<80x128xf32, #tpu.memory_space<vmem>>) offsets(%dma_start3A_120 : memref<80xi32, #tpu.memory_space<vmem>>) semaphore(%arg12 : memref<!tpu.dma_semaphore, #tpu.memory_space<semaphore_mem>>)
      } else {
      }
      %add3A_106 = arith.constant 1 : i32
      %add3A_107 = arith.addi %add3A_87, %add3A_106 : i32
      %dma_wait3A_108 = arith.constant 0 : i32
      %dma_wait3A_109 = tpu.memref_slice %arg7[%add3A_107, %dma_wait3A_108] : memref<32x80xi32, #tpu.memory_space<vmem>> -> memref<1x80xi32, #tpu.memory_space<vmem>>
      %dma_wait3A_110 = tpu.memref_squeeze %dma_wait3A_109 : memref<1x80xi32, #tpu.memory_space<vmem>> -> memref<80xi32, #tpu.memory_space<vmem>>
      %dma_wait3A_111 = arith.constant 0 : i32
      %dma_wait3A_112 = arith.constant 0 : i32
      %dma_wait3A_113 = tpu.memref_slice %arg2[%dma_wait3A_111, %dma_wait3A_112] : memref<10000x128xf32, #tpu.memory_space<hbm>> -> memref<10000x128xf32, #tpu.memory_space<hbm>>
      tpu.wait_indirect_dma semaphore(%arg13 : memref<!tpu.dma_semaphore, #tpu.memory_space<semaphore_mem>>) src(%dma_wait3A_113 : memref<10000x128xf32, #tpu.memory_space<hbm>>) dst(%arg10 : memref<80x128xf32, #tpu.memory_space<vmem>>)
      %add3A_114 = arith.constant 1 : i32
      %add3A_115 = arith.addi %add3A_87, %add3A_114 : i32
      "tpu.region"() ({
        %run_scoped3A_116 = tpu.sem_alloc : memref<!tpu.dma_semaphore, #tpu.memory_space<semaphore_mem>>
        %dma_start3A_117 = arith.constant 0 : i32
        %dma_start3A_118 = tpu.memref_slice %arg8[%add3A_115, %dma_start3A_117] : memref<32x80xi32, #tpu.memory_space<vmem>> -> memref<1x80xi32, #tpu.memory_space<vmem>>
        %dma_start3A_119 = tpu.memref_squeeze %dma_start3A_118 : memref<1x80xi32, #tpu.memory_space<vmem>> -> memref<80xi32, #tpu.memory_space<vmem>>
        %dma_start3A_120 = arith.constant 0 : i32
        %dma_start3A_121 = arith.constant 0 : i32
        %dma_start3A_122 = tpu.memref_slice %arg11[%dma_start3A_120, %dma_start3A_121] : memref<10000x128xf32, #tpu.memory_space<vmem_shared>> -> memref<10000x128xf32, #tpu.memory_space<vmem_shared>>
        tpu.enqueue_indirect_dma source(%arg10 : memref<80x128xf32, #tpu.memory_space<vmem>>) target(%dma_start3A_122 : memref<10000x128xf32, #tpu.memory_space<vmem_shared>>) offsets(%dma_start3A_119 : memref<80xi32, #tpu.memory_space<vmem>>) semaphore(%run_scoped3A_116 : memref<!tpu.dma_semaphore, #tpu.memory_space<semaphore_mem>>) {add = true}
        %dma_wait3A_123 = arith.constant 0 : i32
        %dma_wait3A_124 = tpu.memref_slice %arg8[%add3A_115, %dma_wait3A_123] : memref<32x80xi32, #tpu.memory_space<vmem>> -> memref<1x80xi32, #tpu.memory_space<vmem>>
        %dma_wait3A_125 = tpu.memref_squeeze %dma_wait3A_124 : memref<1x80xi32, #tpu.memory_space<vmem>> -> memref<80xi32, #tpu.memory_space<vmem>>
        %dma_wait3A_126 = arith.constant 0 : i32
        %dma_wait3A_127 = arith.constant 0 : i32
        %dma_wait3A_128 = tpu.memref_slice %arg11[%dma_wait3A_126, %dma_wait3A_127] : memref<10000x128xf32, #tpu.memory_space<vmem_shared>> -> memref<10000x128xf32, #tpu.memory_space<vmem_shared>>
        tpu.wait_indirect_dma semaphore(%run_scoped3A_116 : memref<!tpu.dma_semaphore, #tpu.memory_space<semaphore_mem>>) src(%arg10 : memref<80x128xf32, #tpu.memory_space<vmem>>) dst(%dma_wait3A_128 : memref<10000x128xf32, #tpu.memory_space<vmem_shared>>)
        tpu.yield
      }) : () -> ()
    }
    %scan3A_30 = arith.constant 16 : i32
    %run_scoped3A_31 = arith.constant 2 : i32
    "tpu.region"() ({
      %run_scoped3A_79 = tpu.sem_alloc : memref<!tpu.dma_semaphore, #tpu.memory_space<semaphore_mem>>
      %dma_start3A_80 = arith.constant 0 : i32
      %dma_start3A_81 = arith.constant 0 : i32
      %dma_start3A_82 = tpu.memref_slice %arg3[%add3A, %run_scoped3A_31, %dma_start3A_80, %dma_start3A_81] : memref<32x4x32x80xi32, #tpu.memory_space<hbm>> -> memref<1x1x32x80xi32, #tpu.memory_space<hbm>>
      %dma_start3A_83 = tpu.memref_squeeze %dma_start3A_82 : memref<1x1x32x80xi32, #tpu.memory_space<hbm>> -> memref<32x80xi32, #tpu.memory_space<hbm>>
      %dma_start3A_84 = arith.constant 0 : i32
      %dma_start3A_85 = arith.constant 0 : i32
      %dma_start3A_86 = tpu.memref_slice %arg3[%add3A, %run_scoped3A_31, %dma_start3A_84, %dma_start3A_85] : memref<32x4x32x80xi32, #tpu.memory_space<hbm>> -> memref<1x1x32x80xi32, #tpu.memory_space<hbm>>
      %dma_start3A_87 = tpu.memref_squeeze %dma_start3A_86 : memref<1x1x32x80xi32, #tpu.memory_space<hbm>> -> memref<32x80xi32, #tpu.memory_space<hbm>>
      tpu.enqueue_dma source(%dma_start3A_87 : memref<32x80xi32, #tpu.memory_space<hbm>>) target(%arg7 : memref<32x80xi32, #tpu.memory_space<vmem>>) target_semaphore(%run_scoped3A_79 : memref<!tpu.dma_semaphore, #tpu.memory_space<semaphore_mem>>)
      %dma_wait3A_88 = arith.constant 0 : i32
      %dma_wait3A_89 = arith.constant 0 : i32
      %dma_wait3A_90 = tpu.memref_slice %arg3[%add3A, %run_scoped3A_31, %dma_wait3A_88, %dma_wait3A_89] : memref<32x4x32x80xi32, #tpu.memory_space<hbm>> -> memref<1x1x32x80xi32, #tpu.memory_space<hbm>>
      %dma_wait3A_91 = tpu.memref_squeeze %dma_wait3A_90 : memref<1x1x32x80xi32, #tpu.memory_space<hbm>> -> memref<32x80xi32, #tpu.memory_space<hbm>>
      %dma_wait3A_92 = arith.constant 0 : i32
      %dma_wait3A_93 = arith.constant 0 : i32
      %dma_wait3A_94 = tpu.memref_slice %arg3[%add3A, %run_scoped3A_31, %dma_wait3A_92, %dma_wait3A_93] : memref<32x4x32x80xi32, #tpu.memory_space<hbm>> -> memref<1x1x32x80xi32, #tpu.memory_space<hbm>>
      %dma_wait3A_95 = tpu.memref_squeeze %dma_wait3A_94 : memref<1x1x32x80xi32, #tpu.memory_space<hbm>> -> memref<32x80xi32, #tpu.memory_space<hbm>>
      tpu.wait_dma2 semaphore(%run_scoped3A_79 : memref<!tpu.dma_semaphore, #tpu.memory_space<semaphore_mem>>) src(%dma_wait3A_95 : memref<32x80xi32, #tpu.memory_space<hbm>>) dst(%arg7 : memref<32x80xi32, #tpu.memory_space<vmem>>)
      tpu.yield
    }) : () -> ()
    %run_scoped3A_32 = arith.constant 2 : i32
    "tpu.region"() ({
      %run_scoped3A_79 = tpu.sem_alloc : memref<!tpu.dma_semaphore, #tpu.memory_space<semaphore_mem>>
      %dma_start3A_80 = arith.constant 0 : i32
      %dma_start3A_81 = arith.constant 0 : i32
      %dma_start3A_82 = tpu.memref_slice %arg4[%add3A, %run_scoped3A_32, %dma_start3A_80, %dma_start3A_81] : memref<32x4x32x80xi32, #tpu.memory_space<hbm>> -> memref<1x1x32x80xi32, #tpu.memory_space<hbm>>
      %dma_start3A_83 = tpu.memref_squeeze %dma_start3A_82 : memref<1x1x32x80xi32, #tpu.memory_space<hbm>> -> memref<32x80xi32, #tpu.memory_space<hbm>>
      %dma_start3A_84 = arith.constant 0 : i32
      %dma_start3A_85 = arith.constant 0 : i32
      %dma_start3A_86 = tpu.memref_slice %arg4[%add3A, %run_scoped3A_32, %dma_start3A_84, %dma_start3A_85] : memref<32x4x32x80xi32, #tpu.memory_space<hbm>> -> memref<1x1x32x80xi32, #tpu.memory_space<hbm>>
      %dma_start3A_87 = tpu.memref_squeeze %dma_start3A_86 : memref<1x1x32x80xi32, #tpu.memory_space<hbm>> -> memref<32x80xi32, #tpu.memory_space<hbm>>
      tpu.enqueue_dma source(%dma_start3A_87 : memref<32x80xi32, #tpu.memory_space<hbm>>) target(%arg8 : memref<32x80xi32, #tpu.memory_space<vmem>>) target_semaphore(%run_scoped3A_79 : memref<!tpu.dma_semaphore, #tpu.memory_space<semaphore_mem>>)
      %dma_wait3A_88 = arith.constant 0 : i32
      %dma_wait3A_89 = arith.constant 0 : i32
      %dma_wait3A_90 = tpu.memref_slice %arg4[%add3A, %run_scoped3A_32, %dma_wait3A_88, %dma_wait3A_89] : memref<32x4x32x80xi32, #tpu.memory_space<hbm>> -> memref<1x1x32x80xi32, #tpu.memory_space<hbm>>
      %dma_wait3A_91 = tpu.memref_squeeze %dma_wait3A_90 : memref<1x1x32x80xi32, #tpu.memory_space<hbm>> -> memref<32x80xi32, #tpu.memory_space<hbm>>
      %dma_wait3A_92 = arith.constant 0 : i32
      %dma_wait3A_93 = arith.constant 0 : i32
      %dma_wait3A_94 = tpu.memref_slice %arg4[%add3A, %run_scoped3A_32, %dma_wait3A_92, %dma_wait3A_93] : memref<32x4x32x80xi32, #tpu.memory_space<hbm>> -> memref<1x1x32x80xi32, #tpu.memory_space<hbm>>
      %dma_wait3A_95 = tpu.memref_squeeze %dma_wait3A_94 : memref<1x1x32x80xi32, #tpu.memory_space<hbm>> -> memref<32x80xi32, #tpu.memory_space<hbm>>
      tpu.wait_dma2 semaphore(%run_scoped3A_79 : memref<!tpu.dma_semaphore, #tpu.memory_space<semaphore_mem>>) src(%dma_wait3A_95 : memref<32x80xi32, #tpu.memory_space<hbm>>) dst(%arg8 : memref<32x80xi32, #tpu.memory_space<vmem>>)
      tpu.yield
    }) : () -> ()
    %dma_start3A_33 = arith.constant 0 : i32
    %dma_start3A_34 = arith.constant 0 : i32
    %dma_start3A_35 = tpu.memref_slice %arg7[%dma_start3A_33, %dma_start3A_34] : memref<32x80xi32, #tpu.memory_space<vmem>> -> memref<1x80xi32, #tpu.memory_space<vmem>>
    %dma_start3A_36 = tpu.memref_squeeze %dma_start3A_35 : memref<1x80xi32, #tpu.memory_space<vmem>> -> memref<80xi32, #tpu.memory_space<vmem>>
    %dma_start3A_37 = arith.constant 0 : i32
    %dma_start3A_38 = arith.constant 0 : i32
    %dma_start3A_39 = tpu.memref_slice %arg2[%dma_start3A_37, %dma_start3A_38] : memref<10000x128xf32, #tpu.memory_space<hbm>> -> memref<10000x128xf32, #tpu.memory_space<hbm>>
    tpu.enqueue_indirect_dma source(%dma_start3A_39 : memref<10000x128xf32, #tpu.memory_space<hbm>>) target(%arg9 : memref<80x128xf32, #tpu.memory_space<vmem>>) offsets(%dma_start3A_36 : memref<80xi32, #tpu.memory_space<vmem>>) semaphore(%arg12 : memref<!tpu.dma_semaphore, #tpu.memory_space<semaphore_mem>>)
    %scan3A_40 = arith.constant 0 : i32
    %scan3A_41 = arith.constant 16 : i32
    %scan3A_42 = arith.addi %scan3A_40, %scan3A_41 : i32
    %scan3A_43 = arith.constant 1 : i32
    scf.for %scan3A_79 = %scan3A_40 to %scan3A_42 step %scan3A_43  : i32 {
      %mul3A_80 = arith.constant 1 : i32
      %mul3A_81 = arith.muli %scan3A_79, %mul3A_80 : i32
      %add3A_82 = arith.constant 0 : i32
      %add3A_83 = arith.addi %add3A_82, %mul3A_81 : i32
      %mul3A_84 = arith.constant 2 : i32
      %mul3A_85 = arith.muli %mul3A_84, %add3A_83 : i32
      %add3A_86 = arith.constant 0 : i32
      %add3A_87 = arith.addi %add3A_86, %mul3A_85 : i32
      %dma_wait3A_88 = arith.constant 0 : i32
      %dma_wait3A_89 = tpu.memref_slice %arg7[%add3A_87, %dma_wait3A_88] : memref<32x80xi32, #tpu.memory_space<vmem>> -> memref<1x80xi32, #tpu.memory_space<vmem>>
      %dma_wait3A_90 = tpu.memref_squeeze %dma_wait3A_89 : memref<1x80xi32, #tpu.memory_space<vmem>> -> memref<80xi32, #tpu.memory_space<vmem>>
      %dma_wait3A_91 = arith.constant 0 : i32
      %dma_wait3A_92 = arith.constant 0 : i32
      %dma_wait3A_93 = tpu.memref_slice %arg2[%dma_wait3A_91, %dma_wait3A_92] : memref<10000x128xf32, #tpu.memory_space<hbm>> -> memref<10000x128xf32, #tpu.memory_space<hbm>>
      tpu.wait_indirect_dma semaphore(%arg12 : memref<!tpu.dma_semaphore, #tpu.memory_space<semaphore_mem>>) src(%dma_wait3A_93 : memref<10000x128xf32, #tpu.memory_space<hbm>>) dst(%arg9 : memref<80x128xf32, #tpu.memory_space<vmem>>)
      %add3A_94 = arith.constant 1 : i32
      %add3A_95 = arith.addi %add3A_87, %add3A_94 : i32
      %dma_start3A_96 = arith.constant 0 : i32
      %dma_start3A_97 = tpu.memref_slice %arg7[%add3A_95, %dma_start3A_96] : memref<32x80xi32, #tpu.memory_space<vmem>> -> memref<1x80xi32, #tpu.memory_space<vmem>>
      %dma_start3A_98 = tpu.memref_squeeze %dma_start3A_97 : memref<1x80xi32, #tpu.memory_space<vmem>> -> memref<80xi32, #tpu.memory_space<vmem>>
      %dma_start3A_99 = arith.constant 0 : i32
      %dma_start3A_100 = arith.constant 0 : i32
      %dma_start3A_101 = tpu.memref_slice %arg2[%dma_start3A_99, %dma_start3A_100] : memref<10000x128xf32, #tpu.memory_space<hbm>> -> memref<10000x128xf32, #tpu.memory_space<hbm>>
      tpu.enqueue_indirect_dma source(%dma_start3A_101 : memref<10000x128xf32, #tpu.memory_space<hbm>>) target(%arg10 : memref<80x128xf32, #tpu.memory_space<vmem>>) offsets(%dma_start3A_98 : memref<80xi32, #tpu.memory_space<vmem>>) semaphore(%arg13 : memref<!tpu.dma_semaphore, #tpu.memory_space<semaphore_mem>>)
      "tpu.region"() ({
        %run_scoped3A_116 = tpu.sem_alloc : memref<!tpu.dma_semaphore, #tpu.memory_space<semaphore_mem>>
        %dma_start3A_117 = arith.constant 0 : i32
        %dma_start3A_118 = tpu.memref_slice %arg8[%add3A_87, %dma_start3A_117] : memref<32x80xi32, #tpu.memory_space<vmem>> -> memref<1x80xi32, #tpu.memory_space<vmem>>
        %dma_start3A_119 = tpu.memref_squeeze %dma_start3A_118 : memref<1x80xi32, #tpu.memory_space<vmem>> -> memref<80xi32, #tpu.memory_space<vmem>>
        %dma_start3A_120 = arith.constant 0 : i32
        %dma_start3A_121 = arith.constant 0 : i32
        %dma_start3A_122 = tpu.memref_slice %arg11[%dma_start3A_120, %dma_start3A_121] : memref<10000x128xf32, #tpu.memory_space<vmem_shared>> -> memref<10000x128xf32, #tpu.memory_space<vmem_shared>>
        tpu.enqueue_indirect_dma source(%arg9 : memref<80x128xf32, #tpu.memory_space<vmem>>) target(%dma_start3A_122 : memref<10000x128xf32, #tpu.memory_space<vmem_shared>>) offsets(%dma_start3A_119 : memref<80xi32, #tpu.memory_space<vmem>>) semaphore(%run_scoped3A_116 : memref<!tpu.dma_semaphore, #tpu.memory_space<semaphore_mem>>) {add = true}
        %dma_wait3A_123 = arith.constant 0 : i32
        %dma_wait3A_124 = tpu.memref_slice %arg8[%add3A_87, %dma_wait3A_123] : memref<32x80xi32, #tpu.memory_space<vmem>> -> memref<1x80xi32, #tpu.memory_space<vmem>>
        %dma_wait3A_125 = tpu.memref_squeeze %dma_wait3A_124 : memref<1x80xi32, #tpu.memory_space<vmem>> -> memref<80xi32, #tpu.memory_space<vmem>>
        %dma_wait3A_126 = arith.constant 0 : i32
        %dma_wait3A_127 = arith.constant 0 : i32
        %dma_wait3A_128 = tpu.memref_slice %arg11[%dma_wait3A_126, %dma_wait3A_127] : memref<10000x128xf32, #tpu.memory_space<vmem_shared>> -> memref<10000x128xf32, #tpu.memory_space<vmem_shared>>
        tpu.wait_indirect_dma semaphore(%run_scoped3A_116 : memref<!tpu.dma_semaphore, #tpu.memory_space<semaphore_mem>>) src(%arg9 : memref<80x128xf32, #tpu.memory_space<vmem>>) dst(%dma_wait3A_128 : memref<10000x128xf32, #tpu.memory_space<vmem_shared>>)
        tpu.yield
      }) : () -> ()
      %add3A_102 = arith.constant 2 : i32
      %add3A_103 = arith.addi %add3A_87, %add3A_102 : i32
      %lt3A = arith.constant 32 : i32
      %lt3A_104 = arith.cmpi slt, %add3A_103, %lt3A : i32
      %convert_element_type3A = arith.extui %lt3A_104 : i1 to i32
      %cond3A = arith.constant 0 : i32
      %cond3A_105 = arith.cmpi ne, %convert_element_type3A, %cond3A : i32
      scf.if %cond3A_105 {
        %add3A_116 = arith.constant 2 : i32
        %add3A_117 = arith.addi %add3A_87, %add3A_116 : i32
        %dma_start3A_118 = arith.constant 0 : i32
        %dma_start3A_119 = tpu.memref_slice %arg7[%add3A_117, %dma_start3A_118] : memref<32x80xi32, #tpu.memory_space<vmem>> -> memref<1x80xi32, #tpu.memory_space<vmem>>
        %dma_start3A_120 = tpu.memref_squeeze %dma_start3A_119 : memref<1x80xi32, #tpu.memory_space<vmem>> -> memref<80xi32, #tpu.memory_space<vmem>>
        %dma_start3A_121 = arith.constant 0 : i32
        %dma_start3A_122 = arith.constant 0 : i32
        %dma_start3A_123 = tpu.memref_slice %arg2[%dma_start3A_121, %dma_start3A_122] : memref<10000x128xf32, #tpu.memory_space<hbm>> -> memref<10000x128xf32, #tpu.memory_space<hbm>>
        tpu.enqueue_indirect_dma source(%dma_start3A_123 : memref<10000x128xf32, #tpu.memory_space<hbm>>) target(%arg9 : memref<80x128xf32, #tpu.memory_space<vmem>>) offsets(%dma_start3A_120 : memref<80xi32, #tpu.memory_space<vmem>>) semaphore(%arg12 : memref<!tpu.dma_semaphore, #tpu.memory_space<semaphore_mem>>)
      } else {
      }
      %add3A_106 = arith.constant 1 : i32
      %add3A_107 = arith.addi %add3A_87, %add3A_106 : i32
      %dma_wait3A_108 = arith.constant 0 : i32
      %dma_wait3A_109 = tpu.memref_slice %arg7[%add3A_107, %dma_wait3A_108] : memref<32x80xi32, #tpu.memory_space<vmem>> -> memref<1x80xi32, #tpu.memory_space<vmem>>
      %dma_wait3A_110 = tpu.memref_squeeze %dma_wait3A_109 : memref<1x80xi32, #tpu.memory_space<vmem>> -> memref<80xi32, #tpu.memory_space<vmem>>
      %dma_wait3A_111 = arith.constant 0 : i32
      %dma_wait3A_112 = arith.constant 0 : i32
      %dma_wait3A_113 = tpu.memref_slice %arg2[%dma_wait3A_111, %dma_wait3A_112] : memref<10000x128xf32, #tpu.memory_space<hbm>> -> memref<10000x128xf32, #tpu.memory_space<hbm>>
      tpu.wait_indirect_dma semaphore(%arg13 : memref<!tpu.dma_semaphore, #tpu.memory_space<semaphore_mem>>) src(%dma_wait3A_113 : memref<10000x128xf32, #tpu.memory_space<hbm>>) dst(%arg10 : memref<80x128xf32, #tpu.memory_space<vmem>>)
      %add3A_114 = arith.constant 1 : i32
      %add3A_115 = arith.addi %add3A_87, %add3A_114 : i32
      "tpu.region"() ({
        %run_scoped3A_116 = tpu.sem_alloc : memref<!tpu.dma_semaphore, #tpu.memory_space<semaphore_mem>>
        %dma_start3A_117 = arith.constant 0 : i32
        %dma_start3A_118 = tpu.memref_slice %arg8[%add3A_115, %dma_start3A_117] : memref<32x80xi32, #tpu.memory_space<vmem>> -> memref<1x80xi32, #tpu.memory_space<vmem>>
        %dma_start3A_119 = tpu.memref_squeeze %dma_start3A_118 : memref<1x80xi32, #tpu.memory_space<vmem>> -> memref<80xi32, #tpu.memory_space<vmem>>
        %dma_start3A_120 = arith.constant 0 : i32
        %dma_start3A_121 = arith.constant 0 : i32
        %dma_start3A_122 = tpu.memref_slice %arg11[%dma_start3A_120, %dma_start3A_121] : memref<10000x128xf32, #tpu.memory_space<vmem_shared>> -> memref<10000x128xf32, #tpu.memory_space<vmem_shared>>
        tpu.enqueue_indirect_dma source(%arg10 : memref<80x128xf32, #tpu.memory_space<vmem>>) target(%dma_start3A_122 : memref<10000x128xf32, #tpu.memory_space<vmem_shared>>) offsets(%dma_start3A_119 : memref<80xi32, #tpu.memory_space<vmem>>) semaphore(%run_scoped3A_116 : memref<!tpu.dma_semaphore, #tpu.memory_space<semaphore_mem>>) {add = true}
        %dma_wait3A_123 = arith.constant 0 : i32
        %dma_wait3A_124 = tpu.memref_slice %arg8[%add3A_115, %dma_wait3A_123] : memref<32x80xi32, #tpu.memory_space<vmem>> -> memref<1x80xi32, #tpu.memory_space<vmem>>
        %dma_wait3A_125 = tpu.memref_squeeze %dma_wait3A_124 : memref<1x80xi32, #tpu.memory_space<vmem>> -> memref<80xi32, #tpu.memory_space<vmem>>
        %dma_wait3A_126 = arith.constant 0 : i32
        %dma_wait3A_127 = arith.constant 0 : i32
        %dma_wait3A_128 = tpu.memref_slice %arg11[%dma_wait3A_126, %dma_wait3A_127] : memref<10000x128xf32, #tpu.memory_space<vmem_shared>> -> memref<10000x128xf32, #tpu.memory_space<vmem_shared>>
        tpu.wait_indirect_dma semaphore(%run_scoped3A_116 : memref<!tpu.dma_semaphore, #tpu.memory_space<semaphore_mem>>) src(%arg10 : memref<80x128xf32, #tpu.memory_space<vmem>>) dst(%dma_wait3A_128 : memref<10000x128xf32, #tpu.memory_space<vmem_shared>>)
        tpu.yield
      }) : () -> ()
    }
    %scan3A_44 = arith.constant 16 : i32
    %run_scoped3A_45 = arith.constant 3 : i32
    "tpu.region"() ({
      %run_scoped3A_79 = tpu.sem_alloc : memref<!tpu.dma_semaphore, #tpu.memory_space<semaphore_mem>>
      %dma_start3A_80 = arith.constant 0 : i32
      %dma_start3A_81 = arith.constant 0 : i32
      %dma_start3A_82 = tpu.memref_slice %arg3[%add3A, %run_scoped3A_45, %dma_start3A_80, %dma_start3A_81] : memref<32x4x32x80xi32, #tpu.memory_space<hbm>> -> memref<1x1x32x80xi32, #tpu.memory_space<hbm>>
      %dma_start3A_83 = tpu.memref_squeeze %dma_start3A_82 : memref<1x1x32x80xi32, #tpu.memory_space<hbm>> -> memref<32x80xi32, #tpu.memory_space<hbm>>
      %dma_start3A_84 = arith.constant 0 : i32
      %dma_start3A_85 = arith.constant 0 : i32
      %dma_start3A_86 = tpu.memref_slice %arg3[%add3A, %run_scoped3A_45, %dma_start3A_84, %dma_start3A_85] : memref<32x4x32x80xi32, #tpu.memory_space<hbm>> -> memref<1x1x32x80xi32, #tpu.memory_space<hbm>>
      %dma_start3A_87 = tpu.memref_squeeze %dma_start3A_86 : memref<1x1x32x80xi32, #tpu.memory_space<hbm>> -> memref<32x80xi32, #tpu.memory_space<hbm>>
      tpu.enqueue_dma source(%dma_start3A_87 : memref<32x80xi32, #tpu.memory_space<hbm>>) target(%arg7 : memref<32x80xi32, #tpu.memory_space<vmem>>) target_semaphore(%run_scoped3A_79 : memref<!tpu.dma_semaphore, #tpu.memory_space<semaphore_mem>>)
      %dma_wait3A_88 = arith.constant 0 : i32
      %dma_wait3A_89 = arith.constant 0 : i32
      %dma_wait3A_90 = tpu.memref_slice %arg3[%add3A, %run_scoped3A_45, %dma_wait3A_88, %dma_wait3A_89] : memref<32x4x32x80xi32, #tpu.memory_space<hbm>> -> memref<1x1x32x80xi32, #tpu.memory_space<hbm>>
      %dma_wait3A_91 = tpu.memref_squeeze %dma_wait3A_90 : memref<1x1x32x80xi32, #tpu.memory_space<hbm>> -> memref<32x80xi32, #tpu.memory_space<hbm>>
      %dma_wait3A_92 = arith.constant 0 : i32
      %dma_wait3A_93 = arith.constant 0 : i32
      %dma_wait3A_94 = tpu.memref_slice %arg3[%add3A, %run_scoped3A_45, %dma_wait3A_92, %dma_wait3A_93] : memref<32x4x32x80xi32, #tpu.memory_space<hbm>> -> memref<1x1x32x80xi32, #tpu.memory_space<hbm>>
      %dma_wait3A_95 = tpu.memref_squeeze %dma_wait3A_94 : memref<1x1x32x80xi32, #tpu.memory_space<hbm>> -> memref<32x80xi32, #tpu.memory_space<hbm>>
      tpu.wait_dma2 semaphore(%run_scoped3A_79 : memref<!tpu.dma_semaphore, #tpu.memory_space<semaphore_mem>>) src(%dma_wait3A_95 : memref<32x80xi32, #tpu.memory_space<hbm>>) dst(%arg7 : memref<32x80xi32, #tpu.memory_space<vmem>>)
      tpu.yield
    }) : () -> ()
    %run_scoped3A_46 = arith.constant 3 : i32
    "tpu.region"() ({
      %run_scoped3A_79 = tpu.sem_alloc : memref<!tpu.dma_semaphore, #tpu.memory_space<semaphore_mem>>
      %dma_start3A_80 = arith.constant 0 : i32
      %dma_start3A_81 = arith.constant 0 : i32
      %dma_start3A_82 = tpu.memref_slice %arg4[%add3A, %run_scoped3A_46, %dma_start3A_80, %dma_start3A_81] : memref<32x4x32x80xi32, #tpu.memory_space<hbm>> -> memref<1x1x32x80xi32, #tpu.memory_space<hbm>>
      %dma_start3A_83 = tpu.memref_squeeze %dma_start3A_82 : memref<1x1x32x80xi32, #tpu.memory_space<hbm>> -> memref<32x80xi32, #tpu.memory_space<hbm>>
      %dma_start3A_84 = arith.constant 0 : i32
      %dma_start3A_85 = arith.constant 0 : i32
      %dma_start3A_86 = tpu.memref_slice %arg4[%add3A, %run_scoped3A_46, %dma_start3A_84, %dma_start3A_85] : memref<32x4x32x80xi32, #tpu.memory_space<hbm>> -> memref<1x1x32x80xi32, #tpu.memory_space<hbm>>
      %dma_start3A_87 = tpu.memref_squeeze %dma_start3A_86 : memref<1x1x32x80xi32, #tpu.memory_space<hbm>> -> memref<32x80xi32, #tpu.memory_space<hbm>>
      tpu.enqueue_dma source(%dma_start3A_87 : memref<32x80xi32, #tpu.memory_space<hbm>>) target(%arg8 : memref<32x80xi32, #tpu.memory_space<vmem>>) target_semaphore(%run_scoped3A_79 : memref<!tpu.dma_semaphore, #tpu.memory_space<semaphore_mem>>)
      %dma_wait3A_88 = arith.constant 0 : i32
      %dma_wait3A_89 = arith.constant 0 : i32
      %dma_wait3A_90 = tpu.memref_slice %arg4[%add3A, %run_scoped3A_46, %dma_wait3A_88, %dma_wait3A_89] : memref<32x4x32x80xi32, #tpu.memory_space<hbm>> -> memref<1x1x32x80xi32, #tpu.memory_space<hbm>>
      %dma_wait3A_91 = tpu.memref_squeeze %dma_wait3A_90 : memref<1x1x32x80xi32, #tpu.memory_space<hbm>> -> memref<32x80xi32, #tpu.memory_space<hbm>>
      %dma_wait3A_92 = arith.constant 0 : i32
      %dma_wait3A_93 = arith.constant 0 : i32
      %dma_wait3A_94 = tpu.memref_slice %arg4[%add3A, %run_scoped3A_46, %dma_wait3A_92, %dma_wait3A_93] : memref<32x4x32x80xi32, #tpu.memory_space<hbm>> -> memref<1x1x32x80xi32, #tpu.memory_space<hbm>>
      %dma_wait3A_95 = tpu.memref_squeeze %dma_wait3A_94 : memref<1x1x32x80xi32, #tpu.memory_space<hbm>> -> memref<32x80xi32, #tpu.memory_space<hbm>>
      tpu.wait_dma2 semaphore(%run_scoped3A_79 : memref<!tpu.dma_semaphore, #tpu.memory_space<semaphore_mem>>) src(%dma_wait3A_95 : memref<32x80xi32, #tpu.memory_space<hbm>>) dst(%arg8 : memref<32x80xi32, #tpu.memory_space<vmem>>)
      tpu.yield
    }) : () -> ()
    %dma_start3A_47 = arith.constant 0 : i32
    %dma_start3A_48 = arith.constant 0 : i32
    %dma_start3A_49 = tpu.memref_slice %arg7[%dma_start3A_47, %dma_start3A_48] : memref<32x80xi32, #tpu.memory_space<vmem>> -> memref<1x80xi32, #tpu.memory_space<vmem>>
    %dma_start3A_50 = tpu.memref_squeeze %dma_start3A_49 : memref<1x80xi32, #tpu.memory_space<vmem>> -> memref<80xi32, #tpu.memory_space<vmem>>
    %dma_start3A_51 = arith.constant 0 : i32
    %dma_start3A_52 = arith.constant 0 : i32
    %dma_start3A_53 = tpu.memref_slice %arg2[%dma_start3A_51, %dma_start3A_52] : memref<10000x128xf32, #tpu.memory_space<hbm>> -> memref<10000x128xf32, #tpu.memory_space<hbm>>
    tpu.enqueue_indirect_dma source(%dma_start3A_53 : memref<10000x128xf32, #tpu.memory_space<hbm>>) target(%arg9 : memref<80x128xf32, #tpu.memory_space<vmem>>) offsets(%dma_start3A_50 : memref<80xi32, #tpu.memory_space<vmem>>) semaphore(%arg12 : memref<!tpu.dma_semaphore, #tpu.memory_space<semaphore_mem>>)
    %dma_wait3A = arith.constant 0 : i32
    %dma_wait3A_54 = arith.constant 0 : i32
    %dma_wait3A_55 = tpu.memref_slice %arg7[%dma_wait3A, %dma_wait3A_54] : memref<32x80xi32, #tpu.memory_space<vmem>> -> memref<1x80xi32, #tpu.memory_space<vmem>>
    %dma_wait3A_56 = tpu.memref_squeeze %dma_wait3A_55 : memref<1x80xi32, #tpu.memory_space<vmem>> -> memref<80xi32, #tpu.memory_space<vmem>>
    %dma_wait3A_57 = arith.constant 0 : i32
    %dma_wait3A_58 = arith.constant 0 : i32
    %dma_wait3A_59 = tpu.memref_slice %arg2[%dma_wait3A_57, %dma_wait3A_58] : memref<10000x128xf32, #tpu.memory_space<hbm>> -> memref<10000x128xf32, #tpu.memory_space<hbm>>
    tpu.wait_indirect_dma semaphore(%arg12 : memref<!tpu.dma_semaphore, #tpu.memory_space<semaphore_mem>>) src(%dma_wait3A_59 : memref<10000x128xf32, #tpu.memory_space<hbm>>) dst(%arg9 : memref<80x128xf32, #tpu.memory_space<vmem>>)
    %run_scoped3A_60 = arith.constant 0 : i32
    "tpu.region"() ({
      %run_scoped3A_79 = tpu.sem_alloc : memref<!tpu.dma_semaphore, #tpu.memory_space<semaphore_mem>>
      %dma_start3A_80 = arith.constant 0 : i32
      %dma_start3A_81 = tpu.memref_slice %arg8[%run_scoped3A_60, %dma_start3A_80] : memref<32x80xi32, #tpu.memory_space<vmem>> -> memref<1x80xi32, #tpu.memory_space<vmem>>
      %dma_start3A_82 = tpu.memref_squeeze %dma_start3A_81 : memref<1x80xi32, #tpu.memory_space<vmem>> -> memref<80xi32, #tpu.memory_space<vmem>>
      %dma_start3A_83 = arith.constant 0 : i32
      %dma_start3A_84 = arith.constant 0 : i32
      %dma_start3A_85 = tpu.memref_slice %arg11[%dma_start3A_83, %dma_start3A_84] : memref<10000x128xf32, #tpu.memory_space<vmem_shared>> -> memref<10000x128xf32, #tpu.memory_space<vmem_shared>>
      tpu.enqueue_indirect_dma source(%arg9 : memref<80x128xf32, #tpu.memory_space<vmem>>) target(%dma_start3A_85 : memref<10000x128xf32, #tpu.memory_space<vmem_shared>>) offsets(%dma_start3A_82 : memref<80xi32, #tpu.memory_space<vmem>>) semaphore(%run_scoped3A_79 : memref<!tpu.dma_semaphore, #tpu.memory_space<semaphore_mem>>) {add = true}
      %dma_wait3A_86 = arith.constant 0 : i32
      %dma_wait3A_87 = tpu.memref_slice %arg8[%run_scoped3A_60, %dma_wait3A_86] : memref<32x80xi32, #tpu.memory_space<vmem>> -> memref<1x80xi32, #tpu.memory_space<vmem>>
      %dma_wait3A_88 = tpu.memref_squeeze %dma_wait3A_87 : memref<1x80xi32, #tpu.memory_space<vmem>> -> memref<80xi32, #tpu.memory_space<vmem>>
      %dma_wait3A_89 = arith.constant 0 : i32
      %dma_wait3A_90 = arith.constant 0 : i32
      %dma_wait3A_91 = tpu.memref_slice %arg11[%dma_wait3A_89, %dma_wait3A_90] : memref<10000x128xf32, #tpu.memory_space<vmem_shared>> -> memref<10000x128xf32, #tpu.memory_space<vmem_shared>>
      tpu.wait_indirect_dma semaphore(%run_scoped3A_79 : memref<!tpu.dma_semaphore, #tpu.memory_space<semaphore_mem>>) src(%arg9 : memref<80x128xf32, #tpu.memory_space<vmem>>) dst(%dma_wait3A_91 : memref<10000x128xf32, #tpu.memory_space<vmem_shared>>)
      tpu.yield
    }) : () -> ()
    %dma_start3A_61 = arith.constant 1 : i32
    %dma_start3A_62 = arith.constant 0 : i32
    %dma_start3A_63 = tpu.memref_slice %arg7[%dma_start3A_61, %dma_start3A_62] : memref<32x80xi32, #tpu.memory_space<vmem>> -> memref<1x80xi32, #tpu.memory_space<vmem>>
    %dma_start3A_64 = tpu.memref_squeeze %dma_start3A_63 : memref<1x80xi32, #tpu.memory_space<vmem>> -> memref<80xi32, #tpu.memory_space<vmem>>
    %dma_start3A_65 = arith.constant 0 : i32
    %dma_start3A_66 = arith.constant 0 : i32
    %dma_start3A_67 = tpu.memref_slice %arg2[%dma_start3A_65, %dma_start3A_66] : memref<10000x128xf32, #tpu.memory_space<hbm>> -> memref<10000x128xf32, #tpu.memory_space<hbm>>
    tpu.enqueue_indirect_dma source(%dma_start3A_67 : memref<10000x128xf32, #tpu.memory_space<hbm>>) target(%arg9 : memref<80x128xf32, #tpu.memory_space<vmem>>) offsets(%dma_start3A_64 : memref<80xi32, #tpu.memory_space<vmem>>) semaphore(%arg12 : memref<!tpu.dma_semaphore, #tpu.memory_space<semaphore_mem>>)
    %scan3A_68 = arith.constant 0 : i32
    %scan3A_69 = arith.constant 14 : i32
    %scan3A_70 = arith.addi %scan3A_68, %scan3A_69 : i32
    %scan3A_71 = arith.constant 1 : i32
    scf.for %scan3A_79 = %scan3A_68 to %scan3A_70 step %scan3A_71  : i32 {
      %mul3A_80 = arith.constant 1 : i32
      %mul3A_81 = arith.muli %scan3A_79, %mul3A_80 : i32
      %add3A_82 = arith.constant 0 : i32
      %add3A_83 = arith.addi %add3A_82, %mul3A_81 : i32
      %mul3A_84 = arith.constant 2 : i32
      %mul3A_85 = arith.muli %mul3A_84, %add3A_83 : i32
      %add3A_86 = arith.constant 1 : i32
      %add3A_87 = arith.addi %add3A_86, %mul3A_85 : i32
      %dma_wait3A_88 = arith.constant 0 : i32
      %dma_wait3A_89 = tpu.memref_slice %arg7[%add3A_87, %dma_wait3A_88] : memref<32x80xi32, #tpu.memory_space<vmem>> -> memref<1x80xi32, #tpu.memory_space<vmem>>
      %dma_wait3A_90 = tpu.memref_squeeze %dma_wait3A_89 : memref<1x80xi32, #tpu.memory_space<vmem>> -> memref<80xi32, #tpu.memory_space<vmem>>
      %dma_wait3A_91 = arith.constant 0 : i32
      %dma_wait3A_92 = arith.constant 0 : i32
      %dma_wait3A_93 = tpu.memref_slice %arg2[%dma_wait3A_91, %dma_wait3A_92] : memref<10000x128xf32, #tpu.memory_space<hbm>> -> memref<10000x128xf32, #tpu.memory_space<hbm>>
      tpu.wait_indirect_dma semaphore(%arg12 : memref<!tpu.dma_semaphore, #tpu.memory_space<semaphore_mem>>) src(%dma_wait3A_93 : memref<10000x128xf32, #tpu.memory_space<hbm>>) dst(%arg9 : memref<80x128xf32, #tpu.memory_space<vmem>>)
      %add3A_94 = arith.constant 1 : i32
      %add3A_95 = arith.addi %add3A_87, %add3A_94 : i32
      %dma_start3A_96 = arith.constant 0 : i32
      %dma_start3A_97 = tpu.memref_slice %arg7[%add3A_95, %dma_start3A_96] : memref<32x80xi32, #tpu.memory_space<vmem>> -> memref<1x80xi32, #tpu.memory_space<vmem>>
      %dma_start3A_98 = tpu.memref_squeeze %dma_start3A_97 : memref<1x80xi32, #tpu.memory_space<vmem>> -> memref<80xi32, #tpu.memory_space<vmem>>
      %dma_start3A_99 = arith.constant 0 : i32
      %dma_start3A_100 = arith.constant 0 : i32
      %dma_start3A_101 = tpu.memref_slice %arg2[%dma_start3A_99, %dma_start3A_100] : memref<10000x128xf32, #tpu.memory_space<hbm>> -> memref<10000x128xf32, #tpu.memory_space<hbm>>
      tpu.enqueue_indirect_dma source(%dma_start3A_101 : memref<10000x128xf32, #tpu.memory_space<hbm>>) target(%arg10 : memref<80x128xf32, #tpu.memory_space<vmem>>) offsets(%dma_start3A_98 : memref<80xi32, #tpu.memory_space<vmem>>) semaphore(%arg13 : memref<!tpu.dma_semaphore, #tpu.memory_space<semaphore_mem>>)
      "tpu.region"() ({
        %run_scoped3A_116 = tpu.sem_alloc : memref<!tpu.dma_semaphore, #tpu.memory_space<semaphore_mem>>
        %dma_start3A_117 = arith.constant 0 : i32
        %dma_start3A_118 = tpu.memref_slice %arg8[%add3A_87, %dma_start3A_117] : memref<32x80xi32, #tpu.memory_space<vmem>> -> memref<1x80xi32, #tpu.memory_space<vmem>>
        %dma_start3A_119 = tpu.memref_squeeze %dma_start3A_118 : memref<1x80xi32, #tpu.memory_space<vmem>> -> memref<80xi32, #tpu.memory_space<vmem>>
        %dma_start3A_120 = arith.constant 0 : i32
        %dma_start3A_121 = arith.constant 0 : i32
        %dma_start3A_122 = tpu.memref_slice %arg11[%dma_start3A_120, %dma_start3A_121] : memref<10000x128xf32, #tpu.memory_space<vmem_shared>> -> memref<10000x128xf32, #tpu.memory_space<vmem_shared>>
        tpu.enqueue_indirect_dma source(%arg9 : memref<80x128xf32, #tpu.memory_space<vmem>>) target(%dma_start3A_122 : memref<10000x128xf32, #tpu.memory_space<vmem_shared>>) offsets(%dma_start3A_119 : memref<80xi32, #tpu.memory_space<vmem>>) semaphore(%run_scoped3A_116 : memref<!tpu.dma_semaphore, #tpu.memory_space<semaphore_mem>>) {add = true}
        %dma_wait3A_123 = arith.constant 0 : i32
        %dma_wait3A_124 = tpu.memref_slice %arg8[%add3A_87, %dma_wait3A_123] : memref<32x80xi32, #tpu.memory_space<vmem>> -> memref<1x80xi32, #tpu.memory_space<vmem>>
        %dma_wait3A_125 = tpu.memref_squeeze %dma_wait3A_124 : memref<1x80xi32, #tpu.memory_space<vmem>> -> memref<80xi32, #tpu.memory_space<vmem>>
        %dma_wait3A_126 = arith.constant 0 : i32
        %dma_wait3A_127 = arith.constant 0 : i32
        %dma_wait3A_128 = tpu.memref_slice %arg11[%dma_wait3A_126, %dma_wait3A_127] : memref<10000x128xf32, #tpu.memory_space<vmem_shared>> -> memref<10000x128xf32, #tpu.memory_space<vmem_shared>>
        tpu.wait_indirect_dma semaphore(%run_scoped3A_116 : memref<!tpu.dma_semaphore, #tpu.memory_space<semaphore_mem>>) src(%arg9 : memref<80x128xf32, #tpu.memory_space<vmem>>) dst(%dma_wait3A_128 : memref<10000x128xf32, #tpu.memory_space<vmem_shared>>)
        tpu.yield
      }) : () -> ()
      %add3A_102 = arith.constant 2 : i32
      %add3A_103 = arith.addi %add3A_87, %add3A_102 : i32
      %lt3A = arith.constant 29 : i32
      %lt3A_104 = arith.cmpi slt, %add3A_103, %lt3A : i32
      %convert_element_type3A = arith.extui %lt3A_104 : i1 to i32
      %cond3A = arith.constant 0 : i32
      %cond3A_105 = arith.cmpi ne, %convert_element_type3A, %cond3A : i32
      scf.if %cond3A_105 {
        %add3A_116 = arith.constant 2 : i32
        %add3A_117 = arith.addi %add3A_87, %add3A_116 : i32
        %dma_start3A_118 = arith.constant 0 : i32
        %dma_start3A_119 = tpu.memref_slice %arg7[%add3A_117, %dma_start3A_118] : memref<32x80xi32, #tpu.memory_space<vmem>> -> memref<1x80xi32, #tpu.memory_space<vmem>>
        %dma_start3A_120 = tpu.memref_squeeze %dma_start3A_119 : memref<1x80xi32, #tpu.memory_space<vmem>> -> memref<80xi32, #tpu.memory_space<vmem>>
        %dma_start3A_121 = arith.constant 0 : i32
        %dma_start3A_122 = arith.constant 0 : i32
        %dma_start3A_123 = tpu.memref_slice %arg2[%dma_start3A_121, %dma_start3A_122] : memref<10000x128xf32, #tpu.memory_space<hbm>> -> memref<10000x128xf32, #tpu.memory_space<hbm>>
        tpu.enqueue_indirect_dma source(%dma_start3A_123 : memref<10000x128xf32, #tpu.memory_space<hbm>>) target(%arg9 : memref<80x128xf32, #tpu.memory_space<vmem>>) offsets(%dma_start3A_120 : memref<80xi32, #tpu.memory_space<vmem>>) semaphore(%arg12 : memref<!tpu.dma_semaphore, #tpu.memory_space<semaphore_mem>>)
      } else {
      }
      %add3A_106 = arith.constant 1 : i32
      %add3A_107 = arith.addi %add3A_87, %add3A_106 : i32
      %dma_wait3A_108 = arith.constant 0 : i32
      %dma_wait3A_109 = tpu.memref_slice %arg7[%add3A_107, %dma_wait3A_108] : memref<32x80xi32, #tpu.memory_space<vmem>> -> memref<1x80xi32, #tpu.memory_space<vmem>>
      %dma_wait3A_110 = tpu.memref_squeeze %dma_wait3A_109 : memref<1x80xi32, #tpu.memory_space<vmem>> -> memref<80xi32, #tpu.memory_space<vmem>>
      %dma_wait3A_111 = arith.constant 0 : i32
      %dma_wait3A_112 = arith.constant 0 : i32
      %dma_wait3A_113 = tpu.memref_slice %arg2[%dma_wait3A_111, %dma_wait3A_112] : memref<10000x128xf32, #tpu.memory_space<hbm>> -> memref<10000x128xf32, #tpu.memory_space<hbm>>
      tpu.wait_indirect_dma semaphore(%arg13 : memref<!tpu.dma_semaphore, #tpu.memory_space<semaphore_mem>>) src(%dma_wait3A_113 : memref<10000x128xf32, #tpu.memory_space<hbm>>) dst(%arg10 : memref<80x128xf32, #tpu.memory_space<vmem>>)
      %add3A_114 = arith.constant 1 : i32
      %add3A_115 = arith.addi %add3A_87, %add3A_114 : i32
      "tpu.region"() ({
        %run_scoped3A_116 = tpu.sem_alloc : memref<!tpu.dma_semaphore, #tpu.memory_space<semaphore_mem>>
        %dma_start3A_117 = arith.constant 0 : i32
        %dma_start3A_118 = tpu.memref_slice %arg8[%add3A_115, %dma_start3A_117] : memref<32x80xi32, #tpu.memory_space<vmem>> -> memref<1x80xi32, #tpu.memory_space<vmem>>
        %dma_start3A_119 = tpu.memref_squeeze %dma_start3A_118 : memref<1x80xi32, #tpu.memory_space<vmem>> -> memref<80xi32, #tpu.memory_space<vmem>>
        %dma_start3A_120 = arith.constant 0 : i32
        %dma_start3A_121 = arith.constant 0 : i32
        %dma_start3A_122 = tpu.memref_slice %arg11[%dma_start3A_120, %dma_start3A_121] : memref<10000x128xf32, #tpu.memory_space<vmem_shared>> -> memref<10000x128xf32, #tpu.memory_space<vmem_shared>>
        tpu.enqueue_indirect_dma source(%arg10 : memref<80x128xf32, #tpu.memory_space<vmem>>) target(%dma_start3A_122 : memref<10000x128xf32, #tpu.memory_space<vmem_shared>>) offsets(%dma_start3A_119 : memref<80xi32, #tpu.memory_space<vmem>>) semaphore(%run_scoped3A_116 : memref<!tpu.dma_semaphore, #tpu.memory_space<semaphore_mem>>) {add = true}
        %dma_wait3A_123 = arith.constant 0 : i32
        %dma_wait3A_124 = tpu.memref_slice %arg8[%add3A_115, %dma_wait3A_123] : memref<32x80xi32, #tpu.memory_space<vmem>> -> memref<1x80xi32, #tpu.memory_space<vmem>>
        %dma_wait3A_125 = tpu.memref_squeeze %dma_wait3A_124 : memref<1x80xi32, #tpu.memory_space<vmem>> -> memref<80xi32, #tpu.memory_space<vmem>>
        %dma_wait3A_126 = arith.constant 0 : i32
        %dma_wait3A_127 = arith.constant 0 : i32
        %dma_wait3A_128 = tpu.memref_slice %arg11[%dma_wait3A_126, %dma_wait3A_127] : memref<10000x128xf32, #tpu.memory_space<vmem_shared>> -> memref<10000x128xf32, #tpu.memory_space<vmem_shared>>
        tpu.wait_indirect_dma semaphore(%run_scoped3A_116 : memref<!tpu.dma_semaphore, #tpu.memory_space<semaphore_mem>>) src(%arg10 : memref<80x128xf32, #tpu.memory_space<vmem>>) dst(%dma_wait3A_128 : memref<10000x128xf32, #tpu.memory_space<vmem_shared>>)
        tpu.yield
      }) : () -> ()
    }
    %scan3A_72 = arith.constant 14 : i32
    %barrier3A_73 = arith.constant 0 : index
    tpu.barrier barrier_id(%barrier3A_73)
    %scan3A_74 = arith.constant 0 : i32
    %scan3A_75 = arith.constant 8 : i32
    %scan3A_76 = arith.addi %scan3A_74, %scan3A_75 : i32
    %scan3A_77 = arith.constant 1 : i32
    scf.for %scan3A_79 = %scan3A_74 to %scan3A_76 step %scan3A_77  : i32 {
      %mul3A_80 = arith.constant 1 : i32
      %mul3A_81 = arith.muli %scan3A_79, %mul3A_80 : i32
      %add3A_82 = arith.constant 0 : i32
      %add3A_83 = arith.addi %add3A_82, %mul3A_81 : i32
      %mul3A_84 = arith.constant 16 : i32
      %mul3A_85 = arith.muli %add3A_83, %mul3A_84 : i32
      %add3A_86 = arith.addi %arg1, %mul3A_85 : i32
      %lt3A = arith.constant 125 : i32
      %lt3A_87 = arith.cmpi slt, %add3A_86, %lt3A : i32
      %convert_element_type3A = arith.extui %lt3A_87 : i1 to i32
      %cond3A = arith.constant 0 : i32
      %cond3A_88 = arith.cmpi ne, %convert_element_type3A, %cond3A : i32
      scf.if %cond3A_88 {
        %mul3A_89 = arith.constant 80 : i32
        %mul3A_90 = arith.muli %add3A_86, %mul3A_89 : i32
        "tpu.region"() ({
          %run_scoped3A_93 = tpu.sem_alloc : memref<!tpu.dma_semaphore, #tpu.memory_space<semaphore_mem>>
          %dma_start3A_94 = arith.constant 0 : i32
          %dma_start3A_95 = tpu.memref_slice %arg11[%mul3A_90, %dma_start3A_94] : memref<10000x128xf32, #tpu.memory_space<vmem_shared>> -> memref<80x128xf32, #tpu.memory_space<vmem_shared>>
          %dma_start3A_96 = arith.constant 0 : i32
          %dma_start3A_97 = tpu.memref_slice %arg11[%mul3A_90, %dma_start3A_96] : memref<10000x128xf32, #tpu.memory_space<vmem_shared>> -> memref<80x128xf32, #tpu.memory_space<vmem_shared>>
          tpu.enqueue_dma source(%dma_start3A_97 : memref<80x128xf32, #tpu.memory_space<vmem_shared>>) target(%arg9 : memref<80x128xf32, #tpu.memory_space<vmem>>) target_semaphore(%run_scoped3A_93 : memref<!tpu.dma_semaphore, #tpu.memory_space<semaphore_mem>>)
          %dma_wait3A_98 = arith.constant 0 : i32
          %dma_wait3A_99 = tpu.memref_slice %arg11[%mul3A_90, %dma_wait3A_98] : memref<10000x128xf32, #tpu.memory_space<vmem_shared>> -> memref<80x128xf32, #tpu.memory_space<vmem_shared>>
          %dma_wait3A_100 = arith.constant 0 : i32
          %dma_wait3A_101 = tpu.memref_slice %arg11[%mul3A_90, %dma_wait3A_100] : memref<10000x128xf32, #tpu.memory_space<vmem_shared>> -> memref<80x128xf32, #tpu.memory_space<vmem_shared>>
          tpu.wait_dma2 semaphore(%run_scoped3A_93 : memref<!tpu.dma_semaphore, #tpu.memory_space<semaphore_mem>>) src(%dma_wait3A_101 : memref<80x128xf32, #tpu.memory_space<vmem_shared>>) dst(%arg9 : memref<80x128xf32, #tpu.memory_space<vmem>>)
          tpu.yield
        }) : () -> ()
        %mul3A_91 = arith.constant 80 : i32
        %mul3A_92 = arith.muli %add3A_86, %mul3A_91 : i32
        "tpu.region"() ({
          %run_scoped3A_93 = tpu.sem_alloc : memref<!tpu.dma_semaphore, #tpu.memory_space<semaphore_mem>>
          %dma_start3A_94 = arith.constant 0 : i32
          %dma_start3A_95 = tpu.memref_slice %arg6[%arg0, %mul3A_92, %dma_start3A_94] : memref<2x10000x128xf32, #tpu.memory_space<hbm>> -> memref<1x80x128xf32, #tpu.memory_space<hbm>>
          %dma_start3A_96 = tpu.memref_squeeze %dma_start3A_95 : memref<1x80x128xf32, #tpu.memory_space<hbm>> -> memref<80x128xf32, #tpu.memory_space<hbm>>
          %dma_start3A_97 = arith.constant 0 : i32
          %dma_start3A_98 = tpu.memref_slice %arg6[%arg0, %mul3A_92, %dma_start3A_97] : memref<2x10000x128xf32, #tpu.memory_space<hbm>> -> memref<1x80x128xf32, #tpu.memory_space<hbm>>
          %dma_start3A_99 = tpu.memref_squeeze %dma_start3A_98 : memref<1x80x128xf32, #tpu.memory_space<hbm>> -> memref<80x128xf32, #tpu.memory_space<hbm>>
          tpu.enqueue_dma source(%arg9 : memref<80x128xf32, #tpu.memory_space<vmem>>) target(%dma_start3A_99 : memref<80x128xf32, #tpu.memory_space<hbm>>) target_semaphore(%run_scoped3A_93 : memref<!tpu.dma_semaphore, #tpu.memory_space<semaphore_mem>>)
          %dma_wait3A_100 = arith.constant 0 : i32
          %dma_wait3A_101 = tpu.memref_slice %arg6[%arg0, %mul3A_92, %dma_wait3A_100] : memref<2x10000x128xf32, #tpu.memory_space<hbm>> -> memref<1x80x128xf32, #tpu.memory_space<hbm>>
          %dma_wait3A_102 = tpu.memref_squeeze %dma_wait3A_101 : memref<1x80x128xf32, #tpu.memory_space<hbm>> -> memref<80x128xf32, #tpu.memory_space<hbm>>
          %dma_wait3A_103 = arith.constant 0 : i32
          %dma_wait3A_104 = tpu.memref_slice %arg6[%arg0, %mul3A_92, %dma_wait3A_103] : memref<2x10000x128xf32, #tpu.memory_space<hbm>> -> memref<1x80x128xf32, #tpu.memory_space<hbm>>
          %dma_wait3A_105 = tpu.memref_squeeze %dma_wait3A_104 : memref<1x80x128xf32, #tpu.memory_space<hbm>> -> memref<80x128xf32, #tpu.memory_space<hbm>>
          tpu.wait_dma2 semaphore(%run_scoped3A_93 : memref<!tpu.dma_semaphore, #tpu.memory_space<semaphore_mem>>) src(%arg9 : memref<80x128xf32, #tpu.memory_space<vmem>>) dst(%dma_wait3A_105 : memref<80x128xf32, #tpu.memory_space<hbm>>)
          tpu.yield
        }) : () -> ()
      } else {
      }
    }
    %scan3A_78 = arith.constant 8 : i32
    return
  }
}

#map = affine_map<(d0, d1) -> (0, 0, 0)>
#map1 = affine_map<(d0, d1) -> (0, 0)>
module attributes {stable_mosaic.version = 14 : i64} {
  func.func @k(%arg0: i32, %arg1: i32, %arg2: memref<32x125x80xi32, #tpu.memory_space<hbm>>, %arg3: memref<80x128xf32, #tpu.memory_space<hbm>>, %arg4: memref<80x128xf32, #tpu.memory_space<hbm>>, %arg5: memref<2x10000x128xf32, #tpu.memory_space<hbm>>, %arg6: memref<125x80xi32, #tpu.memory_space<vmem>>, %arg7: memref<80x128xf32, #tpu.memory_space<vmem>>, %arg8: memref<80x128xf32, #tpu.memory_space<vmem>>, %arg9: memref<10000x128xf32, #tpu.memory_space<vmem_shared>>, %arg10: memref<!tpu.dma_semaphore, #tpu.memory_space<semaphore_mem>>) attributes {dimension_semantics = [#tpu.dimension_semantics<core_parallel>, #tpu.dimension_semantics<subcore_parallel>], iteration_bounds = array<i64: 2, 16>, scalar_prefetch = 0 : i64, scratch_operands = 5 : i64, tpu.core_type = #tpu.core_type<sc_vector_subcore>, window_params = [{transform_indices = #map}, {transform_indices = #map1}, {transform_indices = #map1}, {transform_indices = #map}]} {
    %mul3A = arith.constant 16 : i32
    %mul3A_0 = arith.muli %arg0, %mul3A : i32
    %add3A = arith.addi %mul3A_0, %arg1 : i32
    "tpu.region"() ({
      %run_scoped3A = tpu.sem_alloc : memref<!tpu.dma_semaphore, #tpu.memory_space<semaphore_mem>>
      %dma_start3A = arith.constant 0 : i32
      %dma_start3A_22 = arith.constant 0 : i32
      %dma_start3A_23 = tpu.memref_slice %arg2[%add3A, %dma_start3A, %dma_start3A_22] : memref<32x125x80xi32, #tpu.memory_space<hbm>> -> memref<1x125x80xi32, #tpu.memory_space<hbm>>
      %dma_start3A_24 = tpu.memref_squeeze %dma_start3A_23 : memref<1x125x80xi32, #tpu.memory_space<hbm>> -> memref<125x80xi32, #tpu.memory_space<hbm>>
      %dma_start3A_25 = arith.constant 0 : i32
      %dma_start3A_26 = arith.constant 0 : i32
      %dma_start3A_27 = tpu.memref_slice %arg2[%add3A, %dma_start3A_25, %dma_start3A_26] : memref<32x125x80xi32, #tpu.memory_space<hbm>> -> memref<1x125x80xi32, #tpu.memory_space<hbm>>
      %dma_start3A_28 = tpu.memref_squeeze %dma_start3A_27 : memref<1x125x80xi32, #tpu.memory_space<hbm>> -> memref<125x80xi32, #tpu.memory_space<hbm>>
      tpu.enqueue_dma source(%dma_start3A_28 : memref<125x80xi32, #tpu.memory_space<hbm>>) target(%arg6 : memref<125x80xi32, #tpu.memory_space<vmem>>) target_semaphore(%run_scoped3A : memref<!tpu.dma_semaphore, #tpu.memory_space<semaphore_mem>>)
      %dma_wait3A = arith.constant 0 : i32
      %dma_wait3A_29 = arith.constant 0 : i32
      %dma_wait3A_30 = tpu.memref_slice %arg2[%add3A, %dma_wait3A, %dma_wait3A_29] : memref<32x125x80xi32, #tpu.memory_space<hbm>> -> memref<1x125x80xi32, #tpu.memory_space<hbm>>
      %dma_wait3A_31 = tpu.memref_squeeze %dma_wait3A_30 : memref<1x125x80xi32, #tpu.memory_space<hbm>> -> memref<125x80xi32, #tpu.memory_space<hbm>>
      %dma_wait3A_32 = arith.constant 0 : i32
      %dma_wait3A_33 = arith.constant 0 : i32
      %dma_wait3A_34 = tpu.memref_slice %arg2[%add3A, %dma_wait3A_32, %dma_wait3A_33] : memref<32x125x80xi32, #tpu.memory_space<hbm>> -> memref<1x125x80xi32, #tpu.memory_space<hbm>>
      %dma_wait3A_35 = tpu.memref_squeeze %dma_wait3A_34 : memref<1x125x80xi32, #tpu.memory_space<hbm>> -> memref<125x80xi32, #tpu.memory_space<hbm>>
      tpu.wait_dma2 semaphore(%run_scoped3A : memref<!tpu.dma_semaphore, #tpu.memory_space<semaphore_mem>>) src(%dma_wait3A_35 : memref<125x80xi32, #tpu.memory_space<hbm>>) dst(%arg6 : memref<125x80xi32, #tpu.memory_space<vmem>>)
      tpu.yield
    }) : () -> ()
    "tpu.region"() ({
      %run_scoped3A = tpu.sem_alloc : memref<!tpu.dma_semaphore, #tpu.memory_space<semaphore_mem>>
      tpu.enqueue_dma source(%arg3 : memref<80x128xf32, #tpu.memory_space<hbm>>) target(%arg8 : memref<80x128xf32, #tpu.memory_space<vmem>>) target_semaphore(%run_scoped3A : memref<!tpu.dma_semaphore, #tpu.memory_space<semaphore_mem>>)
      tpu.wait_dma2 semaphore(%run_scoped3A : memref<!tpu.dma_semaphore, #tpu.memory_space<semaphore_mem>>) src(%arg3 : memref<80x128xf32, #tpu.memory_space<hbm>>) dst(%arg8 : memref<80x128xf32, #tpu.memory_space<vmem>>)
      tpu.yield
    }) : () -> ()
    "tpu.region"() ({
      %run_scoped3A = tpu.sem_alloc : memref<!tpu.dma_semaphore, #tpu.memory_space<semaphore_mem>>
      tpu.enqueue_dma source(%arg4 : memref<80x128xf32, #tpu.memory_space<hbm>>) target(%arg7 : memref<80x128xf32, #tpu.memory_space<vmem>>) target_semaphore(%run_scoped3A : memref<!tpu.dma_semaphore, #tpu.memory_space<semaphore_mem>>)
      tpu.wait_dma2 semaphore(%run_scoped3A : memref<!tpu.dma_semaphore, #tpu.memory_space<semaphore_mem>>) src(%arg4 : memref<80x128xf32, #tpu.memory_space<hbm>>) dst(%arg7 : memref<80x128xf32, #tpu.memory_space<vmem>>)
      tpu.yield
    }) : () -> ()
    %scan3A = arith.constant 0 : i32
    %scan3A_1 = arith.constant 8 : i32
    %scan3A_2 = arith.addi %scan3A, %scan3A_1 : i32
    %scan3A_3 = arith.constant 1 : i32
    scf.for %scan3A_22 = %scan3A to %scan3A_2 step %scan3A_3  : i32 {
      %mul3A_23 = arith.constant 1 : i32
      %mul3A_24 = arith.muli %scan3A_22, %mul3A_23 : i32
      %add3A_25 = arith.constant 0 : i32
      %add3A_26 = arith.addi %add3A_25, %mul3A_24 : i32
      %mul3A_27 = arith.constant 16 : i32
      %mul3A_28 = arith.muli %add3A_26, %mul3A_27 : i32
      %add3A_29 = arith.addi %arg1, %mul3A_28 : i32
      %lt3A = arith.constant 125 : i32
      %lt3A_30 = arith.cmpi slt, %add3A_29, %lt3A : i32
      %convert_element_type3A = arith.extui %lt3A_30 : i1 to i32
      %cond3A = arith.constant 0 : i32
      %cond3A_31 = arith.cmpi ne, %convert_element_type3A, %cond3A : i32
      scf.if %cond3A_31 {
        %mul3A_32 = arith.constant 80 : i32
        %mul3A_33 = arith.muli %add3A_29, %mul3A_32 : i32
        "tpu.region"() ({
          %run_scoped3A = tpu.sem_alloc : memref<!tpu.dma_semaphore, #tpu.memory_space<semaphore_mem>>
          %dma_start3A = arith.constant 0 : i32
          %dma_start3A_34 = tpu.memref_slice %arg9[%mul3A_33, %dma_start3A] : memref<10000x128xf32, #tpu.memory_space<vmem_shared>> -> memref<80x128xf32, #tpu.memory_space<vmem_shared>>
          %dma_start3A_35 = arith.constant 0 : i32
          %dma_start3A_36 = tpu.memref_slice %arg9[%mul3A_33, %dma_start3A_35] : memref<10000x128xf32, #tpu.memory_space<vmem_shared>> -> memref<80x128xf32, #tpu.memory_space<vmem_shared>>
          tpu.enqueue_dma source(%arg8 : memref<80x128xf32, #tpu.memory_space<vmem>>) target(%dma_start3A_36 : memref<80x128xf32, #tpu.memory_space<vmem_shared>>) target_semaphore(%run_scoped3A : memref<!tpu.dma_semaphore, #tpu.memory_space<semaphore_mem>>)
          %dma_wait3A = arith.constant 0 : i32
          %dma_wait3A_37 = tpu.memref_slice %arg9[%mul3A_33, %dma_wait3A] : memref<10000x128xf32, #tpu.memory_space<vmem_shared>> -> memref<80x128xf32, #tpu.memory_space<vmem_shared>>
          %dma_wait3A_38 = arith.constant 0 : i32
          %dma_wait3A_39 = tpu.memref_slice %arg9[%mul3A_33, %dma_wait3A_38] : memref<10000x128xf32, #tpu.memory_space<vmem_shared>> -> memref<80x128xf32, #tpu.memory_space<vmem_shared>>
          tpu.wait_dma2 semaphore(%run_scoped3A : memref<!tpu.dma_semaphore, #tpu.memory_space<semaphore_mem>>) src(%arg8 : memref<80x128xf32, #tpu.memory_space<vmem>>) dst(%dma_wait3A_39 : memref<80x128xf32, #tpu.memory_space<vmem_shared>>)
          tpu.yield
        }) : () -> ()
      } else {
      }
    }
    %scan3A_4 = arith.constant 8 : i32
    %barrier3A = arith.constant 0 : index
    tpu.barrier barrier_id(%barrier3A)
    %scan3A_5 = arith.constant 0 : i32
    %scan3A_6 = arith.constant 31 : i32
    %scan3A_7 = arith.addi %scan3A_5, %scan3A_6 : i32
    %scan3A_8 = arith.constant 1 : i32
    scf.for %scan3A_22 = %scan3A_5 to %scan3A_7 step %scan3A_8  : i32 {
      %mul3A_23 = arith.constant 1 : i32
      %mul3A_24 = arith.muli %scan3A_22, %mul3A_23 : i32
      %add3A_25 = arith.constant 0 : i32
      %add3A_26 = arith.addi %add3A_25, %mul3A_24 : i32
      %mul3A_27 = arith.constant 4 : i32
      %mul3A_28 = arith.muli %mul3A_27, %add3A_26 : i32
      %add3A_29 = arith.constant 0 : i32
      %add3A_30 = arith.addi %mul3A_28, %add3A_29 : i32
      %dma_start3A = arith.constant 0 : i32
      %dma_start3A_31 = tpu.memref_slice %arg6[%add3A_30, %dma_start3A] : memref<125x80xi32, #tpu.memory_space<vmem>> -> memref<1x80xi32, #tpu.memory_space<vmem>>
      %dma_start3A_32 = tpu.memref_squeeze %dma_start3A_31 : memref<1x80xi32, #tpu.memory_space<vmem>> -> memref<80xi32, #tpu.memory_space<vmem>>
      %dma_start3A_33 = arith.constant 0 : i32
      %dma_start3A_34 = arith.constant 0 : i32
      %dma_start3A_35 = tpu.memref_slice %arg9[%dma_start3A_33, %dma_start3A_34] : memref<10000x128xf32, #tpu.memory_space<vmem_shared>> -> memref<10000x128xf32, #tpu.memory_space<vmem_shared>>
      tpu.enqueue_indirect_dma source(%arg7 : memref<80x128xf32, #tpu.memory_space<vmem>>) target(%dma_start3A_35 : memref<10000x128xf32, #tpu.memory_space<vmem_shared>>) offsets(%dma_start3A_32 : memref<80xi32, #tpu.memory_space<vmem>>) semaphore(%arg10 : memref<!tpu.dma_semaphore, #tpu.memory_space<semaphore_mem>>) {add = true}
      %mul3A_36 = arith.constant 4 : i32
      %mul3A_37 = arith.muli %mul3A_36, %add3A_26 : i32
      %add3A_38 = arith.constant 1 : i32
      %add3A_39 = arith.addi %mul3A_37, %add3A_38 : i32
      %dma_start3A_40 = arith.constant 0 : i32
      %dma_start3A_41 = tpu.memref_slice %arg6[%add3A_39, %dma_start3A_40] : memref<125x80xi32, #tpu.memory_space<vmem>> -> memref<1x80xi32, #tpu.memory_space<vmem>>
      %dma_start3A_42 = tpu.memref_squeeze %dma_start3A_41 : memref<1x80xi32, #tpu.memory_space<vmem>> -> memref<80xi32, #tpu.memory_space<vmem>>
      %dma_start3A_43 = arith.constant 0 : i32
      %dma_start3A_44 = arith.constant 0 : i32
      %dma_start3A_45 = tpu.memref_slice %arg9[%dma_start3A_43, %dma_start3A_44] : memref<10000x128xf32, #tpu.memory_space<vmem_shared>> -> memref<10000x128xf32, #tpu.memory_space<vmem_shared>>
      tpu.enqueue_indirect_dma source(%arg7 : memref<80x128xf32, #tpu.memory_space<vmem>>) target(%dma_start3A_45 : memref<10000x128xf32, #tpu.memory_space<vmem_shared>>) offsets(%dma_start3A_42 : memref<80xi32, #tpu.memory_space<vmem>>) semaphore(%arg10 : memref<!tpu.dma_semaphore, #tpu.memory_space<semaphore_mem>>) {add = true}
      %mul3A_46 = arith.constant 4 : i32
      %mul3A_47 = arith.muli %mul3A_46, %add3A_26 : i32
      %add3A_48 = arith.constant 2 : i32
      %add3A_49 = arith.addi %mul3A_47, %add3A_48 : i32
      %dma_start3A_50 = arith.constant 0 : i32
      %dma_start3A_51 = tpu.memref_slice %arg6[%add3A_49, %dma_start3A_50] : memref<125x80xi32, #tpu.memory_space<vmem>> -> memref<1x80xi32, #tpu.memory_space<vmem>>
      %dma_start3A_52 = tpu.memref_squeeze %dma_start3A_51 : memref<1x80xi32, #tpu.memory_space<vmem>> -> memref<80xi32, #tpu.memory_space<vmem>>
      %dma_start3A_53 = arith.constant 0 : i32
      %dma_start3A_54 = arith.constant 0 : i32
      %dma_start3A_55 = tpu.memref_slice %arg9[%dma_start3A_53, %dma_start3A_54] : memref<10000x128xf32, #tpu.memory_space<vmem_shared>> -> memref<10000x128xf32, #tpu.memory_space<vmem_shared>>
      tpu.enqueue_indirect_dma source(%arg7 : memref<80x128xf32, #tpu.memory_space<vmem>>) target(%dma_start3A_55 : memref<10000x128xf32, #tpu.memory_space<vmem_shared>>) offsets(%dma_start3A_52 : memref<80xi32, #tpu.memory_space<vmem>>) semaphore(%arg10 : memref<!tpu.dma_semaphore, #tpu.memory_space<semaphore_mem>>) {add = true}
      %mul3A_56 = arith.constant 4 : i32
      %mul3A_57 = arith.muli %mul3A_56, %add3A_26 : i32
      %add3A_58 = arith.constant 3 : i32
      %add3A_59 = arith.addi %mul3A_57, %add3A_58 : i32
      %dma_start3A_60 = arith.constant 0 : i32
      %dma_start3A_61 = tpu.memref_slice %arg6[%add3A_59, %dma_start3A_60] : memref<125x80xi32, #tpu.memory_space<vmem>> -> memref<1x80xi32, #tpu.memory_space<vmem>>
      %dma_start3A_62 = tpu.memref_squeeze %dma_start3A_61 : memref<1x80xi32, #tpu.memory_space<vmem>> -> memref<80xi32, #tpu.memory_space<vmem>>
      %dma_start3A_63 = arith.constant 0 : i32
      %dma_start3A_64 = arith.constant 0 : i32
      %dma_start3A_65 = tpu.memref_slice %arg9[%dma_start3A_63, %dma_start3A_64] : memref<10000x128xf32, #tpu.memory_space<vmem_shared>> -> memref<10000x128xf32, #tpu.memory_space<vmem_shared>>
      tpu.enqueue_indirect_dma source(%arg7 : memref<80x128xf32, #tpu.memory_space<vmem>>) target(%dma_start3A_65 : memref<10000x128xf32, #tpu.memory_space<vmem_shared>>) offsets(%dma_start3A_62 : memref<80xi32, #tpu.memory_space<vmem>>) semaphore(%arg10 : memref<!tpu.dma_semaphore, #tpu.memory_space<semaphore_mem>>) {add = true}
      %mul3A_66 = arith.constant 4 : i32
      %mul3A_67 = arith.muli %mul3A_66, %add3A_26 : i32
      %add3A_68 = arith.constant 0 : i32
      %add3A_69 = arith.addi %mul3A_67, %add3A_68 : i32
      %dma_wait3A = arith.constant 0 : i32
      %dma_wait3A_70 = tpu.memref_slice %arg6[%add3A_69, %dma_wait3A] : memref<125x80xi32, #tpu.memory_space<vmem>> -> memref<1x80xi32, #tpu.memory_space<vmem>>
      %dma_wait3A_71 = tpu.memref_squeeze %dma_wait3A_70 : memref<1x80xi32, #tpu.memory_space<vmem>> -> memref<80xi32, #tpu.memory_space<vmem>>
      %dma_wait3A_72 = arith.constant 0 : i32
      %dma_wait3A_73 = arith.constant 0 : i32
      %dma_wait3A_74 = tpu.memref_slice %arg9[%dma_wait3A_72, %dma_wait3A_73] : memref<10000x128xf32, #tpu.memory_space<vmem_shared>> -> memref<10000x128xf32, #tpu.memory_space<vmem_shared>>
      tpu.wait_indirect_dma semaphore(%arg10 : memref<!tpu.dma_semaphore, #tpu.memory_space<semaphore_mem>>) src(%arg7 : memref<80x128xf32, #tpu.memory_space<vmem>>) dst(%dma_wait3A_74 : memref<10000x128xf32, #tpu.memory_space<vmem_shared>>)
      %mul3A_75 = arith.constant 4 : i32
      %mul3A_76 = arith.muli %mul3A_75, %add3A_26 : i32
      %add3A_77 = arith.constant 1 : i32
      %add3A_78 = arith.addi %mul3A_76, %add3A_77 : i32
      %dma_wait3A_79 = arith.constant 0 : i32
      %dma_wait3A_80 = tpu.memref_slice %arg6[%add3A_78, %dma_wait3A_79] : memref<125x80xi32, #tpu.memory_space<vmem>> -> memref<1x80xi32, #tpu.memory_space<vmem>>
      %dma_wait3A_81 = tpu.memref_squeeze %dma_wait3A_80 : memref<1x80xi32, #tpu.memory_space<vmem>> -> memref<80xi32, #tpu.memory_space<vmem>>
      %dma_wait3A_82 = arith.constant 0 : i32
      %dma_wait3A_83 = arith.constant 0 : i32
      %dma_wait3A_84 = tpu.memref_slice %arg9[%dma_wait3A_82, %dma_wait3A_83] : memref<10000x128xf32, #tpu.memory_space<vmem_shared>> -> memref<10000x128xf32, #tpu.memory_space<vmem_shared>>
      tpu.wait_indirect_dma semaphore(%arg10 : memref<!tpu.dma_semaphore, #tpu.memory_space<semaphore_mem>>) src(%arg7 : memref<80x128xf32, #tpu.memory_space<vmem>>) dst(%dma_wait3A_84 : memref<10000x128xf32, #tpu.memory_space<vmem_shared>>)
      %mul3A_85 = arith.constant 4 : i32
      %mul3A_86 = arith.muli %mul3A_85, %add3A_26 : i32
      %add3A_87 = arith.constant 2 : i32
      %add3A_88 = arith.addi %mul3A_86, %add3A_87 : i32
      %dma_wait3A_89 = arith.constant 0 : i32
      %dma_wait3A_90 = tpu.memref_slice %arg6[%add3A_88, %dma_wait3A_89] : memref<125x80xi32, #tpu.memory_space<vmem>> -> memref<1x80xi32, #tpu.memory_space<vmem>>
      %dma_wait3A_91 = tpu.memref_squeeze %dma_wait3A_90 : memref<1x80xi32, #tpu.memory_space<vmem>> -> memref<80xi32, #tpu.memory_space<vmem>>
      %dma_wait3A_92 = arith.constant 0 : i32
      %dma_wait3A_93 = arith.constant 0 : i32
      %dma_wait3A_94 = tpu.memref_slice %arg9[%dma_wait3A_92, %dma_wait3A_93] : memref<10000x128xf32, #tpu.memory_space<vmem_shared>> -> memref<10000x128xf32, #tpu.memory_space<vmem_shared>>
      tpu.wait_indirect_dma semaphore(%arg10 : memref<!tpu.dma_semaphore, #tpu.memory_space<semaphore_mem>>) src(%arg7 : memref<80x128xf32, #tpu.memory_space<vmem>>) dst(%dma_wait3A_94 : memref<10000x128xf32, #tpu.memory_space<vmem_shared>>)
      %mul3A_95 = arith.constant 4 : i32
      %mul3A_96 = arith.muli %mul3A_95, %add3A_26 : i32
      %add3A_97 = arith.constant 3 : i32
      %add3A_98 = arith.addi %mul3A_96, %add3A_97 : i32
      %dma_wait3A_99 = arith.constant 0 : i32
      %dma_wait3A_100 = tpu.memref_slice %arg6[%add3A_98, %dma_wait3A_99] : memref<125x80xi32, #tpu.memory_space<vmem>> -> memref<1x80xi32, #tpu.memory_space<vmem>>
      %dma_wait3A_101 = tpu.memref_squeeze %dma_wait3A_100 : memref<1x80xi32, #tpu.memory_space<vmem>> -> memref<80xi32, #tpu.memory_space<vmem>>
      %dma_wait3A_102 = arith.constant 0 : i32
      %dma_wait3A_103 = arith.constant 0 : i32
      %dma_wait3A_104 = tpu.memref_slice %arg9[%dma_wait3A_102, %dma_wait3A_103] : memref<10000x128xf32, #tpu.memory_space<vmem_shared>> -> memref<10000x128xf32, #tpu.memory_space<vmem_shared>>
      tpu.wait_indirect_dma semaphore(%arg10 : memref<!tpu.dma_semaphore, #tpu.memory_space<semaphore_mem>>) src(%arg7 : memref<80x128xf32, #tpu.memory_space<vmem>>) dst(%dma_wait3A_104 : memref<10000x128xf32, #tpu.memory_space<vmem_shared>>)
    }
    %scan3A_9 = arith.constant 31 : i32
    %scan3A_10 = arith.constant 0 : i32
    %mul3A_11 = arith.constant 1 : i32
    %mul3A_12 = arith.muli %scan3A_10, %mul3A_11 : i32
    %add3A_13 = arith.constant 124 : i32
    %add3A_14 = arith.addi %add3A_13, %mul3A_12 : i32
    "tpu.region"() ({
      %run_scoped3A = tpu.sem_alloc : memref<!tpu.dma_semaphore, #tpu.memory_space<semaphore_mem>>
      %dma_start3A = arith.constant 0 : i32
      %dma_start3A_22 = tpu.memref_slice %arg6[%add3A_14, %dma_start3A] : memref<125x80xi32, #tpu.memory_space<vmem>> -> memref<1x80xi32, #tpu.memory_space<vmem>>
      %dma_start3A_23 = tpu.memref_squeeze %dma_start3A_22 : memref<1x80xi32, #tpu.memory_space<vmem>> -> memref<80xi32, #tpu.memory_space<vmem>>
      %dma_start3A_24 = arith.constant 0 : i32
      %dma_start3A_25 = arith.constant 0 : i32
      %dma_start3A_26 = tpu.memref_slice %arg9[%dma_start3A_24, %dma_start3A_25] : memref<10000x128xf32, #tpu.memory_space<vmem_shared>> -> memref<10000x128xf32, #tpu.memory_space<vmem_shared>>
      tpu.enqueue_indirect_dma source(%arg7 : memref<80x128xf32, #tpu.memory_space<vmem>>) target(%dma_start3A_26 : memref<10000x128xf32, #tpu.memory_space<vmem_shared>>) offsets(%dma_start3A_23 : memref<80xi32, #tpu.memory_space<vmem>>) semaphore(%run_scoped3A : memref<!tpu.dma_semaphore, #tpu.memory_space<semaphore_mem>>) {add = true}
      %dma_wait3A = arith.constant 0 : i32
      %dma_wait3A_27 = tpu.memref_slice %arg6[%add3A_14, %dma_wait3A] : memref<125x80xi32, #tpu.memory_space<vmem>> -> memref<1x80xi32, #tpu.memory_space<vmem>>
      %dma_wait3A_28 = tpu.memref_squeeze %dma_wait3A_27 : memref<1x80xi32, #tpu.memory_space<vmem>> -> memref<80xi32, #tpu.memory_space<vmem>>
      %dma_wait3A_29 = arith.constant 0 : i32
      %dma_wait3A_30 = arith.constant 0 : i32
      %dma_wait3A_31 = tpu.memref_slice %arg9[%dma_wait3A_29, %dma_wait3A_30] : memref<10000x128xf32, #tpu.memory_space<vmem_shared>> -> memref<10000x128xf32, #tpu.memory_space<vmem_shared>>
      tpu.wait_indirect_dma semaphore(%run_scoped3A : memref<!tpu.dma_semaphore, #tpu.memory_space<semaphore_mem>>) src(%arg7 : memref<80x128xf32, #tpu.memory_space<vmem>>) dst(%dma_wait3A_31 : memref<10000x128xf32, #tpu.memory_space<vmem_shared>>)
      tpu.yield
    }) : () -> ()
    %scan3A_15 = arith.constant 1 : i32
    %barrier3A_16 = arith.constant 0 : index
    tpu.barrier barrier_id(%barrier3A_16)
    %scan3A_17 = arith.constant 0 : i32
    %scan3A_18 = arith.constant 8 : i32
    %scan3A_19 = arith.addi %scan3A_17, %scan3A_18 : i32
    %scan3A_20 = arith.constant 1 : i32
    scf.for %scan3A_22 = %scan3A_17 to %scan3A_19 step %scan3A_20  : i32 {
      %mul3A_23 = arith.constant 1 : i32
      %mul3A_24 = arith.muli %scan3A_22, %mul3A_23 : i32
      %add3A_25 = arith.constant 0 : i32
      %add3A_26 = arith.addi %add3A_25, %mul3A_24 : i32
      %mul3A_27 = arith.constant 16 : i32
      %mul3A_28 = arith.muli %add3A_26, %mul3A_27 : i32
      %add3A_29 = arith.addi %arg1, %mul3A_28 : i32
      %lt3A = arith.constant 125 : i32
      %lt3A_30 = arith.cmpi slt, %add3A_29, %lt3A : i32
      %convert_element_type3A = arith.extui %lt3A_30 : i1 to i32
      %cond3A = arith.constant 0 : i32
      %cond3A_31 = arith.cmpi ne, %convert_element_type3A, %cond3A : i32
      scf.if %cond3A_31 {
        %mul3A_32 = arith.constant 80 : i32
        %mul3A_33 = arith.muli %add3A_29, %mul3A_32 : i32
        "tpu.region"() ({
          %run_scoped3A = tpu.sem_alloc : memref<!tpu.dma_semaphore, #tpu.memory_space<semaphore_mem>>
          %dma_start3A = arith.constant 0 : i32
          %dma_start3A_36 = tpu.memref_slice %arg9[%mul3A_33, %dma_start3A] : memref<10000x128xf32, #tpu.memory_space<vmem_shared>> -> memref<80x128xf32, #tpu.memory_space<vmem_shared>>
          %dma_start3A_37 = arith.constant 0 : i32
          %dma_start3A_38 = tpu.memref_slice %arg9[%mul3A_33, %dma_start3A_37] : memref<10000x128xf32, #tpu.memory_space<vmem_shared>> -> memref<80x128xf32, #tpu.memory_space<vmem_shared>>
          tpu.enqueue_dma source(%dma_start3A_38 : memref<80x128xf32, #tpu.memory_space<vmem_shared>>) target(%arg8 : memref<80x128xf32, #tpu.memory_space<vmem>>) target_semaphore(%run_scoped3A : memref<!tpu.dma_semaphore, #tpu.memory_space<semaphore_mem>>)
          %dma_wait3A = arith.constant 0 : i32
          %dma_wait3A_39 = tpu.memref_slice %arg9[%mul3A_33, %dma_wait3A] : memref<10000x128xf32, #tpu.memory_space<vmem_shared>> -> memref<80x128xf32, #tpu.memory_space<vmem_shared>>
          %dma_wait3A_40 = arith.constant 0 : i32
          %dma_wait3A_41 = tpu.memref_slice %arg9[%mul3A_33, %dma_wait3A_40] : memref<10000x128xf32, #tpu.memory_space<vmem_shared>> -> memref<80x128xf32, #tpu.memory_space<vmem_shared>>
          tpu.wait_dma2 semaphore(%run_scoped3A : memref<!tpu.dma_semaphore, #tpu.memory_space<semaphore_mem>>) src(%dma_wait3A_41 : memref<80x128xf32, #tpu.memory_space<vmem_shared>>) dst(%arg8 : memref<80x128xf32, #tpu.memory_space<vmem>>)
          tpu.yield
        }) : () -> ()
        %mul3A_34 = arith.constant 80 : i32
        %mul3A_35 = arith.muli %add3A_29, %mul3A_34 : i32
        "tpu.region"() ({
          %run_scoped3A = tpu.sem_alloc : memref<!tpu.dma_semaphore, #tpu.memory_space<semaphore_mem>>
          %dma_start3A = arith.constant 0 : i32
          %dma_start3A_36 = tpu.memref_slice %arg5[%arg0, %mul3A_35, %dma_start3A] : memref<2x10000x128xf32, #tpu.memory_space<hbm>> -> memref<1x80x128xf32, #tpu.memory_space<hbm>>
          %dma_start3A_37 = tpu.memref_squeeze %dma_start3A_36 : memref<1x80x128xf32, #tpu.memory_space<hbm>> -> memref<80x128xf32, #tpu.memory_space<hbm>>
          %dma_start3A_38 = arith.constant 0 : i32
          %dma_start3A_39 = tpu.memref_slice %arg5[%arg0, %mul3A_35, %dma_start3A_38] : memref<2x10000x128xf32, #tpu.memory_space<hbm>> -> memref<1x80x128xf32, #tpu.memory_space<hbm>>
          %dma_start3A_40 = tpu.memref_squeeze %dma_start3A_39 : memref<1x80x128xf32, #tpu.memory_space<hbm>> -> memref<80x128xf32, #tpu.memory_space<hbm>>
          tpu.enqueue_dma source(%arg8 : memref<80x128xf32, #tpu.memory_space<vmem>>) target(%dma_start3A_40 : memref<80x128xf32, #tpu.memory_space<hbm>>) target_semaphore(%run_scoped3A : memref<!tpu.dma_semaphore, #tpu.memory_space<semaphore_mem>>)
          %dma_wait3A = arith.constant 0 : i32
          %dma_wait3A_41 = tpu.memref_slice %arg5[%arg0, %mul3A_35, %dma_wait3A] : memref<2x10000x128xf32, #tpu.memory_space<hbm>> -> memref<1x80x128xf32, #tpu.memory_space<hbm>>
          %dma_wait3A_42 = tpu.memref_squeeze %dma_wait3A_41 : memref<1x80x128xf32, #tpu.memory_space<hbm>> -> memref<80x128xf32, #tpu.memory_space<hbm>>
          %dma_wait3A_43 = arith.constant 0 : i32
          %dma_wait3A_44 = tpu.memref_slice %arg5[%arg0, %mul3A_35, %dma_wait3A_43] : memref<2x10000x128xf32, #tpu.memory_space<hbm>> -> memref<1x80x128xf32, #tpu.memory_space<hbm>>
          %dma_wait3A_45 = tpu.memref_squeeze %dma_wait3A_44 : memref<1x80x128xf32, #tpu.memory_space<hbm>> -> memref<80x128xf32, #tpu.memory_space<hbm>>
          tpu.wait_dma2 semaphore(%run_scoped3A : memref<!tpu.dma_semaphore, #tpu.memory_space<semaphore_mem>>) src(%arg8 : memref<80x128xf32, #tpu.memory_space<vmem>>) dst(%dma_wait3A_45 : memref<80x128xf32, #tpu.memory_space<hbm>>)
          tpu.yield
        }) : () -> ()
      } else {
      }
    }
    %scan3A_21 = arith.constant 8 : i32
    return
  }
}

#map = affine_map<(d0, d1) -> (0, 0)>
#map1 = affine_map<(d0, d1) -> (0, 0, 0, 0)>
#map2 = affine_map<(d0, d1) -> (0, 0, 0)>
module attributes {stable_mosaic.version = 14 : i64} {
  func.func @k(%arg0: i32, %arg1: i32, %arg2: memref<10000x128xf32, #tpu.memory_space<hbm>>, %arg3: memref<32x4x32x80xi32, #tpu.memory_space<hbm>>, %arg4: memref<32x4x32x80xi32, #tpu.memory_space<hbm>>, %arg5: memref<80x128xf32, #tpu.memory_space<hbm>>, %arg6: memref<2x10000x128xf32, #tpu.memory_space<hbm>>, %arg7: memref<32x80xi32, #tpu.memory_space<vmem>>, %arg8: memref<32x80xi32, #tpu.memory_space<vmem>>, %arg9: memref<80x128xf32, #tpu.memory_space<vmem>>, %arg10: memref<80x128xf32, #tpu.memory_space<vmem>>, %arg11: memref<10000x128xf32, #tpu.memory_space<vmem_shared>>, %arg12: memref<!tpu.dma_semaphore, #tpu.memory_space<semaphore_mem>>, %arg13: memref<!tpu.dma_semaphore, #tpu.memory_space<semaphore_mem>>) attributes {dimension_semantics = [#tpu.dimension_semantics<core_parallel>, #tpu.dimension_semantics<subcore_parallel>], iteration_bounds = array<i64: 2, 16>, scalar_prefetch = 0 : i64, scratch_operands = 7 : i64, tpu.core_type = #tpu.core_type<sc_vector_subcore>, window_params = [{transform_indices = #map}, {transform_indices = #map1}, {transform_indices = #map1}, {transform_indices = #map}, {transform_indices = #map2}]} {
    %mul3A = arith.constant 16 : i32
    %mul3A_0 = arith.muli %arg0, %mul3A : i32
    %add3A = arith.addi %mul3A_0, %arg1 : i32
    "tpu.region"() ({
      %run_scoped3A_79 = tpu.sem_alloc : memref<!tpu.dma_semaphore, #tpu.memory_space<semaphore_mem>>
      tpu.enqueue_dma source(%arg5 : memref<80x128xf32, #tpu.memory_space<hbm>>) target(%arg9 : memref<80x128xf32, #tpu.memory_space<vmem>>) target_semaphore(%run_scoped3A_79 : memref<!tpu.dma_semaphore, #tpu.memory_space<semaphore_mem>>)
      tpu.wait_dma2 semaphore(%run_scoped3A_79 : memref<!tpu.dma_semaphore, #tpu.memory_space<semaphore_mem>>) src(%arg5 : memref<80x128xf32, #tpu.memory_space<hbm>>) dst(%arg9 : memref<80x128xf32, #tpu.memory_space<vmem>>)
      tpu.yield
    }) : () -> ()
    %scan3A = arith.constant 0 : i32
    %scan3A_1 = arith.constant 8 : i32
    %scan3A_2 = arith.addi %scan3A, %scan3A_1 : i32
    %scan3A_3 = arith.constant 1 : i32
    scf.for %scan3A_79 = %scan3A to %scan3A_2 step %scan3A_3  : i32 {
      %mul3A_80 = arith.constant 1 : i32
      %mul3A_81 = arith.muli %scan3A_79, %mul3A_80 : i32
      %add3A_82 = arith.constant 0 : i32
      %add3A_83 = arith.addi %add3A_82, %mul3A_81 : i32
      %mul3A_84 = arith.constant 16 : i32
      %mul3A_85 = arith.muli %add3A_83, %mul3A_84 : i32
      %add3A_86 = arith.addi %arg1, %mul3A_85 : i32
      %lt3A = arith.constant 125 : i32
      %lt3A_87 = arith.cmpi slt, %add3A_86, %lt3A : i32
      %convert_element_type3A = arith.extui %lt3A_87 : i1 to i32
      %cond3A = arith.constant 0 : i32
      %cond3A_88 = arith.cmpi ne, %convert_element_type3A, %cond3A : i32
      scf.if %cond3A_88 {
        %mul3A_89 = arith.constant 80 : i32
        %mul3A_90 = arith.muli %add3A_86, %mul3A_89 : i32
        "tpu.region"() ({
          %run_scoped3A_91 = tpu.sem_alloc : memref<!tpu.dma_semaphore, #tpu.memory_space<semaphore_mem>>
          %dma_start3A_92 = arith.constant 0 : i32
          %dma_start3A_93 = tpu.memref_slice %arg11[%mul3A_90, %dma_start3A_92] : memref<10000x128xf32, #tpu.memory_space<vmem_shared>> -> memref<80x128xf32, #tpu.memory_space<vmem_shared>>
          %dma_start3A_94 = arith.constant 0 : i32
          %dma_start3A_95 = tpu.memref_slice %arg11[%mul3A_90, %dma_start3A_94] : memref<10000x128xf32, #tpu.memory_space<vmem_shared>> -> memref<80x128xf32, #tpu.memory_space<vmem_shared>>
          tpu.enqueue_dma source(%arg9 : memref<80x128xf32, #tpu.memory_space<vmem>>) target(%dma_start3A_95 : memref<80x128xf32, #tpu.memory_space<vmem_shared>>) target_semaphore(%run_scoped3A_91 : memref<!tpu.dma_semaphore, #tpu.memory_space<semaphore_mem>>)
          %dma_wait3A_96 = arith.constant 0 : i32
          %dma_wait3A_97 = tpu.memref_slice %arg11[%mul3A_90, %dma_wait3A_96] : memref<10000x128xf32, #tpu.memory_space<vmem_shared>> -> memref<80x128xf32, #tpu.memory_space<vmem_shared>>
          %dma_wait3A_98 = arith.constant 0 : i32
          %dma_wait3A_99 = tpu.memref_slice %arg11[%mul3A_90, %dma_wait3A_98] : memref<10000x128xf32, #tpu.memory_space<vmem_shared>> -> memref<80x128xf32, #tpu.memory_space<vmem_shared>>
          tpu.wait_dma2 semaphore(%run_scoped3A_91 : memref<!tpu.dma_semaphore, #tpu.memory_space<semaphore_mem>>) src(%arg9 : memref<80x128xf32, #tpu.memory_space<vmem>>) dst(%dma_wait3A_99 : memref<80x128xf32, #tpu.memory_space<vmem_shared>>)
          tpu.yield
        }) : () -> ()
      } else {
      }
    }
    %scan3A_4 = arith.constant 8 : i32
    %barrier3A = arith.constant 0 : index
    tpu.barrier barrier_id(%barrier3A)
    %run_scoped3A = arith.constant 0 : i32
    "tpu.region"() ({
      %run_scoped3A_79 = tpu.sem_alloc : memref<!tpu.dma_semaphore, #tpu.memory_space<semaphore_mem>>
      %dma_start3A_80 = arith.constant 0 : i32
      %dma_start3A_81 = arith.constant 0 : i32
      %dma_start3A_82 = tpu.memref_slice %arg3[%add3A, %run_scoped3A, %dma_start3A_80, %dma_start3A_81] : memref<32x4x32x80xi32, #tpu.memory_space<hbm>> -> memref<1x1x32x80xi32, #tpu.memory_space<hbm>>
      %dma_start3A_83 = tpu.memref_squeeze %dma_start3A_82 : memref<1x1x32x80xi32, #tpu.memory_space<hbm>> -> memref<32x80xi32, #tpu.memory_space<hbm>>
      %dma_start3A_84 = arith.constant 0 : i32
      %dma_start3A_85 = arith.constant 0 : i32
      %dma_start3A_86 = tpu.memref_slice %arg3[%add3A, %run_scoped3A, %dma_start3A_84, %dma_start3A_85] : memref<32x4x32x80xi32, #tpu.memory_space<hbm>> -> memref<1x1x32x80xi32, #tpu.memory_space<hbm>>
      %dma_start3A_87 = tpu.memref_squeeze %dma_start3A_86 : memref<1x1x32x80xi32, #tpu.memory_space<hbm>> -> memref<32x80xi32, #tpu.memory_space<hbm>>
      tpu.enqueue_dma source(%dma_start3A_87 : memref<32x80xi32, #tpu.memory_space<hbm>>) target(%arg7 : memref<32x80xi32, #tpu.memory_space<vmem>>) target_semaphore(%run_scoped3A_79 : memref<!tpu.dma_semaphore, #tpu.memory_space<semaphore_mem>>)
      %dma_wait3A_88 = arith.constant 0 : i32
      %dma_wait3A_89 = arith.constant 0 : i32
      %dma_wait3A_90 = tpu.memref_slice %arg3[%add3A, %run_scoped3A, %dma_wait3A_88, %dma_wait3A_89] : memref<32x4x32x80xi32, #tpu.memory_space<hbm>> -> memref<1x1x32x80xi32, #tpu.memory_space<hbm>>
      %dma_wait3A_91 = tpu.memref_squeeze %dma_wait3A_90 : memref<1x1x32x80xi32, #tpu.memory_space<hbm>> -> memref<32x80xi32, #tpu.memory_space<hbm>>
      %dma_wait3A_92 = arith.constant 0 : i32
      %dma_wait3A_93 = arith.constant 0 : i32
      %dma_wait3A_94 = tpu.memref_slice %arg3[%add3A, %run_scoped3A, %dma_wait3A_92, %dma_wait3A_93] : memref<32x4x32x80xi32, #tpu.memory_space<hbm>> -> memref<1x1x32x80xi32, #tpu.memory_space<hbm>>
      %dma_wait3A_95 = tpu.memref_squeeze %dma_wait3A_94 : memref<1x1x32x80xi32, #tpu.memory_space<hbm>> -> memref<32x80xi32, #tpu.memory_space<hbm>>
      tpu.wait_dma2 semaphore(%run_scoped3A_79 : memref<!tpu.dma_semaphore, #tpu.memory_space<semaphore_mem>>) src(%dma_wait3A_95 : memref<32x80xi32, #tpu.memory_space<hbm>>) dst(%arg7 : memref<32x80xi32, #tpu.memory_space<vmem>>)
      tpu.yield
    }) : () -> ()
    %run_scoped3A_5 = arith.constant 0 : i32
    "tpu.region"() ({
      %run_scoped3A_79 = tpu.sem_alloc : memref<!tpu.dma_semaphore, #tpu.memory_space<semaphore_mem>>
      %dma_start3A_80 = arith.constant 0 : i32
      %dma_start3A_81 = arith.constant 0 : i32
      %dma_start3A_82 = tpu.memref_slice %arg4[%add3A, %run_scoped3A_5, %dma_start3A_80, %dma_start3A_81] : memref<32x4x32x80xi32, #tpu.memory_space<hbm>> -> memref<1x1x32x80xi32, #tpu.memory_space<hbm>>
      %dma_start3A_83 = tpu.memref_squeeze %dma_start3A_82 : memref<1x1x32x80xi32, #tpu.memory_space<hbm>> -> memref<32x80xi32, #tpu.memory_space<hbm>>
      %dma_start3A_84 = arith.constant 0 : i32
      %dma_start3A_85 = arith.constant 0 : i32
      %dma_start3A_86 = tpu.memref_slice %arg4[%add3A, %run_scoped3A_5, %dma_start3A_84, %dma_start3A_85] : memref<32x4x32x80xi32, #tpu.memory_space<hbm>> -> memref<1x1x32x80xi32, #tpu.memory_space<hbm>>
      %dma_start3A_87 = tpu.memref_squeeze %dma_start3A_86 : memref<1x1x32x80xi32, #tpu.memory_space<hbm>> -> memref<32x80xi32, #tpu.memory_space<hbm>>
      tpu.enqueue_dma source(%dma_start3A_87 : memref<32x80xi32, #tpu.memory_space<hbm>>) target(%arg8 : memref<32x80xi32, #tpu.memory_space<vmem>>) target_semaphore(%run_scoped3A_79 : memref<!tpu.dma_semaphore, #tpu.memory_space<semaphore_mem>>)
      %dma_wait3A_88 = arith.constant 0 : i32
      %dma_wait3A_89 = arith.constant 0 : i32
      %dma_wait3A_90 = tpu.memref_slice %arg4[%add3A, %run_scoped3A_5, %dma_wait3A_88, %dma_wait3A_89] : memref<32x4x32x80xi32, #tpu.memory_space<hbm>> -> memref<1x1x32x80xi32, #tpu.memory_space<hbm>>
      %dma_wait3A_91 = tpu.memref_squeeze %dma_wait3A_90 : memref<1x1x32x80xi32, #tpu.memory_space<hbm>> -> memref<32x80xi32, #tpu.memory_space<hbm>>
      %dma_wait3A_92 = arith.constant 0 : i32
      %dma_wait3A_93 = arith.constant 0 : i32
      %dma_wait3A_94 = tpu.memref_slice %arg4[%add3A, %run_scoped3A_5, %dma_wait3A_92, %dma_wait3A_93] : memref<32x4x32x80xi32, #tpu.memory_space<hbm>> -> memref<1x1x32x80xi32, #tpu.memory_space<hbm>>
      %dma_wait3A_95 = tpu.memref_squeeze %dma_wait3A_94 : memref<1x1x32x80xi32, #tpu.memory_space<hbm>> -> memref<32x80xi32, #tpu.memory_space<hbm>>
      tpu.wait_dma2 semaphore(%run_scoped3A_79 : memref<!tpu.dma_semaphore, #tpu.memory_space<semaphore_mem>>) src(%dma_wait3A_95 : memref<32x80xi32, #tpu.memory_space<hbm>>) dst(%arg8 : memref<32x80xi32, #tpu.memory_space<vmem>>)
      tpu.yield
    }) : () -> ()
    %dma_start3A = arith.constant 0 : i32
    %dma_start3A_6 = arith.constant 0 : i32
    %dma_start3A_7 = tpu.memref_slice %arg7[%dma_start3A, %dma_start3A_6] : memref<32x80xi32, #tpu.memory_space<vmem>> -> memref<1x80xi32, #tpu.memory_space<vmem>>
    %dma_start3A_8 = tpu.memref_squeeze %dma_start3A_7 : memref<1x80xi32, #tpu.memory_space<vmem>> -> memref<80xi32, #tpu.memory_space<vmem>>
    %dma_start3A_9 = arith.constant 0 : i32
    %dma_start3A_10 = arith.constant 0 : i32
    %dma_start3A_11 = tpu.memref_slice %arg2[%dma_start3A_9, %dma_start3A_10] : memref<10000x128xf32, #tpu.memory_space<hbm>> -> memref<10000x128xf32, #tpu.memory_space<hbm>>
    tpu.enqueue_indirect_dma source(%dma_start3A_11 : memref<10000x128xf32, #tpu.memory_space<hbm>>) target(%arg9 : memref<80x128xf32, #tpu.memory_space<vmem>>) offsets(%dma_start3A_8 : memref<80xi32, #tpu.memory_space<vmem>>) semaphore(%arg12 : memref<!tpu.dma_semaphore, #tpu.memory_space<semaphore_mem>>)
    %scan3A_12 = arith.constant 0 : i32
    %scan3A_13 = arith.constant 16 : i32
    %scan3A_14 = arith.addi %scan3A_12, %scan3A_13 : i32
    %scan3A_15 = arith.constant 1 : i32
    scf.for %scan3A_79 = %scan3A_12 to %scan3A_14 step %scan3A_15  : i32 {
      %mul3A_80 = arith.constant 1 : i32
      %mul3A_81 = arith.muli %scan3A_79, %mul3A_80 : i32
      %add3A_82 = arith.constant 0 : i32
      %add3A_83 = arith.addi %add3A_82, %mul3A_81 : i32
      %mul3A_84 = arith.constant 2 : i32
      %mul3A_85 = arith.muli %mul3A_84, %add3A_83 : i32
      %add3A_86 = arith.constant 0 : i32
      %add3A_87 = arith.addi %add3A_86, %mul3A_85 : i32
      %dma_wait3A_88 = arith.constant 0 : i32
      %dma_wait3A_89 = tpu.memref_slice %arg7[%add3A_87, %dma_wait3A_88] : memref<32x80xi32, #tpu.memory_space<vmem>> -> memref<1x80xi32, #tpu.memory_space<vmem>>
      %dma_wait3A_90 = tpu.memref_squeeze %dma_wait3A_89 : memref<1x80xi32, #tpu.memory_space<vmem>> -> memref<80xi32, #tpu.memory_space<vmem>>
      %dma_wait3A_91 = arith.constant 0 : i32
      %dma_wait3A_92 = arith.constant 0 : i32
      %dma_wait3A_93 = tpu.memref_slice %arg2[%dma_wait3A_91, %dma_wait3A_92] : memref<10000x128xf32, #tpu.memory_space<hbm>> -> memref<10000x128xf32, #tpu.memory_space<hbm>>
      tpu.wait_indirect_dma semaphore(%arg12 : memref<!tpu.dma_semaphore, #tpu.memory_space<semaphore_mem>>) src(%dma_wait3A_93 : memref<10000x128xf32, #tpu.memory_space<hbm>>) dst(%arg9 : memref<80x128xf32, #tpu.memory_space<vmem>>)
      %add3A_94 = arith.constant 1 : i32
      %add3A_95 = arith.addi %add3A_87, %add3A_94 : i32
      %dma_start3A_96 = arith.constant 0 : i32
      %dma_start3A_97 = tpu.memref_slice %arg7[%add3A_95, %dma_start3A_96] : memref<32x80xi32, #tpu.memory_space<vmem>> -> memref<1x80xi32, #tpu.memory_space<vmem>>
      %dma_start3A_98 = tpu.memref_squeeze %dma_start3A_97 : memref<1x80xi32, #tpu.memory_space<vmem>> -> memref<80xi32, #tpu.memory_space<vmem>>
      %dma_start3A_99 = arith.constant 0 : i32
      %dma_start3A_100 = arith.constant 0 : i32
      %dma_start3A_101 = tpu.memref_slice %arg2[%dma_start3A_99, %dma_start3A_100] : memref<10000x128xf32, #tpu.memory_space<hbm>> -> memref<10000x128xf32, #tpu.memory_space<hbm>>
      tpu.enqueue_indirect_dma source(%dma_start3A_101 : memref<10000x128xf32, #tpu.memory_space<hbm>>) target(%arg10 : memref<80x128xf32, #tpu.memory_space<vmem>>) offsets(%dma_start3A_98 : memref<80xi32, #tpu.memory_space<vmem>>) semaphore(%arg13 : memref<!tpu.dma_semaphore, #tpu.memory_space<semaphore_mem>>)
      "tpu.region"() ({
        %run_scoped3A_116 = tpu.sem_alloc : memref<!tpu.dma_semaphore, #tpu.memory_space<semaphore_mem>>
        %dma_start3A_117 = arith.constant 0 : i32
        %dma_start3A_118 = tpu.memref_slice %arg8[%add3A_87, %dma_start3A_117] : memref<32x80xi32, #tpu.memory_space<vmem>> -> memref<1x80xi32, #tpu.memory_space<vmem>>
        %dma_start3A_119 = tpu.memref_squeeze %dma_start3A_118 : memref<1x80xi32, #tpu.memory_space<vmem>> -> memref<80xi32, #tpu.memory_space<vmem>>
        %dma_start3A_120 = arith.constant 0 : i32
        %dma_start3A_121 = arith.constant 0 : i32
        %dma_start3A_122 = tpu.memref_slice %arg11[%dma_start3A_120, %dma_start3A_121] : memref<10000x128xf32, #tpu.memory_space<vmem_shared>> -> memref<10000x128xf32, #tpu.memory_space<vmem_shared>>
        tpu.enqueue_indirect_dma source(%arg9 : memref<80x128xf32, #tpu.memory_space<vmem>>) target(%dma_start3A_122 : memref<10000x128xf32, #tpu.memory_space<vmem_shared>>) offsets(%dma_start3A_119 : memref<80xi32, #tpu.memory_space<vmem>>) semaphore(%run_scoped3A_116 : memref<!tpu.dma_semaphore, #tpu.memory_space<semaphore_mem>>) {add = true}
        %dma_wait3A_123 = arith.constant 0 : i32
        %dma_wait3A_124 = tpu.memref_slice %arg8[%add3A_87, %dma_wait3A_123] : memref<32x80xi32, #tpu.memory_space<vmem>> -> memref<1x80xi32, #tpu.memory_space<vmem>>
        %dma_wait3A_125 = tpu.memref_squeeze %dma_wait3A_124 : memref<1x80xi32, #tpu.memory_space<vmem>> -> memref<80xi32, #tpu.memory_space<vmem>>
        %dma_wait3A_126 = arith.constant 0 : i32
        %dma_wait3A_127 = arith.constant 0 : i32
        %dma_wait3A_128 = tpu.memref_slice %arg11[%dma_wait3A_126, %dma_wait3A_127] : memref<10000x128xf32, #tpu.memory_space<vmem_shared>> -> memref<10000x128xf32, #tpu.memory_space<vmem_shared>>
        tpu.wait_indirect_dma semaphore(%run_scoped3A_116 : memref<!tpu.dma_semaphore, #tpu.memory_space<semaphore_mem>>) src(%arg9 : memref<80x128xf32, #tpu.memory_space<vmem>>) dst(%dma_wait3A_128 : memref<10000x128xf32, #tpu.memory_space<vmem_shared>>)
        tpu.yield
      }) : () -> ()
      %add3A_102 = arith.constant 2 : i32
      %add3A_103 = arith.addi %add3A_87, %add3A_102 : i32
      %lt3A = arith.constant 32 : i32
      %lt3A_104 = arith.cmpi slt, %add3A_103, %lt3A : i32
      %convert_element_type3A = arith.extui %lt3A_104 : i1 to i32
      %cond3A = arith.constant 0 : i32
      %cond3A_105 = arith.cmpi ne, %convert_element_type3A, %cond3A : i32
      scf.if %cond3A_105 {
        %add3A_116 = arith.constant 2 : i32
        %add3A_117 = arith.addi %add3A_87, %add3A_116 : i32
        %dma_start3A_118 = arith.constant 0 : i32
        %dma_start3A_119 = tpu.memref_slice %arg7[%add3A_117, %dma_start3A_118] : memref<32x80xi32, #tpu.memory_space<vmem>> -> memref<1x80xi32, #tpu.memory_space<vmem>>
        %dma_start3A_120 = tpu.memref_squeeze %dma_start3A_119 : memref<1x80xi32, #tpu.memory_space<vmem>> -> memref<80xi32, #tpu.memory_space<vmem>>
        %dma_start3A_121 = arith.constant 0 : i32
        %dma_start3A_122 = arith.constant 0 : i32
        %dma_start3A_123 = tpu.memref_slice %arg2[%dma_start3A_121, %dma_start3A_122] : memref<10000x128xf32, #tpu.memory_space<hbm>> -> memref<10000x128xf32, #tpu.memory_space<hbm>>
        tpu.enqueue_indirect_dma source(%dma_start3A_123 : memref<10000x128xf32, #tpu.memory_space<hbm>>) target(%arg9 : memref<80x128xf32, #tpu.memory_space<vmem>>) offsets(%dma_start3A_120 : memref<80xi32, #tpu.memory_space<vmem>>) semaphore(%arg12 : memref<!tpu.dma_semaphore, #tpu.memory_space<semaphore_mem>>)
      } else {
      }
      %add3A_106 = arith.constant 1 : i32
      %add3A_107 = arith.addi %add3A_87, %add3A_106 : i32
      %dma_wait3A_108 = arith.constant 0 : i32
      %dma_wait3A_109 = tpu.memref_slice %arg7[%add3A_107, %dma_wait3A_108] : memref<32x80xi32, #tpu.memory_space<vmem>> -> memref<1x80xi32, #tpu.memory_space<vmem>>
      %dma_wait3A_110 = tpu.memref_squeeze %dma_wait3A_109 : memref<1x80xi32, #tpu.memory_space<vmem>> -> memref<80xi32, #tpu.memory_space<vmem>>
      %dma_wait3A_111 = arith.constant 0 : i32
      %dma_wait3A_112 = arith.constant 0 : i32
      %dma_wait3A_113 = tpu.memref_slice %arg2[%dma_wait3A_111, %dma_wait3A_112] : memref<10000x128xf32, #tpu.memory_space<hbm>> -> memref<10000x128xf32, #tpu.memory_space<hbm>>
      tpu.wait_indirect_dma semaphore(%arg13 : memref<!tpu.dma_semaphore, #tpu.memory_space<semaphore_mem>>) src(%dma_wait3A_113 : memref<10000x128xf32, #tpu.memory_space<hbm>>) dst(%arg10 : memref<80x128xf32, #tpu.memory_space<vmem>>)
      %add3A_114 = arith.constant 1 : i32
      %add3A_115 = arith.addi %add3A_87, %add3A_114 : i32
      "tpu.region"() ({
        %run_scoped3A_116 = tpu.sem_alloc : memref<!tpu.dma_semaphore, #tpu.memory_space<semaphore_mem>>
        %dma_start3A_117 = arith.constant 0 : i32
        %dma_start3A_118 = tpu.memref_slice %arg8[%add3A_115, %dma_start3A_117] : memref<32x80xi32, #tpu.memory_space<vmem>> -> memref<1x80xi32, #tpu.memory_space<vmem>>
        %dma_start3A_119 = tpu.memref_squeeze %dma_start3A_118 : memref<1x80xi32, #tpu.memory_space<vmem>> -> memref<80xi32, #tpu.memory_space<vmem>>
        %dma_start3A_120 = arith.constant 0 : i32
        %dma_start3A_121 = arith.constant 0 : i32
        %dma_start3A_122 = tpu.memref_slice %arg11[%dma_start3A_120, %dma_start3A_121] : memref<10000x128xf32, #tpu.memory_space<vmem_shared>> -> memref<10000x128xf32, #tpu.memory_space<vmem_shared>>
        tpu.enqueue_indirect_dma source(%arg10 : memref<80x128xf32, #tpu.memory_space<vmem>>) target(%dma_start3A_122 : memref<10000x128xf32, #tpu.memory_space<vmem_shared>>) offsets(%dma_start3A_119 : memref<80xi32, #tpu.memory_space<vmem>>) semaphore(%run_scoped3A_116 : memref<!tpu.dma_semaphore, #tpu.memory_space<semaphore_mem>>) {add = true}
        %dma_wait3A_123 = arith.constant 0 : i32
        %dma_wait3A_124 = tpu.memref_slice %arg8[%add3A_115, %dma_wait3A_123] : memref<32x80xi32, #tpu.memory_space<vmem>> -> memref<1x80xi32, #tpu.memory_space<vmem>>
        %dma_wait3A_125 = tpu.memref_squeeze %dma_wait3A_124 : memref<1x80xi32, #tpu.memory_space<vmem>> -> memref<80xi32, #tpu.memory_space<vmem>>
        %dma_wait3A_126 = arith.constant 0 : i32
        %dma_wait3A_127 = arith.constant 0 : i32
        %dma_wait3A_128 = tpu.memref_slice %arg11[%dma_wait3A_126, %dma_wait3A_127] : memref<10000x128xf32, #tpu.memory_space<vmem_shared>> -> memref<10000x128xf32, #tpu.memory_space<vmem_shared>>
        tpu.wait_indirect_dma semaphore(%run_scoped3A_116 : memref<!tpu.dma_semaphore, #tpu.memory_space<semaphore_mem>>) src(%arg10 : memref<80x128xf32, #tpu.memory_space<vmem>>) dst(%dma_wait3A_128 : memref<10000x128xf32, #tpu.memory_space<vmem_shared>>)
        tpu.yield
      }) : () -> ()
    }
    %scan3A_16 = arith.constant 16 : i32
    %run_scoped3A_17 = arith.constant 1 : i32
    "tpu.region"() ({
      %run_scoped3A_79 = tpu.sem_alloc : memref<!tpu.dma_semaphore, #tpu.memory_space<semaphore_mem>>
      %dma_start3A_80 = arith.constant 0 : i32
      %dma_start3A_81 = arith.constant 0 : i32
      %dma_start3A_82 = tpu.memref_slice %arg3[%add3A, %run_scoped3A_17, %dma_start3A_80, %dma_start3A_81] : memref<32x4x32x80xi32, #tpu.memory_space<hbm>> -> memref<1x1x32x80xi32, #tpu.memory_space<hbm>>
      %dma_start3A_83 = tpu.memref_squeeze %dma_start3A_82 : memref<1x1x32x80xi32, #tpu.memory_space<hbm>> -> memref<32x80xi32, #tpu.memory_space<hbm>>
      %dma_start3A_84 = arith.constant 0 : i32
      %dma_start3A_85 = arith.constant 0 : i32
      %dma_start3A_86 = tpu.memref_slice %arg3[%add3A, %run_scoped3A_17, %dma_start3A_84, %dma_start3A_85] : memref<32x4x32x80xi32, #tpu.memory_space<hbm>> -> memref<1x1x32x80xi32, #tpu.memory_space<hbm>>
      %dma_start3A_87 = tpu.memref_squeeze %dma_start3A_86 : memref<1x1x32x80xi32, #tpu.memory_space<hbm>> -> memref<32x80xi32, #tpu.memory_space<hbm>>
      tpu.enqueue_dma source(%dma_start3A_87 : memref<32x80xi32, #tpu.memory_space<hbm>>) target(%arg7 : memref<32x80xi32, #tpu.memory_space<vmem>>) target_semaphore(%run_scoped3A_79 : memref<!tpu.dma_semaphore, #tpu.memory_space<semaphore_mem>>)
      %dma_wait3A_88 = arith.constant 0 : i32
      %dma_wait3A_89 = arith.constant 0 : i32
      %dma_wait3A_90 = tpu.memref_slice %arg3[%add3A, %run_scoped3A_17, %dma_wait3A_88, %dma_wait3A_89] : memref<32x4x32x80xi32, #tpu.memory_space<hbm>> -> memref<1x1x32x80xi32, #tpu.memory_space<hbm>>
      %dma_wait3A_91 = tpu.memref_squeeze %dma_wait3A_90 : memref<1x1x32x80xi32, #tpu.memory_space<hbm>> -> memref<32x80xi32, #tpu.memory_space<hbm>>
      %dma_wait3A_92 = arith.constant 0 : i32
      %dma_wait3A_93 = arith.constant 0 : i32
      %dma_wait3A_94 = tpu.memref_slice %arg3[%add3A, %run_scoped3A_17, %dma_wait3A_92, %dma_wait3A_93] : memref<32x4x32x80xi32, #tpu.memory_space<hbm>> -> memref<1x1x32x80xi32, #tpu.memory_space<hbm>>
      %dma_wait3A_95 = tpu.memref_squeeze %dma_wait3A_94 : memref<1x1x32x80xi32, #tpu.memory_space<hbm>> -> memref<32x80xi32, #tpu.memory_space<hbm>>
      tpu.wait_dma2 semaphore(%run_scoped3A_79 : memref<!tpu.dma_semaphore, #tpu.memory_space<semaphore_mem>>) src(%dma_wait3A_95 : memref<32x80xi32, #tpu.memory_space<hbm>>) dst(%arg7 : memref<32x80xi32, #tpu.memory_space<vmem>>)
      tpu.yield
    }) : () -> ()
    %run_scoped3A_18 = arith.constant 1 : i32
    "tpu.region"() ({
      %run_scoped3A_79 = tpu.sem_alloc : memref<!tpu.dma_semaphore, #tpu.memory_space<semaphore_mem>>
      %dma_start3A_80 = arith.constant 0 : i32
      %dma_start3A_81 = arith.constant 0 : i32
      %dma_start3A_82 = tpu.memref_slice %arg4[%add3A, %run_scoped3A_18, %dma_start3A_80, %dma_start3A_81] : memref<32x4x32x80xi32, #tpu.memory_space<hbm>> -> memref<1x1x32x80xi32, #tpu.memory_space<hbm>>
      %dma_start3A_83 = tpu.memref_squeeze %dma_start3A_82 : memref<1x1x32x80xi32, #tpu.memory_space<hbm>> -> memref<32x80xi32, #tpu.memory_space<hbm>>
      %dma_start3A_84 = arith.constant 0 : i32
      %dma_start3A_85 = arith.constant 0 : i32
      %dma_start3A_86 = tpu.memref_slice %arg4[%add3A, %run_scoped3A_18, %dma_start3A_84, %dma_start3A_85] : memref<32x4x32x80xi32, #tpu.memory_space<hbm>> -> memref<1x1x32x80xi32, #tpu.memory_space<hbm>>
      %dma_start3A_87 = tpu.memref_squeeze %dma_start3A_86 : memref<1x1x32x80xi32, #tpu.memory_space<hbm>> -> memref<32x80xi32, #tpu.memory_space<hbm>>
      tpu.enqueue_dma source(%dma_start3A_87 : memref<32x80xi32, #tpu.memory_space<hbm>>) target(%arg8 : memref<32x80xi32, #tpu.memory_space<vmem>>) target_semaphore(%run_scoped3A_79 : memref<!tpu.dma_semaphore, #tpu.memory_space<semaphore_mem>>)
      %dma_wait3A_88 = arith.constant 0 : i32
      %dma_wait3A_89 = arith.constant 0 : i32
      %dma_wait3A_90 = tpu.memref_slice %arg4[%add3A, %run_scoped3A_18, %dma_wait3A_88, %dma_wait3A_89] : memref<32x4x32x80xi32, #tpu.memory_space<hbm>> -> memref<1x1x32x80xi32, #tpu.memory_space<hbm>>
      %dma_wait3A_91 = tpu.memref_squeeze %dma_wait3A_90 : memref<1x1x32x80xi32, #tpu.memory_space<hbm>> -> memref<32x80xi32, #tpu.memory_space<hbm>>
      %dma_wait3A_92 = arith.constant 0 : i32
      %dma_wait3A_93 = arith.constant 0 : i32
      %dma_wait3A_94 = tpu.memref_slice %arg4[%add3A, %run_scoped3A_18, %dma_wait3A_92, %dma_wait3A_93] : memref<32x4x32x80xi32, #tpu.memory_space<hbm>> -> memref<1x1x32x80xi32, #tpu.memory_space<hbm>>
      %dma_wait3A_95 = tpu.memref_squeeze %dma_wait3A_94 : memref<1x1x32x80xi32, #tpu.memory_space<hbm>> -> memref<32x80xi32, #tpu.memory_space<hbm>>
      tpu.wait_dma2 semaphore(%run_scoped3A_79 : memref<!tpu.dma_semaphore, #tpu.memory_space<semaphore_mem>>) src(%dma_wait3A_95 : memref<32x80xi32, #tpu.memory_space<hbm>>) dst(%arg8 : memref<32x80xi32, #tpu.memory_space<vmem>>)
      tpu.yield
    }) : () -> ()
    %dma_start3A_19 = arith.constant 0 : i32
    %dma_start3A_20 = arith.constant 0 : i32
    %dma_start3A_21 = tpu.memref_slice %arg7[%dma_start3A_19, %dma_start3A_20] : memref<32x80xi32, #tpu.memory_space<vmem>> -> memref<1x80xi32, #tpu.memory_space<vmem>>
    %dma_start3A_22 = tpu.memref_squeeze %dma_start3A_21 : memref<1x80xi32, #tpu.memory_space<vmem>> -> memref<80xi32, #tpu.memory_space<vmem>>
    %dma_start3A_23 = arith.constant 0 : i32
    %dma_start3A_24 = arith.constant 0 : i32
    %dma_start3A_25 = tpu.memref_slice %arg2[%dma_start3A_23, %dma_start3A_24] : memref<10000x128xf32, #tpu.memory_space<hbm>> -> memref<10000x128xf32, #tpu.memory_space<hbm>>
    tpu.enqueue_indirect_dma source(%dma_start3A_25 : memref<10000x128xf32, #tpu.memory_space<hbm>>) target(%arg9 : memref<80x128xf32, #tpu.memory_space<vmem>>) offsets(%dma_start3A_22 : memref<80xi32, #tpu.memory_space<vmem>>) semaphore(%arg12 : memref<!tpu.dma_semaphore, #tpu.memory_space<semaphore_mem>>)
    %scan3A_26 = arith.constant 0 : i32
    %scan3A_27 = arith.constant 16 : i32
    %scan3A_28 = arith.addi %scan3A_26, %scan3A_27 : i32
    %scan3A_29 = arith.constant 1 : i32
    scf.for %scan3A_79 = %scan3A_26 to %scan3A_28 step %scan3A_29  : i32 {
      %mul3A_80 = arith.constant 1 : i32
      %mul3A_81 = arith.muli %scan3A_79, %mul3A_80 : i32
      %add3A_82 = arith.constant 0 : i32
      %add3A_83 = arith.addi %add3A_82, %mul3A_81 : i32
      %mul3A_84 = arith.constant 2 : i32
      %mul3A_85 = arith.muli %mul3A_84, %add3A_83 : i32
      %add3A_86 = arith.constant 0 : i32
      %add3A_87 = arith.addi %add3A_86, %mul3A_85 : i32
      %dma_wait3A_88 = arith.constant 0 : i32
      %dma_wait3A_89 = tpu.memref_slice %arg7[%add3A_87, %dma_wait3A_88] : memref<32x80xi32, #tpu.memory_space<vmem>> -> memref<1x80xi32, #tpu.memory_space<vmem>>
      %dma_wait3A_90 = tpu.memref_squeeze %dma_wait3A_89 : memref<1x80xi32, #tpu.memory_space<vmem>> -> memref<80xi32, #tpu.memory_space<vmem>>
      %dma_wait3A_91 = arith.constant 0 : i32
      %dma_wait3A_92 = arith.constant 0 : i32
      %dma_wait3A_93 = tpu.memref_slice %arg2[%dma_wait3A_91, %dma_wait3A_92] : memref<10000x128xf32, #tpu.memory_space<hbm>> -> memref<10000x128xf32, #tpu.memory_space<hbm>>
      tpu.wait_indirect_dma semaphore(%arg12 : memref<!tpu.dma_semaphore, #tpu.memory_space<semaphore_mem>>) src(%dma_wait3A_93 : memref<10000x128xf32, #tpu.memory_space<hbm>>) dst(%arg9 : memref<80x128xf32, #tpu.memory_space<vmem>>)
      %add3A_94 = arith.constant 1 : i32
      %add3A_95 = arith.addi %add3A_87, %add3A_94 : i32
      %dma_start3A_96 = arith.constant 0 : i32
      %dma_start3A_97 = tpu.memref_slice %arg7[%add3A_95, %dma_start3A_96] : memref<32x80xi32, #tpu.memory_space<vmem>> -> memref<1x80xi32, #tpu.memory_space<vmem>>
      %dma_start3A_98 = tpu.memref_squeeze %dma_start3A_97 : memref<1x80xi32, #tpu.memory_space<vmem>> -> memref<80xi32, #tpu.memory_space<vmem>>
      %dma_start3A_99 = arith.constant 0 : i32
      %dma_start3A_100 = arith.constant 0 : i32
      %dma_start3A_101 = tpu.memref_slice %arg2[%dma_start3A_99, %dma_start3A_100] : memref<10000x128xf32, #tpu.memory_space<hbm>> -> memref<10000x128xf32, #tpu.memory_space<hbm>>
      tpu.enqueue_indirect_dma source(%dma_start3A_101 : memref<10000x128xf32, #tpu.memory_space<hbm>>) target(%arg10 : memref<80x128xf32, #tpu.memory_space<vmem>>) offsets(%dma_start3A_98 : memref<80xi32, #tpu.memory_space<vmem>>) semaphore(%arg13 : memref<!tpu.dma_semaphore, #tpu.memory_space<semaphore_mem>>)
      "tpu.region"() ({
        %run_scoped3A_116 = tpu.sem_alloc : memref<!tpu.dma_semaphore, #tpu.memory_space<semaphore_mem>>
        %dma_start3A_117 = arith.constant 0 : i32
        %dma_start3A_118 = tpu.memref_slice %arg8[%add3A_87, %dma_start3A_117] : memref<32x80xi32, #tpu.memory_space<vmem>> -> memref<1x80xi32, #tpu.memory_space<vmem>>
        %dma_start3A_119 = tpu.memref_squeeze %dma_start3A_118 : memref<1x80xi32, #tpu.memory_space<vmem>> -> memref<80xi32, #tpu.memory_space<vmem>>
        %dma_start3A_120 = arith.constant 0 : i32
        %dma_start3A_121 = arith.constant 0 : i32
        %dma_start3A_122 = tpu.memref_slice %arg11[%dma_start3A_120, %dma_start3A_121] : memref<10000x128xf32, #tpu.memory_space<vmem_shared>> -> memref<10000x128xf32, #tpu.memory_space<vmem_shared>>
        tpu.enqueue_indirect_dma source(%arg9 : memref<80x128xf32, #tpu.memory_space<vmem>>) target(%dma_start3A_122 : memref<10000x128xf32, #tpu.memory_space<vmem_shared>>) offsets(%dma_start3A_119 : memref<80xi32, #tpu.memory_space<vmem>>) semaphore(%run_scoped3A_116 : memref<!tpu.dma_semaphore, #tpu.memory_space<semaphore_mem>>) {add = true}
        %dma_wait3A_123 = arith.constant 0 : i32
        %dma_wait3A_124 = tpu.memref_slice %arg8[%add3A_87, %dma_wait3A_123] : memref<32x80xi32, #tpu.memory_space<vmem>> -> memref<1x80xi32, #tpu.memory_space<vmem>>
        %dma_wait3A_125 = tpu.memref_squeeze %dma_wait3A_124 : memref<1x80xi32, #tpu.memory_space<vmem>> -> memref<80xi32, #tpu.memory_space<vmem>>
        %dma_wait3A_126 = arith.constant 0 : i32
        %dma_wait3A_127 = arith.constant 0 : i32
        %dma_wait3A_128 = tpu.memref_slice %arg11[%dma_wait3A_126, %dma_wait3A_127] : memref<10000x128xf32, #tpu.memory_space<vmem_shared>> -> memref<10000x128xf32, #tpu.memory_space<vmem_shared>>
        tpu.wait_indirect_dma semaphore(%run_scoped3A_116 : memref<!tpu.dma_semaphore, #tpu.memory_space<semaphore_mem>>) src(%arg9 : memref<80x128xf32, #tpu.memory_space<vmem>>) dst(%dma_wait3A_128 : memref<10000x128xf32, #tpu.memory_space<vmem_shared>>)
        tpu.yield
      }) : () -> ()
      %add3A_102 = arith.constant 2 : i32
      %add3A_103 = arith.addi %add3A_87, %add3A_102 : i32
      %lt3A = arith.constant 32 : i32
      %lt3A_104 = arith.cmpi slt, %add3A_103, %lt3A : i32
      %convert_element_type3A = arith.extui %lt3A_104 : i1 to i32
      %cond3A = arith.constant 0 : i32
      %cond3A_105 = arith.cmpi ne, %convert_element_type3A, %cond3A : i32
      scf.if %cond3A_105 {
        %add3A_116 = arith.constant 2 : i32
        %add3A_117 = arith.addi %add3A_87, %add3A_116 : i32
        %dma_start3A_118 = arith.constant 0 : i32
        %dma_start3A_119 = tpu.memref_slice %arg7[%add3A_117, %dma_start3A_118] : memref<32x80xi32, #tpu.memory_space<vmem>> -> memref<1x80xi32, #tpu.memory_space<vmem>>
        %dma_start3A_120 = tpu.memref_squeeze %dma_start3A_119 : memref<1x80xi32, #tpu.memory_space<vmem>> -> memref<80xi32, #tpu.memory_space<vmem>>
        %dma_start3A_121 = arith.constant 0 : i32
        %dma_start3A_122 = arith.constant 0 : i32
        %dma_start3A_123 = tpu.memref_slice %arg2[%dma_start3A_121, %dma_start3A_122] : memref<10000x128xf32, #tpu.memory_space<hbm>> -> memref<10000x128xf32, #tpu.memory_space<hbm>>
        tpu.enqueue_indirect_dma source(%dma_start3A_123 : memref<10000x128xf32, #tpu.memory_space<hbm>>) target(%arg9 : memref<80x128xf32, #tpu.memory_space<vmem>>) offsets(%dma_start3A_120 : memref<80xi32, #tpu.memory_space<vmem>>) semaphore(%arg12 : memref<!tpu.dma_semaphore, #tpu.memory_space<semaphore_mem>>)
      } else {
      }
      %add3A_106 = arith.constant 1 : i32
      %add3A_107 = arith.addi %add3A_87, %add3A_106 : i32
      %dma_wait3A_108 = arith.constant 0 : i32
      %dma_wait3A_109 = tpu.memref_slice %arg7[%add3A_107, %dma_wait3A_108] : memref<32x80xi32, #tpu.memory_space<vmem>> -> memref<1x80xi32, #tpu.memory_space<vmem>>
      %dma_wait3A_110 = tpu.memref_squeeze %dma_wait3A_109 : memref<1x80xi32, #tpu.memory_space<vmem>> -> memref<80xi32, #tpu.memory_space<vmem>>
      %dma_wait3A_111 = arith.constant 0 : i32
      %dma_wait3A_112 = arith.constant 0 : i32
      %dma_wait3A_113 = tpu.memref_slice %arg2[%dma_wait3A_111, %dma_wait3A_112] : memref<10000x128xf32, #tpu.memory_space<hbm>> -> memref<10000x128xf32, #tpu.memory_space<hbm>>
      tpu.wait_indirect_dma semaphore(%arg13 : memref<!tpu.dma_semaphore, #tpu.memory_space<semaphore_mem>>) src(%dma_wait3A_113 : memref<10000x128xf32, #tpu.memory_space<hbm>>) dst(%arg10 : memref<80x128xf32, #tpu.memory_space<vmem>>)
      %add3A_114 = arith.constant 1 : i32
      %add3A_115 = arith.addi %add3A_87, %add3A_114 : i32
      "tpu.region"() ({
        %run_scoped3A_116 = tpu.sem_alloc : memref<!tpu.dma_semaphore, #tpu.memory_space<semaphore_mem>>
        %dma_start3A_117 = arith.constant 0 : i32
        %dma_start3A_118 = tpu.memref_slice %arg8[%add3A_115, %dma_start3A_117] : memref<32x80xi32, #tpu.memory_space<vmem>> -> memref<1x80xi32, #tpu.memory_space<vmem>>
        %dma_start3A_119 = tpu.memref_squeeze %dma_start3A_118 : memref<1x80xi32, #tpu.memory_space<vmem>> -> memref<80xi32, #tpu.memory_space<vmem>>
        %dma_start3A_120 = arith.constant 0 : i32
        %dma_start3A_121 = arith.constant 0 : i32
        %dma_start3A_122 = tpu.memref_slice %arg11[%dma_start3A_120, %dma_start3A_121] : memref<10000x128xf32, #tpu.memory_space<vmem_shared>> -> memref<10000x128xf32, #tpu.memory_space<vmem_shared>>
        tpu.enqueue_indirect_dma source(%arg10 : memref<80x128xf32, #tpu.memory_space<vmem>>) target(%dma_start3A_122 : memref<10000x128xf32, #tpu.memory_space<vmem_shared>>) offsets(%dma_start3A_119 : memref<80xi32, #tpu.memory_space<vmem>>) semaphore(%run_scoped3A_116 : memref<!tpu.dma_semaphore, #tpu.memory_space<semaphore_mem>>) {add = true}
        %dma_wait3A_123 = arith.constant 0 : i32
        %dma_wait3A_124 = tpu.memref_slice %arg8[%add3A_115, %dma_wait3A_123] : memref<32x80xi32, #tpu.memory_space<vmem>> -> memref<1x80xi32, #tpu.memory_space<vmem>>
        %dma_wait3A_125 = tpu.memref_squeeze %dma_wait3A_124 : memref<1x80xi32, #tpu.memory_space<vmem>> -> memref<80xi32, #tpu.memory_space<vmem>>
        %dma_wait3A_126 = arith.constant 0 : i32
        %dma_wait3A_127 = arith.constant 0 : i32
        %dma_wait3A_128 = tpu.memref_slice %arg11[%dma_wait3A_126, %dma_wait3A_127] : memref<10000x128xf32, #tpu.memory_space<vmem_shared>> -> memref<10000x128xf32, #tpu.memory_space<vmem_shared>>
        tpu.wait_indirect_dma semaphore(%run_scoped3A_116 : memref<!tpu.dma_semaphore, #tpu.memory_space<semaphore_mem>>) src(%arg10 : memref<80x128xf32, #tpu.memory_space<vmem>>) dst(%dma_wait3A_128 : memref<10000x128xf32, #tpu.memory_space<vmem_shared>>)
        tpu.yield
      }) : () -> ()
    }
    %scan3A_30 = arith.constant 16 : i32
    %run_scoped3A_31 = arith.constant 2 : i32
    "tpu.region"() ({
      %run_scoped3A_79 = tpu.sem_alloc : memref<!tpu.dma_semaphore, #tpu.memory_space<semaphore_mem>>
      %dma_start3A_80 = arith.constant 0 : i32
      %dma_start3A_81 = arith.constant 0 : i32
      %dma_start3A_82 = tpu.memref_slice %arg3[%add3A, %run_scoped3A_31, %dma_start3A_80, %dma_start3A_81] : memref<32x4x32x80xi32, #tpu.memory_space<hbm>> -> memref<1x1x32x80xi32, #tpu.memory_space<hbm>>
      %dma_start3A_83 = tpu.memref_squeeze %dma_start3A_82 : memref<1x1x32x80xi32, #tpu.memory_space<hbm>> -> memref<32x80xi32, #tpu.memory_space<hbm>>
      %dma_start3A_84 = arith.constant 0 : i32
      %dma_start3A_85 = arith.constant 0 : i32
      %dma_start3A_86 = tpu.memref_slice %arg3[%add3A, %run_scoped3A_31, %dma_start3A_84, %dma_start3A_85] : memref<32x4x32x80xi32, #tpu.memory_space<hbm>> -> memref<1x1x32x80xi32, #tpu.memory_space<hbm>>
      %dma_start3A_87 = tpu.memref_squeeze %dma_start3A_86 : memref<1x1x32x80xi32, #tpu.memory_space<hbm>> -> memref<32x80xi32, #tpu.memory_space<hbm>>
      tpu.enqueue_dma source(%dma_start3A_87 : memref<32x80xi32, #tpu.memory_space<hbm>>) target(%arg7 : memref<32x80xi32, #tpu.memory_space<vmem>>) target_semaphore(%run_scoped3A_79 : memref<!tpu.dma_semaphore, #tpu.memory_space<semaphore_mem>>)
      %dma_wait3A_88 = arith.constant 0 : i32
      %dma_wait3A_89 = arith.constant 0 : i32
      %dma_wait3A_90 = tpu.memref_slice %arg3[%add3A, %run_scoped3A_31, %dma_wait3A_88, %dma_wait3A_89] : memref<32x4x32x80xi32, #tpu.memory_space<hbm>> -> memref<1x1x32x80xi32, #tpu.memory_space<hbm>>
      %dma_wait3A_91 = tpu.memref_squeeze %dma_wait3A_90 : memref<1x1x32x80xi32, #tpu.memory_space<hbm>> -> memref<32x80xi32, #tpu.memory_space<hbm>>
      %dma_wait3A_92 = arith.constant 0 : i32
      %dma_wait3A_93 = arith.constant 0 : i32
      %dma_wait3A_94 = tpu.memref_slice %arg3[%add3A, %run_scoped3A_31, %dma_wait3A_92, %dma_wait3A_93] : memref<32x4x32x80xi32, #tpu.memory_space<hbm>> -> memref<1x1x32x80xi32, #tpu.memory_space<hbm>>
      %dma_wait3A_95 = tpu.memref_squeeze %dma_wait3A_94 : memref<1x1x32x80xi32, #tpu.memory_space<hbm>> -> memref<32x80xi32, #tpu.memory_space<hbm>>
      tpu.wait_dma2 semaphore(%run_scoped3A_79 : memref<!tpu.dma_semaphore, #tpu.memory_space<semaphore_mem>>) src(%dma_wait3A_95 : memref<32x80xi32, #tpu.memory_space<hbm>>) dst(%arg7 : memref<32x80xi32, #tpu.memory_space<vmem>>)
      tpu.yield
    }) : () -> ()
    %run_scoped3A_32 = arith.constant 2 : i32
    "tpu.region"() ({
      %run_scoped3A_79 = tpu.sem_alloc : memref<!tpu.dma_semaphore, #tpu.memory_space<semaphore_mem>>
      %dma_start3A_80 = arith.constant 0 : i32
      %dma_start3A_81 = arith.constant 0 : i32
      %dma_start3A_82 = tpu.memref_slice %arg4[%add3A, %run_scoped3A_32, %dma_start3A_80, %dma_start3A_81] : memref<32x4x32x80xi32, #tpu.memory_space<hbm>> -> memref<1x1x32x80xi32, #tpu.memory_space<hbm>>
      %dma_start3A_83 = tpu.memref_squeeze %dma_start3A_82 : memref<1x1x32x80xi32, #tpu.memory_space<hbm>> -> memref<32x80xi32, #tpu.memory_space<hbm>>
      %dma_start3A_84 = arith.constant 0 : i32
      %dma_start3A_85 = arith.constant 0 : i32
      %dma_start3A_86 = tpu.memref_slice %arg4[%add3A, %run_scoped3A_32, %dma_start3A_84, %dma_start3A_85] : memref<32x4x32x80xi32, #tpu.memory_space<hbm>> -> memref<1x1x32x80xi32, #tpu.memory_space<hbm>>
      %dma_start3A_87 = tpu.memref_squeeze %dma_start3A_86 : memref<1x1x32x80xi32, #tpu.memory_space<hbm>> -> memref<32x80xi32, #tpu.memory_space<hbm>>
      tpu.enqueue_dma source(%dma_start3A_87 : memref<32x80xi32, #tpu.memory_space<hbm>>) target(%arg8 : memref<32x80xi32, #tpu.memory_space<vmem>>) target_semaphore(%run_scoped3A_79 : memref<!tpu.dma_semaphore, #tpu.memory_space<semaphore_mem>>)
      %dma_wait3A_88 = arith.constant 0 : i32
      %dma_wait3A_89 = arith.constant 0 : i32
      %dma_wait3A_90 = tpu.memref_slice %arg4[%add3A, %run_scoped3A_32, %dma_wait3A_88, %dma_wait3A_89] : memref<32x4x32x80xi32, #tpu.memory_space<hbm>> -> memref<1x1x32x80xi32, #tpu.memory_space<hbm>>
      %dma_wait3A_91 = tpu.memref_squeeze %dma_wait3A_90 : memref<1x1x32x80xi32, #tpu.memory_space<hbm>> -> memref<32x80xi32, #tpu.memory_space<hbm>>
      %dma_wait3A_92 = arith.constant 0 : i32
      %dma_wait3A_93 = arith.constant 0 : i32
      %dma_wait3A_94 = tpu.memref_slice %arg4[%add3A, %run_scoped3A_32, %dma_wait3A_92, %dma_wait3A_93] : memref<32x4x32x80xi32, #tpu.memory_space<hbm>> -> memref<1x1x32x80xi32, #tpu.memory_space<hbm>>
      %dma_wait3A_95 = tpu.memref_squeeze %dma_wait3A_94 : memref<1x1x32x80xi32, #tpu.memory_space<hbm>> -> memref<32x80xi32, #tpu.memory_space<hbm>>
      tpu.wait_dma2 semaphore(%run_scoped3A_79 : memref<!tpu.dma_semaphore, #tpu.memory_space<semaphore_mem>>) src(%dma_wait3A_95 : memref<32x80xi32, #tpu.memory_space<hbm>>) dst(%arg8 : memref<32x80xi32, #tpu.memory_space<vmem>>)
      tpu.yield
    }) : () -> ()
    %dma_start3A_33 = arith.constant 0 : i32
    %dma_start3A_34 = arith.constant 0 : i32
    %dma_start3A_35 = tpu.memref_slice %arg7[%dma_start3A_33, %dma_start3A_34] : memref<32x80xi32, #tpu.memory_space<vmem>> -> memref<1x80xi32, #tpu.memory_space<vmem>>
    %dma_start3A_36 = tpu.memref_squeeze %dma_start3A_35 : memref<1x80xi32, #tpu.memory_space<vmem>> -> memref<80xi32, #tpu.memory_space<vmem>>
    %dma_start3A_37 = arith.constant 0 : i32
    %dma_start3A_38 = arith.constant 0 : i32
    %dma_start3A_39 = tpu.memref_slice %arg2[%dma_start3A_37, %dma_start3A_38] : memref<10000x128xf32, #tpu.memory_space<hbm>> -> memref<10000x128xf32, #tpu.memory_space<hbm>>
    tpu.enqueue_indirect_dma source(%dma_start3A_39 : memref<10000x128xf32, #tpu.memory_space<hbm>>) target(%arg9 : memref<80x128xf32, #tpu.memory_space<vmem>>) offsets(%dma_start3A_36 : memref<80xi32, #tpu.memory_space<vmem>>) semaphore(%arg12 : memref<!tpu.dma_semaphore, #tpu.memory_space<semaphore_mem>>)
    %scan3A_40 = arith.constant 0 : i32
    %scan3A_41 = arith.constant 16 : i32
    %scan3A_42 = arith.addi %scan3A_40, %scan3A_41 : i32
    %scan3A_43 = arith.constant 1 : i32
    scf.for %scan3A_79 = %scan3A_40 to %scan3A_42 step %scan3A_43  : i32 {
      %mul3A_80 = arith.constant 1 : i32
      %mul3A_81 = arith.muli %scan3A_79, %mul3A_80 : i32
      %add3A_82 = arith.constant 0 : i32
      %add3A_83 = arith.addi %add3A_82, %mul3A_81 : i32
      %mul3A_84 = arith.constant 2 : i32
      %mul3A_85 = arith.muli %mul3A_84, %add3A_83 : i32
      %add3A_86 = arith.constant 0 : i32
      %add3A_87 = arith.addi %add3A_86, %mul3A_85 : i32
      %dma_wait3A_88 = arith.constant 0 : i32
      %dma_wait3A_89 = tpu.memref_slice %arg7[%add3A_87, %dma_wait3A_88] : memref<32x80xi32, #tpu.memory_space<vmem>> -> memref<1x80xi32, #tpu.memory_space<vmem>>
      %dma_wait3A_90 = tpu.memref_squeeze %dma_wait3A_89 : memref<1x80xi32, #tpu.memory_space<vmem>> -> memref<80xi32, #tpu.memory_space<vmem>>
      %dma_wait3A_91 = arith.constant 0 : i32
      %dma_wait3A_92 = arith.constant 0 : i32
      %dma_wait3A_93 = tpu.memref_slice %arg2[%dma_wait3A_91, %dma_wait3A_92] : memref<10000x128xf32, #tpu.memory_space<hbm>> -> memref<10000x128xf32, #tpu.memory_space<hbm>>
      tpu.wait_indirect_dma semaphore(%arg12 : memref<!tpu.dma_semaphore, #tpu.memory_space<semaphore_mem>>) src(%dma_wait3A_93 : memref<10000x128xf32, #tpu.memory_space<hbm>>) dst(%arg9 : memref<80x128xf32, #tpu.memory_space<vmem>>)
      %add3A_94 = arith.constant 1 : i32
      %add3A_95 = arith.addi %add3A_87, %add3A_94 : i32
      %dma_start3A_96 = arith.constant 0 : i32
      %dma_start3A_97 = tpu.memref_slice %arg7[%add3A_95, %dma_start3A_96] : memref<32x80xi32, #tpu.memory_space<vmem>> -> memref<1x80xi32, #tpu.memory_space<vmem>>
      %dma_start3A_98 = tpu.memref_squeeze %dma_start3A_97 : memref<1x80xi32, #tpu.memory_space<vmem>> -> memref<80xi32, #tpu.memory_space<vmem>>
      %dma_start3A_99 = arith.constant 0 : i32
      %dma_start3A_100 = arith.constant 0 : i32
      %dma_start3A_101 = tpu.memref_slice %arg2[%dma_start3A_99, %dma_start3A_100] : memref<10000x128xf32, #tpu.memory_space<hbm>> -> memref<10000x128xf32, #tpu.memory_space<hbm>>
      tpu.enqueue_indirect_dma source(%dma_start3A_101 : memref<10000x128xf32, #tpu.memory_space<hbm>>) target(%arg10 : memref<80x128xf32, #tpu.memory_space<vmem>>) offsets(%dma_start3A_98 : memref<80xi32, #tpu.memory_space<vmem>>) semaphore(%arg13 : memref<!tpu.dma_semaphore, #tpu.memory_space<semaphore_mem>>)
      "tpu.region"() ({
        %run_scoped3A_116 = tpu.sem_alloc : memref<!tpu.dma_semaphore, #tpu.memory_space<semaphore_mem>>
        %dma_start3A_117 = arith.constant 0 : i32
        %dma_start3A_118 = tpu.memref_slice %arg8[%add3A_87, %dma_start3A_117] : memref<32x80xi32, #tpu.memory_space<vmem>> -> memref<1x80xi32, #tpu.memory_space<vmem>>
        %dma_start3A_119 = tpu.memref_squeeze %dma_start3A_118 : memref<1x80xi32, #tpu.memory_space<vmem>> -> memref<80xi32, #tpu.memory_space<vmem>>
        %dma_start3A_120 = arith.constant 0 : i32
        %dma_start3A_121 = arith.constant 0 : i32
        %dma_start3A_122 = tpu.memref_slice %arg11[%dma_start3A_120, %dma_start3A_121] : memref<10000x128xf32, #tpu.memory_space<vmem_shared>> -> memref<10000x128xf32, #tpu.memory_space<vmem_shared>>
        tpu.enqueue_indirect_dma source(%arg9 : memref<80x128xf32, #tpu.memory_space<vmem>>) target(%dma_start3A_122 : memref<10000x128xf32, #tpu.memory_space<vmem_shared>>) offsets(%dma_start3A_119 : memref<80xi32, #tpu.memory_space<vmem>>) semaphore(%run_scoped3A_116 : memref<!tpu.dma_semaphore, #tpu.memory_space<semaphore_mem>>) {add = true}
        %dma_wait3A_123 = arith.constant 0 : i32
        %dma_wait3A_124 = tpu.memref_slice %arg8[%add3A_87, %dma_wait3A_123] : memref<32x80xi32, #tpu.memory_space<vmem>> -> memref<1x80xi32, #tpu.memory_space<vmem>>
        %dma_wait3A_125 = tpu.memref_squeeze %dma_wait3A_124 : memref<1x80xi32, #tpu.memory_space<vmem>> -> memref<80xi32, #tpu.memory_space<vmem>>
        %dma_wait3A_126 = arith.constant 0 : i32
        %dma_wait3A_127 = arith.constant 0 : i32
        %dma_wait3A_128 = tpu.memref_slice %arg11[%dma_wait3A_126, %dma_wait3A_127] : memref<10000x128xf32, #tpu.memory_space<vmem_shared>> -> memref<10000x128xf32, #tpu.memory_space<vmem_shared>>
        tpu.wait_indirect_dma semaphore(%run_scoped3A_116 : memref<!tpu.dma_semaphore, #tpu.memory_space<semaphore_mem>>) src(%arg9 : memref<80x128xf32, #tpu.memory_space<vmem>>) dst(%dma_wait3A_128 : memref<10000x128xf32, #tpu.memory_space<vmem_shared>>)
        tpu.yield
      }) : () -> ()
      %add3A_102 = arith.constant 2 : i32
      %add3A_103 = arith.addi %add3A_87, %add3A_102 : i32
      %lt3A = arith.constant 32 : i32
      %lt3A_104 = arith.cmpi slt, %add3A_103, %lt3A : i32
      %convert_element_type3A = arith.extui %lt3A_104 : i1 to i32
      %cond3A = arith.constant 0 : i32
      %cond3A_105 = arith.cmpi ne, %convert_element_type3A, %cond3A : i32
      scf.if %cond3A_105 {
        %add3A_116 = arith.constant 2 : i32
        %add3A_117 = arith.addi %add3A_87, %add3A_116 : i32
        %dma_start3A_118 = arith.constant 0 : i32
        %dma_start3A_119 = tpu.memref_slice %arg7[%add3A_117, %dma_start3A_118] : memref<32x80xi32, #tpu.memory_space<vmem>> -> memref<1x80xi32, #tpu.memory_space<vmem>>
        %dma_start3A_120 = tpu.memref_squeeze %dma_start3A_119 : memref<1x80xi32, #tpu.memory_space<vmem>> -> memref<80xi32, #tpu.memory_space<vmem>>
        %dma_start3A_121 = arith.constant 0 : i32
        %dma_start3A_122 = arith.constant 0 : i32
        %dma_start3A_123 = tpu.memref_slice %arg2[%dma_start3A_121, %dma_start3A_122] : memref<10000x128xf32, #tpu.memory_space<hbm>> -> memref<10000x128xf32, #tpu.memory_space<hbm>>
        tpu.enqueue_indirect_dma source(%dma_start3A_123 : memref<10000x128xf32, #tpu.memory_space<hbm>>) target(%arg9 : memref<80x128xf32, #tpu.memory_space<vmem>>) offsets(%dma_start3A_120 : memref<80xi32, #tpu.memory_space<vmem>>) semaphore(%arg12 : memref<!tpu.dma_semaphore, #tpu.memory_space<semaphore_mem>>)
      } else {
      }
      %add3A_106 = arith.constant 1 : i32
      %add3A_107 = arith.addi %add3A_87, %add3A_106 : i32
      %dma_wait3A_108 = arith.constant 0 : i32
      %dma_wait3A_109 = tpu.memref_slice %arg7[%add3A_107, %dma_wait3A_108] : memref<32x80xi32, #tpu.memory_space<vmem>> -> memref<1x80xi32, #tpu.memory_space<vmem>>
      %dma_wait3A_110 = tpu.memref_squeeze %dma_wait3A_109 : memref<1x80xi32, #tpu.memory_space<vmem>> -> memref<80xi32, #tpu.memory_space<vmem>>
      %dma_wait3A_111 = arith.constant 0 : i32
      %dma_wait3A_112 = arith.constant 0 : i32
      %dma_wait3A_113 = tpu.memref_slice %arg2[%dma_wait3A_111, %dma_wait3A_112] : memref<10000x128xf32, #tpu.memory_space<hbm>> -> memref<10000x128xf32, #tpu.memory_space<hbm>>
      tpu.wait_indirect_dma semaphore(%arg13 : memref<!tpu.dma_semaphore, #tpu.memory_space<semaphore_mem>>) src(%dma_wait3A_113 : memref<10000x128xf32, #tpu.memory_space<hbm>>) dst(%arg10 : memref<80x128xf32, #tpu.memory_space<vmem>>)
      %add3A_114 = arith.constant 1 : i32
      %add3A_115 = arith.addi %add3A_87, %add3A_114 : i32
      "tpu.region"() ({
        %run_scoped3A_116 = tpu.sem_alloc : memref<!tpu.dma_semaphore, #tpu.memory_space<semaphore_mem>>
        %dma_start3A_117 = arith.constant 0 : i32
        %dma_start3A_118 = tpu.memref_slice %arg8[%add3A_115, %dma_start3A_117] : memref<32x80xi32, #tpu.memory_space<vmem>> -> memref<1x80xi32, #tpu.memory_space<vmem>>
        %dma_start3A_119 = tpu.memref_squeeze %dma_start3A_118 : memref<1x80xi32, #tpu.memory_space<vmem>> -> memref<80xi32, #tpu.memory_space<vmem>>
        %dma_start3A_120 = arith.constant 0 : i32
        %dma_start3A_121 = arith.constant 0 : i32
        %dma_start3A_122 = tpu.memref_slice %arg11[%dma_start3A_120, %dma_start3A_121] : memref<10000x128xf32, #tpu.memory_space<vmem_shared>> -> memref<10000x128xf32, #tpu.memory_space<vmem_shared>>
        tpu.enqueue_indirect_dma source(%arg10 : memref<80x128xf32, #tpu.memory_space<vmem>>) target(%dma_start3A_122 : memref<10000x128xf32, #tpu.memory_space<vmem_shared>>) offsets(%dma_start3A_119 : memref<80xi32, #tpu.memory_space<vmem>>) semaphore(%run_scoped3A_116 : memref<!tpu.dma_semaphore, #tpu.memory_space<semaphore_mem>>) {add = true}
        %dma_wait3A_123 = arith.constant 0 : i32
        %dma_wait3A_124 = tpu.memref_slice %arg8[%add3A_115, %dma_wait3A_123] : memref<32x80xi32, #tpu.memory_space<vmem>> -> memref<1x80xi32, #tpu.memory_space<vmem>>
        %dma_wait3A_125 = tpu.memref_squeeze %dma_wait3A_124 : memref<1x80xi32, #tpu.memory_space<vmem>> -> memref<80xi32, #tpu.memory_space<vmem>>
        %dma_wait3A_126 = arith.constant 0 : i32
        %dma_wait3A_127 = arith.constant 0 : i32
        %dma_wait3A_128 = tpu.memref_slice %arg11[%dma_wait3A_126, %dma_wait3A_127] : memref<10000x128xf32, #tpu.memory_space<vmem_shared>> -> memref<10000x128xf32, #tpu.memory_space<vmem_shared>>
        tpu.wait_indirect_dma semaphore(%run_scoped3A_116 : memref<!tpu.dma_semaphore, #tpu.memory_space<semaphore_mem>>) src(%arg10 : memref<80x128xf32, #tpu.memory_space<vmem>>) dst(%dma_wait3A_128 : memref<10000x128xf32, #tpu.memory_space<vmem_shared>>)
        tpu.yield
      }) : () -> ()
    }
    %scan3A_44 = arith.constant 16 : i32
    %run_scoped3A_45 = arith.constant 3 : i32
    "tpu.region"() ({
      %run_scoped3A_79 = tpu.sem_alloc : memref<!tpu.dma_semaphore, #tpu.memory_space<semaphore_mem>>
      %dma_start3A_80 = arith.constant 0 : i32
      %dma_start3A_81 = arith.constant 0 : i32
      %dma_start3A_82 = tpu.memref_slice %arg3[%add3A, %run_scoped3A_45, %dma_start3A_80, %dma_start3A_81] : memref<32x4x32x80xi32, #tpu.memory_space<hbm>> -> memref<1x1x32x80xi32, #tpu.memory_space<hbm>>
      %dma_start3A_83 = tpu.memref_squeeze %dma_start3A_82 : memref<1x1x32x80xi32, #tpu.memory_space<hbm>> -> memref<32x80xi32, #tpu.memory_space<hbm>>
      %dma_start3A_84 = arith.constant 0 : i32
      %dma_start3A_85 = arith.constant 0 : i32
      %dma_start3A_86 = tpu.memref_slice %arg3[%add3A, %run_scoped3A_45, %dma_start3A_84, %dma_start3A_85] : memref<32x4x32x80xi32, #tpu.memory_space<hbm>> -> memref<1x1x32x80xi32, #tpu.memory_space<hbm>>
      %dma_start3A_87 = tpu.memref_squeeze %dma_start3A_86 : memref<1x1x32x80xi32, #tpu.memory_space<hbm>> -> memref<32x80xi32, #tpu.memory_space<hbm>>
      tpu.enqueue_dma source(%dma_start3A_87 : memref<32x80xi32, #tpu.memory_space<hbm>>) target(%arg7 : memref<32x80xi32, #tpu.memory_space<vmem>>) target_semaphore(%run_scoped3A_79 : memref<!tpu.dma_semaphore, #tpu.memory_space<semaphore_mem>>)
      %dma_wait3A_88 = arith.constant 0 : i32
      %dma_wait3A_89 = arith.constant 0 : i32
      %dma_wait3A_90 = tpu.memref_slice %arg3[%add3A, %run_scoped3A_45, %dma_wait3A_88, %dma_wait3A_89] : memref<32x4x32x80xi32, #tpu.memory_space<hbm>> -> memref<1x1x32x80xi32, #tpu.memory_space<hbm>>
      %dma_wait3A_91 = tpu.memref_squeeze %dma_wait3A_90 : memref<1x1x32x80xi32, #tpu.memory_space<hbm>> -> memref<32x80xi32, #tpu.memory_space<hbm>>
      %dma_wait3A_92 = arith.constant 0 : i32
      %dma_wait3A_93 = arith.constant 0 : i32
      %dma_wait3A_94 = tpu.memref_slice %arg3[%add3A, %run_scoped3A_45, %dma_wait3A_92, %dma_wait3A_93] : memref<32x4x32x80xi32, #tpu.memory_space<hbm>> -> memref<1x1x32x80xi32, #tpu.memory_space<hbm>>
      %dma_wait3A_95 = tpu.memref_squeeze %dma_wait3A_94 : memref<1x1x32x80xi32, #tpu.memory_space<hbm>> -> memref<32x80xi32, #tpu.memory_space<hbm>>
      tpu.wait_dma2 semaphore(%run_scoped3A_79 : memref<!tpu.dma_semaphore, #tpu.memory_space<semaphore_mem>>) src(%dma_wait3A_95 : memref<32x80xi32, #tpu.memory_space<hbm>>) dst(%arg7 : memref<32x80xi32, #tpu.memory_space<vmem>>)
      tpu.yield
    }) : () -> ()
    %run_scoped3A_46 = arith.constant 3 : i32
    "tpu.region"() ({
      %run_scoped3A_79 = tpu.sem_alloc : memref<!tpu.dma_semaphore, #tpu.memory_space<semaphore_mem>>
      %dma_start3A_80 = arith.constant 0 : i32
      %dma_start3A_81 = arith.constant 0 : i32
      %dma_start3A_82 = tpu.memref_slice %arg4[%add3A, %run_scoped3A_46, %dma_start3A_80, %dma_start3A_81] : memref<32x4x32x80xi32, #tpu.memory_space<hbm>> -> memref<1x1x32x80xi32, #tpu.memory_space<hbm>>
      %dma_start3A_83 = tpu.memref_squeeze %dma_start3A_82 : memref<1x1x32x80xi32, #tpu.memory_space<hbm>> -> memref<32x80xi32, #tpu.memory_space<hbm>>
      %dma_start3A_84 = arith.constant 0 : i32
      %dma_start3A_85 = arith.constant 0 : i32
      %dma_start3A_86 = tpu.memref_slice %arg4[%add3A, %run_scoped3A_46, %dma_start3A_84, %dma_start3A_85] : memref<32x4x32x80xi32, #tpu.memory_space<hbm>> -> memref<1x1x32x80xi32, #tpu.memory_space<hbm>>
      %dma_start3A_87 = tpu.memref_squeeze %dma_start3A_86 : memref<1x1x32x80xi32, #tpu.memory_space<hbm>> -> memref<32x80xi32, #tpu.memory_space<hbm>>
      tpu.enqueue_dma source(%dma_start3A_87 : memref<32x80xi32, #tpu.memory_space<hbm>>) target(%arg8 : memref<32x80xi32, #tpu.memory_space<vmem>>) target_semaphore(%run_scoped3A_79 : memref<!tpu.dma_semaphore, #tpu.memory_space<semaphore_mem>>)
      %dma_wait3A_88 = arith.constant 0 : i32
      %dma_wait3A_89 = arith.constant 0 : i32
      %dma_wait3A_90 = tpu.memref_slice %arg4[%add3A, %run_scoped3A_46, %dma_wait3A_88, %dma_wait3A_89] : memref<32x4x32x80xi32, #tpu.memory_space<hbm>> -> memref<1x1x32x80xi32, #tpu.memory_space<hbm>>
      %dma_wait3A_91 = tpu.memref_squeeze %dma_wait3A_90 : memref<1x1x32x80xi32, #tpu.memory_space<hbm>> -> memref<32x80xi32, #tpu.memory_space<hbm>>
      %dma_wait3A_92 = arith.constant 0 : i32
      %dma_wait3A_93 = arith.constant 0 : i32
      %dma_wait3A_94 = tpu.memref_slice %arg4[%add3A, %run_scoped3A_46, %dma_wait3A_92, %dma_wait3A_93] : memref<32x4x32x80xi32, #tpu.memory_space<hbm>> -> memref<1x1x32x80xi32, #tpu.memory_space<hbm>>
      %dma_wait3A_95 = tpu.memref_squeeze %dma_wait3A_94 : memref<1x1x32x80xi32, #tpu.memory_space<hbm>> -> memref<32x80xi32, #tpu.memory_space<hbm>>
      tpu.wait_dma2 semaphore(%run_scoped3A_79 : memref<!tpu.dma_semaphore, #tpu.memory_space<semaphore_mem>>) src(%dma_wait3A_95 : memref<32x80xi32, #tpu.memory_space<hbm>>) dst(%arg8 : memref<32x80xi32, #tpu.memory_space<vmem>>)
      tpu.yield
    }) : () -> ()
    %dma_start3A_47 = arith.constant 0 : i32
    %dma_start3A_48 = arith.constant 0 : i32
    %dma_start3A_49 = tpu.memref_slice %arg7[%dma_start3A_47, %dma_start3A_48] : memref<32x80xi32, #tpu.memory_space<vmem>> -> memref<1x80xi32, #tpu.memory_space<vmem>>
    %dma_start3A_50 = tpu.memref_squeeze %dma_start3A_49 : memref<1x80xi32, #tpu.memory_space<vmem>> -> memref<80xi32, #tpu.memory_space<vmem>>
    %dma_start3A_51 = arith.constant 0 : i32
    %dma_start3A_52 = arith.constant 0 : i32
    %dma_start3A_53 = tpu.memref_slice %arg2[%dma_start3A_51, %dma_start3A_52] : memref<10000x128xf32, #tpu.memory_space<hbm>> -> memref<10000x128xf32, #tpu.memory_space<hbm>>
    tpu.enqueue_indirect_dma source(%dma_start3A_53 : memref<10000x128xf32, #tpu.memory_space<hbm>>) target(%arg9 : memref<80x128xf32, #tpu.memory_space<vmem>>) offsets(%dma_start3A_50 : memref<80xi32, #tpu.memory_space<vmem>>) semaphore(%arg12 : memref<!tpu.dma_semaphore, #tpu.memory_space<semaphore_mem>>)
    %dma_wait3A = arith.constant 0 : i32
    %dma_wait3A_54 = arith.constant 0 : i32
    %dma_wait3A_55 = tpu.memref_slice %arg7[%dma_wait3A, %dma_wait3A_54] : memref<32x80xi32, #tpu.memory_space<vmem>> -> memref<1x80xi32, #tpu.memory_space<vmem>>
    %dma_wait3A_56 = tpu.memref_squeeze %dma_wait3A_55 : memref<1x80xi32, #tpu.memory_space<vmem>> -> memref<80xi32, #tpu.memory_space<vmem>>
    %dma_wait3A_57 = arith.constant 0 : i32
    %dma_wait3A_58 = arith.constant 0 : i32
    %dma_wait3A_59 = tpu.memref_slice %arg2[%dma_wait3A_57, %dma_wait3A_58] : memref<10000x128xf32, #tpu.memory_space<hbm>> -> memref<10000x128xf32, #tpu.memory_space<hbm>>
    tpu.wait_indirect_dma semaphore(%arg12 : memref<!tpu.dma_semaphore, #tpu.memory_space<semaphore_mem>>) src(%dma_wait3A_59 : memref<10000x128xf32, #tpu.memory_space<hbm>>) dst(%arg9 : memref<80x128xf32, #tpu.memory_space<vmem>>)
    %run_scoped3A_60 = arith.constant 0 : i32
    "tpu.region"() ({
      %run_scoped3A_79 = tpu.sem_alloc : memref<!tpu.dma_semaphore, #tpu.memory_space<semaphore_mem>>
      %dma_start3A_80 = arith.constant 0 : i32
      %dma_start3A_81 = tpu.memref_slice %arg8[%run_scoped3A_60, %dma_start3A_80] : memref<32x80xi32, #tpu.memory_space<vmem>> -> memref<1x80xi32, #tpu.memory_space<vmem>>
      %dma_start3A_82 = tpu.memref_squeeze %dma_start3A_81 : memref<1x80xi32, #tpu.memory_space<vmem>> -> memref<80xi32, #tpu.memory_space<vmem>>
      %dma_start3A_83 = arith.constant 0 : i32
      %dma_start3A_84 = arith.constant 0 : i32
      %dma_start3A_85 = tpu.memref_slice %arg11[%dma_start3A_83, %dma_start3A_84] : memref<10000x128xf32, #tpu.memory_space<vmem_shared>> -> memref<10000x128xf32, #tpu.memory_space<vmem_shared>>
      tpu.enqueue_indirect_dma source(%arg9 : memref<80x128xf32, #tpu.memory_space<vmem>>) target(%dma_start3A_85 : memref<10000x128xf32, #tpu.memory_space<vmem_shared>>) offsets(%dma_start3A_82 : memref<80xi32, #tpu.memory_space<vmem>>) semaphore(%run_scoped3A_79 : memref<!tpu.dma_semaphore, #tpu.memory_space<semaphore_mem>>) {add = true}
      %dma_wait3A_86 = arith.constant 0 : i32
      %dma_wait3A_87 = tpu.memref_slice %arg8[%run_scoped3A_60, %dma_wait3A_86] : memref<32x80xi32, #tpu.memory_space<vmem>> -> memref<1x80xi32, #tpu.memory_space<vmem>>
      %dma_wait3A_88 = tpu.memref_squeeze %dma_wait3A_87 : memref<1x80xi32, #tpu.memory_space<vmem>> -> memref<80xi32, #tpu.memory_space<vmem>>
      %dma_wait3A_89 = arith.constant 0 : i32
      %dma_wait3A_90 = arith.constant 0 : i32
      %dma_wait3A_91 = tpu.memref_slice %arg11[%dma_wait3A_89, %dma_wait3A_90] : memref<10000x128xf32, #tpu.memory_space<vmem_shared>> -> memref<10000x128xf32, #tpu.memory_space<vmem_shared>>
      tpu.wait_indirect_dma semaphore(%run_scoped3A_79 : memref<!tpu.dma_semaphore, #tpu.memory_space<semaphore_mem>>) src(%arg9 : memref<80x128xf32, #tpu.memory_space<vmem>>) dst(%dma_wait3A_91 : memref<10000x128xf32, #tpu.memory_space<vmem_shared>>)
      tpu.yield
    }) : () -> ()
    %dma_start3A_61 = arith.constant 1 : i32
    %dma_start3A_62 = arith.constant 0 : i32
    %dma_start3A_63 = tpu.memref_slice %arg7[%dma_start3A_61, %dma_start3A_62] : memref<32x80xi32, #tpu.memory_space<vmem>> -> memref<1x80xi32, #tpu.memory_space<vmem>>
    %dma_start3A_64 = tpu.memref_squeeze %dma_start3A_63 : memref<1x80xi32, #tpu.memory_space<vmem>> -> memref<80xi32, #tpu.memory_space<vmem>>
    %dma_start3A_65 = arith.constant 0 : i32
    %dma_start3A_66 = arith.constant 0 : i32
    %dma_start3A_67 = tpu.memref_slice %arg2[%dma_start3A_65, %dma_start3A_66] : memref<10000x128xf32, #tpu.memory_space<hbm>> -> memref<10000x128xf32, #tpu.memory_space<hbm>>
    tpu.enqueue_indirect_dma source(%dma_start3A_67 : memref<10000x128xf32, #tpu.memory_space<hbm>>) target(%arg9 : memref<80x128xf32, #tpu.memory_space<vmem>>) offsets(%dma_start3A_64 : memref<80xi32, #tpu.memory_space<vmem>>) semaphore(%arg12 : memref<!tpu.dma_semaphore, #tpu.memory_space<semaphore_mem>>)
    %scan3A_68 = arith.constant 0 : i32
    %scan3A_69 = arith.constant 14 : i32
    %scan3A_70 = arith.addi %scan3A_68, %scan3A_69 : i32
    %scan3A_71 = arith.constant 1 : i32
    scf.for %scan3A_79 = %scan3A_68 to %scan3A_70 step %scan3A_71  : i32 {
      %mul3A_80 = arith.constant 1 : i32
      %mul3A_81 = arith.muli %scan3A_79, %mul3A_80 : i32
      %add3A_82 = arith.constant 0 : i32
      %add3A_83 = arith.addi %add3A_82, %mul3A_81 : i32
      %mul3A_84 = arith.constant 2 : i32
      %mul3A_85 = arith.muli %mul3A_84, %add3A_83 : i32
      %add3A_86 = arith.constant 1 : i32
      %add3A_87 = arith.addi %add3A_86, %mul3A_85 : i32
      %dma_wait3A_88 = arith.constant 0 : i32
      %dma_wait3A_89 = tpu.memref_slice %arg7[%add3A_87, %dma_wait3A_88] : memref<32x80xi32, #tpu.memory_space<vmem>> -> memref<1x80xi32, #tpu.memory_space<vmem>>
      %dma_wait3A_90 = tpu.memref_squeeze %dma_wait3A_89 : memref<1x80xi32, #tpu.memory_space<vmem>> -> memref<80xi32, #tpu.memory_space<vmem>>
      %dma_wait3A_91 = arith.constant 0 : i32
      %dma_wait3A_92 = arith.constant 0 : i32
      %dma_wait3A_93 = tpu.memref_slice %arg2[%dma_wait3A_91, %dma_wait3A_92] : memref<10000x128xf32, #tpu.memory_space<hbm>> -> memref<10000x128xf32, #tpu.memory_space<hbm>>
      tpu.wait_indirect_dma semaphore(%arg12 : memref<!tpu.dma_semaphore, #tpu.memory_space<semaphore_mem>>) src(%dma_wait3A_93 : memref<10000x128xf32, #tpu.memory_space<hbm>>) dst(%arg9 : memref<80x128xf32, #tpu.memory_space<vmem>>)
      %add3A_94 = arith.constant 1 : i32
      %add3A_95 = arith.addi %add3A_87, %add3A_94 : i32
      %dma_start3A_96 = arith.constant 0 : i32
      %dma_start3A_97 = tpu.memref_slice %arg7[%add3A_95, %dma_start3A_96] : memref<32x80xi32, #tpu.memory_space<vmem>> -> memref<1x80xi32, #tpu.memory_space<vmem>>
      %dma_start3A_98 = tpu.memref_squeeze %dma_start3A_97 : memref<1x80xi32, #tpu.memory_space<vmem>> -> memref<80xi32, #tpu.memory_space<vmem>>
      %dma_start3A_99 = arith.constant 0 : i32
      %dma_start3A_100 = arith.constant 0 : i32
      %dma_start3A_101 = tpu.memref_slice %arg2[%dma_start3A_99, %dma_start3A_100] : memref<10000x128xf32, #tpu.memory_space<hbm>> -> memref<10000x128xf32, #tpu.memory_space<hbm>>
      tpu.enqueue_indirect_dma source(%dma_start3A_101 : memref<10000x128xf32, #tpu.memory_space<hbm>>) target(%arg10 : memref<80x128xf32, #tpu.memory_space<vmem>>) offsets(%dma_start3A_98 : memref<80xi32, #tpu.memory_space<vmem>>) semaphore(%arg13 : memref<!tpu.dma_semaphore, #tpu.memory_space<semaphore_mem>>)
      "tpu.region"() ({
        %run_scoped3A_116 = tpu.sem_alloc : memref<!tpu.dma_semaphore, #tpu.memory_space<semaphore_mem>>
        %dma_start3A_117 = arith.constant 0 : i32
        %dma_start3A_118 = tpu.memref_slice %arg8[%add3A_87, %dma_start3A_117] : memref<32x80xi32, #tpu.memory_space<vmem>> -> memref<1x80xi32, #tpu.memory_space<vmem>>
        %dma_start3A_119 = tpu.memref_squeeze %dma_start3A_118 : memref<1x80xi32, #tpu.memory_space<vmem>> -> memref<80xi32, #tpu.memory_space<vmem>>
        %dma_start3A_120 = arith.constant 0 : i32
        %dma_start3A_121 = arith.constant 0 : i32
        %dma_start3A_122 = tpu.memref_slice %arg11[%dma_start3A_120, %dma_start3A_121] : memref<10000x128xf32, #tpu.memory_space<vmem_shared>> -> memref<10000x128xf32, #tpu.memory_space<vmem_shared>>
        tpu.enqueue_indirect_dma source(%arg9 : memref<80x128xf32, #tpu.memory_space<vmem>>) target(%dma_start3A_122 : memref<10000x128xf32, #tpu.memory_space<vmem_shared>>) offsets(%dma_start3A_119 : memref<80xi32, #tpu.memory_space<vmem>>) semaphore(%run_scoped3A_116 : memref<!tpu.dma_semaphore, #tpu.memory_space<semaphore_mem>>) {add = true}
        %dma_wait3A_123 = arith.constant 0 : i32
        %dma_wait3A_124 = tpu.memref_slice %arg8[%add3A_87, %dma_wait3A_123] : memref<32x80xi32, #tpu.memory_space<vmem>> -> memref<1x80xi32, #tpu.memory_space<vmem>>
        %dma_wait3A_125 = tpu.memref_squeeze %dma_wait3A_124 : memref<1x80xi32, #tpu.memory_space<vmem>> -> memref<80xi32, #tpu.memory_space<vmem>>
        %dma_wait3A_126 = arith.constant 0 : i32
        %dma_wait3A_127 = arith.constant 0 : i32
        %dma_wait3A_128 = tpu.memref_slice %arg11[%dma_wait3A_126, %dma_wait3A_127] : memref<10000x128xf32, #tpu.memory_space<vmem_shared>> -> memref<10000x128xf32, #tpu.memory_space<vmem_shared>>
        tpu.wait_indirect_dma semaphore(%run_scoped3A_116 : memref<!tpu.dma_semaphore, #tpu.memory_space<semaphore_mem>>) src(%arg9 : memref<80x128xf32, #tpu.memory_space<vmem>>) dst(%dma_wait3A_128 : memref<10000x128xf32, #tpu.memory_space<vmem_shared>>)
        tpu.yield
      }) : () -> ()
      %add3A_102 = arith.constant 2 : i32
      %add3A_103 = arith.addi %add3A_87, %add3A_102 : i32
      %lt3A = arith.constant 29 : i32
      %lt3A_104 = arith.cmpi slt, %add3A_103, %lt3A : i32
      %convert_element_type3A = arith.extui %lt3A_104 : i1 to i32
      %cond3A = arith.constant 0 : i32
      %cond3A_105 = arith.cmpi ne, %convert_element_type3A, %cond3A : i32
      scf.if %cond3A_105 {
        %add3A_116 = arith.constant 2 : i32
        %add3A_117 = arith.addi %add3A_87, %add3A_116 : i32
        %dma_start3A_118 = arith.constant 0 : i32
        %dma_start3A_119 = tpu.memref_slice %arg7[%add3A_117, %dma_start3A_118] : memref<32x80xi32, #tpu.memory_space<vmem>> -> memref<1x80xi32, #tpu.memory_space<vmem>>
        %dma_start3A_120 = tpu.memref_squeeze %dma_start3A_119 : memref<1x80xi32, #tpu.memory_space<vmem>> -> memref<80xi32, #tpu.memory_space<vmem>>
        %dma_start3A_121 = arith.constant 0 : i32
        %dma_start3A_122 = arith.constant 0 : i32
        %dma_start3A_123 = tpu.memref_slice %arg2[%dma_start3A_121, %dma_start3A_122] : memref<10000x128xf32, #tpu.memory_space<hbm>> -> memref<10000x128xf32, #tpu.memory_space<hbm>>
        tpu.enqueue_indirect_dma source(%dma_start3A_123 : memref<10000x128xf32, #tpu.memory_space<hbm>>) target(%arg9 : memref<80x128xf32, #tpu.memory_space<vmem>>) offsets(%dma_start3A_120 : memref<80xi32, #tpu.memory_space<vmem>>) semaphore(%arg12 : memref<!tpu.dma_semaphore, #tpu.memory_space<semaphore_mem>>)
      } else {
      }
      %add3A_106 = arith.constant 1 : i32
      %add3A_107 = arith.addi %add3A_87, %add3A_106 : i32
      %dma_wait3A_108 = arith.constant 0 : i32
      %dma_wait3A_109 = tpu.memref_slice %arg7[%add3A_107, %dma_wait3A_108] : memref<32x80xi32, #tpu.memory_space<vmem>> -> memref<1x80xi32, #tpu.memory_space<vmem>>
      %dma_wait3A_110 = tpu.memref_squeeze %dma_wait3A_109 : memref<1x80xi32, #tpu.memory_space<vmem>> -> memref<80xi32, #tpu.memory_space<vmem>>
      %dma_wait3A_111 = arith.constant 0 : i32
      %dma_wait3A_112 = arith.constant 0 : i32
      %dma_wait3A_113 = tpu.memref_slice %arg2[%dma_wait3A_111, %dma_wait3A_112] : memref<10000x128xf32, #tpu.memory_space<hbm>> -> memref<10000x128xf32, #tpu.memory_space<hbm>>
      tpu.wait_indirect_dma semaphore(%arg13 : memref<!tpu.dma_semaphore, #tpu.memory_space<semaphore_mem>>) src(%dma_wait3A_113 : memref<10000x128xf32, #tpu.memory_space<hbm>>) dst(%arg10 : memref<80x128xf32, #tpu.memory_space<vmem>>)
      %add3A_114 = arith.constant 1 : i32
      %add3A_115 = arith.addi %add3A_87, %add3A_114 : i32
      "tpu.region"() ({
        %run_scoped3A_116 = tpu.sem_alloc : memref<!tpu.dma_semaphore, #tpu.memory_space<semaphore_mem>>
        %dma_start3A_117 = arith.constant 0 : i32
        %dma_start3A_118 = tpu.memref_slice %arg8[%add3A_115, %dma_start3A_117] : memref<32x80xi32, #tpu.memory_space<vmem>> -> memref<1x80xi32, #tpu.memory_space<vmem>>
        %dma_start3A_119 = tpu.memref_squeeze %dma_start3A_118 : memref<1x80xi32, #tpu.memory_space<vmem>> -> memref<80xi32, #tpu.memory_space<vmem>>
        %dma_start3A_120 = arith.constant 0 : i32
        %dma_start3A_121 = arith.constant 0 : i32
        %dma_start3A_122 = tpu.memref_slice %arg11[%dma_start3A_120, %dma_start3A_121] : memref<10000x128xf32, #tpu.memory_space<vmem_shared>> -> memref<10000x128xf32, #tpu.memory_space<vmem_shared>>
        tpu.enqueue_indirect_dma source(%arg10 : memref<80x128xf32, #tpu.memory_space<vmem>>) target(%dma_start3A_122 : memref<10000x128xf32, #tpu.memory_space<vmem_shared>>) offsets(%dma_start3A_119 : memref<80xi32, #tpu.memory_space<vmem>>) semaphore(%run_scoped3A_116 : memref<!tpu.dma_semaphore, #tpu.memory_space<semaphore_mem>>) {add = true}
        %dma_wait3A_123 = arith.constant 0 : i32
        %dma_wait3A_124 = tpu.memref_slice %arg8[%add3A_115, %dma_wait3A_123] : memref<32x80xi32, #tpu.memory_space<vmem>> -> memref<1x80xi32, #tpu.memory_space<vmem>>
        %dma_wait3A_125 = tpu.memref_squeeze %dma_wait3A_124 : memref<1x80xi32, #tpu.memory_space<vmem>> -> memref<80xi32, #tpu.memory_space<vmem>>
        %dma_wait3A_126 = arith.constant 0 : i32
        %dma_wait3A_127 = arith.constant 0 : i32
        %dma_wait3A_128 = tpu.memref_slice %arg11[%dma_wait3A_126, %dma_wait3A_127] : memref<10000x128xf32, #tpu.memory_space<vmem_shared>> -> memref<10000x128xf32, #tpu.memory_space<vmem_shared>>
        tpu.wait_indirect_dma semaphore(%run_scoped3A_116 : memref<!tpu.dma_semaphore, #tpu.memory_space<semaphore_mem>>) src(%arg10 : memref<80x128xf32, #tpu.memory_space<vmem>>) dst(%dma_wait3A_128 : memref<10000x128xf32, #tpu.memory_space<vmem_shared>>)
        tpu.yield
      }) : () -> ()
    }
    %scan3A_72 = arith.constant 14 : i32
    %barrier3A_73 = arith.constant 0 : index
    tpu.barrier barrier_id(%barrier3A_73)
    %scan3A_74 = arith.constant 0 : i32
    %scan3A_75 = arith.constant 8 : i32
    %scan3A_76 = arith.addi %scan3A_74, %scan3A_75 : i32
    %scan3A_77 = arith.constant 1 : i32
    scf.for %scan3A_79 = %scan3A_74 to %scan3A_76 step %scan3A_77  : i32 {
      %mul3A_80 = arith.constant 1 : i32
      %mul3A_81 = arith.muli %scan3A_79, %mul3A_80 : i32
      %add3A_82 = arith.constant 0 : i32
      %add3A_83 = arith.addi %add3A_82, %mul3A_81 : i32
      %mul3A_84 = arith.constant 16 : i32
      %mul3A_85 = arith.muli %add3A_83, %mul3A_84 : i32
      %add3A_86 = arith.addi %arg1, %mul3A_85 : i32
      %lt3A = arith.constant 125 : i32
      %lt3A_87 = arith.cmpi slt, %add3A_86, %lt3A : i32
      %convert_element_type3A = arith.extui %lt3A_87 : i1 to i32
      %cond3A = arith.constant 0 : i32
      %cond3A_88 = arith.cmpi ne, %convert_element_type3A, %cond3A : i32
      scf.if %cond3A_88 {
        %mul3A_89 = arith.constant 80 : i32
        %mul3A_90 = arith.muli %add3A_86, %mul3A_89 : i32
        "tpu.region"() ({
          %run_scoped3A_93 = tpu.sem_alloc : memref<!tpu.dma_semaphore, #tpu.memory_space<semaphore_mem>>
          %dma_start3A_94 = arith.constant 0 : i32
          %dma_start3A_95 = tpu.memref_slice %arg11[%mul3A_90, %dma_start3A_94] : memref<10000x128xf32, #tpu.memory_space<vmem_shared>> -> memref<80x128xf32, #tpu.memory_space<vmem_shared>>
          %dma_start3A_96 = arith.constant 0 : i32
          %dma_start3A_97 = tpu.memref_slice %arg11[%mul3A_90, %dma_start3A_96] : memref<10000x128xf32, #tpu.memory_space<vmem_shared>> -> memref<80x128xf32, #tpu.memory_space<vmem_shared>>
          tpu.enqueue_dma source(%dma_start3A_97 : memref<80x128xf32, #tpu.memory_space<vmem_shared>>) target(%arg9 : memref<80x128xf32, #tpu.memory_space<vmem>>) target_semaphore(%run_scoped3A_93 : memref<!tpu.dma_semaphore, #tpu.memory_space<semaphore_mem>>)
          %dma_wait3A_98 = arith.constant 0 : i32
          %dma_wait3A_99 = tpu.memref_slice %arg11[%mul3A_90, %dma_wait3A_98] : memref<10000x128xf32, #tpu.memory_space<vmem_shared>> -> memref<80x128xf32, #tpu.memory_space<vmem_shared>>
          %dma_wait3A_100 = arith.constant 0 : i32
          %dma_wait3A_101 = tpu.memref_slice %arg11[%mul3A_90, %dma_wait3A_100] : memref<10000x128xf32, #tpu.memory_space<vmem_shared>> -> memref<80x128xf32, #tpu.memory_space<vmem_shared>>
          tpu.wait_dma2 semaphore(%run_scoped3A_93 : memref<!tpu.dma_semaphore, #tpu.memory_space<semaphore_mem>>) src(%dma_wait3A_101 : memref<80x128xf32, #tpu.memory_space<vmem_shared>>) dst(%arg9 : memref<80x128xf32, #tpu.memory_space<vmem>>)
          tpu.yield
        }) : () -> ()
        %mul3A_91 = arith.constant 80 : i32
        %mul3A_92 = arith.muli %add3A_86, %mul3A_91 : i32
        "tpu.region"() ({
          %run_scoped3A_93 = tpu.sem_alloc : memref<!tpu.dma_semaphore, #tpu.memory_space<semaphore_mem>>
          %dma_start3A_94 = arith.constant 0 : i32
          %dma_start3A_95 = tpu.memref_slice %arg6[%arg0, %mul3A_92, %dma_start3A_94] : memref<2x10000x128xf32, #tpu.memory_space<hbm>> -> memref<1x80x128xf32, #tpu.memory_space<hbm>>
          %dma_start3A_96 = tpu.memref_squeeze %dma_start3A_95 : memref<1x80x128xf32, #tpu.memory_space<hbm>> -> memref<80x128xf32, #tpu.memory_space<hbm>>
          %dma_start3A_97 = arith.constant 0 : i32
          %dma_start3A_98 = tpu.memref_slice %arg6[%arg0, %mul3A_92, %dma_start3A_97] : memref<2x10000x128xf32, #tpu.memory_space<hbm>> -> memref<1x80x128xf32, #tpu.memory_space<hbm>>
          %dma_start3A_99 = tpu.memref_squeeze %dma_start3A_98 : memref<1x80x128xf32, #tpu.memory_space<hbm>> -> memref<80x128xf32, #tpu.memory_space<hbm>>
          tpu.enqueue_dma source(%arg9 : memref<80x128xf32, #tpu.memory_space<vmem>>) target(%dma_start3A_99 : memref<80x128xf32, #tpu.memory_space<hbm>>) target_semaphore(%run_scoped3A_93 : memref<!tpu.dma_semaphore, #tpu.memory_space<semaphore_mem>>)
          %dma_wait3A_100 = arith.constant 0 : i32
          %dma_wait3A_101 = tpu.memref_slice %arg6[%arg0, %mul3A_92, %dma_wait3A_100] : memref<2x10000x128xf32, #tpu.memory_space<hbm>> -> memref<1x80x128xf32, #tpu.memory_space<hbm>>
          %dma_wait3A_102 = tpu.memref_squeeze %dma_wait3A_101 : memref<1x80x128xf32, #tpu.memory_space<hbm>> -> memref<80x128xf32, #tpu.memory_space<hbm>>
          %dma_wait3A_103 = arith.constant 0 : i32
          %dma_wait3A_104 = tpu.memref_slice %arg6[%arg0, %mul3A_92, %dma_wait3A_103] : memref<2x10000x128xf32, #tpu.memory_space<hbm>> -> memref<1x80x128xf32, #tpu.memory_space<hbm>>
          %dma_wait3A_105 = tpu.memref_squeeze %dma_wait3A_104 : memref<1x80x128xf32, #tpu.memory_space<hbm>> -> memref<80x128xf32, #tpu.memory_space<hbm>>
          tpu.wait_dma2 semaphore(%run_scoped3A_93 : memref<!tpu.dma_semaphore, #tpu.memory_space<semaphore_mem>>) src(%arg9 : memref<80x128xf32, #tpu.memory_space<vmem>>) dst(%dma_wait3A_105 : memref<80x128xf32, #tpu.memory_space<hbm>>)
          tpu.yield
        }) : () -> ()
      } else {
      }
    }
    %scan3A_78 = arith.constant 8 : i32
    return
  }
}

#map = affine_map<(d0, d1) -> (0, 0)>
#map1 = affine_map<(d0, d1) -> (0, 0, 0, 0)>
#map2 = affine_map<(d0, d1) -> (0, 0, 0)>
module attributes {stable_mosaic.version = 14 : i64} {
  func.func @k(%arg0: i32, %arg1: i32, %arg2: memref<10000x128xf32, #tpu.memory_space<hbm>>, %arg3: memref<32x4x32x80xi32, #tpu.memory_space<hbm>>, %arg4: memref<32x4x32x80xi32, #tpu.memory_space<hbm>>, %arg5: memref<80x128xf32, #tpu.memory_space<hbm>>, %arg6: memref<2x10000x128xf32, #tpu.memory_space<hbm>>, %arg7: memref<32x80xi32, #tpu.memory_space<vmem>>, %arg8: memref<32x80xi32, #tpu.memory_space<vmem>>, %arg9: memref<80x128xf32, #tpu.memory_space<vmem>>, %arg10: memref<80x128xf32, #tpu.memory_space<vmem>>, %arg11: memref<10000x128xf32, #tpu.memory_space<vmem_shared>>, %arg12: memref<!tpu.dma_semaphore, #tpu.memory_space<semaphore_mem>>, %arg13: memref<!tpu.dma_semaphore, #tpu.memory_space<semaphore_mem>>) attributes {dimension_semantics = [#tpu.dimension_semantics<core_parallel>, #tpu.dimension_semantics<subcore_parallel>], iteration_bounds = array<i64: 2, 16>, scalar_prefetch = 0 : i64, scratch_operands = 7 : i64, tpu.core_type = #tpu.core_type<sc_vector_subcore>, window_params = [{transform_indices = #map}, {transform_indices = #map1}, {transform_indices = #map1}, {transform_indices = #map}, {transform_indices = #map2}]} {
    %mul3A = arith.constant 16 : i32
    %mul3A_0 = arith.muli %arg0, %mul3A : i32
    %add3A = arith.addi %mul3A_0, %arg1 : i32
    "tpu.region"() ({
      %run_scoped3A_79 = tpu.sem_alloc : memref<!tpu.dma_semaphore, #tpu.memory_space<semaphore_mem>>
      tpu.enqueue_dma source(%arg5 : memref<80x128xf32, #tpu.memory_space<hbm>>) target(%arg9 : memref<80x128xf32, #tpu.memory_space<vmem>>) target_semaphore(%run_scoped3A_79 : memref<!tpu.dma_semaphore, #tpu.memory_space<semaphore_mem>>)
      tpu.wait_dma2 semaphore(%run_scoped3A_79 : memref<!tpu.dma_semaphore, #tpu.memory_space<semaphore_mem>>) src(%arg5 : memref<80x128xf32, #tpu.memory_space<hbm>>) dst(%arg9 : memref<80x128xf32, #tpu.memory_space<vmem>>)
      tpu.yield
    }) : () -> ()
    %scan3A = arith.constant 0 : i32
    %scan3A_1 = arith.constant 8 : i32
    %scan3A_2 = arith.addi %scan3A, %scan3A_1 : i32
    %scan3A_3 = arith.constant 1 : i32
    scf.for %scan3A_79 = %scan3A to %scan3A_2 step %scan3A_3  : i32 {
      %mul3A_80 = arith.constant 1 : i32
      %mul3A_81 = arith.muli %scan3A_79, %mul3A_80 : i32
      %add3A_82 = arith.constant 0 : i32
      %add3A_83 = arith.addi %add3A_82, %mul3A_81 : i32
      %mul3A_84 = arith.constant 16 : i32
      %mul3A_85 = arith.muli %add3A_83, %mul3A_84 : i32
      %add3A_86 = arith.addi %arg1, %mul3A_85 : i32
      %lt3A = arith.constant 125 : i32
      %lt3A_87 = arith.cmpi slt, %add3A_86, %lt3A : i32
      %convert_element_type3A = arith.extui %lt3A_87 : i1 to i32
      %cond3A = arith.constant 0 : i32
      %cond3A_88 = arith.cmpi ne, %convert_element_type3A, %cond3A : i32
      scf.if %cond3A_88 {
        %mul3A_89 = arith.constant 80 : i32
        %mul3A_90 = arith.muli %add3A_86, %mul3A_89 : i32
        "tpu.region"() ({
          %run_scoped3A_91 = tpu.sem_alloc : memref<!tpu.dma_semaphore, #tpu.memory_space<semaphore_mem>>
          %dma_start3A_92 = arith.constant 0 : i32
          %dma_start3A_93 = tpu.memref_slice %arg11[%mul3A_90, %dma_start3A_92] : memref<10000x128xf32, #tpu.memory_space<vmem_shared>> -> memref<80x128xf32, #tpu.memory_space<vmem_shared>>
          %dma_start3A_94 = arith.constant 0 : i32
          %dma_start3A_95 = tpu.memref_slice %arg11[%mul3A_90, %dma_start3A_94] : memref<10000x128xf32, #tpu.memory_space<vmem_shared>> -> memref<80x128xf32, #tpu.memory_space<vmem_shared>>
          tpu.enqueue_dma source(%arg9 : memref<80x128xf32, #tpu.memory_space<vmem>>) target(%dma_start3A_95 : memref<80x128xf32, #tpu.memory_space<vmem_shared>>) target_semaphore(%run_scoped3A_91 : memref<!tpu.dma_semaphore, #tpu.memory_space<semaphore_mem>>)
          %dma_wait3A_96 = arith.constant 0 : i32
          %dma_wait3A_97 = tpu.memref_slice %arg11[%mul3A_90, %dma_wait3A_96] : memref<10000x128xf32, #tpu.memory_space<vmem_shared>> -> memref<80x128xf32, #tpu.memory_space<vmem_shared>>
          %dma_wait3A_98 = arith.constant 0 : i32
          %dma_wait3A_99 = tpu.memref_slice %arg11[%mul3A_90, %dma_wait3A_98] : memref<10000x128xf32, #tpu.memory_space<vmem_shared>> -> memref<80x128xf32, #tpu.memory_space<vmem_shared>>
          tpu.wait_dma2 semaphore(%run_scoped3A_91 : memref<!tpu.dma_semaphore, #tpu.memory_space<semaphore_mem>>) src(%arg9 : memref<80x128xf32, #tpu.memory_space<vmem>>) dst(%dma_wait3A_99 : memref<80x128xf32, #tpu.memory_space<vmem_shared>>)
          tpu.yield
        }) : () -> ()
      } else {
      }
    }
    %scan3A_4 = arith.constant 8 : i32
    %barrier3A = arith.constant 0 : index
    tpu.barrier barrier_id(%barrier3A)
    %run_scoped3A = arith.constant 0 : i32
    "tpu.region"() ({
      %run_scoped3A_79 = tpu.sem_alloc : memref<!tpu.dma_semaphore, #tpu.memory_space<semaphore_mem>>
      %dma_start3A_80 = arith.constant 0 : i32
      %dma_start3A_81 = arith.constant 0 : i32
      %dma_start3A_82 = tpu.memref_slice %arg3[%add3A, %run_scoped3A, %dma_start3A_80, %dma_start3A_81] : memref<32x4x32x80xi32, #tpu.memory_space<hbm>> -> memref<1x1x32x80xi32, #tpu.memory_space<hbm>>
      %dma_start3A_83 = tpu.memref_squeeze %dma_start3A_82 : memref<1x1x32x80xi32, #tpu.memory_space<hbm>> -> memref<32x80xi32, #tpu.memory_space<hbm>>
      %dma_start3A_84 = arith.constant 0 : i32
      %dma_start3A_85 = arith.constant 0 : i32
      %dma_start3A_86 = tpu.memref_slice %arg3[%add3A, %run_scoped3A, %dma_start3A_84, %dma_start3A_85] : memref<32x4x32x80xi32, #tpu.memory_space<hbm>> -> memref<1x1x32x80xi32, #tpu.memory_space<hbm>>
      %dma_start3A_87 = tpu.memref_squeeze %dma_start3A_86 : memref<1x1x32x80xi32, #tpu.memory_space<hbm>> -> memref<32x80xi32, #tpu.memory_space<hbm>>
      tpu.enqueue_dma source(%dma_start3A_87 : memref<32x80xi32, #tpu.memory_space<hbm>>) target(%arg7 : memref<32x80xi32, #tpu.memory_space<vmem>>) target_semaphore(%run_scoped3A_79 : memref<!tpu.dma_semaphore, #tpu.memory_space<semaphore_mem>>)
      %dma_wait3A_88 = arith.constant 0 : i32
      %dma_wait3A_89 = arith.constant 0 : i32
      %dma_wait3A_90 = tpu.memref_slice %arg3[%add3A, %run_scoped3A, %dma_wait3A_88, %dma_wait3A_89] : memref<32x4x32x80xi32, #tpu.memory_space<hbm>> -> memref<1x1x32x80xi32, #tpu.memory_space<hbm>>
      %dma_wait3A_91 = tpu.memref_squeeze %dma_wait3A_90 : memref<1x1x32x80xi32, #tpu.memory_space<hbm>> -> memref<32x80xi32, #tpu.memory_space<hbm>>
      %dma_wait3A_92 = arith.constant 0 : i32
      %dma_wait3A_93 = arith.constant 0 : i32
      %dma_wait3A_94 = tpu.memref_slice %arg3[%add3A, %run_scoped3A, %dma_wait3A_92, %dma_wait3A_93] : memref<32x4x32x80xi32, #tpu.memory_space<hbm>> -> memref<1x1x32x80xi32, #tpu.memory_space<hbm>>
      %dma_wait3A_95 = tpu.memref_squeeze %dma_wait3A_94 : memref<1x1x32x80xi32, #tpu.memory_space<hbm>> -> memref<32x80xi32, #tpu.memory_space<hbm>>
      tpu.wait_dma2 semaphore(%run_scoped3A_79 : memref<!tpu.dma_semaphore, #tpu.memory_space<semaphore_mem>>) src(%dma_wait3A_95 : memref<32x80xi32, #tpu.memory_space<hbm>>) dst(%arg7 : memref<32x80xi32, #tpu.memory_space<vmem>>)
      tpu.yield
    }) : () -> ()
    %run_scoped3A_5 = arith.constant 0 : i32
    "tpu.region"() ({
      %run_scoped3A_79 = tpu.sem_alloc : memref<!tpu.dma_semaphore, #tpu.memory_space<semaphore_mem>>
      %dma_start3A_80 = arith.constant 0 : i32
      %dma_start3A_81 = arith.constant 0 : i32
      %dma_start3A_82 = tpu.memref_slice %arg4[%add3A, %run_scoped3A_5, %dma_start3A_80, %dma_start3A_81] : memref<32x4x32x80xi32, #tpu.memory_space<hbm>> -> memref<1x1x32x80xi32, #tpu.memory_space<hbm>>
      %dma_start3A_83 = tpu.memref_squeeze %dma_start3A_82 : memref<1x1x32x80xi32, #tpu.memory_space<hbm>> -> memref<32x80xi32, #tpu.memory_space<hbm>>
      %dma_start3A_84 = arith.constant 0 : i32
      %dma_start3A_85 = arith.constant 0 : i32
      %dma_start3A_86 = tpu.memref_slice %arg4[%add3A, %run_scoped3A_5, %dma_start3A_84, %dma_start3A_85] : memref<32x4x32x80xi32, #tpu.memory_space<hbm>> -> memref<1x1x32x80xi32, #tpu.memory_space<hbm>>
      %dma_start3A_87 = tpu.memref_squeeze %dma_start3A_86 : memref<1x1x32x80xi32, #tpu.memory_space<hbm>> -> memref<32x80xi32, #tpu.memory_space<hbm>>
      tpu.enqueue_dma source(%dma_start3A_87 : memref<32x80xi32, #tpu.memory_space<hbm>>) target(%arg8 : memref<32x80xi32, #tpu.memory_space<vmem>>) target_semaphore(%run_scoped3A_79 : memref<!tpu.dma_semaphore, #tpu.memory_space<semaphore_mem>>)
      %dma_wait3A_88 = arith.constant 0 : i32
      %dma_wait3A_89 = arith.constant 0 : i32
      %dma_wait3A_90 = tpu.memref_slice %arg4[%add3A, %run_scoped3A_5, %dma_wait3A_88, %dma_wait3A_89] : memref<32x4x32x80xi32, #tpu.memory_space<hbm>> -> memref<1x1x32x80xi32, #tpu.memory_space<hbm>>
      %dma_wait3A_91 = tpu.memref_squeeze %dma_wait3A_90 : memref<1x1x32x80xi32, #tpu.memory_space<hbm>> -> memref<32x80xi32, #tpu.memory_space<hbm>>
      %dma_wait3A_92 = arith.constant 0 : i32
      %dma_wait3A_93 = arith.constant 0 : i32
      %dma_wait3A_94 = tpu.memref_slice %arg4[%add3A, %run_scoped3A_5, %dma_wait3A_92, %dma_wait3A_93] : memref<32x4x32x80xi32, #tpu.memory_space<hbm>> -> memref<1x1x32x80xi32, #tpu.memory_space<hbm>>
      %dma_wait3A_95 = tpu.memref_squeeze %dma_wait3A_94 : memref<1x1x32x80xi32, #tpu.memory_space<hbm>> -> memref<32x80xi32, #tpu.memory_space<hbm>>
      tpu.wait_dma2 semaphore(%run_scoped3A_79 : memref<!tpu.dma_semaphore, #tpu.memory_space<semaphore_mem>>) src(%dma_wait3A_95 : memref<32x80xi32, #tpu.memory_space<hbm>>) dst(%arg8 : memref<32x80xi32, #tpu.memory_space<vmem>>)
      tpu.yield
    }) : () -> ()
    %dma_start3A = arith.constant 0 : i32
    %dma_start3A_6 = arith.constant 0 : i32
    %dma_start3A_7 = tpu.memref_slice %arg7[%dma_start3A, %dma_start3A_6] : memref<32x80xi32, #tpu.memory_space<vmem>> -> memref<1x80xi32, #tpu.memory_space<vmem>>
    %dma_start3A_8 = tpu.memref_squeeze %dma_start3A_7 : memref<1x80xi32, #tpu.memory_space<vmem>> -> memref<80xi32, #tpu.memory_space<vmem>>
    %dma_start3A_9 = arith.constant 0 : i32
    %dma_start3A_10 = arith.constant 0 : i32
    %dma_start3A_11 = tpu.memref_slice %arg2[%dma_start3A_9, %dma_start3A_10] : memref<10000x128xf32, #tpu.memory_space<hbm>> -> memref<10000x128xf32, #tpu.memory_space<hbm>>
    tpu.enqueue_indirect_dma source(%dma_start3A_11 : memref<10000x128xf32, #tpu.memory_space<hbm>>) target(%arg9 : memref<80x128xf32, #tpu.memory_space<vmem>>) offsets(%dma_start3A_8 : memref<80xi32, #tpu.memory_space<vmem>>) semaphore(%arg12 : memref<!tpu.dma_semaphore, #tpu.memory_space<semaphore_mem>>)
    %scan3A_12 = arith.constant 0 : i32
    %scan3A_13 = arith.constant 16 : i32
    %scan3A_14 = arith.addi %scan3A_12, %scan3A_13 : i32
    %scan3A_15 = arith.constant 1 : i32
    scf.for %scan3A_79 = %scan3A_12 to %scan3A_14 step %scan3A_15  : i32 {
      %mul3A_80 = arith.constant 1 : i32
      %mul3A_81 = arith.muli %scan3A_79, %mul3A_80 : i32
      %add3A_82 = arith.constant 0 : i32
      %add3A_83 = arith.addi %add3A_82, %mul3A_81 : i32
      %mul3A_84 = arith.constant 2 : i32
      %mul3A_85 = arith.muli %mul3A_84, %add3A_83 : i32
      %add3A_86 = arith.constant 0 : i32
      %add3A_87 = arith.addi %add3A_86, %mul3A_85 : i32
      %dma_wait3A_88 = arith.constant 0 : i32
      %dma_wait3A_89 = tpu.memref_slice %arg7[%add3A_87, %dma_wait3A_88] : memref<32x80xi32, #tpu.memory_space<vmem>> -> memref<1x80xi32, #tpu.memory_space<vmem>>
      %dma_wait3A_90 = tpu.memref_squeeze %dma_wait3A_89 : memref<1x80xi32, #tpu.memory_space<vmem>> -> memref<80xi32, #tpu.memory_space<vmem>>
      %dma_wait3A_91 = arith.constant 0 : i32
      %dma_wait3A_92 = arith.constant 0 : i32
      %dma_wait3A_93 = tpu.memref_slice %arg2[%dma_wait3A_91, %dma_wait3A_92] : memref<10000x128xf32, #tpu.memory_space<hbm>> -> memref<10000x128xf32, #tpu.memory_space<hbm>>
      tpu.wait_indirect_dma semaphore(%arg12 : memref<!tpu.dma_semaphore, #tpu.memory_space<semaphore_mem>>) src(%dma_wait3A_93 : memref<10000x128xf32, #tpu.memory_space<hbm>>) dst(%arg9 : memref<80x128xf32, #tpu.memory_space<vmem>>)
      %add3A_94 = arith.constant 1 : i32
      %add3A_95 = arith.addi %add3A_87, %add3A_94 : i32
      %dma_start3A_96 = arith.constant 0 : i32
      %dma_start3A_97 = tpu.memref_slice %arg7[%add3A_95, %dma_start3A_96] : memref<32x80xi32, #tpu.memory_space<vmem>> -> memref<1x80xi32, #tpu.memory_space<vmem>>
      %dma_start3A_98 = tpu.memref_squeeze %dma_start3A_97 : memref<1x80xi32, #tpu.memory_space<vmem>> -> memref<80xi32, #tpu.memory_space<vmem>>
      %dma_start3A_99 = arith.constant 0 : i32
      %dma_start3A_100 = arith.constant 0 : i32
      %dma_start3A_101 = tpu.memref_slice %arg2[%dma_start3A_99, %dma_start3A_100] : memref<10000x128xf32, #tpu.memory_space<hbm>> -> memref<10000x128xf32, #tpu.memory_space<hbm>>
      tpu.enqueue_indirect_dma source(%dma_start3A_101 : memref<10000x128xf32, #tpu.memory_space<hbm>>) target(%arg10 : memref<80x128xf32, #tpu.memory_space<vmem>>) offsets(%dma_start3A_98 : memref<80xi32, #tpu.memory_space<vmem>>) semaphore(%arg13 : memref<!tpu.dma_semaphore, #tpu.memory_space<semaphore_mem>>)
      "tpu.region"() ({
        %run_scoped3A_116 = tpu.sem_alloc : memref<!tpu.dma_semaphore, #tpu.memory_space<semaphore_mem>>
        %dma_start3A_117 = arith.constant 0 : i32
        %dma_start3A_118 = tpu.memref_slice %arg8[%add3A_87, %dma_start3A_117] : memref<32x80xi32, #tpu.memory_space<vmem>> -> memref<1x80xi32, #tpu.memory_space<vmem>>
        %dma_start3A_119 = tpu.memref_squeeze %dma_start3A_118 : memref<1x80xi32, #tpu.memory_space<vmem>> -> memref<80xi32, #tpu.memory_space<vmem>>
        %dma_start3A_120 = arith.constant 0 : i32
        %dma_start3A_121 = arith.constant 0 : i32
        %dma_start3A_122 = tpu.memref_slice %arg11[%dma_start3A_120, %dma_start3A_121] : memref<10000x128xf32, #tpu.memory_space<vmem_shared>> -> memref<10000x128xf32, #tpu.memory_space<vmem_shared>>
        tpu.enqueue_indirect_dma source(%arg9 : memref<80x128xf32, #tpu.memory_space<vmem>>) target(%dma_start3A_122 : memref<10000x128xf32, #tpu.memory_space<vmem_shared>>) offsets(%dma_start3A_119 : memref<80xi32, #tpu.memory_space<vmem>>) semaphore(%run_scoped3A_116 : memref<!tpu.dma_semaphore, #tpu.memory_space<semaphore_mem>>) {add = true}
        %dma_wait3A_123 = arith.constant 0 : i32
        %dma_wait3A_124 = tpu.memref_slice %arg8[%add3A_87, %dma_wait3A_123] : memref<32x80xi32, #tpu.memory_space<vmem>> -> memref<1x80xi32, #tpu.memory_space<vmem>>
        %dma_wait3A_125 = tpu.memref_squeeze %dma_wait3A_124 : memref<1x80xi32, #tpu.memory_space<vmem>> -> memref<80xi32, #tpu.memory_space<vmem>>
        %dma_wait3A_126 = arith.constant 0 : i32
        %dma_wait3A_127 = arith.constant 0 : i32
        %dma_wait3A_128 = tpu.memref_slice %arg11[%dma_wait3A_126, %dma_wait3A_127] : memref<10000x128xf32, #tpu.memory_space<vmem_shared>> -> memref<10000x128xf32, #tpu.memory_space<vmem_shared>>
        tpu.wait_indirect_dma semaphore(%run_scoped3A_116 : memref<!tpu.dma_semaphore, #tpu.memory_space<semaphore_mem>>) src(%arg9 : memref<80x128xf32, #tpu.memory_space<vmem>>) dst(%dma_wait3A_128 : memref<10000x128xf32, #tpu.memory_space<vmem_shared>>)
        tpu.yield
      }) : () -> ()
      %add3A_102 = arith.constant 2 : i32
      %add3A_103 = arith.addi %add3A_87, %add3A_102 : i32
      %lt3A = arith.constant 32 : i32
      %lt3A_104 = arith.cmpi slt, %add3A_103, %lt3A : i32
      %convert_element_type3A = arith.extui %lt3A_104 : i1 to i32
      %cond3A = arith.constant 0 : i32
      %cond3A_105 = arith.cmpi ne, %convert_element_type3A, %cond3A : i32
      scf.if %cond3A_105 {
        %add3A_116 = arith.constant 2 : i32
        %add3A_117 = arith.addi %add3A_87, %add3A_116 : i32
        %dma_start3A_118 = arith.constant 0 : i32
        %dma_start3A_119 = tpu.memref_slice %arg7[%add3A_117, %dma_start3A_118] : memref<32x80xi32, #tpu.memory_space<vmem>> -> memref<1x80xi32, #tpu.memory_space<vmem>>
        %dma_start3A_120 = tpu.memref_squeeze %dma_start3A_119 : memref<1x80xi32, #tpu.memory_space<vmem>> -> memref<80xi32, #tpu.memory_space<vmem>>
        %dma_start3A_121 = arith.constant 0 : i32
        %dma_start3A_122 = arith.constant 0 : i32
        %dma_start3A_123 = tpu.memref_slice %arg2[%dma_start3A_121, %dma_start3A_122] : memref<10000x128xf32, #tpu.memory_space<hbm>> -> memref<10000x128xf32, #tpu.memory_space<hbm>>
        tpu.enqueue_indirect_dma source(%dma_start3A_123 : memref<10000x128xf32, #tpu.memory_space<hbm>>) target(%arg9 : memref<80x128xf32, #tpu.memory_space<vmem>>) offsets(%dma_start3A_120 : memref<80xi32, #tpu.memory_space<vmem>>) semaphore(%arg12 : memref<!tpu.dma_semaphore, #tpu.memory_space<semaphore_mem>>)
      } else {
      }
      %add3A_106 = arith.constant 1 : i32
      %add3A_107 = arith.addi %add3A_87, %add3A_106 : i32
      %dma_wait3A_108 = arith.constant 0 : i32
      %dma_wait3A_109 = tpu.memref_slice %arg7[%add3A_107, %dma_wait3A_108] : memref<32x80xi32, #tpu.memory_space<vmem>> -> memref<1x80xi32, #tpu.memory_space<vmem>>
      %dma_wait3A_110 = tpu.memref_squeeze %dma_wait3A_109 : memref<1x80xi32, #tpu.memory_space<vmem>> -> memref<80xi32, #tpu.memory_space<vmem>>
      %dma_wait3A_111 = arith.constant 0 : i32
      %dma_wait3A_112 = arith.constant 0 : i32
      %dma_wait3A_113 = tpu.memref_slice %arg2[%dma_wait3A_111, %dma_wait3A_112] : memref<10000x128xf32, #tpu.memory_space<hbm>> -> memref<10000x128xf32, #tpu.memory_space<hbm>>
      tpu.wait_indirect_dma semaphore(%arg13 : memref<!tpu.dma_semaphore, #tpu.memory_space<semaphore_mem>>) src(%dma_wait3A_113 : memref<10000x128xf32, #tpu.memory_space<hbm>>) dst(%arg10 : memref<80x128xf32, #tpu.memory_space<vmem>>)
      %add3A_114 = arith.constant 1 : i32
      %add3A_115 = arith.addi %add3A_87, %add3A_114 : i32
      "tpu.region"() ({
        %run_scoped3A_116 = tpu.sem_alloc : memref<!tpu.dma_semaphore, #tpu.memory_space<semaphore_mem>>
        %dma_start3A_117 = arith.constant 0 : i32
        %dma_start3A_118 = tpu.memref_slice %arg8[%add3A_115, %dma_start3A_117] : memref<32x80xi32, #tpu.memory_space<vmem>> -> memref<1x80xi32, #tpu.memory_space<vmem>>
        %dma_start3A_119 = tpu.memref_squeeze %dma_start3A_118 : memref<1x80xi32, #tpu.memory_space<vmem>> -> memref<80xi32, #tpu.memory_space<vmem>>
        %dma_start3A_120 = arith.constant 0 : i32
        %dma_start3A_121 = arith.constant 0 : i32
        %dma_start3A_122 = tpu.memref_slice %arg11[%dma_start3A_120, %dma_start3A_121] : memref<10000x128xf32, #tpu.memory_space<vmem_shared>> -> memref<10000x128xf32, #tpu.memory_space<vmem_shared>>
        tpu.enqueue_indirect_dma source(%arg10 : memref<80x128xf32, #tpu.memory_space<vmem>>) target(%dma_start3A_122 : memref<10000x128xf32, #tpu.memory_space<vmem_shared>>) offsets(%dma_start3A_119 : memref<80xi32, #tpu.memory_space<vmem>>) semaphore(%run_scoped3A_116 : memref<!tpu.dma_semaphore, #tpu.memory_space<semaphore_mem>>) {add = true}
        %dma_wait3A_123 = arith.constant 0 : i32
        %dma_wait3A_124 = tpu.memref_slice %arg8[%add3A_115, %dma_wait3A_123] : memref<32x80xi32, #tpu.memory_space<vmem>> -> memref<1x80xi32, #tpu.memory_space<vmem>>
        %dma_wait3A_125 = tpu.memref_squeeze %dma_wait3A_124 : memref<1x80xi32, #tpu.memory_space<vmem>> -> memref<80xi32, #tpu.memory_space<vmem>>
        %dma_wait3A_126 = arith.constant 0 : i32
        %dma_wait3A_127 = arith.constant 0 : i32
        %dma_wait3A_128 = tpu.memref_slice %arg11[%dma_wait3A_126, %dma_wait3A_127] : memref<10000x128xf32, #tpu.memory_space<vmem_shared>> -> memref<10000x128xf32, #tpu.memory_space<vmem_shared>>
        tpu.wait_indirect_dma semaphore(%run_scoped3A_116 : memref<!tpu.dma_semaphore, #tpu.memory_space<semaphore_mem>>) src(%arg10 : memref<80x128xf32, #tpu.memory_space<vmem>>) dst(%dma_wait3A_128 : memref<10000x128xf32, #tpu.memory_space<vmem_shared>>)
        tpu.yield
      }) : () -> ()
    }
    %scan3A_16 = arith.constant 16 : i32
    %run_scoped3A_17 = arith.constant 1 : i32
    "tpu.region"() ({
      %run_scoped3A_79 = tpu.sem_alloc : memref<!tpu.dma_semaphore, #tpu.memory_space<semaphore_mem>>
      %dma_start3A_80 = arith.constant 0 : i32
      %dma_start3A_81 = arith.constant 0 : i32
      %dma_start3A_82 = tpu.memref_slice %arg3[%add3A, %run_scoped3A_17, %dma_start3A_80, %dma_start3A_81] : memref<32x4x32x80xi32, #tpu.memory_space<hbm>> -> memref<1x1x32x80xi32, #tpu.memory_space<hbm>>
      %dma_start3A_83 = tpu.memref_squeeze %dma_start3A_82 : memref<1x1x32x80xi32, #tpu.memory_space<hbm>> -> memref<32x80xi32, #tpu.memory_space<hbm>>
      %dma_start3A_84 = arith.constant 0 : i32
      %dma_start3A_85 = arith.constant 0 : i32
      %dma_start3A_86 = tpu.memref_slice %arg3[%add3A, %run_scoped3A_17, %dma_start3A_84, %dma_start3A_85] : memref<32x4x32x80xi32, #tpu.memory_space<hbm>> -> memref<1x1x32x80xi32, #tpu.memory_space<hbm>>
      %dma_start3A_87 = tpu.memref_squeeze %dma_start3A_86 : memref<1x1x32x80xi32, #tpu.memory_space<hbm>> -> memref<32x80xi32, #tpu.memory_space<hbm>>
      tpu.enqueue_dma source(%dma_start3A_87 : memref<32x80xi32, #tpu.memory_space<hbm>>) target(%arg7 : memref<32x80xi32, #tpu.memory_space<vmem>>) target_semaphore(%run_scoped3A_79 : memref<!tpu.dma_semaphore, #tpu.memory_space<semaphore_mem>>)
      %dma_wait3A_88 = arith.constant 0 : i32
      %dma_wait3A_89 = arith.constant 0 : i32
      %dma_wait3A_90 = tpu.memref_slice %arg3[%add3A, %run_scoped3A_17, %dma_wait3A_88, %dma_wait3A_89] : memref<32x4x32x80xi32, #tpu.memory_space<hbm>> -> memref<1x1x32x80xi32, #tpu.memory_space<hbm>>
      %dma_wait3A_91 = tpu.memref_squeeze %dma_wait3A_90 : memref<1x1x32x80xi32, #tpu.memory_space<hbm>> -> memref<32x80xi32, #tpu.memory_space<hbm>>
      %dma_wait3A_92 = arith.constant 0 : i32
      %dma_wait3A_93 = arith.constant 0 : i32
      %dma_wait3A_94 = tpu.memref_slice %arg3[%add3A, %run_scoped3A_17, %dma_wait3A_92, %dma_wait3A_93] : memref<32x4x32x80xi32, #tpu.memory_space<hbm>> -> memref<1x1x32x80xi32, #tpu.memory_space<hbm>>
      %dma_wait3A_95 = tpu.memref_squeeze %dma_wait3A_94 : memref<1x1x32x80xi32, #tpu.memory_space<hbm>> -> memref<32x80xi32, #tpu.memory_space<hbm>>
      tpu.wait_dma2 semaphore(%run_scoped3A_79 : memref<!tpu.dma_semaphore, #tpu.memory_space<semaphore_mem>>) src(%dma_wait3A_95 : memref<32x80xi32, #tpu.memory_space<hbm>>) dst(%arg7 : memref<32x80xi32, #tpu.memory_space<vmem>>)
      tpu.yield
    }) : () -> ()
    %run_scoped3A_18 = arith.constant 1 : i32
    "tpu.region"() ({
      %run_scoped3A_79 = tpu.sem_alloc : memref<!tpu.dma_semaphore, #tpu.memory_space<semaphore_mem>>
      %dma_start3A_80 = arith.constant 0 : i32
      %dma_start3A_81 = arith.constant 0 : i32
      %dma_start3A_82 = tpu.memref_slice %arg4[%add3A, %run_scoped3A_18, %dma_start3A_80, %dma_start3A_81] : memref<32x4x32x80xi32, #tpu.memory_space<hbm>> -> memref<1x1x32x80xi32, #tpu.memory_space<hbm>>
      %dma_start3A_83 = tpu.memref_squeeze %dma_start3A_82 : memref<1x1x32x80xi32, #tpu.memory_space<hbm>> -> memref<32x80xi32, #tpu.memory_space<hbm>>
      %dma_start3A_84 = arith.constant 0 : i32
      %dma_start3A_85 = arith.constant 0 : i32
      %dma_start3A_86 = tpu.memref_slice %arg4[%add3A, %run_scoped3A_18, %dma_start3A_84, %dma_start3A_85] : memref<32x4x32x80xi32, #tpu.memory_space<hbm>> -> memref<1x1x32x80xi32, #tpu.memory_space<hbm>>
      %dma_start3A_87 = tpu.memref_squeeze %dma_start3A_86 : memref<1x1x32x80xi32, #tpu.memory_space<hbm>> -> memref<32x80xi32, #tpu.memory_space<hbm>>
      tpu.enqueue_dma source(%dma_start3A_87 : memref<32x80xi32, #tpu.memory_space<hbm>>) target(%arg8 : memref<32x80xi32, #tpu.memory_space<vmem>>) target_semaphore(%run_scoped3A_79 : memref<!tpu.dma_semaphore, #tpu.memory_space<semaphore_mem>>)
      %dma_wait3A_88 = arith.constant 0 : i32
      %dma_wait3A_89 = arith.constant 0 : i32
      %dma_wait3A_90 = tpu.memref_slice %arg4[%add3A, %run_scoped3A_18, %dma_wait3A_88, %dma_wait3A_89] : memref<32x4x32x80xi32, #tpu.memory_space<hbm>> -> memref<1x1x32x80xi32, #tpu.memory_space<hbm>>
      %dma_wait3A_91 = tpu.memref_squeeze %dma_wait3A_90 : memref<1x1x32x80xi32, #tpu.memory_space<hbm>> -> memref<32x80xi32, #tpu.memory_space<hbm>>
      %dma_wait3A_92 = arith.constant 0 : i32
      %dma_wait3A_93 = arith.constant 0 : i32
      %dma_wait3A_94 = tpu.memref_slice %arg4[%add3A, %run_scoped3A_18, %dma_wait3A_92, %dma_wait3A_93] : memref<32x4x32x80xi32, #tpu.memory_space<hbm>> -> memref<1x1x32x80xi32, #tpu.memory_space<hbm>>
      %dma_wait3A_95 = tpu.memref_squeeze %dma_wait3A_94 : memref<1x1x32x80xi32, #tpu.memory_space<hbm>> -> memref<32x80xi32, #tpu.memory_space<hbm>>
      tpu.wait_dma2 semaphore(%run_scoped3A_79 : memref<!tpu.dma_semaphore, #tpu.memory_space<semaphore_mem>>) src(%dma_wait3A_95 : memref<32x80xi32, #tpu.memory_space<hbm>>) dst(%arg8 : memref<32x80xi32, #tpu.memory_space<vmem>>)
      tpu.yield
    }) : () -> ()
    %dma_start3A_19 = arith.constant 0 : i32
    %dma_start3A_20 = arith.constant 0 : i32
    %dma_start3A_21 = tpu.memref_slice %arg7[%dma_start3A_19, %dma_start3A_20] : memref<32x80xi32, #tpu.memory_space<vmem>> -> memref<1x80xi32, #tpu.memory_space<vmem>>
    %dma_start3A_22 = tpu.memref_squeeze %dma_start3A_21 : memref<1x80xi32, #tpu.memory_space<vmem>> -> memref<80xi32, #tpu.memory_space<vmem>>
    %dma_start3A_23 = arith.constant 0 : i32
    %dma_start3A_24 = arith.constant 0 : i32
    %dma_start3A_25 = tpu.memref_slice %arg2[%dma_start3A_23, %dma_start3A_24] : memref<10000x128xf32, #tpu.memory_space<hbm>> -> memref<10000x128xf32, #tpu.memory_space<hbm>>
    tpu.enqueue_indirect_dma source(%dma_start3A_25 : memref<10000x128xf32, #tpu.memory_space<hbm>>) target(%arg9 : memref<80x128xf32, #tpu.memory_space<vmem>>) offsets(%dma_start3A_22 : memref<80xi32, #tpu.memory_space<vmem>>) semaphore(%arg12 : memref<!tpu.dma_semaphore, #tpu.memory_space<semaphore_mem>>)
    %scan3A_26 = arith.constant 0 : i32
    %scan3A_27 = arith.constant 16 : i32
    %scan3A_28 = arith.addi %scan3A_26, %scan3A_27 : i32
    %scan3A_29 = arith.constant 1 : i32
    scf.for %scan3A_79 = %scan3A_26 to %scan3A_28 step %scan3A_29  : i32 {
      %mul3A_80 = arith.constant 1 : i32
      %mul3A_81 = arith.muli %scan3A_79, %mul3A_80 : i32
      %add3A_82 = arith.constant 0 : i32
      %add3A_83 = arith.addi %add3A_82, %mul3A_81 : i32
      %mul3A_84 = arith.constant 2 : i32
      %mul3A_85 = arith.muli %mul3A_84, %add3A_83 : i32
      %add3A_86 = arith.constant 0 : i32
      %add3A_87 = arith.addi %add3A_86, %mul3A_85 : i32
      %dma_wait3A_88 = arith.constant 0 : i32
      %dma_wait3A_89 = tpu.memref_slice %arg7[%add3A_87, %dma_wait3A_88] : memref<32x80xi32, #tpu.memory_space<vmem>> -> memref<1x80xi32, #tpu.memory_space<vmem>>
      %dma_wait3A_90 = tpu.memref_squeeze %dma_wait3A_89 : memref<1x80xi32, #tpu.memory_space<vmem>> -> memref<80xi32, #tpu.memory_space<vmem>>
      %dma_wait3A_91 = arith.constant 0 : i32
      %dma_wait3A_92 = arith.constant 0 : i32
      %dma_wait3A_93 = tpu.memref_slice %arg2[%dma_wait3A_91, %dma_wait3A_92] : memref<10000x128xf32, #tpu.memory_space<hbm>> -> memref<10000x128xf32, #tpu.memory_space<hbm>>
      tpu.wait_indirect_dma semaphore(%arg12 : memref<!tpu.dma_semaphore, #tpu.memory_space<semaphore_mem>>) src(%dma_wait3A_93 : memref<10000x128xf32, #tpu.memory_space<hbm>>) dst(%arg9 : memref<80x128xf32, #tpu.memory_space<vmem>>)
      %add3A_94 = arith.constant 1 : i32
      %add3A_95 = arith.addi %add3A_87, %add3A_94 : i32
      %dma_start3A_96 = arith.constant 0 : i32
      %dma_start3A_97 = tpu.memref_slice %arg7[%add3A_95, %dma_start3A_96] : memref<32x80xi32, #tpu.memory_space<vmem>> -> memref<1x80xi32, #tpu.memory_space<vmem>>
      %dma_start3A_98 = tpu.memref_squeeze %dma_start3A_97 : memref<1x80xi32, #tpu.memory_space<vmem>> -> memref<80xi32, #tpu.memory_space<vmem>>
      %dma_start3A_99 = arith.constant 0 : i32
      %dma_start3A_100 = arith.constant 0 : i32
      %dma_start3A_101 = tpu.memref_slice %arg2[%dma_start3A_99, %dma_start3A_100] : memref<10000x128xf32, #tpu.memory_space<hbm>> -> memref<10000x128xf32, #tpu.memory_space<hbm>>
      tpu.enqueue_indirect_dma source(%dma_start3A_101 : memref<10000x128xf32, #tpu.memory_space<hbm>>) target(%arg10 : memref<80x128xf32, #tpu.memory_space<vmem>>) offsets(%dma_start3A_98 : memref<80xi32, #tpu.memory_space<vmem>>) semaphore(%arg13 : memref<!tpu.dma_semaphore, #tpu.memory_space<semaphore_mem>>)
      "tpu.region"() ({
        %run_scoped3A_116 = tpu.sem_alloc : memref<!tpu.dma_semaphore, #tpu.memory_space<semaphore_mem>>
        %dma_start3A_117 = arith.constant 0 : i32
        %dma_start3A_118 = tpu.memref_slice %arg8[%add3A_87, %dma_start3A_117] : memref<32x80xi32, #tpu.memory_space<vmem>> -> memref<1x80xi32, #tpu.memory_space<vmem>>
        %dma_start3A_119 = tpu.memref_squeeze %dma_start3A_118 : memref<1x80xi32, #tpu.memory_space<vmem>> -> memref<80xi32, #tpu.memory_space<vmem>>
        %dma_start3A_120 = arith.constant 0 : i32
        %dma_start3A_121 = arith.constant 0 : i32
        %dma_start3A_122 = tpu.memref_slice %arg11[%dma_start3A_120, %dma_start3A_121] : memref<10000x128xf32, #tpu.memory_space<vmem_shared>> -> memref<10000x128xf32, #tpu.memory_space<vmem_shared>>
        tpu.enqueue_indirect_dma source(%arg9 : memref<80x128xf32, #tpu.memory_space<vmem>>) target(%dma_start3A_122 : memref<10000x128xf32, #tpu.memory_space<vmem_shared>>) offsets(%dma_start3A_119 : memref<80xi32, #tpu.memory_space<vmem>>) semaphore(%run_scoped3A_116 : memref<!tpu.dma_semaphore, #tpu.memory_space<semaphore_mem>>) {add = true}
        %dma_wait3A_123 = arith.constant 0 : i32
        %dma_wait3A_124 = tpu.memref_slice %arg8[%add3A_87, %dma_wait3A_123] : memref<32x80xi32, #tpu.memory_space<vmem>> -> memref<1x80xi32, #tpu.memory_space<vmem>>
        %dma_wait3A_125 = tpu.memref_squeeze %dma_wait3A_124 : memref<1x80xi32, #tpu.memory_space<vmem>> -> memref<80xi32, #tpu.memory_space<vmem>>
        %dma_wait3A_126 = arith.constant 0 : i32
        %dma_wait3A_127 = arith.constant 0 : i32
        %dma_wait3A_128 = tpu.memref_slice %arg11[%dma_wait3A_126, %dma_wait3A_127] : memref<10000x128xf32, #tpu.memory_space<vmem_shared>> -> memref<10000x128xf32, #tpu.memory_space<vmem_shared>>
        tpu.wait_indirect_dma semaphore(%run_scoped3A_116 : memref<!tpu.dma_semaphore, #tpu.memory_space<semaphore_mem>>) src(%arg9 : memref<80x128xf32, #tpu.memory_space<vmem>>) dst(%dma_wait3A_128 : memref<10000x128xf32, #tpu.memory_space<vmem_shared>>)
        tpu.yield
      }) : () -> ()
      %add3A_102 = arith.constant 2 : i32
      %add3A_103 = arith.addi %add3A_87, %add3A_102 : i32
      %lt3A = arith.constant 32 : i32
      %lt3A_104 = arith.cmpi slt, %add3A_103, %lt3A : i32
      %convert_element_type3A = arith.extui %lt3A_104 : i1 to i32
      %cond3A = arith.constant 0 : i32
      %cond3A_105 = arith.cmpi ne, %convert_element_type3A, %cond3A : i32
      scf.if %cond3A_105 {
        %add3A_116 = arith.constant 2 : i32
        %add3A_117 = arith.addi %add3A_87, %add3A_116 : i32
        %dma_start3A_118 = arith.constant 0 : i32
        %dma_start3A_119 = tpu.memref_slice %arg7[%add3A_117, %dma_start3A_118] : memref<32x80xi32, #tpu.memory_space<vmem>> -> memref<1x80xi32, #tpu.memory_space<vmem>>
        %dma_start3A_120 = tpu.memref_squeeze %dma_start3A_119 : memref<1x80xi32, #tpu.memory_space<vmem>> -> memref<80xi32, #tpu.memory_space<vmem>>
        %dma_start3A_121 = arith.constant 0 : i32
        %dma_start3A_122 = arith.constant 0 : i32
        %dma_start3A_123 = tpu.memref_slice %arg2[%dma_start3A_121, %dma_start3A_122] : memref<10000x128xf32, #tpu.memory_space<hbm>> -> memref<10000x128xf32, #tpu.memory_space<hbm>>
        tpu.enqueue_indirect_dma source(%dma_start3A_123 : memref<10000x128xf32, #tpu.memory_space<hbm>>) target(%arg9 : memref<80x128xf32, #tpu.memory_space<vmem>>) offsets(%dma_start3A_120 : memref<80xi32, #tpu.memory_space<vmem>>) semaphore(%arg12 : memref<!tpu.dma_semaphore, #tpu.memory_space<semaphore_mem>>)
      } else {
      }
      %add3A_106 = arith.constant 1 : i32
      %add3A_107 = arith.addi %add3A_87, %add3A_106 : i32
      %dma_wait3A_108 = arith.constant 0 : i32
      %dma_wait3A_109 = tpu.memref_slice %arg7[%add3A_107, %dma_wait3A_108] : memref<32x80xi32, #tpu.memory_space<vmem>> -> memref<1x80xi32, #tpu.memory_space<vmem>>
      %dma_wait3A_110 = tpu.memref_squeeze %dma_wait3A_109 : memref<1x80xi32, #tpu.memory_space<vmem>> -> memref<80xi32, #tpu.memory_space<vmem>>
      %dma_wait3A_111 = arith.constant 0 : i32
      %dma_wait3A_112 = arith.constant 0 : i32
      %dma_wait3A_113 = tpu.memref_slice %arg2[%dma_wait3A_111, %dma_wait3A_112] : memref<10000x128xf32, #tpu.memory_space<hbm>> -> memref<10000x128xf32, #tpu.memory_space<hbm>>
      tpu.wait_indirect_dma semaphore(%arg13 : memref<!tpu.dma_semaphore, #tpu.memory_space<semaphore_mem>>) src(%dma_wait3A_113 : memref<10000x128xf32, #tpu.memory_space<hbm>>) dst(%arg10 : memref<80x128xf32, #tpu.memory_space<vmem>>)
      %add3A_114 = arith.constant 1 : i32
      %add3A_115 = arith.addi %add3A_87, %add3A_114 : i32
      "tpu.region"() ({
        %run_scoped3A_116 = tpu.sem_alloc : memref<!tpu.dma_semaphore, #tpu.memory_space<semaphore_mem>>
        %dma_start3A_117 = arith.constant 0 : i32
        %dma_start3A_118 = tpu.memref_slice %arg8[%add3A_115, %dma_start3A_117] : memref<32x80xi32, #tpu.memory_space<vmem>> -> memref<1x80xi32, #tpu.memory_space<vmem>>
        %dma_start3A_119 = tpu.memref_squeeze %dma_start3A_118 : memref<1x80xi32, #tpu.memory_space<vmem>> -> memref<80xi32, #tpu.memory_space<vmem>>
        %dma_start3A_120 = arith.constant 0 : i32
        %dma_start3A_121 = arith.constant 0 : i32
        %dma_start3A_122 = tpu.memref_slice %arg11[%dma_start3A_120, %dma_start3A_121] : memref<10000x128xf32, #tpu.memory_space<vmem_shared>> -> memref<10000x128xf32, #tpu.memory_space<vmem_shared>>
        tpu.enqueue_indirect_dma source(%arg10 : memref<80x128xf32, #tpu.memory_space<vmem>>) target(%dma_start3A_122 : memref<10000x128xf32, #tpu.memory_space<vmem_shared>>) offsets(%dma_start3A_119 : memref<80xi32, #tpu.memory_space<vmem>>) semaphore(%run_scoped3A_116 : memref<!tpu.dma_semaphore, #tpu.memory_space<semaphore_mem>>) {add = true}
        %dma_wait3A_123 = arith.constant 0 : i32
        %dma_wait3A_124 = tpu.memref_slice %arg8[%add3A_115, %dma_wait3A_123] : memref<32x80xi32, #tpu.memory_space<vmem>> -> memref<1x80xi32, #tpu.memory_space<vmem>>
        %dma_wait3A_125 = tpu.memref_squeeze %dma_wait3A_124 : memref<1x80xi32, #tpu.memory_space<vmem>> -> memref<80xi32, #tpu.memory_space<vmem>>
        %dma_wait3A_126 = arith.constant 0 : i32
        %dma_wait3A_127 = arith.constant 0 : i32
        %dma_wait3A_128 = tpu.memref_slice %arg11[%dma_wait3A_126, %dma_wait3A_127] : memref<10000x128xf32, #tpu.memory_space<vmem_shared>> -> memref<10000x128xf32, #tpu.memory_space<vmem_shared>>
        tpu.wait_indirect_dma semaphore(%run_scoped3A_116 : memref<!tpu.dma_semaphore, #tpu.memory_space<semaphore_mem>>) src(%arg10 : memref<80x128xf32, #tpu.memory_space<vmem>>) dst(%dma_wait3A_128 : memref<10000x128xf32, #tpu.memory_space<vmem_shared>>)
        tpu.yield
      }) : () -> ()
    }
    %scan3A_30 = arith.constant 16 : i32
    %run_scoped3A_31 = arith.constant 2 : i32
    "tpu.region"() ({
      %run_scoped3A_79 = tpu.sem_alloc : memref<!tpu.dma_semaphore, #tpu.memory_space<semaphore_mem>>
      %dma_start3A_80 = arith.constant 0 : i32
      %dma_start3A_81 = arith.constant 0 : i32
      %dma_start3A_82 = tpu.memref_slice %arg3[%add3A, %run_scoped3A_31, %dma_start3A_80, %dma_start3A_81] : memref<32x4x32x80xi32, #tpu.memory_space<hbm>> -> memref<1x1x32x80xi32, #tpu.memory_space<hbm>>
      %dma_start3A_83 = tpu.memref_squeeze %dma_start3A_82 : memref<1x1x32x80xi32, #tpu.memory_space<hbm>> -> memref<32x80xi32, #tpu.memory_space<hbm>>
      %dma_start3A_84 = arith.constant 0 : i32
      %dma_start3A_85 = arith.constant 0 : i32
      %dma_start3A_86 = tpu.memref_slice %arg3[%add3A, %run_scoped3A_31, %dma_start3A_84, %dma_start3A_85] : memref<32x4x32x80xi32, #tpu.memory_space<hbm>> -> memref<1x1x32x80xi32, #tpu.memory_space<hbm>>
      %dma_start3A_87 = tpu.memref_squeeze %dma_start3A_86 : memref<1x1x32x80xi32, #tpu.memory_space<hbm>> -> memref<32x80xi32, #tpu.memory_space<hbm>>
      tpu.enqueue_dma source(%dma_start3A_87 : memref<32x80xi32, #tpu.memory_space<hbm>>) target(%arg7 : memref<32x80xi32, #tpu.memory_space<vmem>>) target_semaphore(%run_scoped3A_79 : memref<!tpu.dma_semaphore, #tpu.memory_space<semaphore_mem>>)
      %dma_wait3A_88 = arith.constant 0 : i32
      %dma_wait3A_89 = arith.constant 0 : i32
      %dma_wait3A_90 = tpu.memref_slice %arg3[%add3A, %run_scoped3A_31, %dma_wait3A_88, %dma_wait3A_89] : memref<32x4x32x80xi32, #tpu.memory_space<hbm>> -> memref<1x1x32x80xi32, #tpu.memory_space<hbm>>
      %dma_wait3A_91 = tpu.memref_squeeze %dma_wait3A_90 : memref<1x1x32x80xi32, #tpu.memory_space<hbm>> -> memref<32x80xi32, #tpu.memory_space<hbm>>
      %dma_wait3A_92 = arith.constant 0 : i32
      %dma_wait3A_93 = arith.constant 0 : i32
      %dma_wait3A_94 = tpu.memref_slice %arg3[%add3A, %run_scoped3A_31, %dma_wait3A_92, %dma_wait3A_93] : memref<32x4x32x80xi32, #tpu.memory_space<hbm>> -> memref<1x1x32x80xi32, #tpu.memory_space<hbm>>
      %dma_wait3A_95 = tpu.memref_squeeze %dma_wait3A_94 : memref<1x1x32x80xi32, #tpu.memory_space<hbm>> -> memref<32x80xi32, #tpu.memory_space<hbm>>
      tpu.wait_dma2 semaphore(%run_scoped3A_79 : memref<!tpu.dma_semaphore, #tpu.memory_space<semaphore_mem>>) src(%dma_wait3A_95 : memref<32x80xi32, #tpu.memory_space<hbm>>) dst(%arg7 : memref<32x80xi32, #tpu.memory_space<vmem>>)
      tpu.yield
    }) : () -> ()
    %run_scoped3A_32 = arith.constant 2 : i32
    "tpu.region"() ({
      %run_scoped3A_79 = tpu.sem_alloc : memref<!tpu.dma_semaphore, #tpu.memory_space<semaphore_mem>>
      %dma_start3A_80 = arith.constant 0 : i32
      %dma_start3A_81 = arith.constant 0 : i32
      %dma_start3A_82 = tpu.memref_slice %arg4[%add3A, %run_scoped3A_32, %dma_start3A_80, %dma_start3A_81] : memref<32x4x32x80xi32, #tpu.memory_space<hbm>> -> memref<1x1x32x80xi32, #tpu.memory_space<hbm>>
      %dma_start3A_83 = tpu.memref_squeeze %dma_start3A_82 : memref<1x1x32x80xi32, #tpu.memory_space<hbm>> -> memref<32x80xi32, #tpu.memory_space<hbm>>
      %dma_start3A_84 = arith.constant 0 : i32
      %dma_start3A_85 = arith.constant 0 : i32
      %dma_start3A_86 = tpu.memref_slice %arg4[%add3A, %run_scoped3A_32, %dma_start3A_84, %dma_start3A_85] : memref<32x4x32x80xi32, #tpu.memory_space<hbm>> -> memref<1x1x32x80xi32, #tpu.memory_space<hbm>>
      %dma_start3A_87 = tpu.memref_squeeze %dma_start3A_86 : memref<1x1x32x80xi32, #tpu.memory_space<hbm>> -> memref<32x80xi32, #tpu.memory_space<hbm>>
      tpu.enqueue_dma source(%dma_start3A_87 : memref<32x80xi32, #tpu.memory_space<hbm>>) target(%arg8 : memref<32x80xi32, #tpu.memory_space<vmem>>) target_semaphore(%run_scoped3A_79 : memref<!tpu.dma_semaphore, #tpu.memory_space<semaphore_mem>>)
      %dma_wait3A_88 = arith.constant 0 : i32
      %dma_wait3A_89 = arith.constant 0 : i32
      %dma_wait3A_90 = tpu.memref_slice %arg4[%add3A, %run_scoped3A_32, %dma_wait3A_88, %dma_wait3A_89] : memref<32x4x32x80xi32, #tpu.memory_space<hbm>> -> memref<1x1x32x80xi32, #tpu.memory_space<hbm>>
      %dma_wait3A_91 = tpu.memref_squeeze %dma_wait3A_90 : memref<1x1x32x80xi32, #tpu.memory_space<hbm>> -> memref<32x80xi32, #tpu.memory_space<hbm>>
      %dma_wait3A_92 = arith.constant 0 : i32
      %dma_wait3A_93 = arith.constant 0 : i32
      %dma_wait3A_94 = tpu.memref_slice %arg4[%add3A, %run_scoped3A_32, %dma_wait3A_92, %dma_wait3A_93] : memref<32x4x32x80xi32, #tpu.memory_space<hbm>> -> memref<1x1x32x80xi32, #tpu.memory_space<hbm>>
      %dma_wait3A_95 = tpu.memref_squeeze %dma_wait3A_94 : memref<1x1x32x80xi32, #tpu.memory_space<hbm>> -> memref<32x80xi32, #tpu.memory_space<hbm>>
      tpu.wait_dma2 semaphore(%run_scoped3A_79 : memref<!tpu.dma_semaphore, #tpu.memory_space<semaphore_mem>>) src(%dma_wait3A_95 : memref<32x80xi32, #tpu.memory_space<hbm>>) dst(%arg8 : memref<32x80xi32, #tpu.memory_space<vmem>>)
      tpu.yield
    }) : () -> ()
    %dma_start3A_33 = arith.constant 0 : i32
    %dma_start3A_34 = arith.constant 0 : i32
    %dma_start3A_35 = tpu.memref_slice %arg7[%dma_start3A_33, %dma_start3A_34] : memref<32x80xi32, #tpu.memory_space<vmem>> -> memref<1x80xi32, #tpu.memory_space<vmem>>
    %dma_start3A_36 = tpu.memref_squeeze %dma_start3A_35 : memref<1x80xi32, #tpu.memory_space<vmem>> -> memref<80xi32, #tpu.memory_space<vmem>>
    %dma_start3A_37 = arith.constant 0 : i32
    %dma_start3A_38 = arith.constant 0 : i32
    %dma_start3A_39 = tpu.memref_slice %arg2[%dma_start3A_37, %dma_start3A_38] : memref<10000x128xf32, #tpu.memory_space<hbm>> -> memref<10000x128xf32, #tpu.memory_space<hbm>>
    tpu.enqueue_indirect_dma source(%dma_start3A_39 : memref<10000x128xf32, #tpu.memory_space<hbm>>) target(%arg9 : memref<80x128xf32, #tpu.memory_space<vmem>>) offsets(%dma_start3A_36 : memref<80xi32, #tpu.memory_space<vmem>>) semaphore(%arg12 : memref<!tpu.dma_semaphore, #tpu.memory_space<semaphore_mem>>)
    %scan3A_40 = arith.constant 0 : i32
    %scan3A_41 = arith.constant 16 : i32
    %scan3A_42 = arith.addi %scan3A_40, %scan3A_41 : i32
    %scan3A_43 = arith.constant 1 : i32
    scf.for %scan3A_79 = %scan3A_40 to %scan3A_42 step %scan3A_43  : i32 {
      %mul3A_80 = arith.constant 1 : i32
      %mul3A_81 = arith.muli %scan3A_79, %mul3A_80 : i32
      %add3A_82 = arith.constant 0 : i32
      %add3A_83 = arith.addi %add3A_82, %mul3A_81 : i32
      %mul3A_84 = arith.constant 2 : i32
      %mul3A_85 = arith.muli %mul3A_84, %add3A_83 : i32
      %add3A_86 = arith.constant 0 : i32
      %add3A_87 = arith.addi %add3A_86, %mul3A_85 : i32
      %dma_wait3A_88 = arith.constant 0 : i32
      %dma_wait3A_89 = tpu.memref_slice %arg7[%add3A_87, %dma_wait3A_88] : memref<32x80xi32, #tpu.memory_space<vmem>> -> memref<1x80xi32, #tpu.memory_space<vmem>>
      %dma_wait3A_90 = tpu.memref_squeeze %dma_wait3A_89 : memref<1x80xi32, #tpu.memory_space<vmem>> -> memref<80xi32, #tpu.memory_space<vmem>>
      %dma_wait3A_91 = arith.constant 0 : i32
      %dma_wait3A_92 = arith.constant 0 : i32
      %dma_wait3A_93 = tpu.memref_slice %arg2[%dma_wait3A_91, %dma_wait3A_92] : memref<10000x128xf32, #tpu.memory_space<hbm>> -> memref<10000x128xf32, #tpu.memory_space<hbm>>
      tpu.wait_indirect_dma semaphore(%arg12 : memref<!tpu.dma_semaphore, #tpu.memory_space<semaphore_mem>>) src(%dma_wait3A_93 : memref<10000x128xf32, #tpu.memory_space<hbm>>) dst(%arg9 : memref<80x128xf32, #tpu.memory_space<vmem>>)
      %add3A_94 = arith.constant 1 : i32
      %add3A_95 = arith.addi %add3A_87, %add3A_94 : i32
      %dma_start3A_96 = arith.constant 0 : i32
      %dma_start3A_97 = tpu.memref_slice %arg7[%add3A_95, %dma_start3A_96] : memref<32x80xi32, #tpu.memory_space<vmem>> -> memref<1x80xi32, #tpu.memory_space<vmem>>
      %dma_start3A_98 = tpu.memref_squeeze %dma_start3A_97 : memref<1x80xi32, #tpu.memory_space<vmem>> -> memref<80xi32, #tpu.memory_space<vmem>>
      %dma_start3A_99 = arith.constant 0 : i32
      %dma_start3A_100 = arith.constant 0 : i32
      %dma_start3A_101 = tpu.memref_slice %arg2[%dma_start3A_99, %dma_start3A_100] : memref<10000x128xf32, #tpu.memory_space<hbm>> -> memref<10000x128xf32, #tpu.memory_space<hbm>>
      tpu.enqueue_indirect_dma source(%dma_start3A_101 : memref<10000x128xf32, #tpu.memory_space<hbm>>) target(%arg10 : memref<80x128xf32, #tpu.memory_space<vmem>>) offsets(%dma_start3A_98 : memref<80xi32, #tpu.memory_space<vmem>>) semaphore(%arg13 : memref<!tpu.dma_semaphore, #tpu.memory_space<semaphore_mem>>)
      "tpu.region"() ({
        %run_scoped3A_116 = tpu.sem_alloc : memref<!tpu.dma_semaphore, #tpu.memory_space<semaphore_mem>>
        %dma_start3A_117 = arith.constant 0 : i32
        %dma_start3A_118 = tpu.memref_slice %arg8[%add3A_87, %dma_start3A_117] : memref<32x80xi32, #tpu.memory_space<vmem>> -> memref<1x80xi32, #tpu.memory_space<vmem>>
        %dma_start3A_119 = tpu.memref_squeeze %dma_start3A_118 : memref<1x80xi32, #tpu.memory_space<vmem>> -> memref<80xi32, #tpu.memory_space<vmem>>
        %dma_start3A_120 = arith.constant 0 : i32
        %dma_start3A_121 = arith.constant 0 : i32
        %dma_start3A_122 = tpu.memref_slice %arg11[%dma_start3A_120, %dma_start3A_121] : memref<10000x128xf32, #tpu.memory_space<vmem_shared>> -> memref<10000x128xf32, #tpu.memory_space<vmem_shared>>
        tpu.enqueue_indirect_dma source(%arg9 : memref<80x128xf32, #tpu.memory_space<vmem>>) target(%dma_start3A_122 : memref<10000x128xf32, #tpu.memory_space<vmem_shared>>) offsets(%dma_start3A_119 : memref<80xi32, #tpu.memory_space<vmem>>) semaphore(%run_scoped3A_116 : memref<!tpu.dma_semaphore, #tpu.memory_space<semaphore_mem>>) {add = true}
        %dma_wait3A_123 = arith.constant 0 : i32
        %dma_wait3A_124 = tpu.memref_slice %arg8[%add3A_87, %dma_wait3A_123] : memref<32x80xi32, #tpu.memory_space<vmem>> -> memref<1x80xi32, #tpu.memory_space<vmem>>
        %dma_wait3A_125 = tpu.memref_squeeze %dma_wait3A_124 : memref<1x80xi32, #tpu.memory_space<vmem>> -> memref<80xi32, #tpu.memory_space<vmem>>
        %dma_wait3A_126 = arith.constant 0 : i32
        %dma_wait3A_127 = arith.constant 0 : i32
        %dma_wait3A_128 = tpu.memref_slice %arg11[%dma_wait3A_126, %dma_wait3A_127] : memref<10000x128xf32, #tpu.memory_space<vmem_shared>> -> memref<10000x128xf32, #tpu.memory_space<vmem_shared>>
        tpu.wait_indirect_dma semaphore(%run_scoped3A_116 : memref<!tpu.dma_semaphore, #tpu.memory_space<semaphore_mem>>) src(%arg9 : memref<80x128xf32, #tpu.memory_space<vmem>>) dst(%dma_wait3A_128 : memref<10000x128xf32, #tpu.memory_space<vmem_shared>>)
        tpu.yield
      }) : () -> ()
      %add3A_102 = arith.constant 2 : i32
      %add3A_103 = arith.addi %add3A_87, %add3A_102 : i32
      %lt3A = arith.constant 32 : i32
      %lt3A_104 = arith.cmpi slt, %add3A_103, %lt3A : i32
      %convert_element_type3A = arith.extui %lt3A_104 : i1 to i32
      %cond3A = arith.constant 0 : i32
      %cond3A_105 = arith.cmpi ne, %convert_element_type3A, %cond3A : i32
      scf.if %cond3A_105 {
        %add3A_116 = arith.constant 2 : i32
        %add3A_117 = arith.addi %add3A_87, %add3A_116 : i32
        %dma_start3A_118 = arith.constant 0 : i32
        %dma_start3A_119 = tpu.memref_slice %arg7[%add3A_117, %dma_start3A_118] : memref<32x80xi32, #tpu.memory_space<vmem>> -> memref<1x80xi32, #tpu.memory_space<vmem>>
        %dma_start3A_120 = tpu.memref_squeeze %dma_start3A_119 : memref<1x80xi32, #tpu.memory_space<vmem>> -> memref<80xi32, #tpu.memory_space<vmem>>
        %dma_start3A_121 = arith.constant 0 : i32
        %dma_start3A_122 = arith.constant 0 : i32
        %dma_start3A_123 = tpu.memref_slice %arg2[%dma_start3A_121, %dma_start3A_122] : memref<10000x128xf32, #tpu.memory_space<hbm>> -> memref<10000x128xf32, #tpu.memory_space<hbm>>
        tpu.enqueue_indirect_dma source(%dma_start3A_123 : memref<10000x128xf32, #tpu.memory_space<hbm>>) target(%arg9 : memref<80x128xf32, #tpu.memory_space<vmem>>) offsets(%dma_start3A_120 : memref<80xi32, #tpu.memory_space<vmem>>) semaphore(%arg12 : memref<!tpu.dma_semaphore, #tpu.memory_space<semaphore_mem>>)
      } else {
      }
      %add3A_106 = arith.constant 1 : i32
      %add3A_107 = arith.addi %add3A_87, %add3A_106 : i32
      %dma_wait3A_108 = arith.constant 0 : i32
      %dma_wait3A_109 = tpu.memref_slice %arg7[%add3A_107, %dma_wait3A_108] : memref<32x80xi32, #tpu.memory_space<vmem>> -> memref<1x80xi32, #tpu.memory_space<vmem>>
      %dma_wait3A_110 = tpu.memref_squeeze %dma_wait3A_109 : memref<1x80xi32, #tpu.memory_space<vmem>> -> memref<80xi32, #tpu.memory_space<vmem>>
      %dma_wait3A_111 = arith.constant 0 : i32
      %dma_wait3A_112 = arith.constant 0 : i32
      %dma_wait3A_113 = tpu.memref_slice %arg2[%dma_wait3A_111, %dma_wait3A_112] : memref<10000x128xf32, #tpu.memory_space<hbm>> -> memref<10000x128xf32, #tpu.memory_space<hbm>>
      tpu.wait_indirect_dma semaphore(%arg13 : memref<!tpu.dma_semaphore, #tpu.memory_space<semaphore_mem>>) src(%dma_wait3A_113 : memref<10000x128xf32, #tpu.memory_space<hbm>>) dst(%arg10 : memref<80x128xf32, #tpu.memory_space<vmem>>)
      %add3A_114 = arith.constant 1 : i32
      %add3A_115 = arith.addi %add3A_87, %add3A_114 : i32
      "tpu.region"() ({
        %run_scoped3A_116 = tpu.sem_alloc : memref<!tpu.dma_semaphore, #tpu.memory_space<semaphore_mem>>
        %dma_start3A_117 = arith.constant 0 : i32
        %dma_start3A_118 = tpu.memref_slice %arg8[%add3A_115, %dma_start3A_117] : memref<32x80xi32, #tpu.memory_space<vmem>> -> memref<1x80xi32, #tpu.memory_space<vmem>>
        %dma_start3A_119 = tpu.memref_squeeze %dma_start3A_118 : memref<1x80xi32, #tpu.memory_space<vmem>> -> memref<80xi32, #tpu.memory_space<vmem>>
        %dma_start3A_120 = arith.constant 0 : i32
        %dma_start3A_121 = arith.constant 0 : i32
        %dma_start3A_122 = tpu.memref_slice %arg11[%dma_start3A_120, %dma_start3A_121] : memref<10000x128xf32, #tpu.memory_space<vmem_shared>> -> memref<10000x128xf32, #tpu.memory_space<vmem_shared>>
        tpu.enqueue_indirect_dma source(%arg10 : memref<80x128xf32, #tpu.memory_space<vmem>>) target(%dma_start3A_122 : memref<10000x128xf32, #tpu.memory_space<vmem_shared>>) offsets(%dma_start3A_119 : memref<80xi32, #tpu.memory_space<vmem>>) semaphore(%run_scoped3A_116 : memref<!tpu.dma_semaphore, #tpu.memory_space<semaphore_mem>>) {add = true}
        %dma_wait3A_123 = arith.constant 0 : i32
        %dma_wait3A_124 = tpu.memref_slice %arg8[%add3A_115, %dma_wait3A_123] : memref<32x80xi32, #tpu.memory_space<vmem>> -> memref<1x80xi32, #tpu.memory_space<vmem>>
        %dma_wait3A_125 = tpu.memref_squeeze %dma_wait3A_124 : memref<1x80xi32, #tpu.memory_space<vmem>> -> memref<80xi32, #tpu.memory_space<vmem>>
        %dma_wait3A_126 = arith.constant 0 : i32
        %dma_wait3A_127 = arith.constant 0 : i32
        %dma_wait3A_128 = tpu.memref_slice %arg11[%dma_wait3A_126, %dma_wait3A_127] : memref<10000x128xf32, #tpu.memory_space<vmem_shared>> -> memref<10000x128xf32, #tpu.memory_space<vmem_shared>>
        tpu.wait_indirect_dma semaphore(%run_scoped3A_116 : memref<!tpu.dma_semaphore, #tpu.memory_space<semaphore_mem>>) src(%arg10 : memref<80x128xf32, #tpu.memory_space<vmem>>) dst(%dma_wait3A_128 : memref<10000x128xf32, #tpu.memory_space<vmem_shared>>)
        tpu.yield
      }) : () -> ()
    }
    %scan3A_44 = arith.constant 16 : i32
    %run_scoped3A_45 = arith.constant 3 : i32
    "tpu.region"() ({
      %run_scoped3A_79 = tpu.sem_alloc : memref<!tpu.dma_semaphore, #tpu.memory_space<semaphore_mem>>
      %dma_start3A_80 = arith.constant 0 : i32
      %dma_start3A_81 = arith.constant 0 : i32
      %dma_start3A_82 = tpu.memref_slice %arg3[%add3A, %run_scoped3A_45, %dma_start3A_80, %dma_start3A_81] : memref<32x4x32x80xi32, #tpu.memory_space<hbm>> -> memref<1x1x32x80xi32, #tpu.memory_space<hbm>>
      %dma_start3A_83 = tpu.memref_squeeze %dma_start3A_82 : memref<1x1x32x80xi32, #tpu.memory_space<hbm>> -> memref<32x80xi32, #tpu.memory_space<hbm>>
      %dma_start3A_84 = arith.constant 0 : i32
      %dma_start3A_85 = arith.constant 0 : i32
      %dma_start3A_86 = tpu.memref_slice %arg3[%add3A, %run_scoped3A_45, %dma_start3A_84, %dma_start3A_85] : memref<32x4x32x80xi32, #tpu.memory_space<hbm>> -> memref<1x1x32x80xi32, #tpu.memory_space<hbm>>
      %dma_start3A_87 = tpu.memref_squeeze %dma_start3A_86 : memref<1x1x32x80xi32, #tpu.memory_space<hbm>> -> memref<32x80xi32, #tpu.memory_space<hbm>>
      tpu.enqueue_dma source(%dma_start3A_87 : memref<32x80xi32, #tpu.memory_space<hbm>>) target(%arg7 : memref<32x80xi32, #tpu.memory_space<vmem>>) target_semaphore(%run_scoped3A_79 : memref<!tpu.dma_semaphore, #tpu.memory_space<semaphore_mem>>)
      %dma_wait3A_88 = arith.constant 0 : i32
      %dma_wait3A_89 = arith.constant 0 : i32
      %dma_wait3A_90 = tpu.memref_slice %arg3[%add3A, %run_scoped3A_45, %dma_wait3A_88, %dma_wait3A_89] : memref<32x4x32x80xi32, #tpu.memory_space<hbm>> -> memref<1x1x32x80xi32, #tpu.memory_space<hbm>>
      %dma_wait3A_91 = tpu.memref_squeeze %dma_wait3A_90 : memref<1x1x32x80xi32, #tpu.memory_space<hbm>> -> memref<32x80xi32, #tpu.memory_space<hbm>>
      %dma_wait3A_92 = arith.constant 0 : i32
      %dma_wait3A_93 = arith.constant 0 : i32
      %dma_wait3A_94 = tpu.memref_slice %arg3[%add3A, %run_scoped3A_45, %dma_wait3A_92, %dma_wait3A_93] : memref<32x4x32x80xi32, #tpu.memory_space<hbm>> -> memref<1x1x32x80xi32, #tpu.memory_space<hbm>>
      %dma_wait3A_95 = tpu.memref_squeeze %dma_wait3A_94 : memref<1x1x32x80xi32, #tpu.memory_space<hbm>> -> memref<32x80xi32, #tpu.memory_space<hbm>>
      tpu.wait_dma2 semaphore(%run_scoped3A_79 : memref<!tpu.dma_semaphore, #tpu.memory_space<semaphore_mem>>) src(%dma_wait3A_95 : memref<32x80xi32, #tpu.memory_space<hbm>>) dst(%arg7 : memref<32x80xi32, #tpu.memory_space<vmem>>)
      tpu.yield
    }) : () -> ()
    %run_scoped3A_46 = arith.constant 3 : i32
    "tpu.region"() ({
      %run_scoped3A_79 = tpu.sem_alloc : memref<!tpu.dma_semaphore, #tpu.memory_space<semaphore_mem>>
      %dma_start3A_80 = arith.constant 0 : i32
      %dma_start3A_81 = arith.constant 0 : i32
      %dma_start3A_82 = tpu.memref_slice %arg4[%add3A, %run_scoped3A_46, %dma_start3A_80, %dma_start3A_81] : memref<32x4x32x80xi32, #tpu.memory_space<hbm>> -> memref<1x1x32x80xi32, #tpu.memory_space<hbm>>
      %dma_start3A_83 = tpu.memref_squeeze %dma_start3A_82 : memref<1x1x32x80xi32, #tpu.memory_space<hbm>> -> memref<32x80xi32, #tpu.memory_space<hbm>>
      %dma_start3A_84 = arith.constant 0 : i32
      %dma_start3A_85 = arith.constant 0 : i32
      %dma_start3A_86 = tpu.memref_slice %arg4[%add3A, %run_scoped3A_46, %dma_start3A_84, %dma_start3A_85] : memref<32x4x32x80xi32, #tpu.memory_space<hbm>> -> memref<1x1x32x80xi32, #tpu.memory_space<hbm>>
      %dma_start3A_87 = tpu.memref_squeeze %dma_start3A_86 : memref<1x1x32x80xi32, #tpu.memory_space<hbm>> -> memref<32x80xi32, #tpu.memory_space<hbm>>
      tpu.enqueue_dma source(%dma_start3A_87 : memref<32x80xi32, #tpu.memory_space<hbm>>) target(%arg8 : memref<32x80xi32, #tpu.memory_space<vmem>>) target_semaphore(%run_scoped3A_79 : memref<!tpu.dma_semaphore, #tpu.memory_space<semaphore_mem>>)
      %dma_wait3A_88 = arith.constant 0 : i32
      %dma_wait3A_89 = arith.constant 0 : i32
      %dma_wait3A_90 = tpu.memref_slice %arg4[%add3A, %run_scoped3A_46, %dma_wait3A_88, %dma_wait3A_89] : memref<32x4x32x80xi32, #tpu.memory_space<hbm>> -> memref<1x1x32x80xi32, #tpu.memory_space<hbm>>
      %dma_wait3A_91 = tpu.memref_squeeze %dma_wait3A_90 : memref<1x1x32x80xi32, #tpu.memory_space<hbm>> -> memref<32x80xi32, #tpu.memory_space<hbm>>
      %dma_wait3A_92 = arith.constant 0 : i32
      %dma_wait3A_93 = arith.constant 0 : i32
      %dma_wait3A_94 = tpu.memref_slice %arg4[%add3A, %run_scoped3A_46, %dma_wait3A_92, %dma_wait3A_93] : memref<32x4x32x80xi32, #tpu.memory_space<hbm>> -> memref<1x1x32x80xi32, #tpu.memory_space<hbm>>
      %dma_wait3A_95 = tpu.memref_squeeze %dma_wait3A_94 : memref<1x1x32x80xi32, #tpu.memory_space<hbm>> -> memref<32x80xi32, #tpu.memory_space<hbm>>
      tpu.wait_dma2 semaphore(%run_scoped3A_79 : memref<!tpu.dma_semaphore, #tpu.memory_space<semaphore_mem>>) src(%dma_wait3A_95 : memref<32x80xi32, #tpu.memory_space<hbm>>) dst(%arg8 : memref<32x80xi32, #tpu.memory_space<vmem>>)
      tpu.yield
    }) : () -> ()
    %dma_start3A_47 = arith.constant 0 : i32
    %dma_start3A_48 = arith.constant 0 : i32
    %dma_start3A_49 = tpu.memref_slice %arg7[%dma_start3A_47, %dma_start3A_48] : memref<32x80xi32, #tpu.memory_space<vmem>> -> memref<1x80xi32, #tpu.memory_space<vmem>>
    %dma_start3A_50 = tpu.memref_squeeze %dma_start3A_49 : memref<1x80xi32, #tpu.memory_space<vmem>> -> memref<80xi32, #tpu.memory_space<vmem>>
    %dma_start3A_51 = arith.constant 0 : i32
    %dma_start3A_52 = arith.constant 0 : i32
    %dma_start3A_53 = tpu.memref_slice %arg2[%dma_start3A_51, %dma_start3A_52] : memref<10000x128xf32, #tpu.memory_space<hbm>> -> memref<10000x128xf32, #tpu.memory_space<hbm>>
    tpu.enqueue_indirect_dma source(%dma_start3A_53 : memref<10000x128xf32, #tpu.memory_space<hbm>>) target(%arg9 : memref<80x128xf32, #tpu.memory_space<vmem>>) offsets(%dma_start3A_50 : memref<80xi32, #tpu.memory_space<vmem>>) semaphore(%arg12 : memref<!tpu.dma_semaphore, #tpu.memory_space<semaphore_mem>>)
    %dma_wait3A = arith.constant 0 : i32
    %dma_wait3A_54 = arith.constant 0 : i32
    %dma_wait3A_55 = tpu.memref_slice %arg7[%dma_wait3A, %dma_wait3A_54] : memref<32x80xi32, #tpu.memory_space<vmem>> -> memref<1x80xi32, #tpu.memory_space<vmem>>
    %dma_wait3A_56 = tpu.memref_squeeze %dma_wait3A_55 : memref<1x80xi32, #tpu.memory_space<vmem>> -> memref<80xi32, #tpu.memory_space<vmem>>
    %dma_wait3A_57 = arith.constant 0 : i32
    %dma_wait3A_58 = arith.constant 0 : i32
    %dma_wait3A_59 = tpu.memref_slice %arg2[%dma_wait3A_57, %dma_wait3A_58] : memref<10000x128xf32, #tpu.memory_space<hbm>> -> memref<10000x128xf32, #tpu.memory_space<hbm>>
    tpu.wait_indirect_dma semaphore(%arg12 : memref<!tpu.dma_semaphore, #tpu.memory_space<semaphore_mem>>) src(%dma_wait3A_59 : memref<10000x128xf32, #tpu.memory_space<hbm>>) dst(%arg9 : memref<80x128xf32, #tpu.memory_space<vmem>>)
    %run_scoped3A_60 = arith.constant 0 : i32
    "tpu.region"() ({
      %run_scoped3A_79 = tpu.sem_alloc : memref<!tpu.dma_semaphore, #tpu.memory_space<semaphore_mem>>
      %dma_start3A_80 = arith.constant 0 : i32
      %dma_start3A_81 = tpu.memref_slice %arg8[%run_scoped3A_60, %dma_start3A_80] : memref<32x80xi32, #tpu.memory_space<vmem>> -> memref<1x80xi32, #tpu.memory_space<vmem>>
      %dma_start3A_82 = tpu.memref_squeeze %dma_start3A_81 : memref<1x80xi32, #tpu.memory_space<vmem>> -> memref<80xi32, #tpu.memory_space<vmem>>
      %dma_start3A_83 = arith.constant 0 : i32
      %dma_start3A_84 = arith.constant 0 : i32
      %dma_start3A_85 = tpu.memref_slice %arg11[%dma_start3A_83, %dma_start3A_84] : memref<10000x128xf32, #tpu.memory_space<vmem_shared>> -> memref<10000x128xf32, #tpu.memory_space<vmem_shared>>
      tpu.enqueue_indirect_dma source(%arg9 : memref<80x128xf32, #tpu.memory_space<vmem>>) target(%dma_start3A_85 : memref<10000x128xf32, #tpu.memory_space<vmem_shared>>) offsets(%dma_start3A_82 : memref<80xi32, #tpu.memory_space<vmem>>) semaphore(%run_scoped3A_79 : memref<!tpu.dma_semaphore, #tpu.memory_space<semaphore_mem>>) {add = true}
      %dma_wait3A_86 = arith.constant 0 : i32
      %dma_wait3A_87 = tpu.memref_slice %arg8[%run_scoped3A_60, %dma_wait3A_86] : memref<32x80xi32, #tpu.memory_space<vmem>> -> memref<1x80xi32, #tpu.memory_space<vmem>>
      %dma_wait3A_88 = tpu.memref_squeeze %dma_wait3A_87 : memref<1x80xi32, #tpu.memory_space<vmem>> -> memref<80xi32, #tpu.memory_space<vmem>>
      %dma_wait3A_89 = arith.constant 0 : i32
      %dma_wait3A_90 = arith.constant 0 : i32
      %dma_wait3A_91 = tpu.memref_slice %arg11[%dma_wait3A_89, %dma_wait3A_90] : memref<10000x128xf32, #tpu.memory_space<vmem_shared>> -> memref<10000x128xf32, #tpu.memory_space<vmem_shared>>
      tpu.wait_indirect_dma semaphore(%run_scoped3A_79 : memref<!tpu.dma_semaphore, #tpu.memory_space<semaphore_mem>>) src(%arg9 : memref<80x128xf32, #tpu.memory_space<vmem>>) dst(%dma_wait3A_91 : memref<10000x128xf32, #tpu.memory_space<vmem_shared>>)
      tpu.yield
    }) : () -> ()
    %dma_start3A_61 = arith.constant 1 : i32
    %dma_start3A_62 = arith.constant 0 : i32
    %dma_start3A_63 = tpu.memref_slice %arg7[%dma_start3A_61, %dma_start3A_62] : memref<32x80xi32, #tpu.memory_space<vmem>> -> memref<1x80xi32, #tpu.memory_space<vmem>>
    %dma_start3A_64 = tpu.memref_squeeze %dma_start3A_63 : memref<1x80xi32, #tpu.memory_space<vmem>> -> memref<80xi32, #tpu.memory_space<vmem>>
    %dma_start3A_65 = arith.constant 0 : i32
    %dma_start3A_66 = arith.constant 0 : i32
    %dma_start3A_67 = tpu.memref_slice %arg2[%dma_start3A_65, %dma_start3A_66] : memref<10000x128xf32, #tpu.memory_space<hbm>> -> memref<10000x128xf32, #tpu.memory_space<hbm>>
    tpu.enqueue_indirect_dma source(%dma_start3A_67 : memref<10000x128xf32, #tpu.memory_space<hbm>>) target(%arg9 : memref<80x128xf32, #tpu.memory_space<vmem>>) offsets(%dma_start3A_64 : memref<80xi32, #tpu.memory_space<vmem>>) semaphore(%arg12 : memref<!tpu.dma_semaphore, #tpu.memory_space<semaphore_mem>>)
    %scan3A_68 = arith.constant 0 : i32
    %scan3A_69 = arith.constant 14 : i32
    %scan3A_70 = arith.addi %scan3A_68, %scan3A_69 : i32
    %scan3A_71 = arith.constant 1 : i32
    scf.for %scan3A_79 = %scan3A_68 to %scan3A_70 step %scan3A_71  : i32 {
      %mul3A_80 = arith.constant 1 : i32
      %mul3A_81 = arith.muli %scan3A_79, %mul3A_80 : i32
      %add3A_82 = arith.constant 0 : i32
      %add3A_83 = arith.addi %add3A_82, %mul3A_81 : i32
      %mul3A_84 = arith.constant 2 : i32
      %mul3A_85 = arith.muli %mul3A_84, %add3A_83 : i32
      %add3A_86 = arith.constant 1 : i32
      %add3A_87 = arith.addi %add3A_86, %mul3A_85 : i32
      %dma_wait3A_88 = arith.constant 0 : i32
      %dma_wait3A_89 = tpu.memref_slice %arg7[%add3A_87, %dma_wait3A_88] : memref<32x80xi32, #tpu.memory_space<vmem>> -> memref<1x80xi32, #tpu.memory_space<vmem>>
      %dma_wait3A_90 = tpu.memref_squeeze %dma_wait3A_89 : memref<1x80xi32, #tpu.memory_space<vmem>> -> memref<80xi32, #tpu.memory_space<vmem>>
      %dma_wait3A_91 = arith.constant 0 : i32
      %dma_wait3A_92 = arith.constant 0 : i32
      %dma_wait3A_93 = tpu.memref_slice %arg2[%dma_wait3A_91, %dma_wait3A_92] : memref<10000x128xf32, #tpu.memory_space<hbm>> -> memref<10000x128xf32, #tpu.memory_space<hbm>>
      tpu.wait_indirect_dma semaphore(%arg12 : memref<!tpu.dma_semaphore, #tpu.memory_space<semaphore_mem>>) src(%dma_wait3A_93 : memref<10000x128xf32, #tpu.memory_space<hbm>>) dst(%arg9 : memref<80x128xf32, #tpu.memory_space<vmem>>)
      %add3A_94 = arith.constant 1 : i32
      %add3A_95 = arith.addi %add3A_87, %add3A_94 : i32
      %dma_start3A_96 = arith.constant 0 : i32
      %dma_start3A_97 = tpu.memref_slice %arg7[%add3A_95, %dma_start3A_96] : memref<32x80xi32, #tpu.memory_space<vmem>> -> memref<1x80xi32, #tpu.memory_space<vmem>>
      %dma_start3A_98 = tpu.memref_squeeze %dma_start3A_97 : memref<1x80xi32, #tpu.memory_space<vmem>> -> memref<80xi32, #tpu.memory_space<vmem>>
      %dma_start3A_99 = arith.constant 0 : i32
      %dma_start3A_100 = arith.constant 0 : i32
      %dma_start3A_101 = tpu.memref_slice %arg2[%dma_start3A_99, %dma_start3A_100] : memref<10000x128xf32, #tpu.memory_space<hbm>> -> memref<10000x128xf32, #tpu.memory_space<hbm>>
      tpu.enqueue_indirect_dma source(%dma_start3A_101 : memref<10000x128xf32, #tpu.memory_space<hbm>>) target(%arg10 : memref<80x128xf32, #tpu.memory_space<vmem>>) offsets(%dma_start3A_98 : memref<80xi32, #tpu.memory_space<vmem>>) semaphore(%arg13 : memref<!tpu.dma_semaphore, #tpu.memory_space<semaphore_mem>>)
      "tpu.region"() ({
        %run_scoped3A_116 = tpu.sem_alloc : memref<!tpu.dma_semaphore, #tpu.memory_space<semaphore_mem>>
        %dma_start3A_117 = arith.constant 0 : i32
        %dma_start3A_118 = tpu.memref_slice %arg8[%add3A_87, %dma_start3A_117] : memref<32x80xi32, #tpu.memory_space<vmem>> -> memref<1x80xi32, #tpu.memory_space<vmem>>
        %dma_start3A_119 = tpu.memref_squeeze %dma_start3A_118 : memref<1x80xi32, #tpu.memory_space<vmem>> -> memref<80xi32, #tpu.memory_space<vmem>>
        %dma_start3A_120 = arith.constant 0 : i32
        %dma_start3A_121 = arith.constant 0 : i32
        %dma_start3A_122 = tpu.memref_slice %arg11[%dma_start3A_120, %dma_start3A_121] : memref<10000x128xf32, #tpu.memory_space<vmem_shared>> -> memref<10000x128xf32, #tpu.memory_space<vmem_shared>>
        tpu.enqueue_indirect_dma source(%arg9 : memref<80x128xf32, #tpu.memory_space<vmem>>) target(%dma_start3A_122 : memref<10000x128xf32, #tpu.memory_space<vmem_shared>>) offsets(%dma_start3A_119 : memref<80xi32, #tpu.memory_space<vmem>>) semaphore(%run_scoped3A_116 : memref<!tpu.dma_semaphore, #tpu.memory_space<semaphore_mem>>) {add = true}
        %dma_wait3A_123 = arith.constant 0 : i32
        %dma_wait3A_124 = tpu.memref_slice %arg8[%add3A_87, %dma_wait3A_123] : memref<32x80xi32, #tpu.memory_space<vmem>> -> memref<1x80xi32, #tpu.memory_space<vmem>>
        %dma_wait3A_125 = tpu.memref_squeeze %dma_wait3A_124 : memref<1x80xi32, #tpu.memory_space<vmem>> -> memref<80xi32, #tpu.memory_space<vmem>>
        %dma_wait3A_126 = arith.constant 0 : i32
        %dma_wait3A_127 = arith.constant 0 : i32
        %dma_wait3A_128 = tpu.memref_slice %arg11[%dma_wait3A_126, %dma_wait3A_127] : memref<10000x128xf32, #tpu.memory_space<vmem_shared>> -> memref<10000x128xf32, #tpu.memory_space<vmem_shared>>
        tpu.wait_indirect_dma semaphore(%run_scoped3A_116 : memref<!tpu.dma_semaphore, #tpu.memory_space<semaphore_mem>>) src(%arg9 : memref<80x128xf32, #tpu.memory_space<vmem>>) dst(%dma_wait3A_128 : memref<10000x128xf32, #tpu.memory_space<vmem_shared>>)
        tpu.yield
      }) : () -> ()
      %add3A_102 = arith.constant 2 : i32
      %add3A_103 = arith.addi %add3A_87, %add3A_102 : i32
      %lt3A = arith.constant 29 : i32
      %lt3A_104 = arith.cmpi slt, %add3A_103, %lt3A : i32
      %convert_element_type3A = arith.extui %lt3A_104 : i1 to i32
      %cond3A = arith.constant 0 : i32
      %cond3A_105 = arith.cmpi ne, %convert_element_type3A, %cond3A : i32
      scf.if %cond3A_105 {
        %add3A_116 = arith.constant 2 : i32
        %add3A_117 = arith.addi %add3A_87, %add3A_116 : i32
        %dma_start3A_118 = arith.constant 0 : i32
        %dma_start3A_119 = tpu.memref_slice %arg7[%add3A_117, %dma_start3A_118] : memref<32x80xi32, #tpu.memory_space<vmem>> -> memref<1x80xi32, #tpu.memory_space<vmem>>
        %dma_start3A_120 = tpu.memref_squeeze %dma_start3A_119 : memref<1x80xi32, #tpu.memory_space<vmem>> -> memref<80xi32, #tpu.memory_space<vmem>>
        %dma_start3A_121 = arith.constant 0 : i32
        %dma_start3A_122 = arith.constant 0 : i32
        %dma_start3A_123 = tpu.memref_slice %arg2[%dma_start3A_121, %dma_start3A_122] : memref<10000x128xf32, #tpu.memory_space<hbm>> -> memref<10000x128xf32, #tpu.memory_space<hbm>>
        tpu.enqueue_indirect_dma source(%dma_start3A_123 : memref<10000x128xf32, #tpu.memory_space<hbm>>) target(%arg9 : memref<80x128xf32, #tpu.memory_space<vmem>>) offsets(%dma_start3A_120 : memref<80xi32, #tpu.memory_space<vmem>>) semaphore(%arg12 : memref<!tpu.dma_semaphore, #tpu.memory_space<semaphore_mem>>)
      } else {
      }
      %add3A_106 = arith.constant 1 : i32
      %add3A_107 = arith.addi %add3A_87, %add3A_106 : i32
      %dma_wait3A_108 = arith.constant 0 : i32
      %dma_wait3A_109 = tpu.memref_slice %arg7[%add3A_107, %dma_wait3A_108] : memref<32x80xi32, #tpu.memory_space<vmem>> -> memref<1x80xi32, #tpu.memory_space<vmem>>
      %dma_wait3A_110 = tpu.memref_squeeze %dma_wait3A_109 : memref<1x80xi32, #tpu.memory_space<vmem>> -> memref<80xi32, #tpu.memory_space<vmem>>
      %dma_wait3A_111 = arith.constant 0 : i32
      %dma_wait3A_112 = arith.constant 0 : i32
      %dma_wait3A_113 = tpu.memref_slice %arg2[%dma_wait3A_111, %dma_wait3A_112] : memref<10000x128xf32, #tpu.memory_space<hbm>> -> memref<10000x128xf32, #tpu.memory_space<hbm>>
      tpu.wait_indirect_dma semaphore(%arg13 : memref<!tpu.dma_semaphore, #tpu.memory_space<semaphore_mem>>) src(%dma_wait3A_113 : memref<10000x128xf32, #tpu.memory_space<hbm>>) dst(%arg10 : memref<80x128xf32, #tpu.memory_space<vmem>>)
      %add3A_114 = arith.constant 1 : i32
      %add3A_115 = arith.addi %add3A_87, %add3A_114 : i32
      "tpu.region"() ({
        %run_scoped3A_116 = tpu.sem_alloc : memref<!tpu.dma_semaphore, #tpu.memory_space<semaphore_mem>>
        %dma_start3A_117 = arith.constant 0 : i32
        %dma_start3A_118 = tpu.memref_slice %arg8[%add3A_115, %dma_start3A_117] : memref<32x80xi32, #tpu.memory_space<vmem>> -> memref<1x80xi32, #tpu.memory_space<vmem>>
        %dma_start3A_119 = tpu.memref_squeeze %dma_start3A_118 : memref<1x80xi32, #tpu.memory_space<vmem>> -> memref<80xi32, #tpu.memory_space<vmem>>
        %dma_start3A_120 = arith.constant 0 : i32
        %dma_start3A_121 = arith.constant 0 : i32
        %dma_start3A_122 = tpu.memref_slice %arg11[%dma_start3A_120, %dma_start3A_121] : memref<10000x128xf32, #tpu.memory_space<vmem_shared>> -> memref<10000x128xf32, #tpu.memory_space<vmem_shared>>
        tpu.enqueue_indirect_dma source(%arg10 : memref<80x128xf32, #tpu.memory_space<vmem>>) target(%dma_start3A_122 : memref<10000x128xf32, #tpu.memory_space<vmem_shared>>) offsets(%dma_start3A_119 : memref<80xi32, #tpu.memory_space<vmem>>) semaphore(%run_scoped3A_116 : memref<!tpu.dma_semaphore, #tpu.memory_space<semaphore_mem>>) {add = true}
        %dma_wait3A_123 = arith.constant 0 : i32
        %dma_wait3A_124 = tpu.memref_slice %arg8[%add3A_115, %dma_wait3A_123] : memref<32x80xi32, #tpu.memory_space<vmem>> -> memref<1x80xi32, #tpu.memory_space<vmem>>
        %dma_wait3A_125 = tpu.memref_squeeze %dma_wait3A_124 : memref<1x80xi32, #tpu.memory_space<vmem>> -> memref<80xi32, #tpu.memory_space<vmem>>
        %dma_wait3A_126 = arith.constant 0 : i32
        %dma_wait3A_127 = arith.constant 0 : i32
        %dma_wait3A_128 = tpu.memref_slice %arg11[%dma_wait3A_126, %dma_wait3A_127] : memref<10000x128xf32, #tpu.memory_space<vmem_shared>> -> memref<10000x128xf32, #tpu.memory_space<vmem_shared>>
        tpu.wait_indirect_dma semaphore(%run_scoped3A_116 : memref<!tpu.dma_semaphore, #tpu.memory_space<semaphore_mem>>) src(%arg10 : memref<80x128xf32, #tpu.memory_space<vmem>>) dst(%dma_wait3A_128 : memref<10000x128xf32, #tpu.memory_space<vmem_shared>>)
        tpu.yield
      }) : () -> ()
    }
    %scan3A_72 = arith.constant 14 : i32
    %barrier3A_73 = arith.constant 0 : index
    tpu.barrier barrier_id(%barrier3A_73)
    %scan3A_74 = arith.constant 0 : i32
    %scan3A_75 = arith.constant 8 : i32
    %scan3A_76 = arith.addi %scan3A_74, %scan3A_75 : i32
    %scan3A_77 = arith.constant 1 : i32
    scf.for %scan3A_79 = %scan3A_74 to %scan3A_76 step %scan3A_77  : i32 {
      %mul3A_80 = arith.constant 1 : i32
      %mul3A_81 = arith.muli %scan3A_79, %mul3A_80 : i32
      %add3A_82 = arith.constant 0 : i32
      %add3A_83 = arith.addi %add3A_82, %mul3A_81 : i32
      %mul3A_84 = arith.constant 16 : i32
      %mul3A_85 = arith.muli %add3A_83, %mul3A_84 : i32
      %add3A_86 = arith.addi %arg1, %mul3A_85 : i32
      %lt3A = arith.constant 125 : i32
      %lt3A_87 = arith.cmpi slt, %add3A_86, %lt3A : i32
      %convert_element_type3A = arith.extui %lt3A_87 : i1 to i32
      %cond3A = arith.constant 0 : i32
      %cond3A_88 = arith.cmpi ne, %convert_element_type3A, %cond3A : i32
      scf.if %cond3A_88 {
        %mul3A_89 = arith.constant 80 : i32
        %mul3A_90 = arith.muli %add3A_86, %mul3A_89 : i32
        "tpu.region"() ({
          %run_scoped3A_93 = tpu.sem_alloc : memref<!tpu.dma_semaphore, #tpu.memory_space<semaphore_mem>>
          %dma_start3A_94 = arith.constant 0 : i32
          %dma_start3A_95 = tpu.memref_slice %arg11[%mul3A_90, %dma_start3A_94] : memref<10000x128xf32, #tpu.memory_space<vmem_shared>> -> memref<80x128xf32, #tpu.memory_space<vmem_shared>>
          %dma_start3A_96 = arith.constant 0 : i32
          %dma_start3A_97 = tpu.memref_slice %arg11[%mul3A_90, %dma_start3A_96] : memref<10000x128xf32, #tpu.memory_space<vmem_shared>> -> memref<80x128xf32, #tpu.memory_space<vmem_shared>>
          tpu.enqueue_dma source(%dma_start3A_97 : memref<80x128xf32, #tpu.memory_space<vmem_shared>>) target(%arg9 : memref<80x128xf32, #tpu.memory_space<vmem>>) target_semaphore(%run_scoped3A_93 : memref<!tpu.dma_semaphore, #tpu.memory_space<semaphore_mem>>)
          %dma_wait3A_98 = arith.constant 0 : i32
          %dma_wait3A_99 = tpu.memref_slice %arg11[%mul3A_90, %dma_wait3A_98] : memref<10000x128xf32, #tpu.memory_space<vmem_shared>> -> memref<80x128xf32, #tpu.memory_space<vmem_shared>>
          %dma_wait3A_100 = arith.constant 0 : i32
          %dma_wait3A_101 = tpu.memref_slice %arg11[%mul3A_90, %dma_wait3A_100] : memref<10000x128xf32, #tpu.memory_space<vmem_shared>> -> memref<80x128xf32, #tpu.memory_space<vmem_shared>>
          tpu.wait_dma2 semaphore(%run_scoped3A_93 : memref<!tpu.dma_semaphore, #tpu.memory_space<semaphore_mem>>) src(%dma_wait3A_101 : memref<80x128xf32, #tpu.memory_space<vmem_shared>>) dst(%arg9 : memref<80x128xf32, #tpu.memory_space<vmem>>)
          tpu.yield
        }) : () -> ()
        %mul3A_91 = arith.constant 80 : i32
        %mul3A_92 = arith.muli %add3A_86, %mul3A_91 : i32
        "tpu.region"() ({
          %run_scoped3A_93 = tpu.sem_alloc : memref<!tpu.dma_semaphore, #tpu.memory_space<semaphore_mem>>
          %dma_start3A_94 = arith.constant 0 : i32
          %dma_start3A_95 = tpu.memref_slice %arg6[%arg0, %mul3A_92, %dma_start3A_94] : memref<2x10000x128xf32, #tpu.memory_space<hbm>> -> memref<1x80x128xf32, #tpu.memory_space<hbm>>
          %dma_start3A_96 = tpu.memref_squeeze %dma_start3A_95 : memref<1x80x128xf32, #tpu.memory_space<hbm>> -> memref<80x128xf32, #tpu.memory_space<hbm>>
          %dma_start3A_97 = arith.constant 0 : i32
          %dma_start3A_98 = tpu.memref_slice %arg6[%arg0, %mul3A_92, %dma_start3A_97] : memref<2x10000x128xf32, #tpu.memory_space<hbm>> -> memref<1x80x128xf32, #tpu.memory_space<hbm>>
          %dma_start3A_99 = tpu.memref_squeeze %dma_start3A_98 : memref<1x80x128xf32, #tpu.memory_space<hbm>> -> memref<80x128xf32, #tpu.memory_space<hbm>>
          tpu.enqueue_dma source(%arg9 : memref<80x128xf32, #tpu.memory_space<vmem>>) target(%dma_start3A_99 : memref<80x128xf32, #tpu.memory_space<hbm>>) target_semaphore(%run_scoped3A_93 : memref<!tpu.dma_semaphore, #tpu.memory_space<semaphore_mem>>)
          %dma_wait3A_100 = arith.constant 0 : i32
          %dma_wait3A_101 = tpu.memref_slice %arg6[%arg0, %mul3A_92, %dma_wait3A_100] : memref<2x10000x128xf32, #tpu.memory_space<hbm>> -> memref<1x80x128xf32, #tpu.memory_space<hbm>>
          %dma_wait3A_102 = tpu.memref_squeeze %dma_wait3A_101 : memref<1x80x128xf32, #tpu.memory_space<hbm>> -> memref<80x128xf32, #tpu.memory_space<hbm>>
          %dma_wait3A_103 = arith.constant 0 : i32
          %dma_wait3A_104 = tpu.memref_slice %arg6[%arg0, %mul3A_92, %dma_wait3A_103] : memref<2x10000x128xf32, #tpu.memory_space<hbm>> -> memref<1x80x128xf32, #tpu.memory_space<hbm>>
          %dma_wait3A_105 = tpu.memref_squeeze %dma_wait3A_104 : memref<1x80x128xf32, #tpu.memory_space<hbm>> -> memref<80x128xf32, #tpu.memory_space<hbm>>
          tpu.wait_dma2 semaphore(%run_scoped3A_93 : memref<!tpu.dma_semaphore, #tpu.memory_space<semaphore_mem>>) src(%arg9 : memref<80x128xf32, #tpu.memory_space<vmem>>) dst(%dma_wait3A_105 : memref<80x128xf32, #tpu.memory_space<hbm>>)
          tpu.yield
        }) : () -> ()
      } else {
      }
    }
    %scan3A_78 = arith.constant 8 : i32
    return
  }
}

module attributes {stable_mosaic.version = 14 : i64} {
  func.func @k(%arg0: memref<10000x128xf32, #tpu.memory_space<vmem>>, %arg1: memref<128x128xf32, #tpu.memory_space<vmem>>, %arg2: memref<128xf32, #tpu.memory_space<vmem>>, %arg3: memref<128xf32, #tpu.memory_space<vmem>>, %arg4: memref<128xf32, #tpu.memory_space<vmem>>, %arg5: memref<10000x128xf32, #tpu.memory_space<vmem>>) attributes {dimension_semantics = [], scalar_prefetch = 0 : i64, scratch_operands = 0 : i64, tpu.core_type = #tpu.core_type<tc>} {
    %get3A = arith.constant 0 : index
    %get3A_0 = arith.constant 0 : index
    %get3A_1 = vector.load %arg0[%get3A, %get3A_0] : memref<10000x128xf32, #tpu.memory_space<vmem>>, vector<10000x128xf32>
    %get3A_2 = arith.constant 0 : index
    %get3A_3 = arith.constant 0 : index
    %get3A_4 = vector.load %arg1[%get3A_2, %get3A_3] : memref<128x128xf32, #tpu.memory_space<vmem>>, vector<128x128xf32>
    %transpose3A = tpu.transpose %get3A_4, [1, 0] : vector<128x128xf32> -> vector<128x128xf32>
    %dot_general3A = arith.constant dense<0.000000e+00> : vector<10000x128xf32>
    %dot_general3A_5 = tpu.matmul %get3A_1, %transpose3A, %dot_general3A {dimension_numbers = #tpu.dot_dimension_numbers<[1], [0], [0], [1], [0, 0, 1, 1], [], []>, precision = #tpu.contract_precision<fp32>, transpose_lhs_hint = false} : vector<10000x128xf32>, vector<128x128xf32>, vector<10000x128xf32> -> vector<10000x128xf32>
    %get3A_6 = arith.constant 0 : index
    %get3A_7 = vector.load %arg2[%get3A_6] : memref<128xf32, #tpu.memory_space<vmem>>, vector<128xf32>
    %broadcast_in_dim3A = vector.shape_cast %get3A_7 : vector<128xf32> to vector<1x128xf32>
    %add3A = vector.broadcast %broadcast_in_dim3A : vector<1x128xf32> to vector<10000x128xf32>
    %add3A_8 = arith.addf %dot_general3A_5, %add3A : vector<10000x128xf32>
    %max3A = arith.constant 0.000000e+00 : f32
    %max3A_9 = vector.broadcast %max3A : f32 to vector<10000x128xf32>
    %max3A_10 = arith.maximumf %add3A_8, %max3A_9 : vector<10000x128xf32>
    %get3A_11 = arith.constant 0 : index
    %get3A_12 = vector.load %arg3[%get3A_11] : memref<128xf32, #tpu.memory_space<vmem>>, vector<128xf32>
    %get3A_13 = arith.constant 0 : index
    %get3A_14 = vector.load %arg4[%get3A_13] : memref<128xf32, #tpu.memory_space<vmem>>, vector<128xf32>
    %reshape3A = vector.shape_cast %max3A_10 : vector<10000x128xf32> to vector<8x1250x128xf32>
    %reduce_sum3A = arith.constant dense<0.000000e+00> : vector<8x128xf32>
    %reduce_sum3A_15 = vector.multi_reduction <add>, %reshape3A, %reduce_sum3A [1] : vector<8x1250x128xf32> to vector<8x128xf32>
    %reduce_sum3A_16 = arith.constant dense<0.000000e+00> : vector<128xf32>
    %reduce_sum3A_17 = vector.multi_reduction <add>, %reduce_sum3A_15, %reduce_sum3A_16 [0] : vector<8x128xf32> to vector<128xf32>
    %mul3A = arith.constant 9.99999974E-5 : f32
    %mul3A_18 = vector.broadcast %mul3A : f32 to vector<128xf32>
    %mul3A_19 = arith.mulf %reduce_sum3A_17, %mul3A_18 : vector<128xf32>
    %broadcast_in_dim3A_20 = vector.shape_cast %mul3A_19 : vector<128xf32> to vector<1x128xf32>
    %sub3A = vector.broadcast %broadcast_in_dim3A_20 : vector<1x128xf32> to vector<10000x128xf32>
    %sub3A_21 = arith.subf %max3A_10, %sub3A : vector<10000x128xf32>
    %mul3A_22 = arith.mulf %sub3A_21, %sub3A_21 : vector<10000x128xf32>
    %reshape3A_23 = vector.shape_cast %mul3A_22 : vector<10000x128xf32> to vector<8x1250x128xf32>
    %reduce_sum3A_24 = arith.constant dense<0.000000e+00> : vector<8x128xf32>
    %reduce_sum3A_25 = vector.multi_reduction <add>, %reshape3A_23, %reduce_sum3A_24 [1] : vector<8x1250x128xf32> to vector<8x128xf32>
    %reduce_sum3A_26 = arith.constant dense<0.000000e+00> : vector<128xf32>
    %reduce_sum3A_27 = vector.multi_reduction <add>, %reduce_sum3A_25, %reduce_sum3A_26 [0] : vector<8x128xf32> to vector<128xf32>
    %mul3A_28 = arith.constant 9.99999974E-5 : f32
    %mul3A_29 = vector.broadcast %mul3A_28 : f32 to vector<128xf32>
    %mul3A_30 = arith.mulf %reduce_sum3A_27, %mul3A_29 : vector<128xf32>
    %broadcast_in_dim3A_31 = vector.shape_cast %get3A_12 : vector<128xf32> to vector<1x128xf32>
    %mul3A_32 = vector.broadcast %broadcast_in_dim3A_31 : vector<1x128xf32> to vector<10000x128xf32>
    %mul3A_33 = arith.mulf %mul3A_32, %sub3A_21 : vector<10000x128xf32>
    %add3A_34 = arith.constant 9.99999974E-6 : f32
    %add3A_35 = vector.broadcast %add3A_34 : f32 to vector<128xf32>
    %add3A_36 = arith.addf %mul3A_30, %add3A_35 : vector<128xf32>
    %sqrt3A = math.sqrt %add3A_36 : vector<128xf32>
    %broadcast_in_dim3A_37 = vector.shape_cast %sqrt3A : vector<128xf32> to vector<1x128xf32>
    %div3A = vector.broadcast %broadcast_in_dim3A_37 : vector<1x128xf32> to vector<10000x128xf32>
    %div3A_38 = arith.divf %mul3A_33, %div3A : vector<10000x128xf32>
    %broadcast_in_dim3A_39 = vector.shape_cast %get3A_14 : vector<128xf32> to vector<1x128xf32>
    %add3A_40 = vector.broadcast %broadcast_in_dim3A_39 : vector<1x128xf32> to vector<10000x128xf32>
    %add3A_41 = arith.addf %div3A_38, %add3A_40 : vector<10000x128xf32>
    %swap3A = arith.constant 0 : index
    %swap3A_42 = arith.constant 0 : index
    %swap3A_43 = vector.load %arg5[%swap3A, %swap3A_42] : memref<10000x128xf32, #tpu.memory_space<vmem>>, vector<10000x128xf32>
    tpu.vector_store %arg5[%swap3A, %swap3A_42], %add3A_41 {strides = array<i32>} : memref<10000x128xf32, #tpu.memory_space<vmem>>, vector<10000x128xf32>,
    return
  }
}

module attributes {stable_mosaic.version = 14 : i64} {
  func.func @k(%arg0: memref<10000x128xf32, #tpu.memory_space<vmem>>, %arg1: memref<128x128xf32, #tpu.memory_space<vmem>>, %arg2: memref<2x10000x128xf32, #tpu.memory_space<vmem>>, %arg3: memref<10000x128xf32, #tpu.memory_space<vmem>>, %arg4: memref<10000x128xf32, #tpu.memory_space<vmem>>) attributes {dimension_semantics = [], scalar_prefetch = 0 : i64, scratch_operands = 0 : i64, tpu.core_type = #tpu.core_type<tc>} {
    %get3A = arith.constant 0 : index
    %get3A_0 = arith.constant 0 : index
    %get3A_1 = arith.constant 0 : index
    %get3A_2 = vector.load %arg2[%get3A, %get3A_0, %get3A_1] : memref<2x10000x128xf32, #tpu.memory_space<vmem>>, vector<1x10000x128xf32>
    %get3A_3 = vector.shape_cast %get3A_2 : vector<1x10000x128xf32> to vector<10000x128xf32>
    %add3A = arith.constant 1.000000e+00 : f32
    %add3A_4 = vector.broadcast %add3A : f32 to vector<10000x128xf32>
    %add3A_5 = arith.addf %add3A_4, %get3A_3 : vector<10000x128xf32>
    %get3A_6 = arith.constant 1 : index
    %get3A_7 = arith.constant 0 : index
    %get3A_8 = arith.constant 0 : index
    %get3A_9 = vector.load %arg2[%get3A_6, %get3A_7, %get3A_8] : memref<2x10000x128xf32, #tpu.memory_space<vmem>>, vector<1x10000x128xf32>
    %get3A_10 = vector.shape_cast %get3A_9 : vector<1x10000x128xf32> to vector<10000x128xf32>
    %add3A_11 = arith.addf %add3A_5, %get3A_10 : vector<10000x128xf32>
    %sqrt3A = math.sqrt %add3A_11 : vector<10000x128xf32>
    %div3A = arith.constant 1.000000e+00 : f32
    %div3A_12 = vector.broadcast %div3A : f32 to vector<10000x128xf32>
    %div3A_13 = arith.divf %div3A_12, %sqrt3A : vector<10000x128xf32>
    %swap3A = arith.constant 0 : index
    %swap3A_14 = arith.constant 0 : index
    %swap3A_15 = vector.load %arg4[%swap3A, %swap3A_14] : memref<10000x128xf32, #tpu.memory_space<vmem>>, vector<10000x128xf32>
    tpu.vector_store %arg4[%swap3A, %swap3A_14], %div3A_13 {strides = array<i32>} : memref<10000x128xf32, #tpu.memory_space<vmem>>, vector<10000x128xf32>,
    %get3A_16 = arith.constant 0 : index
    %get3A_17 = arith.constant 0 : index
    %get3A_18 = vector.load %arg0[%get3A_16, %get3A_17] : memref<10000x128xf32, #tpu.memory_space<vmem>>, vector<10000x128xf32>
    %get3A_19 = arith.constant 0 : index
    %get3A_20 = arith.constant 0 : index
    %get3A_21 = vector.load %arg1[%get3A_19, %get3A_20] : memref<128x128xf32, #tpu.memory_space<vmem>>, vector<128x128xf32>
    %transpose3A = tpu.transpose %get3A_21, [1, 0] : vector<128x128xf32> -> vector<128x128xf32>
    %dot_general3A = arith.constant dense<0.000000e+00> : vector<10000x128xf32>
    %dot_general3A_22 = tpu.matmul %get3A_18, %transpose3A, %dot_general3A {dimension_numbers = #tpu.dot_dimension_numbers<[1], [0], [0], [1], [0, 0, 1, 1], [], []>, precision = #tpu.contract_precision<fp32>, transpose_lhs_hint = false} : vector<10000x128xf32>, vector<128x128xf32>, vector<10000x128xf32> -> vector<10000x128xf32>
    %mul3A = arith.mulf %div3A_13, %dot_general3A_22 : vector<10000x128xf32>
    %swap3A_23 = arith.constant 0 : index
    %swap3A_24 = arith.constant 0 : index
    %swap3A_25 = vector.load %arg3[%swap3A_23, %swap3A_24] : memref<10000x128xf32, #tpu.memory_space<vmem>>, vector<10000x128xf32>
    tpu.vector_store %arg3[%swap3A_23, %swap3A_24], %mul3A {strides = array<i32>} : memref<10000x128xf32, #tpu.memory_space<vmem>>, vector<10000x128xf32>,
    return
  }
}

module attributes {stable_mosaic.version = 14 : i64} {
  func.func @k(%arg0: i32, %arg1: memref<2000x128xf32, #tpu.memory_space<vmem>>, %arg2: memref<2000x128xf32, #tpu.memory_space<vmem>>, %arg3: memref<2000x128xf32, #tpu.memory_space<vmem>>, %arg4: memref<2x2000x128xf32, #tpu.memory_space<vmem>>, %arg5: memref<384x128xf32, #tpu.memory_space<vmem>>, %arg6: memref<384xf32, #tpu.memory_space<vmem>>, %arg7: memref<384x128xf32, #tpu.memory_space<vmem>>, %arg8: memref<384xf32, #tpu.memory_space<vmem>>, %arg9: memref<128xf32, #tpu.memory_space<vmem>>, %arg10: memref<2000x128xf32, #tpu.memory_space<vmem>>, %arg11: memref<1x128xf32, #tpu.memory_space<vmem>>) attributes {dimension_semantics = [#tpu.dimension_semantics<arbitrary>], iteration_bounds = array<i64: 5>, scalar_prefetch = 0 : i64, scratch_operands = 0 : i64, tpu.core_type = #tpu.core_type<tc>, window_params = [{transform_indices = @transform_0, window_bounds = array<i64: 2000, 128>}, {transform_indices = @transform_1, window_bounds = array<i64: 2000, 128>}, {transform_indices = @transform_2, window_bounds = array<i64: 2000, 128>}, {transform_indices = @transform_3, window_bounds = array<i64: 2, 2000, 128>}, {pipeline_mode = #tpu.pipeline_mode<synchronous>, transform_indices = @transform_4, window_bounds = array<i64: 384, 128>}, {pipeline_mode = #tpu.pipeline_mode<synchronous>, transform_indices = @transform_5, window_bounds = array<i64: 384>}, {pipeline_mode = #tpu.pipeline_mode<synchronous>, transform_indices = @transform_6, window_bounds = array<i64: 384, 128>}, {pipeline_mode = #tpu.pipeline_mode<synchronous>, transform_indices = @transform_7, window_bounds = array<i64: 384>}, {pipeline_mode = #tpu.pipeline_mode<synchronous>, transform_indices = @transform_8, window_bounds = array<i64: 128>}, {transform_indices = @transform_9, window_bounds = array<i64: 2000, 128>}, {pipeline_mode = #tpu.pipeline_mode<synchronous>, transform_indices = @transform_10, window_bounds = array<i64: 1, 128>}]} {
    %get3A = arith.constant 0 : index
    %get3A_0 = arith.constant 0 : index
    %get3A_1 = vector.load %arg1[%get3A, %get3A_0] : memref<2000x128xf32, #tpu.memory_space<vmem>>, vector<2000x128xf32>
    %get3A_2 = arith.constant 0 : index
    %get3A_3 = arith.constant 0 : index
    %get3A_4 = vector.load %arg3[%get3A_2, %get3A_3] : memref<2000x128xf32, #tpu.memory_space<vmem>>, vector<2000x128xf32>
    %get3A_5 = arith.constant 0 : index
    %get3A_6 = arith.constant 0 : index
    %get3A_7 = arith.constant 0 : index
    %get3A_8 = vector.load %arg4[%get3A_5, %get3A_6, %get3A_7] : memref<2x2000x128xf32, #tpu.memory_space<vmem>>, vector<1x2000x128xf32>
    %get3A_9 = vector.shape_cast %get3A_8 : vector<1x2000x128xf32> to vector<2000x128xf32>
    %get3A_10 = arith.constant 1 : index
    %get3A_11 = arith.constant 0 : index
    %get3A_12 = arith.constant 0 : index
    %get3A_13 = vector.load %arg4[%get3A_10, %get3A_11, %get3A_12] : memref<2x2000x128xf32, #tpu.memory_space<vmem>>, vector<1x2000x128xf32>
    %get3A_14 = vector.shape_cast %get3A_13 : vector<1x2000x128xf32> to vector<2000x128xf32>
    %add3A = arith.addf %get3A_9, %get3A_14 : vector<2000x128xf32>
    %get3A_15 = arith.constant 0 : index
    %get3A_16 = arith.constant 0 : index
    %get3A_17 = vector.load %arg2[%get3A_15, %get3A_16] : memref<2000x128xf32, #tpu.memory_space<vmem>>, vector<2000x128xf32>
    %add3A_18 = arith.addf %add3A, %get3A_17 : vector<2000x128xf32>
    %mul3A = arith.mulf %get3A_4, %add3A_18 : vector<2000x128xf32>
    %get3A_19 = arith.constant 0 : index
    %get3A_20 = vector.load %arg9[%get3A_19] : memref<128xf32, #tpu.memory_space<vmem>>, vector<128xf32>
    %broadcast_in_dim3A = vector.shape_cast %get3A_20 : vector<128xf32> to vector<1x128xf32>
    %add3A_21 = vector.broadcast %broadcast_in_dim3A : vector<1x128xf32> to vector<2000x128xf32>
    %add3A_22 = arith.addf %mul3A, %add3A_21 : vector<2000x128xf32>
    %get3A_23 = arith.constant 0 : index
    %get3A_24 = arith.constant 0 : index
    %get3A_25 = vector.load %arg5[%get3A_23, %get3A_24] : memref<384x128xf32, #tpu.memory_space<vmem>>, vector<384x128xf32>
    %get3A_26 = arith.constant 0 : index
    %get3A_27 = arith.constant 0 : index
    %get3A_28 = vector.load %arg7[%get3A_26, %get3A_27] : memref<384x128xf32, #tpu.memory_space<vmem>>, vector<384x128xf32>
    %get3A_29 = arith.constant 0 : index
    %get3A_30 = vector.load %arg6[%get3A_29] : memref<384xf32, #tpu.memory_space<vmem>>, vector<384xf32>
    %get3A_31 = arith.constant 0 : index
    %get3A_32 = vector.load %arg8[%get3A_31] : memref<384xf32, #tpu.memory_space<vmem>>, vector<384xf32>
    %slice3A = vector.extract_strided_slice %get3A_25 {offsets = [0, 0], sizes = [128, 128], strides = [1, 1]} : vector<384x128xf32> to vector<128x128xf32>
    %transpose3A = tpu.transpose %slice3A, [1, 0] : vector<128x128xf32> -> vector<128x128xf32>
    %dot_general3A = arith.constant dense<0.000000e+00> : vector<2000x128xf32>
    %dot_general3A_33 = tpu.matmul %get3A_1, %transpose3A, %dot_general3A {dimension_numbers = #tpu.dot_dimension_numbers<[1], [0], [0], [1], [0, 0, 1, 1], [], []>, precision = #tpu.contract_precision<fp32>, transpose_lhs_hint = false} : vector<2000x128xf32>, vector<128x128xf32>, vector<2000x128xf32> -> vector<2000x128xf32>
    %slice3A_34 = vector.extract_strided_slice %get3A_30 {offsets = [0], sizes = [128], strides = [1]} : vector<384xf32> to vector<128xf32>
    %broadcast_in_dim3A_35 = vector.shape_cast %slice3A_34 : vector<128xf32> to vector<1x128xf32>
    %add3A_36 = vector.broadcast %broadcast_in_dim3A_35 : vector<1x128xf32> to vector<2000x128xf32>
    %add3A_37 = arith.addf %dot_general3A_33, %add3A_36 : vector<2000x128xf32>
    %slice3A_38 = vector.extract_strided_slice %get3A_28 {offsets = [0, 0], sizes = [128, 128], strides = [1, 1]} : vector<384x128xf32> to vector<128x128xf32>
    %transpose3A_39 = tpu.transpose %slice3A_38, [1, 0] : vector<128x128xf32> -> vector<128x128xf32>
    %dot_general3A_40 = arith.constant dense<0.000000e+00> : vector<2000x128xf32>
    %dot_general3A_41 = tpu.matmul %add3A_22, %transpose3A_39, %dot_general3A_40 {dimension_numbers = #tpu.dot_dimension_numbers<[1], [0], [0], [1], [0, 0, 1, 1], [], []>, precision = #tpu.contract_precision<fp32>, transpose_lhs_hint = false} : vector<2000x128xf32>, vector<128x128xf32>, vector<2000x128xf32> -> vector<2000x128xf32>
    %add3A_42 = arith.addf %add3A_37, %dot_general3A_41 : vector<2000x128xf32>
    %slice3A_43 = vector.extract_strided_slice %get3A_32 {offsets = [0], sizes = [128], strides = [1]} : vector<384xf32> to vector<128xf32>
    %broadcast_in_dim3A_44 = vector.shape_cast %slice3A_43 : vector<128xf32> to vector<1x128xf32>
    %add3A_45 = vector.broadcast %broadcast_in_dim3A_44 : vector<1x128xf32> to vector<2000x128xf32>
    %add3A_46 = arith.addf %add3A_42, %add3A_45 : vector<2000x128xf32>
    %logistic3A = arith.negf %add3A_46 : vector<2000x128xf32>
    %logistic3A_47 = math.exp %logistic3A : vector<2000x128xf32>
    %logistic3A_48 = arith.constant 1.000000e+00 : f32
    %logistic3A_49 = vector.broadcast %logistic3A_48 : f32 to vector<2000x128xf32>
    %logistic3A_50 = arith.addf %logistic3A_49, %logistic3A_47 : vector<2000x128xf32>
    %logistic3A_51 = arith.divf %logistic3A_49, %logistic3A_50 : vector<2000x128xf32>
    %slice3A_52 = vector.extract_strided_slice %get3A_25 {offsets = [128, 0], sizes = [128, 128], strides = [1, 1]} : vector<384x128xf32> to vector<128x128xf32>
    %transpose3A_53 = tpu.transpose %slice3A_52, [1, 0] : vector<128x128xf32> -> vector<128x128xf32>
    %dot_general3A_54 = arith.constant dense<0.000000e+00> : vector<2000x128xf32>
    %dot_general3A_55 = tpu.matmul %get3A_1, %transpose3A_53, %dot_general3A_54 {dimension_numbers = #tpu.dot_dimension_numbers<[1], [0], [0], [1], [0, 0, 1, 1], [], []>, precision = #tpu.contract_precision<fp32>, transpose_lhs_hint = false} : vector<2000x128xf32>, vector<128x128xf32>, vector<2000x128xf32> -> vector<2000x128xf32>
    %slice3A_56 = vector.extract_strided_slice %get3A_30 {offsets = [128], sizes = [128], strides = [1]} : vector<384xf32> to vector<128xf32>
    %broadcast_in_dim3A_57 = vector.shape_cast %slice3A_56 : vector<128xf32> to vector<1x128xf32>
    %add3A_58 = vector.broadcast %broadcast_in_dim3A_57 : vector<1x128xf32> to vector<2000x128xf32>
    %add3A_59 = arith.addf %dot_general3A_55, %add3A_58 : vector<2000x128xf32>
    %slice3A_60 = vector.extract_strided_slice %get3A_28 {offsets = [128, 0], sizes = [128, 128], strides = [1, 1]} : vector<384x128xf32> to vector<128x128xf32>
    %transpose3A_61 = tpu.transpose %slice3A_60, [1, 0] : vector<128x128xf32> -> vector<128x128xf32>
    %dot_general3A_62 = arith.constant dense<0.000000e+00> : vector<2000x128xf32>
    %dot_general3A_63 = tpu.matmul %add3A_22, %transpose3A_61, %dot_general3A_62 {dimension_numbers = #tpu.dot_dimension_numbers<[1], [0], [0], [1], [0, 0, 1, 1], [], []>, precision = #tpu.contract_precision<fp32>, transpose_lhs_hint = false} : vector<2000x128xf32>, vector<128x128xf32>, vector<2000x128xf32> -> vector<2000x128xf32>
    %add3A_64 = arith.addf %add3A_59, %dot_general3A_63 : vector<2000x128xf32>
    %slice3A_65 = vector.extract_strided_slice %get3A_32 {offsets = [128], sizes = [128], strides = [1]} : vector<384xf32> to vector<128xf32>
    %broadcast_in_dim3A_66 = vector.shape_cast %slice3A_65 : vector<128xf32> to vector<1x128xf32>
    %add3A_67 = vector.broadcast %broadcast_in_dim3A_66 : vector<1x128xf32> to vector<2000x128xf32>
    %add3A_68 = arith.addf %add3A_64, %add3A_67 : vector<2000x128xf32>
    %logistic3A_69 = arith.negf %add3A_68 : vector<2000x128xf32>
    %logistic3A_70 = math.exp %logistic3A_69 : vector<2000x128xf32>
    %logistic3A_71 = arith.constant 1.000000e+00 : f32
    %logistic3A_72 = vector.broadcast %logistic3A_71 : f32 to vector<2000x128xf32>
    %logistic3A_73 = arith.addf %logistic3A_72, %logistic3A_70 : vector<2000x128xf32>
    %logistic3A_74 = arith.divf %logistic3A_72, %logistic3A_73 : vector<2000x128xf32>
    %slice3A_75 = vector.extract_strided_slice %get3A_25 {offsets = [256, 0], sizes = [128, 128], strides = [1, 1]} : vector<384x128xf32> to vector<128x128xf32>
    %transpose3A_76 = tpu.transpose %slice3A_75, [1, 0] : vector<128x128xf32> -> vector<128x128xf32>
    %dot_general3A_77 = arith.constant dense<0.000000e+00> : vector<2000x128xf32>
    %dot_general3A_78 = tpu.matmul %get3A_1, %transpose3A_76, %dot_general3A_77 {dimension_numbers = #tpu.dot_dimension_numbers<[1], [0], [0], [1], [0, 0, 1, 1], [], []>, precision = #tpu.contract_precision<fp32>, transpose_lhs_hint = false} : vector<2000x128xf32>, vector<128x128xf32>, vector<2000x128xf32> -> vector<2000x128xf32>
    %slice3A_79 = vector.extract_strided_slice %get3A_30 {offsets = [256], sizes = [128], strides = [1]} : vector<384xf32> to vector<128xf32>
    %broadcast_in_dim3A_80 = vector.shape_cast %slice3A_79 : vector<128xf32> to vector<1x128xf32>
    %add3A_81 = vector.broadcast %broadcast_in_dim3A_80 : vector<1x128xf32> to vector<2000x128xf32>
    %add3A_82 = arith.addf %dot_general3A_78, %add3A_81 : vector<2000x128xf32>
    %slice3A_83 = vector.extract_strided_slice %get3A_28 {offsets = [256, 0], sizes = [128, 128], strides = [1, 1]} : vector<384x128xf32> to vector<128x128xf32>
    %transpose3A_84 = tpu.transpose %slice3A_83, [1, 0] : vector<128x128xf32> -> vector<128x128xf32>
    %dot_general3A_85 = arith.constant dense<0.000000e+00> : vector<2000x128xf32>
    %dot_general3A_86 = tpu.matmul %add3A_22, %transpose3A_84, %dot_general3A_85 {dimension_numbers = #tpu.dot_dimension_numbers<[1], [0], [0], [1], [0, 0, 1, 1], [], []>, precision = #tpu.contract_precision<fp32>, transpose_lhs_hint = false} : vector<2000x128xf32>, vector<128x128xf32>, vector<2000x128xf32> -> vector<2000x128xf32>
    %slice3A_87 = vector.extract_strided_slice %get3A_32 {offsets = [256], sizes = [128], strides = [1]} : vector<384xf32> to vector<128xf32>
    %broadcast_in_dim3A_88 = vector.shape_cast %slice3A_87 : vector<128xf32> to vector<1x128xf32>
    %add3A_89 = vector.broadcast %broadcast_in_dim3A_88 : vector<1x128xf32> to vector<2000x128xf32>
    %add3A_90 = arith.addf %dot_general3A_86, %add3A_89 : vector<2000x128xf32>
    %mul3A_91 = arith.mulf %logistic3A_51, %add3A_90 : vector<2000x128xf32>
    %add3A_92 = arith.addf %add3A_82, %mul3A_91 : vector<2000x128xf32>
    %tanh3A = math.tanh %add3A_92 : vector<2000x128xf32>
    %sub3A = arith.constant 1.000000e+00 : f32
    %sub3A_93 = vector.broadcast %sub3A : f32 to vector<2000x128xf32>
    %sub3A_94 = arith.subf %sub3A_93, %logistic3A_74 : vector<2000x128xf32>
    %mul3A_95 = arith.mulf %sub3A_94, %tanh3A : vector<2000x128xf32>
    %mul3A_96 = arith.mulf %logistic3A_74, %add3A_22 : vector<2000x128xf32>
    %add3A_97 = arith.addf %mul3A_95, %mul3A_96 : vector<2000x128xf32>
    %swap3A = arith.constant 0 : index
    %swap3A_98 = arith.constant 0 : index
    %swap3A_99 = vector.load %arg10[%swap3A, %swap3A_98] : memref<2000x128xf32, #tpu.memory_space<vmem>>, vector<2000x128xf32>
    tpu.vector_store %arg10[%swap3A, %swap3A_98], %add3A_97 {strides = array<i32>} : memref<2000x128xf32, #tpu.memory_space<vmem>>, vector<2000x128xf32>,
    %eq3A = arith.constant 0 : i32
    %eq3A_100 = arith.cmpi eq, %arg0, %eq3A : i32
    %convert_element_type3A = arith.extui %eq3A_100 : i1 to i32
    %cond3A = arith.constant 0 : i32
    %cond3A_101 = arith.cmpi ne, %convert_element_type3A, %cond3A : i32
    scf.if %cond3A_101 {
      %broadcast_in_dim3A_111 = arith.constant 0.000000e+00 : f32
      %broadcast_in_dim3A_112 = vector.broadcast %broadcast_in_dim3A_111 : f32 to vector<1x128xf32>
      %swap3A_113 = arith.constant 0 : index
      %swap3A_114 = arith.constant 0 : index
      %swap3A_115 = vector.load %arg11[%swap3A_113, %swap3A_114] : memref<1x128xf32, #tpu.memory_space<vmem>>, vector<1x128xf32>
      tpu.vector_store %arg11[%swap3A_113, %swap3A_114], %broadcast_in_dim3A_112 {strides = array<i32>} : memref<1x128xf32, #tpu.memory_space<vmem>>, vector<1x128xf32>,
    } else {
    }
    %get3A_102 = arith.constant 0 : index
    %get3A_103 = arith.constant 0 : index
    %get3A_104 = vector.load %arg11[%get3A_102, %get3A_103] : memref<1x128xf32, #tpu.memory_space<vmem>>, vector<1x128xf32>
    %reduce_sum3A = arith.constant dense<0.000000e+00> : vector<128xf32>
    %reduce_sum3A_105 = vector.multi_reduction <add>, %add3A_97, %reduce_sum3A [0] : vector<2000x128xf32> to vector<128xf32>
    %broadcast_in_dim3A_106 = vector.shape_cast %reduce_sum3A_105 : vector<128xf32> to vector<1x128xf32>
    %add3A_107 = arith.addf %get3A_104, %broadcast_in_dim3A_106 : vector<1x128xf32>
    %swap3A_108 = arith.constant 0 : index
    %swap3A_109 = arith.constant 0 : index
    %swap3A_110 = vector.load %arg11[%swap3A_108, %swap3A_109] : memref<1x128xf32, #tpu.memory_space<vmem>>, vector<1x128xf32>
    tpu.vector_store %arg11[%swap3A_108, %swap3A_109], %add3A_107 {strides = array<i32>} : memref<1x128xf32, #tpu.memory_space<vmem>>, vector<1x128xf32>,
    return
  }
  func.func @transform_0(%arg0: i32) -> (i32, i32) {
    %c0_i32 = arith.constant 0 : i32
    %c0_i32_0 = arith.constant 0 : i32
    return %arg0, %c0_i32 : i32, i32
  }
  func.func @transform_1(%arg0: i32) -> (i32, i32) {
    %c0_i32 = arith.constant 0 : i32
    %c0_i32_0 = arith.constant 0 : i32
    return %arg0, %c0_i32 : i32, i32
  }
  func.func @transform_2(%arg0: i32) -> (i32, i32) {
    %c0_i32 = arith.constant 0 : i32
    %c0_i32_0 = arith.constant 0 : i32
    return %arg0, %c0_i32 : i32, i32
  }
  func.func @transform_3(%arg0: i32) -> (i32, i32, i32) {
    %c0_i32 = arith.constant 0 : i32
    %c0_i32_0 = arith.constant 0 : i32
    %c0_i32_1 = arith.constant 0 : i32
    return %c0_i32, %arg0, %c0_i32_0 : i32, i32, i32
  }
  func.func @transform_4(%arg0: i32) -> (i32, i32) {
    %c0_i32 = arith.constant 0 : i32
    %c0_i32_0 = arith.constant 0 : i32
    %c0_i32_1 = arith.constant 0 : i32
    return %c0_i32, %c0_i32_0 : i32, i32
  }
  func.func @transform_5(%arg0: i32) -> i32 {
    %c0_i32 = arith.constant 0 : i32
    %c0_i32_0 = arith.constant 0 : i32
    return %c0_i32 : i32
  }
  func.func @transform_6(%arg0: i32) -> (i32, i32) {
    %c0_i32 = arith.constant 0 : i32
    %c0_i32_0 = arith.constant 0 : i32
    %c0_i32_1 = arith.constant 0 : i32
    return %c0_i32, %c0_i32_0 : i32, i32
  }
  func.func @transform_7(%arg0: i32) -> i32 {
    %c0_i32 = arith.constant 0 : i32
    %c0_i32_0 = arith.constant 0 : i32
    return %c0_i32 : i32
  }
  func.func @transform_8(%arg0: i32) -> i32 {
    %c0_i32 = arith.constant 0 : i32
    %c0_i32_0 = arith.constant 0 : i32
    return %c0_i32 : i32
  }
  func.func @transform_9(%arg0: i32) -> (i32, i32) {
    %c0_i32 = arith.constant 0 : i32
    %c0_i32_0 = arith.constant 0 : i32
    return %arg0, %c0_i32 : i32, i32
  }
  func.func @transform_10(%arg0: i32) -> (i32, i32) {
    %c0_i32 = arith.constant 0 : i32
    %c0_i32_0 = arith.constant 0 : i32
    %c0_i32_1 = arith.constant 0 : i32
    return %c0_i32, %c0_i32_0 : i32, i32
  }
}

module attributes {stable_mosaic.version = 14 : i64} {
  func.func @k(%arg0: i32, %arg1: memref<2000x128xf32, #tpu.memory_space<vmem>>, %arg2: memref<1x128xf32, #tpu.memory_space<vmem>>, %arg3: memref<1x128xf32, #tpu.memory_space<vmem>>) attributes {dimension_semantics = [#tpu.dimension_semantics<arbitrary>], iteration_bounds = array<i64: 5>, scalar_prefetch = 0 : i64, scratch_operands = 0 : i64, tpu.core_type = #tpu.core_type<tc>, window_params = [{transform_indices = @transform_0, window_bounds = array<i64: 2000, 128>}, {pipeline_mode = #tpu.pipeline_mode<synchronous>, transform_indices = @transform_1, window_bounds = array<i64: 1, 128>}, {pipeline_mode = #tpu.pipeline_mode<synchronous>, transform_indices = @transform_2, window_bounds = array<i64: 1, 128>}]} {
    %get3A = arith.constant 0 : index
    %get3A_0 = arith.constant 0 : index
    %get3A_1 = vector.load %arg1[%get3A, %get3A_0] : memref<2000x128xf32, #tpu.memory_space<vmem>>, vector<2000x128xf32>
    %get3A_2 = arith.constant 0 : index
    %get3A_3 = arith.constant 0 : index
    %get3A_4 = vector.load %arg2[%get3A_2, %get3A_3] : memref<1x128xf32, #tpu.memory_space<vmem>>, vector<1x128xf32>
    %mul3A = arith.constant 9.99999974E-5 : f32
    %mul3A_5 = vector.broadcast %mul3A : f32 to vector<1x128xf32>
    %mul3A_6 = arith.mulf %get3A_4, %mul3A_5 : vector<1x128xf32>
    %sub3A = vector.broadcast %mul3A_6 : vector<1x128xf32> to vector<2000x128xf32>
    %sub3A_7 = arith.subf %get3A_1, %sub3A : vector<2000x128xf32>
    %eq3A = arith.constant 0 : i32
    %eq3A_8 = arith.cmpi eq, %arg0, %eq3A : i32
    %convert_element_type3A = arith.extui %eq3A_8 : i1 to i32
    %cond3A = arith.constant 0 : i32
    %cond3A_9 = arith.cmpi ne, %convert_element_type3A, %cond3A : i32
    scf.if %cond3A_9 {
      %broadcast_in_dim3A_17 = arith.constant 0.000000e+00 : f32
      %broadcast_in_dim3A_18 = vector.broadcast %broadcast_in_dim3A_17 : f32 to vector<1x128xf32>
      %swap3A_19 = arith.constant 0 : index
      %swap3A_20 = arith.constant 0 : index
      %swap3A_21 = vector.load %arg3[%swap3A_19, %swap3A_20] : memref<1x128xf32, #tpu.memory_space<vmem>>, vector<1x128xf32>
      tpu.vector_store %arg3[%swap3A_19, %swap3A_20], %broadcast_in_dim3A_18 {strides = array<i32>} : memref<1x128xf32, #tpu.memory_space<vmem>>, vector<1x128xf32>,
    } else {
    }
    %get3A_10 = arith.constant 0 : index
    %get3A_11 = arith.constant 0 : index
    %get3A_12 = vector.load %arg3[%get3A_10, %get3A_11] : memref<1x128xf32, #tpu.memory_space<vmem>>, vector<1x128xf32>
    %mul3A_13 = arith.mulf %sub3A_7, %sub3A_7 : vector<2000x128xf32>
    %reduce_sum3A = arith.constant dense<0.000000e+00> : vector<128xf32>
    %reduce_sum3A_14 = vector.multi_reduction <add>, %mul3A_13, %reduce_sum3A [0] : vector<2000x128xf32> to vector<128xf32>
    %broadcast_in_dim3A = vector.shape_cast %reduce_sum3A_14 : vector<128xf32> to vector<1x128xf32>
    %add3A = arith.addf %get3A_12, %broadcast_in_dim3A : vector<1x128xf32>
    %swap3A = arith.constant 0 : index
    %swap3A_15 = arith.constant 0 : index
    %swap3A_16 = vector.load %arg3[%swap3A, %swap3A_15] : memref<1x128xf32, #tpu.memory_space<vmem>>, vector<1x128xf32>
    tpu.vector_store %arg3[%swap3A, %swap3A_15], %add3A {strides = array<i32>} : memref<1x128xf32, #tpu.memory_space<vmem>>, vector<1x128xf32>,
    return
  }
  func.func @transform_0(%arg0: i32) -> (i32, i32) {
    %c0_i32 = arith.constant 0 : i32
    %c0_i32_0 = arith.constant 0 : i32
    return %arg0, %c0_i32 : i32, i32
  }
  func.func @transform_1(%arg0: i32) -> (i32, i32) {
    %c0_i32 = arith.constant 0 : i32
    %c0_i32_0 = arith.constant 0 : i32
    %c0_i32_1 = arith.constant 0 : i32
    return %c0_i32, %c0_i32_0 : i32, i32
  }
  func.func @transform_2(%arg0: i32) -> (i32, i32) {
    %c0_i32 = arith.constant 0 : i32
    %c0_i32_0 = arith.constant 0 : i32
    %c0_i32_1 = arith.constant 0 : i32
    return %c0_i32, %c0_i32_0 : i32, i32
  }
}

module attributes {stable_mosaic.version = 14 : i64} {
  func.func @k(%arg0: i32, %arg1: memref<2000x128xf32, #tpu.memory_space<vmem>>, %arg2: memref<1x128xf32, #tpu.memory_space<vmem>>, %arg3: memref<1x128xf32, #tpu.memory_space<vmem>>, %arg4: memref<128xf32, #tpu.memory_space<vmem>>, %arg5: memref<128xf32, #tpu.memory_space<vmem>>, %arg6: memref<2000x128xf32, #tpu.memory_space<vmem>>, %arg7: memref<128x128xf32, #tpu.memory_space<vmem>>, %arg8: memref<2000x128xf32, #tpu.memory_space<vmem>>, %arg9: memref<2000x128xf32, #tpu.memory_space<vmem>>, %arg10: memref<2000x128xf32, #tpu.memory_space<vmem>>, %arg11: memref<2000x128xf32, #tpu.memory_space<vmem>>) attributes {dimension_semantics = [#tpu.dimension_semantics<arbitrary>], iteration_bounds = array<i64: 5>, scalar_prefetch = 0 : i64, scratch_operands = 0 : i64, tpu.core_type = #tpu.core_type<tc>, window_params = [{transform_indices = @transform_0, window_bounds = array<i64: 2000, 128>}, {pipeline_mode = #tpu.pipeline_mode<synchronous>, transform_indices = @transform_1, window_bounds = array<i64: 1, 128>}, {pipeline_mode = #tpu.pipeline_mode<synchronous>, transform_indices = @transform_2, window_bounds = array<i64: 1, 128>}, {pipeline_mode = #tpu.pipeline_mode<synchronous>, transform_indices = @transform_3, window_bounds = array<i64: 128>}, {pipeline_mode = #tpu.pipeline_mode<synchronous>, transform_indices = @transform_4, window_bounds = array<i64: 128>}, {transform_indices = @transform_5, window_bounds = array<i64: 2000, 128>}, {pipeline_mode = #tpu.pipeline_mode<synchronous>, transform_indices = @transform_6, window_bounds = array<i64: 128, 128>}, {transform_indices = @transform_7, window_bounds = array<i64: 2000, 128>}, {transform_indices = @transform_8, window_bounds = array<i64: 2000, 128>}, {transform_indices = @transform_9, window_bounds = array<i64: 2000, 128>}, {transform_indices = @transform_10, window_bounds = array<i64: 2000, 128>}]} {
    %get3A = arith.constant 0 : index
    %get3A_0 = arith.constant 0 : index
    %get3A_1 = vector.load %arg2[%get3A, %get3A_0] : memref<1x128xf32, #tpu.memory_space<vmem>>, vector<1x128xf32>
    %mul3A = arith.constant 9.99999974E-5 : f32
    %mul3A_2 = vector.broadcast %mul3A : f32 to vector<1x128xf32>
    %mul3A_3 = arith.mulf %get3A_1, %mul3A_2 : vector<1x128xf32>
    %get3A_4 = arith.constant 0 : index
    %get3A_5 = arith.constant 0 : index
    %get3A_6 = vector.load %arg3[%get3A_4, %get3A_5] : memref<1x128xf32, #tpu.memory_space<vmem>>, vector<1x128xf32>
    %mul3A_7 = arith.constant 9.99999974E-5 : f32
    %mul3A_8 = vector.broadcast %mul3A_7 : f32 to vector<1x128xf32>
    %mul3A_9 = arith.mulf %get3A_6, %mul3A_8 : vector<1x128xf32>
    %get3A_10 = arith.constant 0 : index
    %get3A_11 = vector.load %arg4[%get3A_10] : memref<128xf32, #tpu.memory_space<vmem>>, vector<128xf32>
    %get3A_12 = arith.constant 0 : index
    %get3A_13 = arith.constant 0 : index
    %get3A_14 = vector.load %arg1[%get3A_12, %get3A_13] : memref<2000x128xf32, #tpu.memory_space<vmem>>, vector<2000x128xf32>
    %sub3A = vector.broadcast %mul3A_3 : vector<1x128xf32> to vector<2000x128xf32>
    %sub3A_15 = arith.subf %get3A_14, %sub3A : vector<2000x128xf32>
    %broadcast_in_dim3A = vector.shape_cast %get3A_11 : vector<128xf32> to vector<1x128xf32>
    %mul3A_16 = vector.broadcast %broadcast_in_dim3A : vector<1x128xf32> to vector<2000x128xf32>
    %mul3A_17 = arith.mulf %mul3A_16, %sub3A_15 : vector<2000x128xf32>
    %add3A = arith.constant 9.99999974E-6 : f32
    %add3A_18 = vector.broadcast %add3A : f32 to vector<1x128xf32>
    %add3A_19 = arith.addf %mul3A_9, %add3A_18 : vector<1x128xf32>
    %sqrt3A = math.sqrt %add3A_19 : vector<1x128xf32>
    %div3A = vector.broadcast %sqrt3A : vector<1x128xf32> to vector<2000x128xf32>
    %div3A_20 = arith.divf %mul3A_17, %div3A : vector<2000x128xf32>
    %get3A_21 = arith.constant 0 : index
    %get3A_22 = vector.load %arg5[%get3A_21] : memref<128xf32, #tpu.memory_space<vmem>>, vector<128xf32>
    %broadcast_in_dim3A_23 = vector.shape_cast %get3A_22 : vector<128xf32> to vector<1x128xf32>
    %add3A_24 = vector.broadcast %broadcast_in_dim3A_23 : vector<1x128xf32> to vector<2000x128xf32>
    %add3A_25 = arith.addf %div3A_20, %add3A_24 : vector<2000x128xf32>
    %swap3A = arith.constant 0 : index
    %swap3A_26 = arith.constant 0 : index
    %swap3A_27 = vector.load %arg9[%swap3A, %swap3A_26] : memref<2000x128xf32, #tpu.memory_space<vmem>>, vector<2000x128xf32>
    tpu.vector_store %arg9[%swap3A, %swap3A_26], %add3A_25 {strides = array<i32>} : memref<2000x128xf32, #tpu.memory_space<vmem>>, vector<2000x128xf32>,
    %get3A_28 = arith.constant 0 : index
    %get3A_29 = arith.constant 0 : index
    %get3A_30 = vector.load %arg6[%get3A_28, %get3A_29] : memref<2000x128xf32, #tpu.memory_space<vmem>>, vector<2000x128xf32>
    %max3A = arith.maximumf %get3A_30, %add3A_25 : vector<2000x128xf32>
    %swap3A_31 = arith.constant 0 : index
    %swap3A_32 = arith.constant 0 : index
    %swap3A_33 = vector.load %arg10[%swap3A_31, %swap3A_32] : memref<2000x128xf32, #tpu.memory_space<vmem>>, vector<2000x128xf32>
    tpu.vector_store %arg10[%swap3A_31, %swap3A_32], %max3A {strides = array<i32>} : memref<2000x128xf32, #tpu.memory_space<vmem>>, vector<2000x128xf32>,
    %get3A_34 = arith.constant 0 : index
    %get3A_35 = arith.constant 0 : index
    %get3A_36 = vector.load %arg8[%get3A_34, %get3A_35] : memref<2000x128xf32, #tpu.memory_space<vmem>>, vector<2000x128xf32>
    %get3A_37 = arith.constant 0 : index
    %get3A_38 = arith.constant 0 : index
    %get3A_39 = vector.load %arg7[%get3A_37, %get3A_38] : memref<128x128xf32, #tpu.memory_space<vmem>>, vector<128x128xf32>
    %transpose3A = tpu.transpose %get3A_39, [1, 0] : vector<128x128xf32> -> vector<128x128xf32>
    %dot_general3A = arith.constant dense<0.000000e+00> : vector<2000x128xf32>
    %dot_general3A_40 = tpu.matmul %add3A_25, %transpose3A, %dot_general3A {dimension_numbers = #tpu.dot_dimension_numbers<[1], [0], [0], [1], [0, 0, 1, 1], [], []>, precision = #tpu.contract_precision<fp32>, transpose_lhs_hint = false} : vector<2000x128xf32>, vector<128x128xf32>, vector<2000x128xf32> -> vector<2000x128xf32>
    %mul3A_41 = arith.mulf %get3A_36, %dot_general3A_40 : vector<2000x128xf32>
    %swap3A_42 = arith.constant 0 : index
    %swap3A_43 = arith.constant 0 : index
    %swap3A_44 = vector.load %arg11[%swap3A_42, %swap3A_43] : memref<2000x128xf32, #tpu.memory_space<vmem>>, vector<2000x128xf32>
    tpu.vector_store %arg11[%swap3A_42, %swap3A_43], %mul3A_41 {strides = array<i32>} : memref<2000x128xf32, #tpu.memory_space<vmem>>, vector<2000x128xf32>,
    return
  }
  func.func @transform_0(%arg0: i32) -> (i32, i32) {
    %c0_i32 = arith.constant 0 : i32
    %c0_i32_0 = arith.constant 0 : i32
    return %arg0, %c0_i32 : i32, i32
  }
  func.func @transform_1(%arg0: i32) -> (i32, i32) {
    %c0_i32 = arith.constant 0 : i32
    %c0_i32_0 = arith.constant 0 : i32
    %c0_i32_1 = arith.constant 0 : i32
    return %c0_i32, %c0_i32_0 : i32, i32
  }
  func.func @transform_2(%arg0: i32) -> (i32, i32) {
    %c0_i32 = arith.constant 0 : i32
    %c0_i32_0 = arith.constant 0 : i32
    %c0_i32_1 = arith.constant 0 : i32
    return %c0_i32, %c0_i32_0 : i32, i32
  }
  func.func @transform_3(%arg0: i32) -> i32 {
    %c0_i32 = arith.constant 0 : i32
    %c0_i32_0 = arith.constant 0 : i32
    return %c0_i32 : i32
  }
  func.func @transform_4(%arg0: i32) -> i32 {
    %c0_i32 = arith.constant 0 : i32
    %c0_i32_0 = arith.constant 0 : i32
    return %c0_i32 : i32
  }
  func.func @transform_5(%arg0: i32) -> (i32, i32) {
    %c0_i32 = arith.constant 0 : i32
    %c0_i32_0 = arith.constant 0 : i32
    return %arg0, %c0_i32 : i32, i32
  }
  func.func @transform_6(%arg0: i32) -> (i32, i32) {
    %c0_i32 = arith.constant 0 : i32
    %c0_i32_0 = arith.constant 0 : i32
    %c0_i32_1 = arith.constant 0 : i32
    return %c0_i32, %c0_i32_0 : i32, i32
  }
  func.func @transform_7(%arg0: i32) -> (i32, i32) {
    %c0_i32 = arith.constant 0 : i32
    %c0_i32_0 = arith.constant 0 : i32
    return %arg0, %c0_i32 : i32, i32
  }
  func.func @transform_8(%arg0: i32) -> (i32, i32) {
    %c0_i32 = arith.constant 0 : i32
    %c0_i32_0 = arith.constant 0 : i32
    return %arg0, %c0_i32 : i32, i32
  }
  func.func @transform_9(%arg0: i32) -> (i32, i32) {
    %c0_i32 = arith.constant 0 : i32
    %c0_i32_0 = arith.constant 0 : i32
    return %arg0, %c0_i32 : i32, i32
  }
  func.func @transform_10(%arg0: i32) -> (i32, i32) {
    %c0_i32 = arith.constant 0 : i32
    %c0_i32_0 = arith.constant 0 : i32
    return %arg0, %c0_i32 : i32, i32
  }
}

module attributes {stable_mosaic.version = 14 : i64} {
  func.func @k(%arg0: i32, %arg1: memref<2000x128xf32, #tpu.memory_space<vmem>>, %arg2: memref<1x128xf32, #tpu.memory_space<vmem>>, %arg3: memref<1x128xf32, #tpu.memory_space<vmem>>, %arg4: memref<128xf32, #tpu.memory_space<vmem>>, %arg5: memref<128xf32, #tpu.memory_space<vmem>>, %arg6: memref<2000x128xf32, #tpu.memory_space<vmem>>, %arg7: memref<128x128xf32, #tpu.memory_space<vmem>>, %arg8: memref<2000x128xf32, #tpu.memory_space<vmem>>, %arg9: memref<2000x128xf32, #tpu.memory_space<vmem>>, %arg10: memref<2000x128xf32, #tpu.memory_space<vmem>>, %arg11: memref<2000x128xf32, #tpu.memory_space<vmem>>) attributes {dimension_semantics = [#tpu.dimension_semantics<arbitrary>], iteration_bounds = array<i64: 5>, scalar_prefetch = 0 : i64, scratch_operands = 0 : i64, tpu.core_type = #tpu.core_type<tc>, window_params = [{transform_indices = @transform_0, window_bounds = array<i64: 2000, 128>}, {pipeline_mode = #tpu.pipeline_mode<synchronous>, transform_indices = @transform_1, window_bounds = array<i64: 1, 128>}, {pipeline_mode = #tpu.pipeline_mode<synchronous>, transform_indices = @transform_2, window_bounds = array<i64: 1, 128>}, {pipeline_mode = #tpu.pipeline_mode<synchronous>, transform_indices = @transform_3, window_bounds = array<i64: 128>}, {pipeline_mode = #tpu.pipeline_mode<synchronous>, transform_indices = @transform_4, window_bounds = array<i64: 128>}, {transform_indices = @transform_5, window_bounds = array<i64: 2000, 128>}, {pipeline_mode = #tpu.pipeline_mode<synchronous>, transform_indices = @transform_6, window_bounds = array<i64: 128, 128>}, {transform_indices = @transform_7, window_bounds = array<i64: 2000, 128>}, {transform_indices = @transform_8, window_bounds = array<i64: 2000, 128>}, {transform_indices = @transform_9, window_bounds = array<i64: 2000, 128>}, {transform_indices = @transform_10, window_bounds = array<i64: 2000, 128>}]} {
    %get3A = arith.constant 0 : index
    %get3A_0 = arith.constant 0 : index
    %get3A_1 = vector.load %arg2[%get3A, %get3A_0] : memref<1x128xf32, #tpu.memory_space<vmem>>, vector<1x128xf32>
    %mul3A = arith.constant 9.99999974E-5 : f32
    %mul3A_2 = vector.broadcast %mul3A : f32 to vector<1x128xf32>
    %mul3A_3 = arith.mulf %get3A_1, %mul3A_2 : vector<1x128xf32>
    %get3A_4 = arith.constant 0 : index
    %get3A_5 = arith.constant 0 : index
    %get3A_6 = vector.load %arg3[%get3A_4, %get3A_5] : memref<1x128xf32, #tpu.memory_space<vmem>>, vector<1x128xf32>
    %mul3A_7 = arith.constant 9.99999974E-5 : f32
    %mul3A_8 = vector.broadcast %mul3A_7 : f32 to vector<1x128xf32>
    %mul3A_9 = arith.mulf %get3A_6, %mul3A_8 : vector<1x128xf32>
    %get3A_10 = arith.constant 0 : index
    %get3A_11 = vector.load %arg4[%get3A_10] : memref<128xf32, #tpu.memory_space<vmem>>, vector<128xf32>
    %get3A_12 = arith.constant 0 : index
    %get3A_13 = arith.constant 0 : index
    %get3A_14 = vector.load %arg1[%get3A_12, %get3A_13] : memref<2000x128xf32, #tpu.memory_space<vmem>>, vector<2000x128xf32>
    %sub3A = vector.broadcast %mul3A_3 : vector<1x128xf32> to vector<2000x128xf32>
    %sub3A_15 = arith.subf %get3A_14, %sub3A : vector<2000x128xf32>
    %broadcast_in_dim3A = vector.shape_cast %get3A_11 : vector<128xf32> to vector<1x128xf32>
    %mul3A_16 = vector.broadcast %broadcast_in_dim3A : vector<1x128xf32> to vector<2000x128xf32>
    %mul3A_17 = arith.mulf %mul3A_16, %sub3A_15 : vector<2000x128xf32>
    %add3A = arith.constant 9.99999974E-6 : f32
    %add3A_18 = vector.broadcast %add3A : f32 to vector<1x128xf32>
    %add3A_19 = arith.addf %mul3A_9, %add3A_18 : vector<1x128xf32>
    %sqrt3A = math.sqrt %add3A_19 : vector<1x128xf32>
    %div3A = vector.broadcast %sqrt3A : vector<1x128xf32> to vector<2000x128xf32>
    %div3A_20 = arith.divf %mul3A_17, %div3A : vector<2000x128xf32>
    %get3A_21 = arith.constant 0 : index
    %get3A_22 = vector.load %arg5[%get3A_21] : memref<128xf32, #tpu.memory_space<vmem>>, vector<128xf32>
    %broadcast_in_dim3A_23 = vector.shape_cast %get3A_22 : vector<128xf32> to vector<1x128xf32>
    %add3A_24 = vector.broadcast %broadcast_in_dim3A_23 : vector<1x128xf32> to vector<2000x128xf32>
    %add3A_25 = arith.addf %div3A_20, %add3A_24 : vector<2000x128xf32>
    %swap3A = arith.constant 0 : index
    %swap3A_26 = arith.constant 0 : index
    %swap3A_27 = vector.load %arg9[%swap3A, %swap3A_26] : memref<2000x128xf32, #tpu.memory_space<vmem>>, vector<2000x128xf32>
    tpu.vector_store %arg9[%swap3A, %swap3A_26], %add3A_25 {strides = array<i32>} : memref<2000x128xf32, #tpu.memory_space<vmem>>, vector<2000x128xf32>,
    %get3A_28 = arith.constant 0 : index
    %get3A_29 = arith.constant 0 : index
    %get3A_30 = vector.load %arg6[%get3A_28, %get3A_29] : memref<2000x128xf32, #tpu.memory_space<vmem>>, vector<2000x128xf32>
    %max3A = arith.maximumf %get3A_30, %add3A_25 : vector<2000x128xf32>
    %swap3A_31 = arith.constant 0 : index
    %swap3A_32 = arith.constant 0 : index
    %swap3A_33 = vector.load %arg10[%swap3A_31, %swap3A_32] : memref<2000x128xf32, #tpu.memory_space<vmem>>, vector<2000x128xf32>
    tpu.vector_store %arg10[%swap3A_31, %swap3A_32], %max3A {strides = array<i32>} : memref<2000x128xf32, #tpu.memory_space<vmem>>, vector<2000x128xf32>,
    %get3A_34 = arith.constant 0 : index
    %get3A_35 = arith.constant 0 : index
    %get3A_36 = vector.load %arg8[%get3A_34, %get3A_35] : memref<2000x128xf32, #tpu.memory_space<vmem>>, vector<2000x128xf32>
    %get3A_37 = arith.constant 0 : index
    %get3A_38 = arith.constant 0 : index
    %get3A_39 = vector.load %arg7[%get3A_37, %get3A_38] : memref<128x128xf32, #tpu.memory_space<vmem>>, vector<128x128xf32>
    %transpose3A = tpu.transpose %get3A_39, [1, 0] : vector<128x128xf32> -> vector<128x128xf32>
    %dot_general3A = arith.constant dense<0.000000e+00> : vector<2000x128xf32>
    %dot_general3A_40 = tpu.matmul %add3A_25, %transpose3A, %dot_general3A {dimension_numbers = #tpu.dot_dimension_numbers<[1], [0], [0], [1], [0, 0, 1, 1], [], []>, precision = #tpu.contract_precision<fp32>, transpose_lhs_hint = false} : vector<2000x128xf32>, vector<128x128xf32>, vector<2000x128xf32> -> vector<2000x128xf32>
    %mul3A_41 = arith.mulf %get3A_36, %dot_general3A_40 : vector<2000x128xf32>
    %swap3A_42 = arith.constant 0 : index
    %swap3A_43 = arith.constant 0 : index
    %swap3A_44 = vector.load %arg11[%swap3A_42, %swap3A_43] : memref<2000x128xf32, #tpu.memory_space<vmem>>, vector<2000x128xf32>
    tpu.vector_store %arg11[%swap3A_42, %swap3A_43], %mul3A_41 {strides = array<i32>} : memref<2000x128xf32, #tpu.memory_space<vmem>>, vector<2000x128xf32>,
    return
  }
  func.func @transform_0(%arg0: i32) -> (i32, i32) {
    %c0_i32 = arith.constant 0 : i32
    %c0_i32_0 = arith.constant 0 : i32
    return %arg0, %c0_i32 : i32, i32
  }
  func.func @transform_1(%arg0: i32) -> (i32, i32) {
    %c0_i32 = arith.constant 0 : i32
    %c0_i32_0 = arith.constant 0 : i32
    %c0_i32_1 = arith.constant 0 : i32
    return %c0_i32, %c0_i32_0 : i32, i32
  }
  func.func @transform_2(%arg0: i32) -> (i32, i32) {
    %c0_i32 = arith.constant 0 : i32
    %c0_i32_0 = arith.constant 0 : i32
    %c0_i32_1 = arith.constant 0 : i32
    return %c0_i32, %c0_i32_0 : i32, i32
  }
  func.func @transform_3(%arg0: i32) -> i32 {
    %c0_i32 = arith.constant 0 : i32
    %c0_i32_0 = arith.constant 0 : i32
    return %c0_i32 : i32
  }
  func.func @transform_4(%arg0: i32) -> i32 {
    %c0_i32 = arith.constant 0 : i32
    %c0_i32_0 = arith.constant 0 : i32
    return %c0_i32 : i32
  }
  func.func @transform_5(%arg0: i32) -> (i32, i32) {
    %c0_i32 = arith.constant 0 : i32
    %c0_i32_0 = arith.constant 0 : i32
    return %arg0, %c0_i32 : i32, i32
  }
  func.func @transform_6(%arg0: i32) -> (i32, i32) {
    %c0_i32 = arith.constant 0 : i32
    %c0_i32_0 = arith.constant 0 : i32
    %c0_i32_1 = arith.constant 0 : i32
    return %c0_i32, %c0_i32_0 : i32, i32
  }
  func.func @transform_7(%arg0: i32) -> (i32, i32) {
    %c0_i32 = arith.constant 0 : i32
    %c0_i32_0 = arith.constant 0 : i32
    return %arg0, %c0_i32 : i32, i32
  }
  func.func @transform_8(%arg0: i32) -> (i32, i32) {
    %c0_i32 = arith.constant 0 : i32
    %c0_i32_0 = arith.constant 0 : i32
    return %arg0, %c0_i32 : i32, i32
  }
  func.func @transform_9(%arg0: i32) -> (i32, i32) {
    %c0_i32 = arith.constant 0 : i32
    %c0_i32_0 = arith.constant 0 : i32
    return %arg0, %c0_i32 : i32, i32
  }
  func.func @transform_10(%arg0: i32) -> (i32, i32) {
    %c0_i32 = arith.constant 0 : i32
    %c0_i32_0 = arith.constant 0 : i32
    return %arg0, %c0_i32 : i32, i32
  }
}

module attributes {stable_mosaic.version = 14 : i64} {
  func.func @k(%arg0: memref<10000x128xf32, #tpu.memory_space<vmem>>, %arg1: memref<128xf32, #tpu.memory_space<vmem>>, %arg2: memref<128xf32, #tpu.memory_space<vmem>>, %arg3: memref<128x128xf32, #tpu.memory_space<vmem>>, %arg4: memref<128xf32, #tpu.memory_space<vmem>>, %arg5: memref<128xf32, #tpu.memory_space<vmem>>, %arg6: memref<128xf32, #tpu.memory_space<vmem>>, %arg7: memref<1x128xf32, #tpu.memory_space<vmem>>, %arg8: memref<1xf32, #tpu.memory_space<vmem>>, %arg9: memref<10000x1xf32, #tpu.memory_space<vmem>>) attributes {dimension_semantics = [], scalar_prefetch = 0 : i64, scratch_operands = 0 : i64, tpu.core_type = #tpu.core_type<tc>} {
    %get3A = arith.constant 0 : index
    %get3A_0 = arith.constant 0 : index
    %get3A_1 = vector.load %arg0[%get3A, %get3A_0] : memref<10000x128xf32, #tpu.memory_space<vmem>>, vector<10000x128xf32>
    %get3A_2 = arith.constant 0 : index
    %get3A_3 = vector.load %arg1[%get3A_2] : memref<128xf32, #tpu.memory_space<vmem>>, vector<128xf32>
    %get3A_4 = arith.constant 0 : index
    %get3A_5 = vector.load %arg2[%get3A_4] : memref<128xf32, #tpu.memory_space<vmem>>, vector<128xf32>
    %reshape3A = vector.shape_cast %get3A_1 : vector<10000x128xf32> to vector<8x1250x128xf32>
    %reduce_sum3A = arith.constant dense<0.000000e+00> : vector<8x128xf32>
    %reduce_sum3A_6 = vector.multi_reduction <add>, %reshape3A, %reduce_sum3A [1] : vector<8x1250x128xf32> to vector<8x128xf32>
    %reduce_sum3A_7 = arith.constant dense<0.000000e+00> : vector<128xf32>
    %reduce_sum3A_8 = vector.multi_reduction <add>, %reduce_sum3A_6, %reduce_sum3A_7 [0] : vector<8x128xf32> to vector<128xf32>
    %mul3A = arith.constant 9.99999974E-5 : f32
    %mul3A_9 = vector.broadcast %mul3A : f32 to vector<128xf32>
    %mul3A_10 = arith.mulf %reduce_sum3A_8, %mul3A_9 : vector<128xf32>
    %broadcast_in_dim3A = vector.shape_cast %mul3A_10 : vector<128xf32> to vector<1x128xf32>
    %sub3A = vector.broadcast %broadcast_in_dim3A : vector<1x128xf32> to vector<10000x128xf32>
    %sub3A_11 = arith.subf %get3A_1, %sub3A : vector<10000x128xf32>
    %mul3A_12 = arith.mulf %sub3A_11, %sub3A_11 : vector<10000x128xf32>
    %reshape3A_13 = vector.shape_cast %mul3A_12 : vector<10000x128xf32> to vector<8x1250x128xf32>
    %reduce_sum3A_14 = arith.constant dense<0.000000e+00> : vector<8x128xf32>
    %reduce_sum3A_15 = vector.multi_reduction <add>, %reshape3A_13, %reduce_sum3A_14 [1] : vector<8x1250x128xf32> to vector<8x128xf32>
    %reduce_sum3A_16 = arith.constant dense<0.000000e+00> : vector<128xf32>
    %reduce_sum3A_17 = vector.multi_reduction <add>, %reduce_sum3A_15, %reduce_sum3A_16 [0] : vector<8x128xf32> to vector<128xf32>
    %mul3A_18 = arith.constant 9.99999974E-5 : f32
    %mul3A_19 = vector.broadcast %mul3A_18 : f32 to vector<128xf32>
    %mul3A_20 = arith.mulf %reduce_sum3A_17, %mul3A_19 : vector<128xf32>
    %broadcast_in_dim3A_21 = vector.shape_cast %get3A_3 : vector<128xf32> to vector<1x128xf32>
    %mul3A_22 = vector.broadcast %broadcast_in_dim3A_21 : vector<1x128xf32> to vector<10000x128xf32>
    %mul3A_23 = arith.mulf %mul3A_22, %sub3A_11 : vector<10000x128xf32>
    %add3A = arith.constant 9.99999974E-6 : f32
    %add3A_24 = vector.broadcast %add3A : f32 to vector<128xf32>
    %add3A_25 = arith.addf %mul3A_20, %add3A_24 : vector<128xf32>
    %sqrt3A = math.sqrt %add3A_25 : vector<128xf32>
    %broadcast_in_dim3A_26 = vector.shape_cast %sqrt3A : vector<128xf32> to vector<1x128xf32>
    %div3A = vector.broadcast %broadcast_in_dim3A_26 : vector<1x128xf32> to vector<10000x128xf32>
    %div3A_27 = arith.divf %mul3A_23, %div3A : vector<10000x128xf32>
    %broadcast_in_dim3A_28 = vector.shape_cast %get3A_5 : vector<128xf32> to vector<1x128xf32>
    %add3A_29 = vector.broadcast %broadcast_in_dim3A_28 : vector<1x128xf32> to vector<10000x128xf32>
    %add3A_30 = arith.addf %div3A_27, %add3A_29 : vector<10000x128xf32>
    %get3A_31 = arith.constant 0 : index
    %get3A_32 = arith.constant 0 : index
    %get3A_33 = vector.load %arg3[%get3A_31, %get3A_32] : memref<128x128xf32, #tpu.memory_space<vmem>>, vector<128x128xf32>
    %transpose3A = tpu.transpose %get3A_33, [1, 0] : vector<128x128xf32> -> vector<128x128xf32>
    %dot_general3A = arith.constant dense<0.000000e+00> : vector<10000x128xf32>
    %dot_general3A_34 = tpu.matmul %add3A_30, %transpose3A, %dot_general3A {dimension_numbers = #tpu.dot_dimension_numbers<[1], [0], [0], [1], [0, 0, 1, 1], [], []>, precision = #tpu.contract_precision<fp32>, transpose_lhs_hint = false} : vector<10000x128xf32>, vector<128x128xf32>, vector<10000x128xf32> -> vector<10000x128xf32>
    %get3A_35 = arith.constant 0 : index
    %get3A_36 = vector.load %arg4[%get3A_35] : memref<128xf32, #tpu.memory_space<vmem>>, vector<128xf32>
    %broadcast_in_dim3A_37 = vector.shape_cast %get3A_36 : vector<128xf32> to vector<1x128xf32>
    %add3A_38 = vector.broadcast %broadcast_in_dim3A_37 : vector<1x128xf32> to vector<10000x128xf32>
    %add3A_39 = arith.addf %dot_general3A_34, %add3A_38 : vector<10000x128xf32>
    %get3A_40 = arith.constant 0 : index
    %get3A_41 = vector.load %arg5[%get3A_40] : memref<128xf32, #tpu.memory_space<vmem>>, vector<128xf32>
    %get3A_42 = arith.constant 0 : index
    %get3A_43 = vector.load %arg6[%get3A_42] : memref<128xf32, #tpu.memory_space<vmem>>, vector<128xf32>
    %reshape3A_44 = vector.shape_cast %add3A_39 : vector<10000x128xf32> to vector<8x1250x128xf32>
    %reduce_sum3A_45 = arith.constant dense<0.000000e+00> : vector<8x128xf32>
    %reduce_sum3A_46 = vector.multi_reduction <add>, %reshape3A_44, %reduce_sum3A_45 [1] : vector<8x1250x128xf32> to vector<8x128xf32>
    %reduce_sum3A_47 = arith.constant dense<0.000000e+00> : vector<128xf32>
    %reduce_sum3A_48 = vector.multi_reduction <add>, %reduce_sum3A_46, %reduce_sum3A_47 [0] : vector<8x128xf32> to vector<128xf32>
    %mul3A_49 = arith.constant 9.99999974E-5 : f32
    %mul3A_50 = vector.broadcast %mul3A_49 : f32 to vector<128xf32>
    %mul3A_51 = arith.mulf %reduce_sum3A_48, %mul3A_50 : vector<128xf32>
    %broadcast_in_dim3A_52 = vector.shape_cast %mul3A_51 : vector<128xf32> to vector<1x128xf32>
    %sub3A_53 = vector.broadcast %broadcast_in_dim3A_52 : vector<1x128xf32> to vector<10000x128xf32>
    %sub3A_54 = arith.subf %add3A_39, %sub3A_53 : vector<10000x128xf32>
    %mul3A_55 = arith.mulf %sub3A_54, %sub3A_54 : vector<10000x128xf32>
    %reshape3A_56 = vector.shape_cast %mul3A_55 : vector<10000x128xf32> to vector<8x1250x128xf32>
    %reduce_sum3A_57 = arith.constant dense<0.000000e+00> : vector<8x128xf32>
    %reduce_sum3A_58 = vector.multi_reduction <add>, %reshape3A_56, %reduce_sum3A_57 [1] : vector<8x1250x128xf32> to vector<8x128xf32>
    %reduce_sum3A_59 = arith.constant dense<0.000000e+00> : vector<128xf32>
    %reduce_sum3A_60 = vector.multi_reduction <add>, %reduce_sum3A_58, %reduce_sum3A_59 [0] : vector<8x128xf32> to vector<128xf32>
    %mul3A_61 = arith.constant 9.99999974E-5 : f32
    %mul3A_62 = vector.broadcast %mul3A_61 : f32 to vector<128xf32>
    %mul3A_63 = arith.mulf %reduce_sum3A_60, %mul3A_62 : vector<128xf32>
    %broadcast_in_dim3A_64 = vector.shape_cast %get3A_41 : vector<128xf32> to vector<1x128xf32>
    %mul3A_65 = vector.broadcast %broadcast_in_dim3A_64 : vector<1x128xf32> to vector<10000x128xf32>
    %mul3A_66 = arith.mulf %mul3A_65, %sub3A_54 : vector<10000x128xf32>
    %add3A_67 = arith.constant 9.99999974E-6 : f32
    %add3A_68 = vector.broadcast %add3A_67 : f32 to vector<128xf32>
    %add3A_69 = arith.addf %mul3A_63, %add3A_68 : vector<128xf32>
    %sqrt3A_70 = math.sqrt %add3A_69 : vector<128xf32>
    %broadcast_in_dim3A_71 = vector.shape_cast %sqrt3A_70 : vector<128xf32> to vector<1x128xf32>
    %div3A_72 = vector.broadcast %broadcast_in_dim3A_71 : vector<1x128xf32> to vector<10000x128xf32>
    %div3A_73 = arith.divf %mul3A_66, %div3A_72 : vector<10000x128xf32>
    %broadcast_in_dim3A_74 = vector.shape_cast %get3A_43 : vector<128xf32> to vector<1x128xf32>
    %add3A_75 = vector.broadcast %broadcast_in_dim3A_74 : vector<1x128xf32> to vector<10000x128xf32>
    %add3A_76 = arith.addf %div3A_73, %add3A_75 : vector<10000x128xf32>
    %max3A = arith.constant 0.000000e+00 : f32
    %max3A_77 = vector.broadcast %max3A : f32 to vector<10000x128xf32>
    %max3A_78 = arith.maximumf %add3A_76, %max3A_77 : vector<10000x128xf32>
    %get3A_79 = arith.constant 0 : index
    %get3A_80 = arith.constant 0 : index
    %get3A_81 = vector.load %arg7[%get3A_79, %get3A_80] : memref<1x128xf32, #tpu.memory_space<vmem>>, vector<1x128xf32>
    %mul3A_82 = vector.broadcast %get3A_81 : vector<1x128xf32> to vector<10000x128xf32>
    %mul3A_83 = arith.mulf %max3A_78, %mul3A_82 : vector<10000x128xf32>
    %reduce_sum3A_84 = arith.constant dense<0.000000e+00> : vector<10000xf32>
    %reduce_sum3A_85 = vector.multi_reduction <add>, %mul3A_83, %reduce_sum3A_84 [1] : vector<10000x128xf32> to vector<10000xf32>
    %broadcast_in_dim3A_86 = vector.shape_cast %reduce_sum3A_85 : vector<10000xf32> to vector<10000x1xf32>
    %get3A_87 = arith.constant 0 : index
    %get3A_88 = vector.load %arg8[%get3A_87] : memref<1xf32, #tpu.memory_space<vmem>>, vector<1xf32>
    %get3A_89 = vector.extract %get3A_88[0] : f32 from vector<1xf32>
    %add3A_90 = vector.broadcast %get3A_89 : f32 to vector<10000x1xf32>
    %add3A_91 = arith.addf %broadcast_in_dim3A_86, %add3A_90 : vector<10000x1xf32>
    %swap3A = arith.constant 0 : index
    %swap3A_92 = arith.constant 0 : index
    %swap3A_93 = vector.load %arg9[%swap3A, %swap3A_92] : memref<10000x1xf32, #tpu.memory_space<vmem>>, vector<10000x1xf32>
    tpu.vector_store %arg9[%swap3A, %swap3A_92], %add3A_91 {strides = array<i32>} : memref<10000x1xf32, #tpu.memory_space<vmem>>, vector<10000x1xf32>,
    return
  }
}

</mosaic_0001>

<sc_bundles>
// kernel: kernel.18.cloned.1.call-start
scs
__scs_entry_jumppad:
0x0: {  	(pc) =	sbr.rel $0x88, $3  }
0x1: {  	(tag) =	ssettag $0x0;
	lr =	simm.s32 $0x1  }
0x2: {  	[smem:$0x3F8B] =	sst lr;
	_ =	strace $0xD0000000  }
0x3: {  	_ = 	snop  }
0x4: {  	_ = 	snop  }
0x5: {  	_ = 	snop  }
0x6: {  	_ = 	snop  }
0x7: {  	_ = 	snop  }
__scs_overlays_trampoline_lowered:
0x8: {  	[smem:$0x3F9A] =	sst s0  }
0x9: {  	[smem:$0x3F9B] =	sst s1  }
0xa: {  	[smem:$0x3F9C] =	sst s2  }
0xb: {  	[smem:$0x3F9D] =	sst s3  }
0xc: {  	[smem:$0x3F9E] =	sst s4  }
0xd: {  	[smem:$0x3F9F] =	sst s5  }
0xe: {  	[smem:$0x3FA0] =	sst s6  }
0xf: {  	[smem:$0x3FA1] =	sst s7  }
0x10: {  	[smem:$0x3FA2] =	sst s8  }
0x11: {  	[smem:$0x3FA3] =	sst s9;
	s0 =	simm.s32 @!p0 $0x0  }
0x12: {  	s1 =	sld [smem:$0x3F89];
	s0 =	simm.s32 @p0 $0x1  }
0x13: {  	[smem:$0x3FA4] =	sst s0;
	s0 =	simm.s32 @!p1 $0x0  }
0x14: {  	s2 =	sld [smem:$0x3F88];
	s0 =	simm.s32 @p1 $0x1  }
0x15: {  	[smem:$0x3FA5] =	sst s0;
	s0 =	simm.s32 @!p2 $0x0  }
0x16: {  	s3 =	sld [smem:$0x3FDB];
	s0 =	simm.s32 @p2 $0x1  }
0x17: {  	s4 =	simm.s32 $0x1BF5;
	[smem:$0x3FA7] =	sst s0  }
0x18: {  	s0 =	sld [smem:$0x3F8A];
	_ =	swait.ge [sflag:s4], $0x0  }
0x19: {  	s7 =	sld [smem:$0x3F8B]  }
0x1a: {  	s8 =	sadd.s32 $0xFFFFE003, lr  }
0x1b: {  	s9 =	sadd.s32 $0xFFFFFEF7, lr;
	s5 =	simm.s32 $0xFFFFFFFF;
	p2 =	slt.u32 s8, $0xFFFFF086  }
0x1c: {  	p1 =	slt.u32 s9, $0xF7A;
	s5 =	simm.s32 @!p2 $0x0  }
0x1d: {  	s5 =	simm.s32 @p1 $0x1;
	p0 =	seq.s32 s7, s2  }
0x1e: {  	s7 =	smul.u32 @!p0 $0xF7A, s2;
	p2 =	seq.s32 @!p0 s5, $0x0  }
0x1f: {  	s9 =	smul.u32 $0xF7A, s1;
	s8 =	simm.s32 @!p0 $0x1BF5;
	p2 =	por !p2, p0  }
0x20: {  	[sflag:s8] =	ssyncset.s32 @!p0 $0xFFFFF086;
	s6 =	sadd.s32 @!p0 s3, s7;
	s7 =	simm.s32 @!p0 $0x108  }
0x21: {  	s3 =	sadd.s32 s3, s9;
	s6 =	sadd.s32 @!p0 $0x88, s6;
	s7 =	simm.s32 @p2 $0x1082  }
0x22: {  	[simem:s7], [sflag:s8] =	dma.local @!p0 [hbm:s6], $0xF7A  }
0x23: {  	s9 =	sor.u32 $0xD0000000, s2;
	s6 =	simm.s32 $0x108;
	_ =	swait.ge @!p0 [sflag:s8], $0x0  }
0x24: {  	s3 =	sadd.s32 $0x88, s3;
	s6 =	simm.s32 @!p1 $0x1082;
	[sflag:s4] =	ssyncset.s32 $0xFFFFF086  }
0x25: {  	[simem:s6], [sflag:s4] =	dma.local [hbm:s3], $0xF7A  }
0x26: {  	[smem:$0x3F8B] =	sst s1;
	(tag) =	ssettag s2;
	_ =	strace s9  }
0x27: {  	s1 =	sld [smem:$0x3F9B]  }
0x28: {  	s2 =	sld [smem:$0x3F9C]  }
0x29: {  	s4 =	sld [smem:$0x3F9E]  }
0x2a: {  	p0 =	seq.s32 s5, $0x0;
	s5 =	sld [smem:$0x3F9F]  }
0x2b: {  	s6 =	sld [smem:$0x3FA0]  }
0x2c: {  	s7 =	sld [smem:$0x3FA1]  }
0x2d: {  	s3 =	simm.s32 $0x108;
	s8 =	sld [smem:$0x3FA2]  }
0x2e: {  	s3 =	simm.s32 @!p0 $0x1082;
	s9 =	sld [smem:$0x3FA3]  }
0x2f: {  	lr =	sadd.s32 s0, s3;
	s0 =	sld [smem:$0x3F9A]  }
0x30: {  	s3 =	sld [smem:$0x3F9D]  }
0x31: {  	[smem:$0x3FA6] =	sst s10  }
0x32: {  	s10 =	sld [smem:$0x3FA4];
	_ =	sdelay $0x3  }
0x33: {  	p0 =	seq.s32 s10, $0x1;
	s10 =	sld [smem:$0x3FA6];
	_ =	sdelay $0x3  }
0x34: {  	[smem:$0x3FA6] =	sst s10  }
0x35: {  	s10 =	sld [smem:$0x3FA5];
	_ =	sdelay $0x3  }
0x36: {  	p1 =	seq.s32 s10, $0x1;
	s10 =	sld [smem:$0x3FA6];
	_ =	sdelay $0x3  }
0x37: {  	[smem:$0x3FA6] =	sst s10  }
0x38: {  	s10 =	sld [smem:$0x3FA7]  }
0x39: {  	_ = 	snop;
	(pc) =	sbr.ind lr, $3  }
0x3a: {  	_ = 	snop  }
0x3b: {  	_ = 	snop  }
0x3c: {  	p2 =	seq.s32 s10, $0x1;
	s10 =	sld [smem:$0x3FA6]  }
0x3d: {  	_ =	shalt  }
0x3e: {  	_ =	shalt  }
0x3f: {  	_ =	shalt  }
0x40: {  	_ =	shalt  }
0x41: {  	_ =	shalt  }
0x42: {  	_ =	shalt  }
0x43: {  	_ =	shalt  }
0x44: {  	_ =	shalt  }
0x45: {  	_ =	shalt  }
0x46: {  	_ =	shalt  }
0x47: {  	_ =	shalt  }
0x48: {  	_ =	shalt  }
0x49: {  	_ =	shalt  }
0x4a: {  	_ =	shalt  }
0x4b: {  	_ =	shalt  }
0x4c: {  	_ =	shalt  }
0x4d: {  	_ =	shalt  }
0x4e: {  	_ =	shalt  }
0x4f: {  	_ =	shalt  }
0x50: {  	_ =	shalt  }
0x51: {  	_ =	shalt  }
0x52: {  	_ =	shalt  }
0x53: {  	_ =	shalt  }
0x54: {  	_ =	shalt  }
0x55: {  	_ =	shalt  }
0x56: {  	_ =	shalt  }
0x57: {  	_ =	shalt  }
0x58: {  	_ =	shalt  }
0x59: {  	_ =	shalt  }
0x5a: {  	_ =	shalt  }
0x5b: {  	_ =	shalt  }
0x5c: {  	_ =	shalt  }
0x5d: {  	_ =	shalt  }
0x5e: {  	_ =	shalt  }
0x5f: {  	_ =	shalt  }
0x60: {  	_ =	shalt  }
0x61: {  	_ =	shalt  }
0x62: {  	_ =	shalt  }
0x63: {  	_ =	shalt  }
0x64: {  	_ =	shalt  }
0x65: {  	_ =	shalt  }
0x66: {  	_ =	shalt  }
0x67: {  	_ =	shalt  }
0x68: {  	_ =	shalt  }
0x69: {  	_ =	shalt  }
0x6a: {  	_ =	shalt  }
0x6b: {  	_ =	shalt  }
0x6c: {  	_ =	shalt  }
0x6d: {  	_ =	shalt  }
0x6e: {  	_ =	shalt  }
0x6f: {  	_ =	shalt  }
0x70: {  	_ =	shalt  }
0x71: {  	_ =	shalt  }
0x72: {  	_ =	shalt  }
0x73: {  	_ =	shalt  }
0x74: {  	_ =	shalt  }
0x75: {  	_ =	shalt  }
0x76: {  	_ =	shalt  }
0x77: {  	_ =	shalt  }
0x78: {  	_ =	shalt  }
0x79: {  	_ =	shalt  }
0x7a: {  	_ =	shalt  }
0x7b: {  	_ =	shalt  }
0x7c: {  	_ =	shalt  }
0x7d: {  	_ =	shalt  }
0x7e: {  	_ =	shalt  }
0x7f: {  	_ =	shalt  }
0x80: {  	_ =	shalt  }
0x81: {  	_ =	shalt  }
0x82: {  	_ =	shalt  }
0x83: {  	_ =	shalt  }
0x84: {  	_ =	shalt  }
0x85: {  	_ =	shalt  }
0x86: {  	_ =	shalt  }
0x87: {  	_ =	shalt  }
.Lfunc_end0:
.L_simem_size_0:
called_computation_lowered:
.L_overlay_start_0:
0x88: {  	s2 =	sld [smem:$0x3FD9]  }
0x89: {  	s3 =	sld [smem:$0x3FFE];
	_ =	sdelay $0x1  }
0x8a: {  	s1 =	srdreg.scid  }
0x8b: {  	s0 =	sand.u32 $0x1, s1  }
0x8c: {  	s16 =	sshll.u32 s0, $0xA;
	s2 =	sadd.s32 s3, s2  }
0x8d: {  	s2 =	sadd.s32 s2, s16  }
0x8e: {  	[smem:$0x3FB2] =	sst s2  }
0x8f: {  	_ = 	snop  }
0x90: {  	(tm) =	ssettm $0x1  }
0x91: {  	s17 =	sld [smem:$0x3FFB];
	_ =	sdelay $0x3  }
0x92: {  	_ =	strace s17  }
0x93: {  	s2 =	sld [smem:$0x3FFC];
	_ =	sdelay $0x3  }
0x94: {  	_ =	strace s2  }
0x95: {  	s2 =	sld [smem:$0x3FFD];
	_ =	sdelay $0x3  }
0x96: {  	_ =	strace s2  }
0x97: {  	_ =	strace $0x8FFFFFFF  }
0x98: {  	s18 =	sld [smem:$0x3FDB];
	_ =	sdelay $0x1  }
0x99: {  	s19 =	simm.s32 $_scs_section_size  }
0x9a: {  	s4 =	simm.s32 $_size__tile_overlayer_lowered;
	s5 =	simm.s32 $_tile_overlayer_lowered  }
0x9b: {  	s22 =	simm.s32 $0x1BFF;
	s21 =	sshll.u32 s5, $0x1;
	s2 =	sadd.s32 s19, s18  }
0x9c: {  	s6 =	simm.s32 $0x0;
	s20 =	sshll.u32 s4, $0x1;
	s4 =	sadd.s32 s21, s2  }
0x9d: {  	[timem:s6], [sflag:s22] =	dma.local [hbm:s4], s20  }
0x9e: {  	_ =	swait.ge [sflag:s22], s20  }
0x9f: {  	s3 =	ssub.s32 $0x0, s20;
	[sflag:s22] =	ssyncset.done $0x0  }
0xa0: {  	[sflag:s22] =	ssyncadd.s32 s3;
	_ =	sdelay $0x1  }
0xa1: {  	s23 =	simm.s32 $0x1B8B  }
0xa2: {  	_ =	swait.ge [sflag:s23], $0x1  }
0xa3: {  	[sflag:s23] =	ssyncset.done $0x0  }
0xa4: {  	s25 =	simm.s32 $0x1B8E;
	s24 =	sld [smem:$0x3FFE];
	[sflag:s23] =	ssyncadd.s32 $0xFFFFFFFF  }
0xa5: {  	s26 =	simm.s32 $execute0_lowered;
	[smem:$0x3FD2] =	sst s25  }
0xa6: {  	s4 =	sshll.u32 s26, $0x1;
	_ =	strace $0x80000046;
	[dreg:$0x1] =	wrdreg $0xFFFFFFFF  }
0xa7: {  	s28 =	simm.s32 $_size_execute0_lowered;
	s2 =	sadd.s32 s2, s4;
	[dreg:$0x0] =	wrdreg $0x0  }
0xa8: {  	s4 =	sshll.u32 s28, $0x1;
	[dreg:$0x2] =	wrdreg s2  }
0xa9: {  	[dreg:$0x3] =	wrdreg s4  }
0xaa: {  	[dreg:$0x4] =	wrdreg $0xC0  }
0xab: {  	_ =	task [dreg:s6], $0x5FFFF  }
0xac: {  	[dreg:$0x1] =	wrdreg $0xFFFFFFFF  }
0xad: {  	[dreg:$0x0] =	wrdreg $0x60  }
0xae: {  	[dreg:$0x2] =	wrdreg s24  }
0xaf: {  	[dreg:$0x3] =	wrdreg $0x90000  }
0xb0: {  	[dreg:$0x4] =	wrdreg $0x9  }
0xb1: {  	_ =	task.clear_ibuf [dreg:s6], $0x5FFFF;
	_ =	strace $0x90000046  }
0xb2: {  	s29 =	simm.s32 $0x9;
	_ =	strace $0x80000048  }
0xb3: {  	_ =	swait.ge [sflag:s29], $0x1  }
0xb4: {  	[sflag:s29] =	ssyncadd.s32 $0xFFFFFFFF  }
0xb5: {  	_ =	strace $0x90000048  }
0xb6: {  	_ =	sfence  }
0xb7: {  	s30 =	sld [smem:$0x0];
	_ =	sdelay $0x2  }
0xb8: {  	s31 =	sshll.u32 s1, $0xD;
	s1 =	sshrl.u32 s1, $0x2  }
0xb9: {  	s3 =	sand.u32 $0x4000, s31;
	s1 =	sadd.s32 s1, s30  }
0xba: {  	s0 =	sor.u32 s3, s0;
	s1 =	sshll.u32 s1, $0x11  }
0xbb: {  	s0 =	sor.u32 s1, s0  }
0xbc: {  	s0 =	sadd.s32 $0x8F2B, s0  }
0xbd: {  	[sflag:s0] =	ssyncadd.remote.s32 $0x1  }
0xbe: {  	_ =	sfence.sel $0xFFFF  }
0xbf: {  	[dreg:$0x0] =	wrdreg $0xFFFFFFFF;
	(pc) =	sbr.abs _section_cstart, $3  }
0xc0: {  	[dreg:$0x1] =	wrdreg $0xFFFFFFFF  }
0xc1: {  	_ =	task.clear_ibuf [dreg:s6], $0x2FFFF;
	_ =	strace $0x9FFFFFFF  }
0xc2: {  	(tm) =	ssettm $0x7FFFFFFF  }
0xc3: {  	_ =	shalt  }
tec
execute0_lowered:
.L_overlay_start_1:
0x0: {  	(tag) =	ssettag $0x1  }
0x1: {  	s5 =	stileid.u32  }
0x2: {  	s1 =	srdreg.scid;
	s8 =	smul.u32 $0xA000, s5  }
0x3: {  	s1 =	sand.u32 $0x1, s1;
	s26 =	smul.u32 $0x2800, s5  }
0x4: {  	s9 =	sor.u32 $0x10, s5;
	s12 =	smul.u32 $0x138800, s1  }
0x5: {  	s11 =	sor.u32 $0x20, s5;
	s10 =	smul.u32 $0xA000, s9  }
0x6: {  	s14 =	sor.u32 $0x30, s5;
	s13 =	smul.u32 $0xA000, s11  }
0x7: {  	s0 =	rddreg [dreg:$0x0];
	s17 =	sor.u32 $0x40, s5;
	s16 =	smul.u32 $0xA000, s14  }
0x8: {  	s2 =	rddreg [dreg:$0x1];
	s19 =	sor.u32 $0x50, s5;
	s18 =	smul.u32 $0xA000, s17  }
0x9: {  	s3 =	simm.s32 $0x0;
	s21 =	sor.u32 $0x60, s5;
	s20 =	smul.u32 $0xA000, s19  }
0xa: {  	[smem:$0x7FF] =	sst s3;
	s25 =	smul.u32 $0xA000, s21  }
0xb: {  	s4 =	sshll.u32 s5, $0xB;
	s23 =	sadd.s32 $0x17200, s0;
	s22 =	smul.u32 $0x2800, s9  }
0xc: {  	s24 =	sadd.s32 $0x17800, s0;
	s6 =	sadd.s32 s4, s0;
	s4 =	smul.u32 $0x2800, s11  }
0xd: {  	_ =	strace $0x80000047;
	[dreg:$0x3] =	wrdreg s23;
	s14 =	smul.u32 $0x2800, s14  }
0xe: {  	s31 =	simm.s32 $0x3;
	[dreg:$0x4] =	wrdreg s24;
	s17 =	smul.u32 $0x2800, s17  }
0xf: {  	s0 =	sadd.s32 $0x17E00, s0;
	s7 =	ssub.s32 $0x2, s1;
	s19 =	smul.u32 $0x2800, s19  }
0x10: {  	s1 =	sshll.u32 s1, $0xF;
	s24 =	sor.u32 $0x70, s5;
	s21 =	smul.u32 $0x2800, s21  }
0x11: {  	s15 =	sshrl.u32 s7, $0x1;
	s1 =	sadd.s32 s1, s6;
	s8 =	sshrl.u32 s8, $0x2  }
0x12: {  	s5 =	smul.u32 $0xA000, s24;
	p0 =	sgt.u32 s24, $0x7C;
	s7 =	ssub.s32 s7, s15  }
0x13: {  	s6 =	sadd.s32 $0x7200, s1;
	s8 =	sadd.s32 s8, s2;
	s10 =	sshrl.u32 s10, $0x2  }
0x14: {  	s30 =	sshrl.u32 s13, $0x2;
	s16 =	sshrl.u32 s16, $0x2;
	s1 =	sshrl.u32 s25, $0x2  }
0x15: {  	s15 =	sadd.s32 s12, s26;
	s22 =	sadd.s32 s12, s22;
	s23 =	sadd.s32 s12, s14  }
0x16: {  	s25 =	sadd.s32 s12, s17;
	s26 =	sadd.s32 s12, s19;
	s28 =	sadd.s32 s12, s21  }
0x17: {  	s7 =	smax.u32 s7, $0x1;
	s9 =	sadd.s32 s10, s2;
	s10 =	sadd.s32 s30, s2  }
0x18: {  	s11 =	sadd.s32 s16, s2;
	s16 =	sshrl.u32 s18, $0x2;
	s18 =	sshrl.u32 s20, $0x2  }
0x19: {  	s30 =	sadd.s32 s12, s4;
	s4 =	smul.u32 $0x2800, s24;
	s14 =	sadd.s32 s1, s2  }
0x1a: {  	s19 =	sshrl.u32 s15, $0x3;
	s20 =	sshrl.u32 s22, $0x3;
	s22 =	sshrl.u32 s23, $0x3  }
0x1b: {  	s23 =	sshrl.u32 s25, $0x3;
	s25 =	sshrl.u32 s26, $0x3;
	s26 =	sshrl.u32 s28, $0x3  }
0x1c: {  	s24 =	simm.s32 $0x2;
	s28 =	simm.s32 $0x50;
	s13 =	sadd.s32 s18, s2  }
0x1d: {  	s18 =	sshrl.u32 s5, $0x2;
	s17 =	sadd.s32 s0, s20;
	s21 =	sshrl.u32 s30, $0x3  }
0x1e: {  	s20 =	sadd.s32 s0, s23;
	s29 =	sadd.s32 s12, s4;
	s12 =	sadd.s32 s16, s2  }
0x1f: {  	s15 =	sadd.s32 s18, s2;
	s16 =	sadd.s32 s0, s19;
	s18 =	sadd.s32 s0, s21  }
0x20: {  	s19 =	sadd.s32 s0, s22;
	s21 =	sadd.s32 s0, s25;
	s22 =	sadd.s32 s0, s26  }
0x21: {  	s25 =	simm.s32 $0x6800;
	s26 =	simm.s32 $0x4000;
	s30 =	sshrl.u32 s29, $0x3  }
0x22: {  	s29 =	simm.s32 $0x1;
	s23 =	sadd.s32 s0, s30;
	s0 =	simm.s32 $0x0  }
.LBB2_1:
0x23: {  	[tilespmem:s3], [sflag:$0x2] =	stream.linear.gather [hbm4b:s6+s3], $0x3E80, $0x38;
	[tilespmem:$0x1C880] =	vst v63  }
0x24: {  	_ =	swait.ge [sflag:s24], $0x3E80  }
0x25: {  	[sflag:s24] =	ssyncset.done $0x0  }
0x26: {  	s1 =	rddreg [dreg:$0x3];
	[sflag:s24] =	ssyncadd.s32 $0xFFFFC180  }
0x27: {  	[tilespmem:s25], [sflag:$0x2] =	stream.linear.gather [hbm4b:s1+s3], $0x2800, $0x38;
	[tilespmem:$0x1C880] =	vst v63  }
0x28: {  	_ =	swait.ge [sflag:s24], $0x2800  }
0x29: {  	[sflag:s24] =	ssyncset.done $0x0  }
0x2a: {  	s5 =	rddreg [dreg:$0x4];
	[sflag:s24] =	ssyncadd.s32 $0xFFFFD800  }
0x2b: {  	[tilespmem:s26], [sflag:$0x2] =	stream.linear.gather [hbm4b:s5+s3], $0x2800, $0x38;
	[tilespmem:$0x1C880] =	vst v63  }
0x2c: {  	_ =	swait.ge [sflag:s24], $0x2800  }
0x2d: {  	[sflag:s24] =	ssyncset.done $0x0  }
0x2e: {  	[sflag:s24] =	ssyncadd.s32 $0xFFFFD800  }
0x2f: {  	[spmem:s8] =	stream.linear.scatter [tilespmem:s25], [sflag:$0x2], $0x2800, $0x38;
	[tilespmem:$0x1C880] =	vst v63  }
0x30: {  	_ =	swait.ge [sflag:s24], $0x2800  }
0x31: {  	[sflag:s24] =	ssyncset.done $0x0  }
0x32: {  	[sflag:s24] =	ssyncadd.s32 $0xFFFFD800  }
0x33: {  	[spmem:s9] =	stream.linear.scatter [tilespmem:s25], [sflag:$0x2], $0x2800, $0x38;
	[tilespmem:$0x1C880] =	vst v63  }
0x34: {  	_ =	swait.ge [sflag:s24], $0x2800  }
0x35: {  	[sflag:s24] =	ssyncset.done $0x0  }
0x36: {  	[sflag:s24] =	ssyncadd.s32 $0xFFFFD800  }
0x37: {  	[spmem:s10] =	stream.linear.scatter [tilespmem:s25], [sflag:$0x2], $0x2800, $0x38;
	[tilespmem:$0x1C880] =	vst v63  }
0x38: {  	_ =	swait.ge [sflag:s24], $0x2800  }
0x39: {  	[sflag:s24] =	ssyncset.done $0x0  }
0x3a: {  	[sflag:s24] =	ssyncadd.s32 $0xFFFFD800  }
0x3b: {  	[spmem:s11] =	stream.linear.scatter [tilespmem:s25], [sflag:$0x2], $0x2800, $0x38;
	[tilespmem:$0x1C880] =	vst v63  }
0x3c: {  	_ =	swait.ge [sflag:s24], $0x2800  }
0x3d: {  	[sflag:s24] =	ssyncset.done $0x0  }
0x3e: {  	[sflag:s24] =	ssyncadd.s32 $0xFFFFD800  }
0x3f: {  	[spmem:s12] =	stream.linear.scatter [tilespmem:s25], [sflag:$0x2], $0x2800, $0x38;
	[tilespmem:$0x1C880] =	vst v63  }
0x40: {  	_ =	swait.ge [sflag:s24], $0x2800  }
0x41: {  	[sflag:s24] =	ssyncset.done $0x0  }
0x42: {  	[sflag:s24] =	ssyncadd.s32 $0xFFFFD800  }
0x43: {  	[spmem:s13] =	stream.linear.scatter [tilespmem:s25], [sflag:$0x2], $0x2800, $0x38;
	[tilespmem:$0x1C880] =	vst v63  }
0x44: {  	_ =	swait.ge [sflag:s24], $0x2800  }
0x45: {  	[sflag:s24] =	ssyncset.done $0x0  }
0x46: {  	[sflag:s24] =	ssyncadd.s32 $0xFFFFD800  }
0x47: {  	[spmem:s14] =	stream.linear.scatter [tilespmem:s25], [sflag:$0x2], $0x2800, $0x38;
	[tilespmem:$0x1C880] =	vst v63  }
0x48: {  	_ =	swait.ge [sflag:s24], $0x2800  }
0x49: {  	[sflag:s24] =	ssyncset.done $0x0  }
0x4a: {  	s1 =	simm.s32 @!p0 $0x6800;
	[sflag:s24] =	ssyncadd.s32 $0xFFFFD800  }
0x4b: {  	[spmem:s15] =	stream.linear.scatter @!p0 [tilespmem:s1], [sflag:$0x2], $0x2800, $0x38;
	[tilespmem:$0x1C880] =	vst v63  }
0x4c: {  	s1 =	simm.s32 @!p0 $0x2  }
0x4d: {  	_ =	swait.ge @!p0 [sflag:s1], $0x2800  }
0x4e: {  	[sflag:s1] =	ssyncset.done @!p0 $0x0  }
0x4f: {  	[sflag:s1] =	ssyncadd.s32 @!p0 $0xFFFFD800  }
0x50: {  	s4 =	simm.s32 $0x0;
	[bflag:$0x0] =	sbarrier.arrive $0xFFFF  }
0x51: {  	[spmem:s2] =	stream.indirect.scatter.add.f32 [tilespmem:s26], [sflag:$0x1], $0x80, s4, s28, $0xb8;
	[tilespmem:$0x1C880] =	vst v63  }
0x52: {  	s5 =	simm.s32 $0x80  }
0x53: {  	[spmem:s2] =	stream.indirect.scatter.add.f32 [tilespmem:s26], [sflag:$0x1], $0x80, s5, s28, $0xb8;
	[tilespmem:$0x1C880] =	vst v63  }
0x54: {  	s4 =	simm.s32 $0x100  }
0x55: {  	[spmem:s2] =	stream.indirect.scatter.add.f32 [tilespmem:s26], [sflag:$0x1], $0x80, s4, s28, $0xb8;
	[tilespmem:$0x1C880] =	vst v63  }
0x56: {  	s5 =	simm.s32 $0x180  }
0x57: {  	[spmem:s2] =	stream.indirect.scatter.add.f32 [tilespmem:s26], [sflag:$0x1], $0x80, s5, s28, $0xb8;
	[tilespmem:$0x1C880] =	vst v63  }
0x58: {  	_ =	swait.ge [sflag:s29], $0x2800  }
0x59: {  	[sflag:s29] =	ssyncset.done $0x0  }
0x5a: {  	[sflag:s29] =	ssyncadd.s32 $0xFFFFD800  }
0x5b: {  	_ =	swait.ge [sflag:s29], $0x2800  }
0x5c: {  	[sflag:s29] =	ssyncset.done $0x0  }
0x5d: {  	[sflag:s29] =	ssyncadd.s32 $0xFFFFD800  }
0x5e: {  	_ =	swait.ge [sflag:s29], $0x2800  }
0x5f: {  	[sflag:s29] =	ssyncset.done $0x0  }
0x60: {  	[sflag:s29] =	ssyncadd.s32 $0xFFFFD800  }
0x61: {  	_ =	swait.ge [sflag:s29], $0x2800  }
0x62: {  	s30 =	simm.s32 $0x1000;
	s1 =	simm.s32 $0x800;
	[sflag:s29] =	ssyncset.done $0x0  }
.LBB2_2:
0x63: {  	s4 =	sshra.s32 s1, $0x2  }
0x64: {  	[sflag:s29] =	ssyncadd.s32 $0xFFFFD800;
	s1 =	smov.u32 s30;
	s5 =	sadd.s32 $0x800, s30  }
0x65: {  	[spmem:s2] =	stream.indirect.scatter.add.f32 [tilespmem:s26], [sflag:$0x1], $0x80, s4, s28, $0xb8;
	[tilespmem:$0x1C880] =	vst v63  }
0x66: {  	p1 =	sne.s32 s30, $0xF000;
	s30 =	sadd.s32 $0x80, s4  }
0x67: {  	[spmem:s2] =	stream.indirect.scatter.add.f32 [tilespmem:s26], [sflag:$0x1], $0x80, s30, s28, $0xb8;
	[tilespmem:$0x1C880] =	vst v63  }
0x68: {  	s30 =	sadd.s32 $0x100, s4  }
0x69: {  	[spmem:s2] =	stream.indirect.scatter.add.f32 [tilespmem:s26], [sflag:$0x1], $0x80, s30, s28, $0xb8;
	[tilespmem:$0x1C880] =	vst v63  }
0x6a: {  	s4 =	sadd.s32 $0x180, s4  }
0x6b: {  	[spmem:s2] =	stream.indirect.scatter.add.f32 [tilespmem:s26], [sflag:$0x1], $0x80, s4, s28, $0xb8;
	[tilespmem:$0x1C880] =	vst v63  }
0x6c: {  	_ =	swait.ge [sflag:s29], $0x2800  }
0x6d: {  	[sflag:s29] =	ssyncset.done $0x0  }
0x6e: {  	[sflag:s29] =	ssyncadd.s32 $0xFFFFD800  }
0x6f: {  	_ =	swait.ge [sflag:s29], $0x2800  }
0x70: {  	[sflag:s29] =	ssyncset.done $0x0  }
0x71: {  	[sflag:s29] =	ssyncadd.s32 $0xFFFFD800  }
.Ltmp0:
0x72: {  	_ =	swait.ge [sflag:s29], $0x2800;
	(pc) =	sbr.rel @p1 .LBB2_2-.Ltmp0, $4  }
0x73: {  	[sflag:s29] =	ssyncset.done $0x0  }
0x74: {  	[sflag:s29] =	ssyncadd.s32 $0xFFFFD800  }
0x75: {  	_ =	swait.ge [sflag:s29], $0x2800  }
0x76: {  	s30 =	smov.u32 s5;
	[sflag:s29] =	ssyncset.done $0x0  }
0x77: {  	s1 =	sshra.s32 s1, $0x2;
	[sflag:s29] =	ssyncadd.s32 $0xFFFFD800  }
0x78: {  	[spmem:s2] =	stream.indirect.scatter.add.f32 [tilespmem:s26], [sflag:$0x1], $0x80, s1, s28, $0xb8;
	[tilespmem:$0x1C880] =	vst v63  }
0x79: {  	s4 =	sadd.s32 $0x80, s1  }
0x7a: {  	[spmem:s2] =	stream.indirect.scatter.add.f32 [tilespmem:s26], [sflag:$0x1], $0x80, s4, s28, $0xb8;
	[tilespmem:$0x1C880] =	vst v63  }
0x7b: {  	s5 =	sadd.s32 $0x100, s1  }
0x7c: {  	[spmem:s2] =	stream.indirect.scatter.add.f32 [tilespmem:s26], [sflag:$0x1], $0x80, s5, s28, $0xb8;
	[tilespmem:$0x1C880] =	vst v63  }
0x7d: {  	s1 =	sadd.s32 $0x180, s1  }
0x7e: {  	[spmem:s2] =	stream.indirect.scatter.add.f32 [tilespmem:s26], [sflag:$0x1], $0x80, s1, s28, $0xb8;
	[tilespmem:$0x1C880] =	vst v63  }
0x7f: {  	_ =	swait.ge [sflag:s29], $0x2800  }
0x80: {  	[sflag:s29] =	ssyncset.done $0x0  }
0x81: {  	[sflag:s29] =	ssyncadd.s32 $0xFFFFD800  }
0x82: {  	_ =	swait.ge [sflag:s29], $0x2800  }
0x83: {  	[sflag:s29] =	ssyncset.done $0x0  }
0x84: {  	[sflag:s29] =	ssyncadd.s32 $0xFFFFD800  }
0x85: {  	_ =	swait.ge [sflag:s29], $0x2800  }
0x86: {  	[sflag:s29] =	ssyncset.done $0x0  }
0x87: {  	[sflag:s29] =	ssyncadd.s32 $0xFFFFD800  }
0x88: {  	_ =	swait.ge [sflag:s29], $0x2800  }
0x89: {  	[sflag:s29] =	ssyncset.done $0x0  }
0x8a: {  	s30 =	simm.s32 $0x3E00;
	[sflag:s29] =	ssyncadd.s32 $0xFFFFD800  }
0x8b: {  	[spmem:s2] =	stream.indirect.scatter.add.f32 [tilespmem:s26], [sflag:$0x2], $0x80, s30, s28, $0xb8;
	[tilespmem:$0x1C880] =	vst v63  }
0x8c: {  	_ =	swait.ge [sflag:s24], $0x2800  }
0x8d: {  	[sflag:s24] =	ssyncset.done $0x0  }
0x8e: {  	[sflag:s24] =	ssyncadd.s32 $0xFFFFD800  }
0x8f: {  	[bflag:$0x0] =	sbarrier.arrive $0xFFFF  }
0x90: {  	[tilespmem:s25], [sflag:$0x3] =	stream.linear.gather [spmem:s8], $0x2800, $0x38;
	[tilespmem:$0x1C880] =	vst v63  }
0x91: {  	_ =	swait.ge [sflag:s31], $0x2800  }
0x92: {  	[sflag:s31] =	ssyncset.done $0x0  }
0x93: {  	[sflag:s31] =	ssyncadd.s32 $0xFFFFD800  }
0x94: {  	[hbm4b:s16+s3] =	stream.linear.scatter [tilespmem:s25], [sflag:$0x2], $0x2800, $0x38;
	[tilespmem:$0x1C880] =	vst v63  }
0x95: {  	_ =	swait.ge [sflag:s24], $0x2800  }
0x96: {  	[sflag:s24] =	ssyncset.done $0x0  }
0x97: {  	[sflag:s24] =	ssyncadd.s32 $0xFFFFD800  }
0x98: {  	[tilespmem:s25], [sflag:$0x3] =	stream.linear.gather [spmem:s9], $0x2800, $0x38;
	[tilespmem:$0x1C880] =	vst v63  }
0x99: {  	_ =	swait.ge [sflag:s31], $0x2800  }
0x9a: {  	[sflag:s31] =	ssyncset.done $0x0  }
0x9b: {  	[sflag:s31] =	ssyncadd.s32 $0xFFFFD800  }
0x9c: {  	[hbm4b:s17+s3] =	stream.linear.scatter [tilespmem:s25], [sflag:$0x2], $0x2800, $0x38;
	[tilespmem:$0x1C880] =	vst v63  }
0x9d: {  	_ =	swait.ge [sflag:s24], $0x2800  }
0x9e: {  	[sflag:s24] =	ssyncset.done $0x0  }
0x9f: {  	[sflag:s24] =	ssyncadd.s32 $0xFFFFD800  }
0xa0: {  	[tilespmem:s25], [sflag:$0x3] =	stream.linear.gather [spmem:s10], $0x2800, $0x38;
	[tilespmem:$0x1C880] =	vst v63  }
0xa1: {  	_ =	swait.ge [sflag:s31], $0x2800  }
0xa2: {  	[sflag:s31] =	ssyncset.done $0x0  }
0xa3: {  	[sflag:s31] =	ssyncadd.s32 $0xFFFFD800  }
0xa4: {  	[hbm4b:s18+s3] =	stream.linear.scatter [tilespmem:s25], [sflag:$0x2], $0x2800, $0x38;
	[tilespmem:$0x1C880] =	vst v63  }
0xa5: {  	_ =	swait.ge [sflag:s24], $0x2800  }
0xa6: {  	[sflag:s24] =	ssyncset.done $0x0  }
0xa7: {  	[sflag:s24] =	ssyncadd.s32 $0xFFFFD800  }
0xa8: {  	[tilespmem:s25], [sflag:$0x3] =	stream.linear.gather [spmem:s11], $0x2800, $0x38;
	[tilespmem:$0x1C880] =	vst v63  }
0xa9: {  	_ =	swait.ge [sflag:s31], $0x2800  }
0xaa: {  	[sflag:s31] =	ssyncset.done $0x0  }
0xab: {  	[sflag:s31] =	ssyncadd.s32 $0xFFFFD800  }
0xac: {  	[hbm4b:s19+s3] =	stream.linear.scatter [tilespmem:s25], [sflag:$0x2], $0x2800, $0x38;
	[tilespmem:$0x1C880] =	vst v63  }
0xad: {  	_ =	swait.ge [sflag:s24], $0x2800  }
0xae: {  	[sflag:s24] =	ssyncset.done $0x0  }
0xaf: {  	[sflag:s24] =	ssyncadd.s32 $0xFFFFD800  }
0xb0: {  	[tilespmem:s25], [sflag:$0x3] =	stream.linear.gather [spmem:s12], $0x2800, $0x38;
	[tilespmem:$0x1C880] =	vst v63  }
0xb1: {  	_ =	swait.ge [sflag:s31], $0x2800  }
0xb2: {  	[sflag:s31] =	ssyncset.done $0x0  }
0xb3: {  	[sflag:s31] =	ssyncadd.s32 $0xFFFFD800  }
0xb4: {  	[hbm4b:s20+s3] =	stream.linear.scatter [tilespmem:s25], [sflag:$0x2], $0x2800, $0x38;
	[tilespmem:$0x1C880] =	vst v63  }
0xb5: {  	_ =	swait.ge [sflag:s24], $0x2800  }
0xb6: {  	[sflag:s24] =	ssyncset.done $0x0  }
0xb7: {  	[sflag:s24] =	ssyncadd.s32 $0xFFFFD800  }
0xb8: {  	[tilespmem:s25], [sflag:$0x3] =	stream.linear.gather [spmem:s13], $0x2800, $0x38;
	[tilespmem:$0x1C880] =	vst v63  }
0xb9: {  	_ =	swait.ge [sflag:s31], $0x2800  }
0xba: {  	[sflag:s31] =	ssyncset.done $0x0  }
0xbb: {  	[sflag:s31] =	ssyncadd.s32 $0xFFFFD800  }
0xbc: {  	[hbm4b:s21+s3] =	stream.linear.scatter [tilespmem:s25], [sflag:$0x2], $0x2800, $0x38;
	[tilespmem:$0x1C880] =	vst v63  }
0xbd: {  	_ =	swait.ge [sflag:s24], $0x2800  }
0xbe: {  	[sflag:s24] =	ssyncset.done $0x0  }
0xbf: {  	[sflag:s24] =	ssyncadd.s32 $0xFFFFD800  }
0xc0: {  	[tilespmem:s25], [sflag:$0x3] =	stream.linear.gather [spmem:s14], $0x2800, $0x38;
	[tilespmem:$0x1C880] =	vst v63  }
0xc1: {  	_ =	swait.ge [sflag:s31], $0x2800  }
0xc2: {  	[sflag:s31] =	ssyncset.done $0x0  }
0xc3: {  	[sflag:s31] =	ssyncadd.s32 $0xFFFFD800  }
0xc4: {  	[hbm4b:s22+s3] =	stream.linear.scatter [tilespmem:s25], [sflag:$0x2], $0x2800, $0x38;
	[tilespmem:$0x1C880] =	vst v63  }
0xc5: {  	_ =	swait.ge [sflag:s24], $0x2800  }
0xc6: {  	[sflag:s24] =	ssyncset.done $0x0  }
0xc7: {  	s4 =	simm.s32 @!p0 $0x3;
	s1 =	simm.s32 @!p0 $0x6800;
	[sflag:s24] =	ssyncadd.s32 $0xFFFFD800  }
0xc8: {  	[tilespmem:s1], [sflag:$0x3] =	stream.linear.gather @!p0 [spmem:s15], $0x2800, $0x38;
	[tilespmem:$0x1C880] =	vst v63  }
0xc9: {  	_ =	swait.ge @!p0 [sflag:s4], $0x2800  }
0xca: {  	s0 =	sadd.s32 $0x1, s0;
	[sflag:s4] =	ssyncset.done @!p0 $0x0  }
0xcb: {  	p1 =	sne.s32 s0, s7;
	[sflag:s4] =	ssyncadd.s32 @!p0 $0xFFFFD800;
	s4 =	simm.s32 @!p0 $0x0  }
0xcc: {  	[hbm4b:s23+s4] =	stream.linear.scatter @!p0 [tilespmem:s1], [sflag:$0x2], $0x2800, $0x38;
	[tilespmem:$0x1C880] =	vst v63  }
.Ltmp1:
0xcd: {  	_ = 	snop;
	(pc) =	sbr.rel @p1 .LBB2_1-.Ltmp1, $4  }
0xce: {  	s1 =	simm.s32 @!p0 $0x2  }
0xcf: {  	_ =	swait.ge @!p0 [sflag:s1], $0x2800  }
0xd0: {  	[sflag:s1] =	ssyncset.done @!p0 $0x0  }
0xd1: {  	[sflag:s1] =	ssyncadd.s32 @!p0 $0xFFFFD800  }
0xd2: {  	_ =	sfence.sel $0x180000  }
0xd3: {  	[bflag:$0x0] =	sbarrier.arrive $0xFFFF  }
0xd4: {  	_ =	strace $0x90000047  }
0xd5: {  	s0 =	stileid.u32;
	[bflag:$0x2] =	sbarrier.arrive $0xFFFF  }
0xd6: {  	p0 =	sne.s32 s0, $0x0;
	s0 =	rddreg [dreg:$0x2]  }
0xd7: {  	s0 =	sadd.s32 @!p0 $0x100000, s0  }
0xd8: {  	[sflag:s0] =	ssyncadd.tile.s32 @!p0 $0x1;
	_ =	shalt  }
.Lfunc_end2:
_tile_overlayer_lowered:
.L_overlay_start_2:
0xd9: {  	(tag) =	ssettag $0x2  }
0xda: {  	s0 =	rddreg [dreg:$0x0];
	s2 =	stileid.u32  }
0xdb: {  	s1 =	rddreg [dreg:$0x1];
	p0 =	sne.s32 s2, $0x0  }
0xdc: {  	s3 =	rddreg [dreg:$0x2];
	[bflag:$0x3] =	sbarrier.arrive $0xFFFF;
	s2 =	simm.s32 @!p0 $0x1C02  }
0xdd: {  	[timem:s3], [sflag:s2] =	dma.local @!p0 [hbm:s0], s1  }
0xde: {  	s0 =	simm.s32 @!p0 $0x2  }
0xdf: {  	_ =	swait.ge @!p0 [sflag:s0], s1  }
0xe0: {  	s1 =	ssub.s32 @!p0 $0x0, s1;
	[sflag:s0] =	ssyncset.done @!p0 $0x0  }
0xe1: {  	[sflag:s0] =	ssyncadd.s32 @!p0 s1  }
0xe2: {  	[bflag:$0x3] =	sbarrier.arrive $0xFFFF  }
0xe3: {  	_ =	shalt  }

// kernel: kernel.21.cloned.1.call-start
scs
__scs_entry_jumppad:
0x0: {  	(pc) =	sbr.rel $0x88, $3  }
0x1: {  	(tag) =	ssettag $0x0;
	lr =	simm.s32 $0x1  }
0x2: {  	[smem:$0x3F8B] =	sst lr;
	_ =	strace $0xD0000000  }
0x3: {  	_ = 	snop  }
0x4: {  	_ = 	snop  }
0x5: {  	_ = 	snop  }
0x6: {  	_ = 	snop  }
0x7: {  	_ = 	snop  }
__scs_overlays_trampoline_lowered:
0x8: {  	[smem:$0x3F9A] =	sst s0  }
0x9: {  	[smem:$0x3F9B] =	sst s1  }
0xa: {  	[smem:$0x3F9C] =	sst s2  }
0xb: {  	[smem:$0x3F9D] =	sst s3  }
0xc: {  	[smem:$0x3F9E] =	sst s4  }
0xd: {  	[smem:$0x3F9F] =	sst s5  }
0xe: {  	[smem:$0x3FA0] =	sst s6  }
0xf: {  	[smem:$0x3FA1] =	sst s7  }
0x10: {  	[smem:$0x3FA2] =	sst s8  }
0x11: {  	[smem:$0x3FA3] =	sst s9;
	s0 =	simm.s32 @!p0 $0x0  }
0x12: {  	s1 =	sld [smem:$0x3F89];
	s0 =	simm.s32 @p0 $0x1  }
0x13: {  	[smem:$0x3FA4] =	sst s0;
	s0 =	simm.s32 @!p1 $0x0  }
0x14: {  	s2 =	sld [smem:$0x3F88];
	s0 =	simm.s32 @p1 $0x1  }
0x15: {  	[smem:$0x3FA5] =	sst s0;
	s0 =	simm.s32 @!p2 $0x0  }
0x16: {  	s3 =	sld [smem:$0x3FDB];
	s0 =	simm.s32 @p2 $0x1  }
0x17: {  	s4 =	simm.s32 $0x1BF5;
	[smem:$0x3FA7] =	sst s0  }
0x18: {  	s0 =	sld [smem:$0x3F8A];
	_ =	swait.ge [sflag:s4], $0x0  }
0x19: {  	s7 =	sld [smem:$0x3F8B]  }
0x1a: {  	s8 =	sadd.s32 $0xFFFFE003, lr  }
0x1b: {  	s9 =	sadd.s32 $0xFFFFFEF7, lr;
	s5 =	simm.s32 $0xFFFFFFFF;
	p2 =	slt.u32 s8, $0xFFFFF086  }
0x1c: {  	p1 =	slt.u32 s9, $0xF7A;
	s5 =	simm.s32 @!p2 $0x0  }
0x1d: {  	s5 =	simm.s32 @p1 $0x1;
	p0 =	seq.s32 s7, s2  }
0x1e: {  	s7 =	smul.u32 @!p0 $0xF7A, s2;
	p2 =	seq.s32 @!p0 s5, $0x0  }
0x1f: {  	s9 =	smul.u32 $0xF7A, s1;
	s8 =	simm.s32 @!p0 $0x1BF5;
	p2 =	por !p2, p0  }
0x20: {  	[sflag:s8] =	ssyncset.s32 @!p0 $0xFFFFF086;
	s6 =	sadd.s32 @!p0 s3, s7;
	s7 =	simm.s32 @!p0 $0x108  }
0x21: {  	s3 =	sadd.s32 s3, s9;
	s6 =	sadd.s32 @!p0 $0x88, s6;
	s7 =	simm.s32 @p2 $0x1082  }
0x22: {  	[simem:s7], [sflag:s8] =	dma.local @!p0 [hbm:s6], $0xF7A  }
0x23: {  	s9 =	sor.u32 $0xD0000000, s2;
	s6 =	simm.s32 $0x108;
	_ =	swait.ge @!p0 [sflag:s8], $0x0  }
0x24: {  	s3 =	sadd.s32 $0x88, s3;
	s6 =	simm.s32 @!p1 $0x1082;
	[sflag:s4] =	ssyncset.s32 $0xFFFFF086  }
0x25: {  	[simem:s6], [sflag:s4] =	dma.local [hbm:s3], $0xF7A  }
0x26: {  	[smem:$0x3F8B] =	sst s1;
	(tag) =	ssettag s2;
	_ =	strace s9  }
0x27: {  	s1 =	sld [smem:$0x3F9B]  }
0x28: {  	s2 =	sld [smem:$0x3F9C]  }
0x29: {  	s4 =	sld [smem:$0x3F9E]  }
0x2a: {  	p0 =	seq.s32 s5, $0x0;
	s5 =	sld [smem:$0x3F9F]  }
0x2b: {  	s6 =	sld [smem:$0x3FA0]  }
0x2c: {  	s7 =	sld [smem:$0x3FA1]  }
0x2d: {  	s3 =	simm.s32 $0x108;
	s8 =	sld [smem:$0x3FA2]  }
0x2e: {  	s3 =	simm.s32 @!p0 $0x1082;
	s9 =	sld [smem:$0x3FA3]  }
0x2f: {  	lr =	sadd.s32 s0, s3;
	s0 =	sld [smem:$0x3F9A]  }
0x30: {  	s3 =	sld [smem:$0x3F9D]  }
0x31: {  	[smem:$0x3FA6] =	sst s10  }
0x32: {  	s10 =	sld [smem:$0x3FA4];
	_ =	sdelay $0x3  }
0x33: {  	p0 =	seq.s32 s10, $0x1;
	s10 =	sld [smem:$0x3FA6];
	_ =	sdelay $0x3  }
0x34: {  	[smem:$0x3FA6] =	sst s10  }
0x35: {  	s10 =	sld [smem:$0x3FA5];
	_ =	sdelay $0x3  }
0x36: {  	p1 =	seq.s32 s10, $0x1;
	s10 =	sld [smem:$0x3FA6];
	_ =	sdelay $0x3  }
0x37: {  	[smem:$0x3FA6] =	sst s10  }
0x38: {  	s10 =	sld [smem:$0x3FA7]  }
0x39: {  	_ = 	snop;
	(pc) =	sbr.ind lr, $3  }
0x3a: {  	_ = 	snop  }
0x3b: {  	_ = 	snop  }
0x3c: {  	p2 =	seq.s32 s10, $0x1;
	s10 =	sld [smem:$0x3FA6]  }
0x3d: {  	_ =	shalt  }
0x3e: {  	_ =	shalt  }
0x3f: {  	_ =	shalt  }
0x40: {  	_ =	shalt  }
0x41: {  	_ =	shalt  }
0x42: {  	_ =	shalt  }
0x43: {  	_ =	shalt  }
0x44: {  	_ =	shalt  }
0x45: {  	_ =	shalt  }
0x46: {  	_ =	shalt  }
0x47: {  	_ =	shalt  }
0x48: {  	_ =	shalt  }
0x49: {  	_ =	shalt  }
0x4a: {  	_ =	shalt  }
0x4b: {  	_ =	shalt  }
0x4c: {  	_ =	shalt  }
0x4d: {  	_ =	shalt  }
0x4e: {  	_ =	shalt  }
0x4f: {  	_ =	shalt  }
0x50: {  	_ =	shalt  }
0x51: {  	_ =	shalt  }
0x52: {  	_ =	shalt  }
0x53: {  	_ =	shalt  }
0x54: {  	_ =	shalt  }
0x55: {  	_ =	shalt  }
0x56: {  	_ =	shalt  }
0x57: {  	_ =	shalt  }
0x58: {  	_ =	shalt  }
0x59: {  	_ =	shalt  }
0x5a: {  	_ =	shalt  }
0x5b: {  	_ =	shalt  }
0x5c: {  	_ =	shalt  }
0x5d: {  	_ =	shalt  }
0x5e: {  	_ =	shalt  }
0x5f: {  	_ =	shalt  }
0x60: {  	_ =	shalt  }
0x61: {  	_ =	shalt  }
0x62: {  	_ =	shalt  }
0x63: {  	_ =	shalt  }
0x64: {  	_ =	shalt  }
0x65: {  	_ =	shalt  }
0x66: {  	_ =	shalt  }
0x67: {  	_ =	shalt  }
0x68: {  	_ =	shalt  }
0x69: {  	_ =	shalt  }
0x6a: {  	_ =	shalt  }
0x6b: {  	_ =	shalt  }
0x6c: {  	_ =	shalt  }
0x6d: {  	_ =	shalt  }
0x6e: {  	_ =	shalt  }
0x6f: {  	_ =	shalt  }
0x70: {  	_ =	shalt  }
0x71: {  	_ =	shalt  }
0x72: {  	_ =	shalt  }
0x73: {  	_ =	shalt  }
0x74: {  	_ =	shalt  }
0x75: {  	_ =	shalt  }
0x76: {  	_ =	shalt  }
0x77: {  	_ =	shalt  }
0x78: {  	_ =	shalt  }
0x79: {  	_ =	shalt  }
0x7a: {  	_ =	shalt  }
0x7b: {  	_ =	shalt  }
0x7c: {  	_ =	shalt  }
0x7d: {  	_ =	shalt  }
0x7e: {  	_ =	shalt  }
0x7f: {  	_ =	shalt  }
0x80: {  	_ =	shalt  }
0x81: {  	_ =	shalt  }
0x82: {  	_ =	shalt  }
0x83: {  	_ =	shalt  }
0x84: {  	_ =	shalt  }
0x85: {  	_ =	shalt  }
0x86: {  	_ =	shalt  }
0x87: {  	_ =	shalt  }
.Lfunc_end0:
.L_simem_size_0:
called_computation.1_lowered:
.L_overlay_start_0:
0x88: {  	s2 =	sld [smem:$0x3FD9]  }
0x89: {  	s3 =	sld [smem:$0x3FFE];
	_ =	sdelay $0x1  }
0x8a: {  	s1 =	srdreg.scid  }
0x8b: {  	s0 =	sand.u32 $0x1, s1  }
0x8c: {  	s16 =	sshll.u32 s0, $0xA;
	s2 =	sadd.s32 s3, s2  }
0x8d: {  	s2 =	sadd.s32 s2, s16  }
0x8e: {  	[smem:$0x3FB2] =	sst s2  }
0x8f: {  	_ = 	snop  }
0x90: {  	(tm) =	ssettm $0x1  }
0x91: {  	s17 =	sld [smem:$0x3FFB];
	_ =	sdelay $0x3  }
0x92: {  	_ =	strace s17  }
0x93: {  	s2 =	sld [smem:$0x3FFC];
	_ =	sdelay $0x3  }
0x94: {  	_ =	strace s2  }
0x95: {  	s2 =	sld [smem:$0x3FFD];
	_ =	sdelay $0x3  }
0x96: {  	_ =	strace s2  }
0x97: {  	_ =	strace $0x8FFFFFFF  }
0x98: {  	s18 =	sld [smem:$0x3FDB];
	_ =	sdelay $0x1  }
0x99: {  	s19 =	simm.s32 $_scs_section_size  }
0x9a: {  	s4 =	simm.s32 $_size__tile_overlayer_lowered;
	s5 =	simm.s32 $_tile_overlayer_lowered  }
0x9b: {  	s22 =	simm.s32 $0x1BFF;
	s21 =	sshll.u32 s5, $0x1;
	s2 =	sadd.s32 s19, s18  }
0x9c: {  	s6 =	simm.s32 $0x0;
	s20 =	sshll.u32 s4, $0x1;
	s4 =	sadd.s32 s21, s2  }
0x9d: {  	[timem:s6], [sflag:s22] =	dma.local [hbm:s4], s20  }
0x9e: {  	_ =	swait.ge [sflag:s22], s20  }
0x9f: {  	s3 =	ssub.s32 $0x0, s20;
	[sflag:s22] =	ssyncset.done $0x0  }
0xa0: {  	[sflag:s22] =	ssyncadd.s32 s3;
	_ =	sdelay $0x1  }
0xa1: {  	s23 =	simm.s32 $0x1B8B  }
0xa2: {  	_ =	swait.ge [sflag:s23], $0x1  }
0xa3: {  	[sflag:s23] =	ssyncset.done $0x0  }
0xa4: {  	s25 =	simm.s32 $0x1B8E;
	s24 =	sld [smem:$0x3FFE];
	[sflag:s23] =	ssyncadd.s32 $0xFFFFFFFF  }
0xa5: {  	s26 =	simm.s32 $execute0_lowered;
	[smem:$0x3FD2] =	sst s25  }
0xa6: {  	s4 =	sshll.u32 s26, $0x1;
	_ =	strace $0x80000049;
	[dreg:$0x1] =	wrdreg $0xFFFFFFFF  }
0xa7: {  	s28 =	simm.s32 $_size_execute0_lowered;
	s2 =	sadd.s32 s2, s4;
	[dreg:$0x0] =	wrdreg $0x0  }
0xa8: {  	s4 =	sshll.u32 s28, $0x1;
	[dreg:$0x2] =	wrdreg s2  }
0xa9: {  	[dreg:$0x3] =	wrdreg s4  }
0xaa: {  	[dreg:$0x4] =	wrdreg $0xC0  }
0xab: {  	_ =	task [dreg:s6], $0x5FFFF  }
0xac: {  	[dreg:$0x1] =	wrdreg $0xFFFFFFFF  }
0xad: {  	[dreg:$0x0] =	wrdreg $0x60  }
0xae: {  	[dreg:$0x2] =	wrdreg s24  }
0xaf: {  	[dreg:$0x3] =	wrdreg $0x70000  }
0xb0: {  	[dreg:$0x4] =	wrdreg $0x9  }
0xb1: {  	_ =	task.clear_ibuf [dreg:s6], $0x5FFFF;
	_ =	strace $0x90000049  }
0xb2: {  	s29 =	simm.s32 $0x9;
	_ =	strace $0x8000004B  }
0xb3: {  	_ =	swait.ge [sflag:s29], $0x1  }
0xb4: {  	[sflag:s29] =	ssyncadd.s32 $0xFFFFFFFF  }
0xb5: {  	_ =	strace $0x9000004B  }
0xb6: {  	_ =	sfence  }
0xb7: {  	s30 =	sld [smem:$0x0];
	_ =	sdelay $0x2  }
0xb8: {  	s31 =	sshll.u32 s1, $0xD;
	s1 =	sshrl.u32 s1, $0x2  }
0xb9: {  	s3 =	sand.u32 $0x4000, s31;
	s1 =	sadd.s32 s1, s30  }
0xba: {  	s0 =	sor.u32 s3, s0;
	s1 =	sshll.u32 s1, $0x11  }
0xbb: {  	s0 =	sor.u32 s1, s0  }
0xbc: {  	s0 =	sadd.s32 $0x8F2B, s0  }
0xbd: {  	[sflag:s0] =	ssyncadd.remote.s32 $0x1  }
0xbe: {  	_ =	sfence.sel $0xFFFF  }
0xbf: {  	[dreg:$0x0] =	wrdreg $0xFFFFFFFF;
	(pc) =	sbr.abs _section_cstart, $3  }
0xc0: {  	[dreg:$0x1] =	wrdreg $0xFFFFFFFF  }
0xc1: {  	_ =	task.clear_ibuf [dreg:s6], $0x2FFFF;
	_ =	strace $0x9FFFFFFF  }
0xc2: {  	(tm) =	ssettm $0x7FFFFFFF  }
0xc3: {  	_ =	shalt  }
tec
execute0_lowered:
.L_overlay_start_1:
0x0: {  	(tag) =	ssettag $0x1  }
0x1: {  	s0 =	rddreg [dreg:$0x0]  }
0x2: {  	s1 =	srdreg.scid;
	s21 =	stileid.u32;
	s2 =	sadd.s32 $0x76000, s0  }
0x3: {  	s3 =	sand.u32 $0x1, s1;
	s22 =	sor.u32 $0x10, s21;
	s23 =	smul.u32 $0x2800, s21  }
0x4: {  	s1 =	ssub.s32 $0x2, s3;
	s4 =	sshll.u32 s3, $0xF;
	s3 =	smul.u32 $0x138800, s3  }
0x5: {  	s5 =	sshll.u32 s21, $0xB;
	s8 =	sor.u32 $0x20, s21;
	s9 =	smul.u32 $0x2800, s22  }
0x6: {  	s6 =	sadd.s32 $0x66000, s0;
	s11 =	sor.u32 $0x50, s21;
	s10 =	smul.u32 $0x2800, s8  }
0x7: {  	s12 =	sor.u32 $0x60, s21;
	s14 =	smul.u32 $0x2800, s11;
	s7 =	sshrl.u32 s1, $0x1  }
0x8: {  	s25 =	smul.u32 $0x2800, s12;
	s4 =	sor.u32 s5, s4;
	s1 =	ssub.s32 s1, s7  }
0x9: {  	s5 =	sadd.s32 s2, s4;
	s15 =	sor.u32 $0x200, s4;
	s16 =	sadd.s32 s6, s4  }
0xa: {  	s18 =	sor.u32 $0x400, s4;
	s4 =	sor.u32 $0x600, s4;
	[dreg:$0x3] =	wrdreg s5  }
0xb: {  	s7 =	sadd.s32 s3, s23;
	s10 =	sadd.s32 s3, s10;
	[dreg:$0x4] =	wrdreg s16  }
0xc: {  	s17 =	sadd.s32 s2, s15;
	s5 =	sadd.s32 s6, s15;
	s19 =	sadd.s32 s2, s18  }
0xd: {  	s20 =	sadd.s32 s6, s18;
	s2 =	sadd.s32 s2, s4;
	[dreg:$0x5] =	wrdreg s17  }
0xe: {  	s4 =	sadd.s32 s6, s4;
	s15 =	sor.u32 $0x70, s21;
	[dreg:$0x6] =	wrdreg s5  }
0xf: {  	s16 =	sadd.s32 s3, s9;
	s18 =	sadd.s32 s3, s14;
	[dreg:$0x7] =	wrdreg s19  }
0x10: {  	s9 =	simm.s32 $0x0;
	[dreg:$0x8] =	wrdreg s20;
	s17 =	smul.u32 $0x2800, s15  }
0x11: {  	s7 =	sshrl.u32 s7, $0x3;
	[dreg:$0x9] =	wrdreg s2;
	s5 =	smul.u32 $0xA000, s22  }
0x12: {  	s2 =	sor.u32 $0x30, s21;
	s19 =	sadd.s32 s3, s25;
	s25 =	smul.u32 $0xA000, s21  }
0x13: {  	[dreg:$0xa] =	wrdreg s4;
	s4 =	sor.u32 $0x40, s21;
	s24 =	smul.u32 $0x2800, s2  }
0x14: {  	s26 =	sshrl.u32 s16, $0x3;
	s20 =	sadd.s32 $0xAD200, s0;
	s13 =	smul.u32 $0x2800, s4  }
0x15: {  	[smem:$0x7FF] =	sst s9;
	s14 =	sadd.s32 s20, s26;
	s26 =	smul.u32 $0xA000, s8  }
0x16: {  	s16 =	sshrl.u32 s10, $0x3;
	s23 =	sshrl.u32 s18, $0x3;
	s2 =	smul.u32 $0xA000, s2  }
0x17: {  	s21 =	sadd.s32 $0x17200, s0;
	s7 =	sadd.s32 s20, s7;
	s8 =	smul.u32 $0xA000, s11  }
0x18: {  	p0 =	sgt.u32 s15, $0x7C;
	s11 =	smul.u32 $0xA000, s12;
	[dreg:$0xb] =	wrdreg s7  }
0x19: {  	s12 =	smul.u32 $0xA000, s15;
	[dreg:$0xc] =	wrdreg s14;
	s7 =	sadd.s32 s20, s16  }
0x1a: {  	s16 =	sadd.s32 s20, s23;
	s6 =	sadd.s32 s3, s24;
	s13 =	sadd.s32 s3, s13  }
0x1b: {  	s3 =	sadd.s32 s3, s17;
	[dreg:$0xd] =	wrdreg s7;
	s24 =	sshrl.u32 s19, $0x3  }
0x1c: {  	s7 =	smul.u32 $0xA000, s4;
	s10 =	sshrl.u32 s2, $0x2;
	s14 =	sshrl.u32 s11, $0x2  }
0x1d: {  	s15 =	sshrl.u32 s12, $0x2;
	s2 =	simm.s32 $0x50;
	s4 =	simm.s32 $0x4800  }
0x1e: {  	s11 =	simm.s32 $0x0;
	s6 =	sshrl.u32 s6, $0x3;
	s17 =	sshrl.u32 s13, $0x3  }
0x1f: {  	s18 =	sadd.s32 s20, s24;
	s3 =	sshrl.u32 s3, $0x3;
	s13 =	sshrl.u32 s8, $0x2  }
0x20: {  	s8 =	simm.s32 $0x1F80;
	s6 =	sadd.s32 s20, s6;
	s22 =	sadd.s32 s20, s17  }
0x21: {  	s17 =	rddreg [dreg:$0x1];
	s19 =	sadd.s32 s20, s3;
	s20 =	sadd.s32 $0x17800, s0  }
0x22: {  	s3 =	sshrl.u32 s25, $0x2;
	s0 =	sshrl.u32 s26, $0x2;
	[dreg:$0xe] =	wrdreg s6  }
0x23: {  	[dreg:$0xf] =	wrdreg s22;
	s22 =	smax.u32 s1, $0x1;
	s23 =	sadd.s32 s3, s17  }
0x24: {  	s6 =	sshrl.u32 s5, $0x2;
	s25 =	sadd.s32 s0, s17;
	s3 =	sshrl.u32 s7, $0x2  }
0x25: {  	s26 =	sadd.s32 s10, s17;
	s29 =	sadd.s32 s13, s17;
	s30 =	sadd.s32 s14, s17  }
0x26: {  	s31 =	sadd.s32 s15, s17;
	s15 =	simm.s32 $0x2000;
	s0 =	simm.s32 $0x3  }
0x27: {  	s1 =	simm.s32 $0x1000;
	s5 =	simm.s32 $0x2;
	s7 =	simm.s32 $0x1F00  }
0x28: {  	s10 =	simm.s32 $0x4;
	_ =	strace $0x8000004A;
	s24 =	sadd.s32 s6, s17  }
0x29: {  	s28 =	sadd.s32 s3, s17;
	s3 =	simm.s32 $0x1;
	s6 =	simm.s32 $0xF80  }
.LBB2_1:
0x2a: {  	[tilespmem:s15], [sflag:$0x3] =	stream.linear.gather [hbm4b:s21+s9], $0x2800, $0x38;
	[tilespmem:$0x1A880] =	vst v63  }
0x2b: {  	_ =	swait.ge [sflag:s0], $0x2800  }
0x2c: {  	[sflag:s0] =	ssyncset.done $0x0  }
0x2d: {  	[sflag:s0] =	ssyncadd.s32 $0xFFFFD800  }
0x2e: {  	[spmem:s23] =	stream.linear.scatter [tilespmem:s15], [sflag:$0x3], $0x2800, $0x38;
	[tilespmem:$0x1A880] =	vst v63  }
0x2f: {  	_ =	swait.ge [sflag:s0], $0x2800  }
0x30: {  	[sflag:s0] =	ssyncset.done $0x0  }
0x31: {  	[sflag:s0] =	ssyncadd.s32 $0xFFFFD800  }
0x32: {  	[spmem:s24] =	stream.linear.scatter [tilespmem:s15], [sflag:$0x3], $0x2800, $0x38;
	[tilespmem:$0x1A880] =	vst v63  }
0x33: {  	_ =	swait.ge [sflag:s0], $0x2800  }
0x34: {  	[sflag:s0] =	ssyncset.done $0x0  }
0x35: {  	[sflag:s0] =	ssyncadd.s32 $0xFFFFD800  }
0x36: {  	[spmem:s25] =	stream.linear.scatter [tilespmem:s15], [sflag:$0x3], $0x2800, $0x38;
	[tilespmem:$0x1A880] =	vst v63  }
0x37: {  	_ =	swait.ge [sflag:s0], $0x2800  }
0x38: {  	[sflag:s0] =	ssyncset.done $0x0  }
0x39: {  	[sflag:s0] =	ssyncadd.s32 $0xFFFFD800  }
0x3a: {  	[spmem:s26] =	stream.linear.scatter [tilespmem:s15], [sflag:$0x3], $0x2800, $0x38;
	[tilespmem:$0x1A880] =	vst v63  }
0x3b: {  	_ =	swait.ge [sflag:s0], $0x2800  }
0x3c: {  	[sflag:s0] =	ssyncset.done $0x0  }
0x3d: {  	[sflag:s0] =	ssyncadd.s32 $0xFFFFD800  }
0x3e: {  	[spmem:s28] =	stream.linear.scatter [tilespmem:s15], [sflag:$0x3], $0x2800, $0x38;
	[tilespmem:$0x1A880] =	vst v63  }
0x3f: {  	_ =	swait.ge [sflag:s0], $0x2800  }
0x40: {  	[sflag:s0] =	ssyncset.done $0x0  }
0x41: {  	[sflag:s0] =	ssyncadd.s32 $0xFFFFD800  }
0x42: {  	[spmem:s29] =	stream.linear.scatter [tilespmem:s15], [sflag:$0x3], $0x2800, $0x38;
	[tilespmem:$0x1A880] =	vst v63  }
0x43: {  	_ =	swait.ge [sflag:s0], $0x2800  }
0x44: {  	[sflag:s0] =	ssyncset.done $0x0  }
0x45: {  	[sflag:s0] =	ssyncadd.s32 $0xFFFFD800  }
0x46: {  	[spmem:s30] =	stream.linear.scatter [tilespmem:s15], [sflag:$0x3], $0x2800, $0x38;
	[tilespmem:$0x1A880] =	vst v63  }
0x47: {  	_ =	swait.ge [sflag:s0], $0x2800  }
0x48: {  	[sflag:s0] =	ssyncset.done $0x0  }
0x49: {  	s12 =	simm.s32 @!p0 $0x2000;
	[sflag:s0] =	ssyncadd.s32 $0xFFFFD800  }
0x4a: {  	[spmem:s31] =	stream.linear.scatter @!p0 [tilespmem:s12], [sflag:$0x3], $0x2800, $0x38;
	[tilespmem:$0x1A880] =	vst v63  }
0x4b: {  	s12 =	simm.s32 @!p0 $0x3  }
0x4c: {  	_ =	swait.ge @!p0 [sflag:s12], $0x2800  }
0x4d: {  	[sflag:s12] =	ssyncset.done @!p0 $0x0  }
0x4e: {  	[sflag:s12] =	ssyncadd.s32 @!p0 $0xFFFFD800  }
0x4f: {  	[bflag:$0x0] =	sbarrier.arrive $0xFFFF  }
0x50: {  	s13 =	rddreg [dreg:$0x3]  }
0x51: {  	[tilespmem:s9], [sflag:$0x3] =	stream.linear.gather [hbm4b:s13+s9], $0x1000, $0x38;
	[tilespmem:$0x1A880] =	vst v63  }
0x52: {  	_ =	swait.ge [sflag:s0], $0x1000  }
0x53: {  	[sflag:s0] =	ssyncset.done $0x0  }
0x54: {  	s14 =	rddreg [dreg:$0x4];
	[sflag:s0] =	ssyncadd.s32 $0xFFFFF000  }
0x55: {  	[tilespmem:s1], [sflag:$0x3] =	stream.linear.gather [hbm4b:s14+s9], $0x1000, $0x38;
	[tilespmem:$0x1A880] =	vst v63  }
0x56: {  	_ =	swait.ge [sflag:s0], $0x1000  }
0x57: {  	[sflag:s0] =	ssyncset.done $0x0  }
0x58: {  	[sflag:s0] =	ssyncadd.s32 $0xFFFFF000  }
0x59: {  	[tilespmem:s15], [sflag:$0x1] =	stream.indirect.gather [hbm4b:s20+s2], $0x80, s9, s2, $0xb8;
	[tilespmem:$0x1A880] =	vst v63  }
0x5a: {  	_ =	swait.ge [sflag:s3], $0x2800  }
0x5b: {  	[sflag:s3] =	ssyncset.done $0x0  }
0x5c: {  	s13 =	simm.s32 $0x80;
	[sflag:s3] =	ssyncadd.s32 $0xFFFFD800  }
0x5d: {  	[tilespmem:s4], [sflag:$0x2] =	stream.indirect.gather [hbm4b:s20+s2], $0x80, s13, s2, $0xb8;
	[tilespmem:$0x1A880] =	vst v63  }
0x5e: {  	s14 =	simm.s32 $0x1000  }
0x5f: {  	[spmem:s17] =	stream.indirect.scatter.add.f32 [tilespmem:s15], [sflag:$0x3], $0x80, s14, s2, $0xb8;
	[tilespmem:$0x1A880] =	vst v63  }
0x60: {  	_ =	swait.ge [sflag:s0], $0x2800  }
0x61: {  	[sflag:s0] =	ssyncset.done $0x0  }
0x62: {  	s13 =	simm.s32 $0x100;
	[sflag:s0] =	ssyncadd.s32 $0xFFFFD800  }
0x63: {  	[tilespmem:s15], [sflag:$0x1] =	stream.indirect.gather [hbm4b:s20+s2], $0x80, s13, s2, $0xb8;
	[tilespmem:$0x1A880] =	vst v63  }
0x64: {  	_ =	swait.ge [sflag:s5], $0x2800  }
0x65: {  	[sflag:s5] =	ssyncset.done $0x0  }
0x66: {  	s14 =	simm.s32 $0x1080;
	[sflag:s5] =	ssyncadd.s32 $0xFFFFD800  }
0x67: {  	[spmem:s17] =	stream.indirect.scatter.add.f32 [tilespmem:s4], [sflag:$0x3], $0x80, s14, s2, $0xb8;
	[tilespmem:$0x1A880] =	vst v63  }
0x68: {  	_ =	swait.ge [sflag:s0], $0x2800  }
0x69: {  	s12 =	simm.s32 $0x400;
	[sflag:s0] =	ssyncset.done $0x0  }
.LBB2_2:
0x6a: {  	p1 =	sne.s32 s12, $0x3800  }
0x6b: {  	[sflag:s0] =	ssyncadd.s32 $0xFFFFD800;
	s13 =	smov.u32 s12;
	s12 =	sadd.s32 $0x400, s12  }
0x6c: {  	_ =	swait.ge [sflag:s3], $0x2800  }
0x6d: {  	s13 =	sshra.s32 s13, $0x2;
	[sflag:s3] =	ssyncset.done $0x0  }
0x6e: {  	s14 =	sadd.s32 $0x80, s13;
	[sflag:s3] =	ssyncadd.s32 $0xFFFFD800  }
0x6f: {  	[tilespmem:s4], [sflag:$0x2] =	stream.indirect.gather [hbm4b:s20+s2], $0x80, s14, s2, $0xb8;
	[tilespmem:$0x1A880] =	vst v63  }
0x70: {  	s14 =	sadd.s32 $0x1000, s13  }
0x71: {  	[spmem:s17] =	stream.indirect.scatter.add.f32 [tilespmem:s15], [sflag:$0x3], $0x80, s14, s2, $0xb8;
	[tilespmem:$0x1A880] =	vst v63  }
0x72: {  	_ =	swait.ge [sflag:s0], $0x2800  }
0x73: {  	[sflag:s0] =	ssyncset.done $0x0  }
0x74: {  	s14 =	sadd.s32 $0x100, s13;
	[sflag:s0] =	ssyncadd.s32 $0xFFFFD800  }
0x75: {  	[tilespmem:s15], [sflag:$0x1] =	stream.indirect.gather [hbm4b:s20+s2], $0x80, s14, s2, $0xb8;
	[tilespmem:$0x1A880] =	vst v63  }
0x76: {  	_ =	swait.ge [sflag:s5], $0x2800  }
.Ltmp0:
0x77: {  	[sflag:s5] =	ssyncset.done $0x0;
	(pc) =	sbr.rel @p1 .LBB2_2-.Ltmp0, $4  }
0x78: {  	s13 =	sadd.s32 $0x1080, s13;
	[sflag:s5] =	ssyncadd.s32 $0xFFFFD800  }
0x79: {  	[spmem:s17] =	stream.indirect.scatter.add.f32 [tilespmem:s4], [sflag:$0x3], $0x80, s13, s2, $0xb8;
	[tilespmem:$0x1A880] =	vst v63  }
0x7a: {  	_ =	swait.ge [sflag:s0], $0x2800  }
0x7b: {  	[sflag:s0] =	ssyncset.done $0x0  }
0x7c: {  	[sflag:s0] =	ssyncadd.s32 $0xFFFFD800  }
0x7d: {  	_ =	swait.ge [sflag:s3], $0x2800  }
0x7e: {  	[sflag:s3] =	ssyncset.done $0x0  }
0x7f: {  	[sflag:s3] =	ssyncadd.s32 $0xFFFFD800  }
0x80: {  	[tilespmem:s4], [sflag:$0x2] =	stream.indirect.gather [hbm4b:s20+s2], $0x80, s6, s2, $0xb8;
	[tilespmem:$0x1A880] =	vst v63  }
0x81: {  	_ = 	snop  }
0x82: {  	[spmem:s17] =	stream.indirect.scatter.add.f32 [tilespmem:s15], [sflag:$0x3], $0x80, s7, s2, $0xb8;
	[tilespmem:$0x1A880] =	vst v63  }
0x83: {  	_ =	swait.ge [sflag:s0], $0x2800  }
0x84: {  	[sflag:s0] =	ssyncset.done $0x0  }
0x85: {  	[sflag:s0] =	ssyncadd.s32 $0xFFFFD800  }
0x86: {  	_ =	swait.ge [sflag:s5], $0x2800  }
0x87: {  	[sflag:s5] =	ssyncset.done $0x0  }
0x88: {  	[sflag:s5] =	ssyncadd.s32 $0xFFFFD800  }
0x89: {  	[spmem:s17] =	stream.indirect.scatter.add.f32 [tilespmem:s4], [sflag:$0x3], $0x80, s8, s2, $0xb8;
	[tilespmem:$0x1A880] =	vst v63  }
0x8a: {  	_ =	swait.ge [sflag:s0], $0x2800  }
0x8b: {  	[sflag:s0] =	ssyncset.done $0x0  }
0x8c: {  	s12 =	simm.s32 $0x0;
	s13 =	rddreg [dreg:$0x5];
	[sflag:s0] =	ssyncadd.s32 $0xFFFFD800  }
0x8d: {  	[tilespmem:s12], [sflag:$0x3] =	stream.linear.gather [hbm4b:s13+s12], $0x1000, $0x38;
	[tilespmem:$0x1A880] =	vst v63  }
0x8e: {  	_ =	swait.ge [sflag:s0], $0x1000  }
0x8f: {  	[sflag:s0] =	ssyncset.done $0x0  }
0x90: {  	s14 =	rddreg [dreg:$0x6];
	[sflag:s0] =	ssyncadd.s32 $0xFFFFF000  }
0x91: {  	[tilespmem:s1], [sflag:$0x3] =	stream.linear.gather [hbm4b:s14+s12], $0x1000, $0x38;
	[tilespmem:$0x1A880] =	vst v63  }
0x92: {  	_ =	swait.ge [sflag:s0], $0x1000  }
0x93: {  	[sflag:s0] =	ssyncset.done $0x0  }
0x94: {  	[sflag:s0] =	ssyncadd.s32 $0xFFFFF000  }
0x95: {  	[tilespmem:s15], [sflag:$0x1] =	stream.indirect.gather [hbm4b:s20+s2], $0x80, s12, s2, $0xb8;
	[tilespmem:$0x1A880] =	vst v63  }
0x96: {  	_ =	swait.ge [sflag:s3], $0x2800  }
0x97: {  	[sflag:s3] =	ssyncset.done $0x0  }
0x98: {  	s13 =	simm.s32 $0x80;
	[sflag:s3] =	ssyncadd.s32 $0xFFFFD800  }
0x99: {  	[tilespmem:s4], [sflag:$0x2] =	stream.indirect.gather [hbm4b:s20+s2], $0x80, s13, s2, $0xb8;
	[tilespmem:$0x1A880] =	vst v63  }
0x9a: {  	s14 =	simm.s32 $0x1000  }
0x9b: {  	[spmem:s17] =	stream.indirect.scatter.add.f32 [tilespmem:s15], [sflag:$0x3], $0x80, s14, s2, $0xb8;
	[tilespmem:$0x1A880] =	vst v63  }
0x9c: {  	_ =	swait.ge [sflag:s0], $0x2800  }
0x9d: {  	[sflag:s0] =	ssyncset.done $0x0  }
0x9e: {  	s13 =	simm.s32 $0x100;
	[sflag:s0] =	ssyncadd.s32 $0xFFFFD800  }
0x9f: {  	[tilespmem:s15], [sflag:$0x1] =	stream.indirect.gather [hbm4b:s20+s2], $0x80, s13, s2, $0xb8;
	[tilespmem:$0x1A880] =	vst v63  }
0xa0: {  	_ =	swait.ge [sflag:s5], $0x2800  }
0xa1: {  	[sflag:s5] =	ssyncset.done $0x0  }
0xa2: {  	s14 =	simm.s32 $0x1080;
	[sflag:s5] =	ssyncadd.s32 $0xFFFFD800  }
0xa3: {  	[spmem:s17] =	stream.indirect.scatter.add.f32 [tilespmem:s4], [sflag:$0x3], $0x80, s14, s2, $0xb8;
	[tilespmem:$0x1A880] =	vst v63  }
0xa4: {  	_ =	swait.ge [sflag:s0], $0x2800  }
0xa5: {  	s12 =	simm.s32 $0x400;
	[sflag:s0] =	ssyncset.done $0x0  }
.LBB2_4:
0xa6: {  	p1 =	sne.s32 s12, $0x3800  }
0xa7: {  	[sflag:s0] =	ssyncadd.s32 $0xFFFFD800;
	s13 =	smov.u32 s12;
	s12 =	sadd.s32 $0x400, s12  }
0xa8: {  	_ =	swait.ge [sflag:s3], $0x2800  }
0xa9: {  	s13 =	sshra.s32 s13, $0x2;
	[sflag:s3] =	ssyncset.done $0x0  }
0xaa: {  	s14 =	sadd.s32 $0x80, s13;
	[sflag:s3] =	ssyncadd.s32 $0xFFFFD800  }
0xab: {  	[tilespmem:s4], [sflag:$0x2] =	stream.indirect.gather [hbm4b:s20+s2], $0x80, s14, s2, $0xb8;
	[tilespmem:$0x1A880] =	vst v63  }
0xac: {  	s14 =	sadd.s32 $0x1000, s13  }
0xad: {  	[spmem:s17] =	stream.indirect.scatter.add.f32 [tilespmem:s15], [sflag:$0x3], $0x80, s14, s2, $0xb8;
	[tilespmem:$0x1A880] =	vst v63  }
0xae: {  	_ =	swait.ge [sflag:s0], $0x2800  }
0xaf: {  	[sflag:s0] =	ssyncset.done $0x0  }
0xb0: {  	s14 =	sadd.s32 $0x100, s13;
	[sflag:s0] =	ssyncadd.s32 $0xFFFFD800  }
0xb1: {  	[tilespmem:s15], [sflag:$0x1] =	stream.indirect.gather [hbm4b:s20+s2], $0x80, s14, s2, $0xb8;
	[tilespmem:$0x1A880] =	vst v63  }
0xb2: {  	_ =	swait.ge [sflag:s5], $0x2800  }
.Ltmp1:
0xb3: {  	[sflag:s5] =	ssyncset.done $0x0;
	(pc) =	sbr.rel @p1 .LBB2_4-.Ltmp1, $4  }
0xb4: {  	s13 =	sadd.s32 $0x1080, s13;
	[sflag:s5] =	ssyncadd.s32 $0xFFFFD800  }
0xb5: {  	[spmem:s17] =	stream.indirect.scatter.add.f32 [tilespmem:s4], [sflag:$0x3], $0x80, s13, s2, $0xb8;
	[tilespmem:$0x1A880] =	vst v63  }
0xb6: {  	_ =	swait.ge [sflag:s0], $0x2800  }
0xb7: {  	[sflag:s0] =	ssyncset.done $0x0  }
0xb8: {  	[sflag:s0] =	ssyncadd.s32 $0xFFFFD800  }
0xb9: {  	_ =	swait.ge [sflag:s3], $0x2800  }
0xba: {  	[sflag:s3] =	ssyncset.done $0x0  }
0xbb: {  	[sflag:s3] =	ssyncadd.s32 $0xFFFFD800  }
0xbc: {  	[tilespmem:s4], [sflag:$0x2] =	stream.indirect.gather [hbm4b:s20+s2], $0x80, s6, s2, $0xb8;
	[tilespmem:$0x1A880] =	vst v63  }
0xbd: {  	_ = 	snop  }
0xbe: {  	[spmem:s17] =	stream.indirect.scatter.add.f32 [tilespmem:s15], [sflag:$0x3], $0x80, s7, s2, $0xb8;
	[tilespmem:$0x1A880] =	vst v63  }
0xbf: {  	_ =	swait.ge [sflag:s0], $0x2800  }
0xc0: {  	[sflag:s0] =	ssyncset.done $0x0  }
0xc1: {  	[sflag:s0] =	ssyncadd.s32 $0xFFFFD800  }
0xc2: {  	_ =	swait.ge [sflag:s5], $0x2800  }
0xc3: {  	[sflag:s5] =	ssyncset.done $0x0  }
0xc4: {  	[sflag:s5] =	ssyncadd.s32 $0xFFFFD800  }
0xc5: {  	[spmem:s17] =	stream.indirect.scatter.add.f32 [tilespmem:s4], [sflag:$0x3], $0x80, s8, s2, $0xb8;
	[tilespmem:$0x1A880] =	vst v63  }
0xc6: {  	_ =	swait.ge [sflag:s0], $0x2800  }
0xc7: {  	[sflag:s0] =	ssyncset.done $0x0  }
0xc8: {  	s12 =	simm.s32 $0x0;
	s13 =	rddreg [dreg:$0x7];
	[sflag:s0] =	ssyncadd.s32 $0xFFFFD800  }
0xc9: {  	[tilespmem:s12], [sflag:$0x3] =	stream.linear.gather [hbm4b:s13+s12], $0x1000, $0x38;
	[tilespmem:$0x1A880] =	vst v63  }
0xca: {  	_ =	swait.ge [sflag:s0], $0x1000  }
0xcb: {  	[sflag:s0] =	ssyncset.done $0x0  }
0xcc: {  	s14 =	rddreg [dreg:$0x8];
	[sflag:s0] =	ssyncadd.s32 $0xFFFFF000  }
0xcd: {  	[tilespmem:s1], [sflag:$0x3] =	stream.linear.gather [hbm4b:s14+s12], $0x1000, $0x38;
	[tilespmem:$0x1A880] =	vst v63  }
0xce: {  	_ =	swait.ge [sflag:s0], $0x1000  }
0xcf: {  	[sflag:s0] =	ssyncset.done $0x0  }
0xd0: {  	[sflag:s0] =	ssyncadd.s32 $0xFFFFF000  }
0xd1: {  	[tilespmem:s15], [sflag:$0x1] =	stream.indirect.gather [hbm4b:s20+s2], $0x80, s12, s2, $0xb8;
	[tilespmem:$0x1A880] =	vst v63  }
0xd2: {  	_ =	swait.ge [sflag:s3], $0x2800  }
0xd3: {  	[sflag:s3] =	ssyncset.done $0x0  }
0xd4: {  	s13 =	simm.s32 $0x80;
	[sflag:s3] =	ssyncadd.s32 $0xFFFFD800  }
0xd5: {  	[tilespmem:s4], [sflag:$0x2] =	stream.indirect.gather [hbm4b:s20+s2], $0x80, s13, s2, $0xb8;
	[tilespmem:$0x1A880] =	vst v63  }
0xd6: {  	s14 =	simm.s32 $0x1000  }
0xd7: {  	[spmem:s17] =	stream.indirect.scatter.add.f32 [tilespmem:s15], [sflag:$0x3], $0x80, s14, s2, $0xb8;
	[tilespmem:$0x1A880] =	vst v63  }
0xd8: {  	_ =	swait.ge [sflag:s0], $0x2800  }
0xd9: {  	[sflag:s0] =	ssyncset.done $0x0  }
0xda: {  	s13 =	simm.s32 $0x100;
	[sflag:s0] =	ssyncadd.s32 $0xFFFFD800  }
0xdb: {  	[tilespmem:s15], [sflag:$0x1] =	stream.indirect.gather [hbm4b:s20+s2], $0x80, s13, s2, $0xb8;
	[tilespmem:$0x1A880] =	vst v63  }
0xdc: {  	_ =	swait.ge [sflag:s5], $0x2800  }
0xdd: {  	[sflag:s5] =	ssyncset.done $0x0  }
0xde: {  	s14 =	simm.s32 $0x1080;
	[sflag:s5] =	ssyncadd.s32 $0xFFFFD800  }
0xdf: {  	[spmem:s17] =	stream.indirect.scatter.add.f32 [tilespmem:s4], [sflag:$0x3], $0x80, s14, s2, $0xb8;
	[tilespmem:$0x1A880] =	vst v63  }
0xe0: {  	_ =	swait.ge [sflag:s0], $0x2800  }
0xe1: {  	s12 =	simm.s32 $0x400;
	[sflag:s0] =	ssyncset.done $0x0  }
.LBB2_6:
0xe2: {  	p1 =	sne.s32 s12, $0x3800  }
0xe3: {  	[sflag:s0] =	ssyncadd.s32 $0xFFFFD800;
	s13 =	smov.u32 s12;
	s12 =	sadd.s32 $0x400, s12  }
0xe4: {  	_ =	swait.ge [sflag:s3], $0x2800  }
0xe5: {  	s13 =	sshra.s32 s13, $0x2;
	[sflag:s3] =	ssyncset.done $0x0  }
0xe6: {  	s14 =	sadd.s32 $0x80, s13;
	[sflag:s3] =	ssyncadd.s32 $0xFFFFD800  }
0xe7: {  	[tilespmem:s4], [sflag:$0x2] =	stream.indirect.gather [hbm4b:s20+s2], $0x80, s14, s2, $0xb8;
	[tilespmem:$0x1A880] =	vst v63  }
0xe8: {  	s14 =	sadd.s32 $0x1000, s13  }
0xe9: {  	[spmem:s17] =	stream.indirect.scatter.add.f32 [tilespmem:s15], [sflag:$0x3], $0x80, s14, s2, $0xb8;
	[tilespmem:$0x1A880] =	vst v63  }
0xea: {  	_ =	swait.ge [sflag:s0], $0x2800  }
0xeb: {  	[sflag:s0] =	ssyncset.done $0x0  }
0xec: {  	s14 =	sadd.s32 $0x100, s13;
	[sflag:s0] =	ssyncadd.s32 $0xFFFFD800  }
0xed: {  	[tilespmem:s15], [sflag:$0x1] =	stream.indirect.gather [hbm4b:s20+s2], $0x80, s14, s2, $0xb8;
	[tilespmem:$0x1A880] =	vst v63  }
0xee: {  	_ =	swait.ge [sflag:s5], $0x2800  }
.Ltmp2:
0xef: {  	[sflag:s5] =	ssyncset.done $0x0;
	(pc) =	sbr.rel @p1 .LBB2_6-.Ltmp2, $4  }
0xf0: {  	s13 =	sadd.s32 $0x1080, s13;
	[sflag:s5] =	ssyncadd.s32 $0xFFFFD800  }
0xf1: {  	[spmem:s17] =	stream.indirect.scatter.add.f32 [tilespmem:s4], [sflag:$0x3], $0x80, s13, s2, $0xb8;
	[tilespmem:$0x1A880] =	vst v63  }
0xf2: {  	_ =	swait.ge [sflag:s0], $0x2800  }
0xf3: {  	[sflag:s0] =	ssyncset.done $0x0  }
0xf4: {  	[sflag:s0] =	ssyncadd.s32 $0xFFFFD800  }
0xf5: {  	_ =	swait.ge [sflag:s3], $0x2800  }
0xf6: {  	[sflag:s3] =	ssyncset.done $0x0  }
0xf7: {  	[sflag:s3] =	ssyncadd.s32 $0xFFFFD800  }
0xf8: {  	[tilespmem:s4], [sflag:$0x2] =	stream.indirect.gather [hbm4b:s20+s2], $0x80, s6, s2, $0xb8;
	[tilespmem:$0x1A880] =	vst v63  }
0xf9: {  	_ = 	snop  }
0xfa: {  	[spmem:s17] =	stream.indirect.scatter.add.f32 [tilespmem:s15], [sflag:$0x3], $0x80, s7, s2, $0xb8;
	[tilespmem:$0x1A880] =	vst v63  }
0xfb: {  	_ =	swait.ge [sflag:s0], $0x2800  }
0xfc: {  	[sflag:s0] =	ssyncset.done $0x0  }
0xfd: {  	[sflag:s0] =	ssyncadd.s32 $0xFFFFD800  }
0xfe: {  	_ =	swait.ge [sflag:s5], $0x2800  }
0xff: {  	[sflag:s5] =	ssyncset.done $0x0  }
0x100: {  	[sflag:s5] =	ssyncadd.s32 $0xFFFFD800  }
0x101: {  	[spmem:s17] =	stream.indirect.scatter.add.f32 [tilespmem:s4], [sflag:$0x3], $0x80, s8, s2, $0xb8;
	[tilespmem:$0x1A880] =	vst v63  }
0x102: {  	_ =	swait.ge [sflag:s0], $0x2800  }
0x103: {  	[sflag:s0] =	ssyncset.done $0x0  }
0x104: {  	s12 =	rddreg [dreg:$0x9];
	[sflag:s0] =	ssyncadd.s32 $0xFFFFD800  }
0x105: {  	[tilespmem:s9], [sflag:$0x3] =	stream.linear.gather [hbm4b:s12+s9], $0x1000, $0x38;
	[tilespmem:$0x1A880] =	vst v63  }
0x106: {  	_ =	swait.ge [sflag:s0], $0x1000  }
0x107: {  	[sflag:s0] =	ssyncset.done $0x0  }
0x108: {  	s13 =	rddreg [dreg:$0xa];
	[sflag:s0] =	ssyncadd.s32 $0xFFFFF000  }
0x109: {  	[tilespmem:s1], [sflag:$0x3] =	stream.linear.gather [hbm4b:s13+s9], $0x1000, $0x38;
	[tilespmem:$0x1A880] =	vst v63  }
0x10a: {  	_ =	swait.ge [sflag:s0], $0x1000  }
0x10b: {  	[sflag:s0] =	ssyncset.done $0x0  }
0x10c: {  	[sflag:s0] =	ssyncadd.s32 $0xFFFFF000  }
0x10d: {  	[tilespmem:s15], [sflag:$0x1] =	stream.indirect.gather [hbm4b:s20+s2], $0x80, s9, s2, $0xb8;
	[tilespmem:$0x1A880] =	vst v63  }
0x10e: {  	_ =	swait.ge [sflag:s3], $0x2800  }
0x10f: {  	[sflag:s3] =	ssyncset.done $0x0  }
0x110: {  	[sflag:s3] =	ssyncadd.s32 $0xFFFFD800  }
0x111: {  	[spmem:s17] =	stream.indirect.scatter.add.f32 [tilespmem:s15], [sflag:$0x3], $0x80, s1, s2, $0xb8;
	[tilespmem:$0x1A880] =	vst v63  }
0x112: {  	_ =	swait.ge [sflag:s0], $0x2800  }
0x113: {  	[sflag:s0] =	ssyncset.done $0x0  }
0x114: {  	s14 =	simm.s32 $0x80;
	[sflag:s0] =	ssyncadd.s32 $0xFFFFD800  }
0x115: {  	[tilespmem:s15], [sflag:$0x1] =	stream.indirect.gather [hbm4b:s20+s2], $0x80, s14, s2, $0xb8;
	[tilespmem:$0x1A880] =	vst v63  }
0x116: {  	_ =	swait.ge [sflag:s3], $0x2800  }
0x117: {  	[sflag:s3] =	ssyncset.done $0x0  }
0x118: {  	s13 =	simm.s32 $0x100;
	[sflag:s3] =	ssyncadd.s32 $0xFFFFD800  }
0x119: {  	[tilespmem:s4], [sflag:$0x2] =	stream.indirect.gather [hbm4b:s20+s2], $0x80, s13, s2, $0xb8;
	[tilespmem:$0x1A880] =	vst v63  }
0x11a: {  	s14 =	simm.s32 $0x1080  }
0x11b: {  	[spmem:s17] =	stream.indirect.scatter.add.f32 [tilespmem:s15], [sflag:$0x3], $0x80, s14, s2, $0xb8;
	[tilespmem:$0x1A880] =	vst v63  }
0x11c: {  	_ =	swait.ge [sflag:s0], $0x2800  }
0x11d: {  	[sflag:s0] =	ssyncset.done $0x0  }
0x11e: {  	s13 =	simm.s32 $0x180;
	[sflag:s0] =	ssyncadd.s32 $0xFFFFD800  }
0x11f: {  	[tilespmem:s15], [sflag:$0x1] =	stream.indirect.gather [hbm4b:s20+s2], $0x80, s13, s2, $0xb8;
	[tilespmem:$0x1A880] =	vst v63  }
0x120: {  	_ =	swait.ge [sflag:s5], $0x2800  }
0x121: {  	[sflag:s5] =	ssyncset.done $0x0  }
0x122: {  	s14 =	simm.s32 $0x1100;
	[sflag:s5] =	ssyncadd.s32 $0xFFFFD800  }
0x123: {  	[spmem:s17] =	stream.indirect.scatter.add.f32 [tilespmem:s4], [sflag:$0x3], $0x80, s14, s2, $0xb8;
	[tilespmem:$0x1A880] =	vst v63  }
0x124: {  	_ =	swait.ge [sflag:s0], $0x2800  }
0x125: {  	s12 =	simm.s32 $0xFFFFD000;
	[sflag:s0] =	ssyncset.done $0x0  }
.LBB2_8:
0x126: {  	p1 =	sne.s32 s12, $0xFFFFFC00  }
0x127: {  	[sflag:s0] =	ssyncadd.s32 $0xFFFFD800;
	s13 =	smov.u32 s12;
	s12 =	sadd.s32 $0x400, s12  }
0x128: {  	_ =	swait.ge [sflag:s3], $0x2800  }
0x129: {  	s13 =	sshra.s32 s13, $0x2;
	[sflag:s3] =	ssyncset.done $0x0  }
0x12a: {  	s14 =	sadd.s32 $0xE00, s13;
	[sflag:s3] =	ssyncadd.s32 $0xFFFFD800  }
0x12b: {  	[tilespmem:s4], [sflag:$0x2] =	stream.indirect.gather [hbm4b:s20+s2], $0x80, s14, s2, $0xb8;
	[tilespmem:$0x1A880] =	vst v63  }
0x12c: {  	s14 =	sadd.s32 $0x1D80, s13  }
0x12d: {  	[spmem:s17] =	stream.indirect.scatter.add.f32 [tilespmem:s15], [sflag:$0x3], $0x80, s14, s2, $0xb8;
	[tilespmem:$0x1A880] =	vst v63  }
0x12e: {  	_ =	swait.ge [sflag:s0], $0x2800  }
0x12f: {  	[sflag:s0] =	ssyncset.done $0x0  }
0x130: {  	s14 =	sadd.s32 $0xE80, s13;
	[sflag:s0] =	ssyncadd.s32 $0xFFFFD800  }
0x131: {  	[tilespmem:s15], [sflag:$0x1] =	stream.indirect.gather [hbm4b:s20+s2], $0x80, s14, s2, $0xb8;
	[tilespmem:$0x1A880] =	vst v63  }
0x132: {  	_ =	swait.ge [sflag:s5], $0x2800  }
.Ltmp3:
0x133: {  	[sflag:s5] =	ssyncset.done $0x0;
	(pc) =	sbr.rel @p1 .LBB2_8-.Ltmp3, $4  }
0x134: {  	s13 =	sadd.s32 $0x1E00, s13;
	[sflag:s5] =	ssyncadd.s32 $0xFFFFD800  }
0x135: {  	[spmem:s17] =	stream.indirect.scatter.add.f32 [tilespmem:s4], [sflag:$0x3], $0x80, s13, s2, $0xb8;
	[tilespmem:$0x1A880] =	vst v63  }
0x136: {  	_ =	swait.ge [sflag:s0], $0x2800  }
0x137: {  	[sflag:s0] =	ssyncset.done $0x0  }
0x138: {  	[sflag:s0] =	ssyncadd.s32 $0xFFFFD800  }
0x139: {  	_ =	swait.ge [sflag:s3], $0x2800  }
0x13a: {  	[sflag:s3] =	ssyncset.done $0x0  }
0x13b: {  	s12 =	simm.s32 $0xE00;
	[sflag:s3] =	ssyncadd.s32 $0xFFFFD800  }
0x13c: {  	[tilespmem:s4], [sflag:$0x2] =	stream.indirect.gather [hbm4b:s20+s2], $0x80, s12, s2, $0xb8;
	[tilespmem:$0x1A880] =	vst v63  }
0x13d: {  	s14 =	simm.s32 $0x1D80  }
0x13e: {  	[spmem:s17] =	stream.indirect.scatter.add.f32 [tilespmem:s15], [sflag:$0x3], $0x80, s14, s2, $0xb8;
	[tilespmem:$0x1A880] =	vst v63  }
0x13f: {  	_ =	swait.ge [sflag:s0], $0x2800  }
0x140: {  	[sflag:s0] =	ssyncset.done $0x0  }
0x141: {  	[sflag:s0] =	ssyncadd.s32 $0xFFFFD800  }
0x142: {  	_ =	swait.ge [sflag:s5], $0x2800  }
0x143: {  	[sflag:s5] =	ssyncset.done $0x0  }
0x144: {  	s13 =	simm.s32 $0x1E00;
	[sflag:s5] =	ssyncadd.s32 $0xFFFFD800  }
0x145: {  	[spmem:s17] =	stream.indirect.scatter.add.f32 [tilespmem:s4], [sflag:$0x3], $0x80, s13, s2, $0xb8;
	[tilespmem:$0x1A880] =	vst v63  }
0x146: {  	_ =	swait.ge [sflag:s0], $0x2800  }
0x147: {  	[sflag:s0] =	ssyncset.done $0x0  }
0x148: {  	[sflag:s0] =	ssyncadd.s32 $0xFFFFD800  }
0x149: {  	[bflag:$0x0] =	sbarrier.arrive $0xFFFF  }
0x14a: {  	[tilespmem:s15], [sflag:$0x4] =	stream.linear.gather [spmem:s23], $0x2800, $0x38;
	[tilespmem:$0x1A880] =	vst v63  }
0x14b: {  	_ =	swait.ge [sflag:s10], $0x2800  }
0x14c: {  	[sflag:s10] =	ssyncset.done $0x0  }
0x14d: {  	s14 =	rddreg [dreg:$0xb];
	[sflag:s10] =	ssyncadd.s32 $0xFFFFD800  }
0x14e: {  	[hbm4b:s14+s9] =	stream.linear.scatter [tilespmem:s15], [sflag:$0x3], $0x2800, $0x38;
	[tilespmem:$0x1A880] =	vst v63  }
0x14f: {  	_ =	swait.ge [sflag:s0], $0x2800  }
0x150: {  	[sflag:s0] =	ssyncset.done $0x0  }
0x151: {  	[sflag:s0] =	ssyncadd.s32 $0xFFFFD800  }
0x152: {  	[tilespmem:s15], [sflag:$0x4] =	stream.linear.gather [spmem:s24], $0x2800, $0x38;
	[tilespmem:$0x1A880] =	vst v63  }
0x153: {  	_ =	swait.ge [sflag:s10], $0x2800  }
0x154: {  	[sflag:s10] =	ssyncset.done $0x0  }
0x155: {  	s13 =	rddreg [dreg:$0xc];
	[sflag:s10] =	ssyncadd.s32 $0xFFFFD800  }
0x156: {  	[hbm4b:s13+s9] =	stream.linear.scatter [tilespmem:s15], [sflag:$0x3], $0x2800, $0x38;
	[tilespmem:$0x1A880] =	vst v63  }
0x157: {  	_ =	swait.ge [sflag:s0], $0x2800  }
0x158: {  	[sflag:s0] =	ssyncset.done $0x0  }
0x159: {  	[sflag:s0] =	ssyncadd.s32 $0xFFFFD800  }
0x15a: {  	[tilespmem:s15], [sflag:$0x4] =	stream.linear.gather [spmem:s25], $0x2800, $0x38;
	[tilespmem:$0x1A880] =	vst v63  }
0x15b: {  	_ =	swait.ge [sflag:s10], $0x2800  }
0x15c: {  	[sflag:s10] =	ssyncset.done $0x0  }
0x15d: {  	s14 =	rddreg [dreg:$0xd];
	[sflag:s10] =	ssyncadd.s32 $0xFFFFD800  }
0x15e: {  	[hbm4b:s14+s9] =	stream.linear.scatter [tilespmem:s15], [sflag:$0x3], $0x2800, $0x38;
	[tilespmem:$0x1A880] =	vst v63  }
0x15f: {  	_ =	swait.ge [sflag:s0], $0x2800  }
0x160: {  	[sflag:s0] =	ssyncset.done $0x0  }
0x161: {  	[sflag:s0] =	ssyncadd.s32 $0xFFFFD800  }
0x162: {  	[tilespmem:s15], [sflag:$0x4] =	stream.linear.gather [spmem:s26], $0x2800, $0x38;
	[tilespmem:$0x1A880] =	vst v63  }
0x163: {  	_ =	swait.ge [sflag:s10], $0x2800  }
0x164: {  	[sflag:s10] =	ssyncset.done $0x0  }
0x165: {  	s13 =	rddreg [dreg:$0xe];
	[sflag:s10] =	ssyncadd.s32 $0xFFFFD800  }
0x166: {  	[hbm4b:s13+s9] =	stream.linear.scatter [tilespmem:s15], [sflag:$0x3], $0x2800, $0x38;
	[tilespmem:$0x1A880] =	vst v63  }
0x167: {  	_ =	swait.ge [sflag:s0], $0x2800  }
0x168: {  	[sflag:s0] =	ssyncset.done $0x0  }
0x169: {  	[sflag:s0] =	ssyncadd.s32 $0xFFFFD800  }
0x16a: {  	[tilespmem:s15], [sflag:$0x4] =	stream.linear.gather [spmem:s28], $0x2800, $0x38;
	[tilespmem:$0x1A880] =	vst v63  }
0x16b: {  	_ =	swait.ge [sflag:s10], $0x2800  }
0x16c: {  	[sflag:s10] =	ssyncset.done $0x0  }
0x16d: {  	s14 =	rddreg [dreg:$0xf];
	[sflag:s10] =	ssyncadd.s32 $0xFFFFD800  }
0x16e: {  	[hbm4b:s14+s9] =	stream.linear.scatter [tilespmem:s15], [sflag:$0x3], $0x2800, $0x38;
	[tilespmem:$0x1A880] =	vst v63  }
0x16f: {  	_ =	swait.ge [sflag:s0], $0x2800  }
0x170: {  	[sflag:s0] =	ssyncset.done $0x0  }
0x171: {  	[sflag:s0] =	ssyncadd.s32 $0xFFFFD800  }
0x172: {  	[tilespmem:s15], [sflag:$0x4] =	stream.linear.gather [spmem:s29], $0x2800, $0x38;
	[tilespmem:$0x1A880] =	vst v63  }
0x173: {  	_ =	swait.ge [sflag:s10], $0x2800  }
0x174: {  	[sflag:s10] =	ssyncset.done $0x0  }
0x175: {  	[sflag:s10] =	ssyncadd.s32 $0xFFFFD800  }
0x176: {  	[hbm4b:s16+s9] =	stream.linear.scatter [tilespmem:s15], [sflag:$0x3], $0x2800, $0x38;
	[tilespmem:$0x1A880] =	vst v63  }
0x177: {  	_ =	swait.ge [sflag:s0], $0x2800  }
0x178: {  	[sflag:s0] =	ssyncset.done $0x0  }
0x179: {  	[sflag:s0] =	ssyncadd.s32 $0xFFFFD800  }
0x17a: {  	[tilespmem:s15], [sflag:$0x4] =	stream.linear.gather [spmem:s30], $0x2800, $0x38;
	[tilespmem:$0x1A880] =	vst v63  }
0x17b: {  	_ =	swait.ge [sflag:s10], $0x2800  }
0x17c: {  	[sflag:s10] =	ssyncset.done $0x0  }
0x17d: {  	[sflag:s10] =	ssyncadd.s32 $0xFFFFD800  }
0x17e: {  	[hbm4b:s18+s9] =	stream.linear.scatter [tilespmem:s15], [sflag:$0x3], $0x2800, $0x38;
	[tilespmem:$0x1A880] =	vst v63  }
0x17f: {  	_ =	swait.ge [sflag:s0], $0x2800  }
0x180: {  	[sflag:s0] =	ssyncset.done $0x0  }
0x181: {  	s12 =	simm.s32 @!p0 $0x2000;
	s13 =	simm.s32 @!p0 $0x4;
	[sflag:s0] =	ssyncadd.s32 $0xFFFFD800  }
0x182: {  	[tilespmem:s12], [sflag:$0x4] =	stream.linear.gather @!p0 [spmem:s31], $0x2800, $0x38;
	[tilespmem:$0x1A880] =	vst v63  }
0x183: {  	_ =	swait.ge @!p0 [sflag:s13], $0x2800  }
0x184: {  	s11 =	sadd.s32 $0x1, s11;
	[sflag:s13] =	ssyncset.done @!p0 $0x0  }
0x185: {  	p1 =	sne.s32 s11, s22;
	[sflag:s13] =	ssyncadd.s32 @!p0 $0xFFFFD800;
	s13 =	simm.s32 @!p0 $0x0  }
0x186: {  	[hbm4b:s19+s13] =	stream.linear.scatter @!p0 [tilespmem:s12], [sflag:$0x3], $0x2800, $0x38;
	[tilespmem:$0x1A880] =	vst v63  }
.Ltmp4:
0x187: {  	_ = 	snop;
	(pc) =	sbr.rel @p1 .LBB2_1-.Ltmp4, $4  }
0x188: {  	s12 =	simm.s32 @!p0 $0x3  }
0x189: {  	_ =	swait.ge @!p0 [sflag:s12], $0x2800  }
0x18a: {  	[sflag:s12] =	ssyncset.done @!p0 $0x0  }
0x18b: {  	[sflag:s12] =	ssyncadd.s32 @!p0 $0xFFFFD800  }
0x18c: {  	_ =	sfence.sel $0x180000  }
0x18d: {  	[bflag:$0x0] =	sbarrier.arrive $0xFFFF  }
0x18e: {  	_ =	strace $0x9000004A  }
0x18f: {  	s0 =	stileid.u32;
	[bflag:$0x2] =	sbarrier.arrive $0xFFFF  }
0x190: {  	p0 =	sne.s32 s0, $0x0;
	s0 =	rddreg [dreg:$0x2]  }
0x191: {  	s0 =	sadd.s32 @!p0 $0x100000, s0  }
0x192: {  	[sflag:s0] =	ssyncadd.tile.s32 @!p0 $0x1;
	_ =	shalt  }
.Lfunc_end2:
_tile_overlayer_lowered:
.L_overlay_start_2:
0x193: {  	(tag) =	ssettag $0x2  }
0x194: {  	s0 =	rddreg [dreg:$0x0];
	s2 =	stileid.u32  }
0x195: {  	s1 =	rddreg [dreg:$0x1];
	p0 =	sne.s32 s2, $0x0  }
0x196: {  	s3 =	rddreg [dreg:$0x2];
	[bflag:$0x3] =	sbarrier.arrive $0xFFFF;
	s2 =	simm.s32 @!p0 $0x1C03  }
0x197: {  	[timem:s3], [sflag:s2] =	dma.local @!p0 [hbm:s0], s1  }
0x198: {  	s0 =	simm.s32 @!p0 $0x3  }
0x199: {  	_ =	swait.ge @!p0 [sflag:s0], s1  }
0x19a: {  	s1 =	ssub.s32 @!p0 $0x0, s1;
	[sflag:s0] =	ssyncset.done @!p0 $0x0  }
0x19b: {  	[sflag:s0] =	ssyncadd.s32 @!p0 s1  }
0x19c: {  	[bflag:$0x3] =	sbarrier.arrive $0xFFFF  }
0x19d: {  	_ =	shalt  }

// kernel: kernel.24.cloned.1.call-start
scs
__scs_entry_jumppad:
0x0: {  	(pc) =	sbr.rel $0x88, $3  }
0x1: {  	(tag) =	ssettag $0x0;
	lr =	simm.s32 $0x1  }
0x2: {  	[smem:$0x3F8B] =	sst lr;
	_ =	strace $0xD0000000  }
0x3: {  	_ = 	snop  }
0x4: {  	_ = 	snop  }
0x5: {  	_ = 	snop  }
0x6: {  	_ = 	snop  }
0x7: {  	_ = 	snop  }
__scs_overlays_trampoline_lowered:
0x8: {  	[smem:$0x3F9A] =	sst s0  }
0x9: {  	[smem:$0x3F9B] =	sst s1  }
0xa: {  	[smem:$0x3F9C] =	sst s2  }
0xb: {  	[smem:$0x3F9D] =	sst s3  }
0xc: {  	[smem:$0x3F9E] =	sst s4  }
0xd: {  	[smem:$0x3F9F] =	sst s5  }
0xe: {  	[smem:$0x3FA0] =	sst s6  }
0xf: {  	[smem:$0x3FA1] =	sst s7  }
0x10: {  	[smem:$0x3FA2] =	sst s8  }
0x11: {  	[smem:$0x3FA3] =	sst s9;
	s0 =	simm.s32 @!p0 $0x0  }
0x12: {  	s1 =	sld [smem:$0x3F89];
	s0 =	simm.s32 @p0 $0x1  }
0x13: {  	[smem:$0x3FA4] =	sst s0;
	s0 =	simm.s32 @!p1 $0x0  }
0x14: {  	s2 =	sld [smem:$0x3F88];
	s0 =	simm.s32 @p1 $0x1  }
0x15: {  	[smem:$0x3FA5] =	sst s0;
	s0 =	simm.s32 @!p2 $0x0  }
0x16: {  	s3 =	sld [smem:$0x3FDB];
	s0 =	simm.s32 @p2 $0x1  }
0x17: {  	s4 =	simm.s32 $0x1BF5;
	[smem:$0x3FA7] =	sst s0  }
0x18: {  	s0 =	sld [smem:$0x3F8A];
	_ =	swait.ge [sflag:s4], $0x0  }
0x19: {  	s7 =	sld [smem:$0x3F8B]  }
0x1a: {  	s8 =	sadd.s32 $0xFFFFE003, lr  }
0x1b: {  	s9 =	sadd.s32 $0xFFFFFEF7, lr;
	s5 =	simm.s32 $0xFFFFFFFF;
	p2 =	slt.u32 s8, $0xFFFFF086  }
0x1c: {  	p1 =	slt.u32 s9, $0xF7A;
	s5 =	simm.s32 @!p2 $0x0  }
0x1d: {  	s5 =	simm.s32 @p1 $0x1;
	p0 =	seq.s32 s7, s2  }
0x1e: {  	s7 =	smul.u32 @!p0 $0xF7A, s2;
	p2 =	seq.s32 @!p0 s5, $0x0  }
0x1f: {  	s9 =	smul.u32 $0xF7A, s1;
	s8 =	simm.s32 @!p0 $0x1BF5;
	p2 =	por !p2, p0  }
0x20: {  	[sflag:s8] =	ssyncset.s32 @!p0 $0xFFFFF086;
	s6 =	sadd.s32 @!p0 s3, s7;
	s7 =	simm.s32 @!p0 $0x108  }
0x21: {  	s3 =	sadd.s32 s3, s9;
	s6 =	sadd.s32 @!p0 $0x88, s6;
	s7 =	simm.s32 @p2 $0x1082  }
0x22: {  	[simem:s7], [sflag:s8] =	dma.local @!p0 [hbm:s6], $0xF7A  }
0x23: {  	s9 =	sor.u32 $0xD0000000, s2;
	s6 =	simm.s32 $0x108;
	_ =	swait.ge @!p0 [sflag:s8], $0x0  }
0x24: {  	s3 =	sadd.s32 $0x88, s3;
	s6 =	simm.s32 @!p1 $0x1082;
	[sflag:s4] =	ssyncset.s32 $0xFFFFF086  }
0x25: {  	[simem:s6], [sflag:s4] =	dma.local [hbm:s3], $0xF7A  }
0x26: {  	[smem:$0x3F8B] =	sst s1;
	(tag) =	ssettag s2;
	_ =	strace s9  }
0x27: {  	s1 =	sld [smem:$0x3F9B]  }
0x28: {  	s2 =	sld [smem:$0x3F9C]  }
0x29: {  	s4 =	sld [smem:$0x3F9E]  }
0x2a: {  	p0 =	seq.s32 s5, $0x0;
	s5 =	sld [smem:$0x3F9F]  }
0x2b: {  	s6 =	sld [smem:$0x3FA0]  }
0x2c: {  	s7 =	sld [smem:$0x3FA1]  }
0x2d: {  	s3 =	simm.s32 $0x108;
	s8 =	sld [smem:$0x3FA2]  }
0x2e: {  	s3 =	simm.s32 @!p0 $0x1082;
	s9 =	sld [smem:$0x3FA3]  }
0x2f: {  	lr =	sadd.s32 s0, s3;
	s0 =	sld [smem:$0x3F9A]  }
0x30: {  	s3 =	sld [smem:$0x3F9D]  }
0x31: {  	[smem:$0x3FA6] =	sst s10  }
0x32: {  	s10 =	sld [smem:$0x3FA4];
	_ =	sdelay $0x3  }
0x33: {  	p0 =	seq.s32 s10, $0x1;
	s10 =	sld [smem:$0x3FA6];
	_ =	sdelay $0x3  }
0x34: {  	[smem:$0x3FA6] =	sst s10  }
0x35: {  	s10 =	sld [smem:$0x3FA5];
	_ =	sdelay $0x3  }
0x36: {  	p1 =	seq.s32 s10, $0x1;
	s10 =	sld [smem:$0x3FA6];
	_ =	sdelay $0x3  }
0x37: {  	[smem:$0x3FA6] =	sst s10  }
0x38: {  	s10 =	sld [smem:$0x3FA7]  }
0x39: {  	_ = 	snop;
	(pc) =	sbr.ind lr, $3  }
0x3a: {  	_ = 	snop  }
0x3b: {  	_ = 	snop  }
0x3c: {  	p2 =	seq.s32 s10, $0x1;
	s10 =	sld [smem:$0x3FA6]  }
0x3d: {  	_ =	shalt  }
0x3e: {  	_ =	shalt  }
0x3f: {  	_ =	shalt  }
0x40: {  	_ =	shalt  }
0x41: {  	_ =	shalt  }
0x42: {  	_ =	shalt  }
0x43: {  	_ =	shalt  }
0x44: {  	_ =	shalt  }
0x45: {  	_ =	shalt  }
0x46: {  	_ =	shalt  }
0x47: {  	_ =	shalt  }
0x48: {  	_ =	shalt  }
0x49: {  	_ =	shalt  }
0x4a: {  	_ =	shalt  }
0x4b: {  	_ =	shalt  }
0x4c: {  	_ =	shalt  }
0x4d: {  	_ =	shalt  }
0x4e: {  	_ =	shalt  }
0x4f: {  	_ =	shalt  }
0x50: {  	_ =	shalt  }
0x51: {  	_ =	shalt  }
0x52: {  	_ =	shalt  }
0x53: {  	_ =	shalt  }
0x54: {  	_ =	shalt  }
0x55: {  	_ =	shalt  }
0x56: {  	_ =	shalt  }
0x57: {  	_ =	shalt  }
0x58: {  	_ =	shalt  }
0x59: {  	_ =	shalt  }
0x5a: {  	_ =	shalt  }
0x5b: {  	_ =	shalt  }
0x5c: {  	_ =	shalt  }
0x5d: {  	_ =	shalt  }
0x5e: {  	_ =	shalt  }
0x5f: {  	_ =	shalt  }
0x60: {  	_ =	shalt  }
0x61: {  	_ =	shalt  }
0x62: {  	_ =	shalt  }
0x63: {  	_ =	shalt  }
0x64: {  	_ =	shalt  }
0x65: {  	_ =	shalt  }
0x66: {  	_ =	shalt  }
0x67: {  	_ =	shalt  }
0x68: {  	_ =	shalt  }
0x69: {  	_ =	shalt  }
0x6a: {  	_ =	shalt  }
0x6b: {  	_ =	shalt  }
0x6c: {  	_ =	shalt  }
0x6d: {  	_ =	shalt  }
0x6e: {  	_ =	shalt  }
0x6f: {  	_ =	shalt  }
0x70: {  	_ =	shalt  }
0x71: {  	_ =	shalt  }
0x72: {  	_ =	shalt  }
0x73: {  	_ =	shalt  }
0x74: {  	_ =	shalt  }
0x75: {  	_ =	shalt  }
0x76: {  	_ =	shalt  }
0x77: {  	_ =	shalt  }
0x78: {  	_ =	shalt  }
0x79: {  	_ =	shalt  }
0x7a: {  	_ =	shalt  }
0x7b: {  	_ =	shalt  }
0x7c: {  	_ =	shalt  }
0x7d: {  	_ =	shalt  }
0x7e: {  	_ =	shalt  }
0x7f: {  	_ =	shalt  }
0x80: {  	_ =	shalt  }
0x81: {  	_ =	shalt  }
0x82: {  	_ =	shalt  }
0x83: {  	_ =	shalt  }
0x84: {  	_ =	shalt  }
0x85: {  	_ =	shalt  }
0x86: {  	_ =	shalt  }
0x87: {  	_ =	shalt  }
.Lfunc_end0:
.L_simem_size_0:
called_computation.2_lowered:
.L_overlay_start_0:
0x88: {  	s2 =	sld [smem:$0x3FD9]  }
0x89: {  	s3 =	sld [smem:$0x3FFE];
	_ =	sdelay $0x1  }
0x8a: {  	s1 =	srdreg.scid  }
0x8b: {  	s0 =	sand.u32 $0x1, s1  }
0x8c: {  	s16 =	sshll.u32 s0, $0xA;
	s2 =	sadd.s32 s3, s2  }
0x8d: {  	s2 =	sadd.s32 s2, s16  }
0x8e: {  	[smem:$0x3FB2] =	sst s2  }
0x8f: {  	_ = 	snop  }
0x90: {  	(tm) =	ssettm $0x1  }
0x91: {  	s17 =	sld [smem:$0x3FFB];
	_ =	sdelay $0x3  }
0x92: {  	_ =	strace s17  }
0x93: {  	s2 =	sld [smem:$0x3FFC];
	_ =	sdelay $0x3  }
0x94: {  	_ =	strace s2  }
0x95: {  	s2 =	sld [smem:$0x3FFD];
	_ =	sdelay $0x3  }
0x96: {  	_ =	strace s2  }
0x97: {  	_ =	strace $0x8FFFFFFF  }
0x98: {  	s18 =	sld [smem:$0x3FDB];
	_ =	sdelay $0x1  }
0x99: {  	s19 =	simm.s32 $_scs_section_size  }
0x9a: {  	s4 =	simm.s32 $_size__tile_overlayer_lowered;
	s5 =	simm.s32 $_tile_overlayer_lowered  }
0x9b: {  	s22 =	simm.s32 $0x1BFF;
	s21 =	sshll.u32 s5, $0x1;
	s2 =	sadd.s32 s19, s18  }
0x9c: {  	s6 =	simm.s32 $0x0;
	s20 =	sshll.u32 s4, $0x1;
	s4 =	sadd.s32 s21, s2  }
0x9d: {  	[timem:s6], [sflag:s22] =	dma.local [hbm:s4], s20  }
0x9e: {  	_ =	swait.ge [sflag:s22], s20  }
0x9f: {  	s3 =	ssub.s32 $0x0, s20;
	[sflag:s22] =	ssyncset.done $0x0  }
0xa0: {  	[sflag:s22] =	ssyncadd.s32 s3;
	_ =	sdelay $0x1  }
0xa1: {  	s23 =	simm.s32 $0x1B8B  }
0xa2: {  	_ =	swait.ge [sflag:s23], $0x1  }
0xa3: {  	[sflag:s23] =	ssyncset.done $0x0  }
0xa4: {  	s25 =	simm.s32 $0x1B8E;
	s24 =	sld [smem:$0x3FFE];
	[sflag:s23] =	ssyncadd.s32 $0xFFFFFFFF  }
0xa5: {  	s26 =	simm.s32 $execute0_lowered;
	[smem:$0x3FD2] =	sst s25  }
0xa6: {  	s4 =	sshll.u32 s26, $0x1;
	_ =	strace $0x8000004C;
	[dreg:$0x1] =	wrdreg $0xFFFFFFFF  }
0xa7: {  	s28 =	simm.s32 $_size_execute0_lowered;
	s2 =	sadd.s32 s2, s4;
	[dreg:$0x0] =	wrdreg $0x0  }
0xa8: {  	s4 =	sshll.u32 s28, $0x1;
	[dreg:$0x2] =	wrdreg s2  }
0xa9: {  	[dreg:$0x3] =	wrdreg s4  }
0xaa: {  	[dreg:$0x4] =	wrdreg $0xC0  }
0xab: {  	_ =	task [dreg:s6], $0x5FFFF  }
0xac: {  	[dreg:$0x1] =	wrdreg $0xFFFFFFFF  }
0xad: {  	[dreg:$0x0] =	wrdreg $0x60  }
0xae: {  	[dreg:$0x2] =	wrdreg s24  }
0xaf: {  	[dreg:$0x3] =	wrdreg $0x70000  }
0xb0: {  	[dreg:$0x4] =	wrdreg $0x9  }
0xb1: {  	_ =	task.clear_ibuf [dreg:s6], $0x5FFFF;
	_ =	strace $0x9000004C  }
0xb2: {  	s29 =	simm.s32 $0x9;
	_ =	strace $0x8000004E  }
0xb3: {  	_ =	swait.ge [sflag:s29], $0x1  }
0xb4: {  	[sflag:s29] =	ssyncadd.s32 $0xFFFFFFFF  }
0xb5: {  	_ =	strace $0x9000004E  }
0xb6: {  	_ =	sfence  }
0xb7: {  	s30 =	sld [smem:$0x0];
	_ =	sdelay $0x2  }
0xb8: {  	s31 =	sshll.u32 s1, $0xD;
	s1 =	sshrl.u32 s1, $0x2  }
0xb9: {  	s3 =	sand.u32 $0x4000, s31;
	s1 =	sadd.s32 s1, s30  }
0xba: {  	s0 =	sor.u32 s3, s0;
	s1 =	sshll.u32 s1, $0x11  }
0xbb: {  	s0 =	sor.u32 s1, s0  }
0xbc: {  	s0 =	sadd.s32 $0x8F2B, s0  }
0xbd: {  	[sflag:s0] =	ssyncadd.remote.s32 $0x1  }
0xbe: {  	_ =	sfence.sel $0xFFFF  }
0xbf: {  	[dreg:$0x0] =	wrdreg $0xFFFFFFFF;
	(pc) =	sbr.abs _section_cstart, $3  }
0xc0: {  	[dreg:$0x1] =	wrdreg $0xFFFFFFFF  }
0xc1: {  	_ =	task.clear_ibuf [dreg:s6], $0x2FFFF;
	_ =	strace $0x9FFFFFFF  }
0xc2: {  	(tm) =	ssettm $0x7FFFFFFF  }
0xc3: {  	_ =	shalt  }
tec
execute0_lowered:
.L_overlay_start_1:
0x0: {  	(tag) =	ssettag $0x1  }
0x1: {  	s0 =	rddreg [dreg:$0x0]  }
0x2: {  	s1 =	srdreg.scid;
	s21 =	stileid.u32;
	s2 =	sadd.s32 $0x76000, s0  }
0x3: {  	s3 =	sand.u32 $0x1, s1;
	s22 =	sor.u32 $0x10, s21;
	s23 =	smul.u32 $0x2800, s21  }
0x4: {  	s1 =	ssub.s32 $0x2, s3;
	s4 =	sshll.u32 s3, $0xF;
	s3 =	smul.u32 $0x138800, s3  }
0x5: {  	s5 =	sshll.u32 s21, $0xB;
	s8 =	sor.u32 $0x20, s21;
	s9 =	smul.u32 $0x2800, s22  }
0x6: {  	s6 =	sadd.s32 $0x66000, s0;
	s11 =	sor.u32 $0x50, s21;
	s10 =	smul.u32 $0x2800, s8  }
0x7: {  	s12 =	sor.u32 $0x60, s21;
	s14 =	smul.u32 $0x2800, s11;
	s7 =	sshrl.u32 s1, $0x1  }
0x8: {  	s25 =	smul.u32 $0x2800, s12;
	s4 =	sor.u32 s5, s4;
	s1 =	ssub.s32 s1, s7  }
0x9: {  	s5 =	sadd.s32 s2, s4;
	s15 =	sor.u32 $0x200, s4;
	s16 =	sadd.s32 s6, s4  }
0xa: {  	s18 =	sor.u32 $0x400, s4;
	s4 =	sor.u32 $0x600, s4;
	[dreg:$0x3] =	wrdreg s5  }
0xb: {  	s7 =	sadd.s32 s3, s23;
	s10 =	sadd.s32 s3, s10;
	[dreg:$0x4] =	wrdreg s16  }
0xc: {  	s17 =	sadd.s32 s2, s15;
	s5 =	sadd.s32 s6, s15;
	s19 =	sadd.s32 s2, s18  }
0xd: {  	s20 =	sadd.s32 s6, s18;
	s2 =	sadd.s32 s2, s4;
	[dreg:$0x5] =	wrdreg s17  }
0xe: {  	s4 =	sadd.s32 s6, s4;
	s15 =	sor.u32 $0x70, s21;
	[dreg:$0x6] =	wrdreg s5  }
0xf: {  	s16 =	sadd.s32 s3, s9;
	s18 =	sadd.s32 s3, s14;
	[dreg:$0x7] =	wrdreg s19  }
0x10: {  	s9 =	simm.s32 $0x0;
	[dreg:$0x8] =	wrdreg s20;
	s17 =	smul.u32 $0x2800, s15  }
0x11: {  	s7 =	sshrl.u32 s7, $0x3;
	[dreg:$0x9] =	wrdreg s2;
	s5 =	smul.u32 $0xA000, s22  }
0x12: {  	s2 =	sor.u32 $0x30, s21;
	s19 =	sadd.s32 s3, s25;
	s25 =	smul.u32 $0xA000, s21  }
0x13: {  	[dreg:$0xa] =	wrdreg s4;
	s4 =	sor.u32 $0x40, s21;
	s24 =	smul.u32 $0x2800, s2  }
0x14: {  	s26 =	sshrl.u32 s16, $0x3;
	s20 =	sadd.s32 $0xD4400, s0;
	s13 =	smul.u32 $0x2800, s4  }
0x15: {  	[smem:$0x7FF] =	sst s9;
	s14 =	sadd.s32 s20, s26;
	s26 =	smul.u32 $0xA000, s8  }
0x16: {  	s16 =	sshrl.u32 s10, $0x3;
	s23 =	sshrl.u32 s18, $0x3;
	s2 =	smul.u32 $0xA000, s2  }
0x17: {  	s21 =	sadd.s32 $0x17200, s0;
	s7 =	sadd.s32 s20, s7;
	s8 =	smul.u32 $0xA000, s11  }
0x18: {  	p0 =	sgt.u32 s15, $0x7C;
	s11 =	smul.u32 $0xA000, s12;
	[dreg:$0xb] =	wrdreg s7  }
0x19: {  	s12 =	smul.u32 $0xA000, s15;
	[dreg:$0xc] =	wrdreg s14;
	s7 =	sadd.s32 s20, s16  }
0x1a: {  	s16 =	sadd.s32 s20, s23;
	s6 =	sadd.s32 s3, s24;
	s13 =	sadd.s32 s3, s13  }
0x1b: {  	s3 =	sadd.s32 s3, s17;
	[dreg:$0xd] =	wrdreg s7;
	s24 =	sshrl.u32 s19, $0x3  }
0x1c: {  	s7 =	smul.u32 $0xA000, s4;
	s10 =	sshrl.u32 s2, $0x2;
	s14 =	sshrl.u32 s11, $0x2  }
0x1d: {  	s15 =	sshrl.u32 s12, $0x2;
	s2 =	simm.s32 $0x50;
	s4 =	simm.s32 $0x4800  }
0x1e: {  	s11 =	simm.s32 $0x0;
	s6 =	sshrl.u32 s6, $0x3;
	s17 =	sshrl.u32 s13, $0x3  }
0x1f: {  	s18 =	sadd.s32 s20, s24;
	s3 =	sshrl.u32 s3, $0x3;
	s13 =	sshrl.u32 s8, $0x2  }
0x20: {  	s8 =	simm.s32 $0x1F80;
	s6 =	sadd.s32 s20, s6;
	s22 =	sadd.s32 s20, s17  }
0x21: {  	s17 =	rddreg [dreg:$0x1];
	s19 =	sadd.s32 s20, s3;
	s20 =	sadd.s32 $0x17800, s0  }
0x22: {  	s3 =	sshrl.u32 s25, $0x2;
	s0 =	sshrl.u32 s26, $0x2;
	[dreg:$0xe] =	wrdreg s6  }
0x23: {  	[dreg:$0xf] =	wrdreg s22;
	s22 =	smax.u32 s1, $0x1;
	s23 =	sadd.s32 s3, s17  }
0x24: {  	s6 =	sshrl.u32 s5, $0x2;
	s25 =	sadd.s32 s0, s17;
	s3 =	sshrl.u32 s7, $0x2  }
0x25: {  	s26 =	sadd.s32 s10, s17;
	s29 =	sadd.s32 s13, s17;
	s30 =	sadd.s32 s14, s17  }
0x26: {  	s31 =	sadd.s32 s15, s17;
	s15 =	simm.s32 $0x2000;
	s0 =	simm.s32 $0x3  }
0x27: {  	s1 =	simm.s32 $0x1000;
	s5 =	simm.s32 $0x2;
	s7 =	simm.s32 $0x1F00  }
0x28: {  	s10 =	simm.s32 $0x4;
	_ =	strace $0x8000004D;
	s24 =	sadd.s32 s6, s17  }
0x29: {  	s28 =	sadd.s32 s3, s17;
	s3 =	simm.s32 $0x1;
	s6 =	simm.s32 $0xF80  }
.LBB2_1:
0x2a: {  	[tilespmem:s15], [sflag:$0x3] =	stream.linear.gather [hbm4b:s21+s9], $0x2800, $0x38;
	[tilespmem:$0x1A880] =	vst v63  }
0x2b: {  	_ =	swait.ge [sflag:s0], $0x2800  }
0x2c: {  	[sflag:s0] =	ssyncset.done $0x0  }
0x2d: {  	[sflag:s0] =	ssyncadd.s32 $0xFFFFD800  }
0x2e: {  	[spmem:s23] =	stream.linear.scatter [tilespmem:s15], [sflag:$0x3], $0x2800, $0x38;
	[tilespmem:$0x1A880] =	vst v63  }
0x2f: {  	_ =	swait.ge [sflag:s0], $0x2800  }
0x30: {  	[sflag:s0] =	ssyncset.done $0x0  }
0x31: {  	[sflag:s0] =	ssyncadd.s32 $0xFFFFD800  }
0x32: {  	[spmem:s24] =	stream.linear.scatter [tilespmem:s15], [sflag:$0x3], $0x2800, $0x38;
	[tilespmem:$0x1A880] =	vst v63  }
0x33: {  	_ =	swait.ge [sflag:s0], $0x2800  }
0x34: {  	[sflag:s0] =	ssyncset.done $0x0  }
0x35: {  	[sflag:s0] =	ssyncadd.s32 $0xFFFFD800  }
0x36: {  	[spmem:s25] =	stream.linear.scatter [tilespmem:s15], [sflag:$0x3], $0x2800, $0x38;
	[tilespmem:$0x1A880] =	vst v63  }
0x37: {  	_ =	swait.ge [sflag:s0], $0x2800  }
0x38: {  	[sflag:s0] =	ssyncset.done $0x0  }
0x39: {  	[sflag:s0] =	ssyncadd.s32 $0xFFFFD800  }
0x3a: {  	[spmem:s26] =	stream.linear.scatter [tilespmem:s15], [sflag:$0x3], $0x2800, $0x38;
	[tilespmem:$0x1A880] =	vst v63  }
0x3b: {  	_ =	swait.ge [sflag:s0], $0x2800  }
0x3c: {  	[sflag:s0] =	ssyncset.done $0x0  }
0x3d: {  	[sflag:s0] =	ssyncadd.s32 $0xFFFFD800  }
0x3e: {  	[spmem:s28] =	stream.linear.scatter [tilespmem:s15], [sflag:$0x3], $0x2800, $0x38;
	[tilespmem:$0x1A880] =	vst v63  }
0x3f: {  	_ =	swait.ge [sflag:s0], $0x2800  }
0x40: {  	[sflag:s0] =	ssyncset.done $0x0  }
0x41: {  	[sflag:s0] =	ssyncadd.s32 $0xFFFFD800  }
0x42: {  	[spmem:s29] =	stream.linear.scatter [tilespmem:s15], [sflag:$0x3], $0x2800, $0x38;
	[tilespmem:$0x1A880] =	vst v63  }
0x43: {  	_ =	swait.ge [sflag:s0], $0x2800  }
0x44: {  	[sflag:s0] =	ssyncset.done $0x0  }
0x45: {  	[sflag:s0] =	ssyncadd.s32 $0xFFFFD800  }
0x46: {  	[spmem:s30] =	stream.linear.scatter [tilespmem:s15], [sflag:$0x3], $0x2800, $0x38;
	[tilespmem:$0x1A880] =	vst v63  }
0x47: {  	_ =	swait.ge [sflag:s0], $0x2800  }
0x48: {  	[sflag:s0] =	ssyncset.done $0x0  }
0x49: {  	s12 =	simm.s32 @!p0 $0x2000;
	[sflag:s0] =	ssyncadd.s32 $0xFFFFD800  }
0x4a: {  	[spmem:s31] =	stream.linear.scatter @!p0 [tilespmem:s12], [sflag:$0x3], $0x2800, $0x38;
	[tilespmem:$0x1A880] =	vst v63  }
0x4b: {  	s12 =	simm.s32 @!p0 $0x3  }
0x4c: {  	_ =	swait.ge @!p0 [sflag:s12], $0x2800  }
0x4d: {  	[sflag:s12] =	ssyncset.done @!p0 $0x0  }
0x4e: {  	[sflag:s12] =	ssyncadd.s32 @!p0 $0xFFFFD800  }
0x4f: {  	[bflag:$0x0] =	sbarrier.arrive $0xFFFF  }
0x50: {  	s13 =	rddreg [dreg:$0x3]  }
0x51: {  	[tilespmem:s9], [sflag:$0x3] =	stream.linear.gather [hbm4b:s13+s9], $0x1000, $0x38;
	[tilespmem:$0x1A880] =	vst v63  }
0x52: {  	_ =	swait.ge [sflag:s0], $0x1000  }
0x53: {  	[sflag:s0] =	ssyncset.done $0x0  }
0x54: {  	s14 =	rddreg [dreg:$0x4];
	[sflag:s0] =	ssyncadd.s32 $0xFFFFF000  }
0x55: {  	[tilespmem:s1], [sflag:$0x3] =	stream.linear.gather [hbm4b:s14+s9], $0x1000, $0x38;
	[tilespmem:$0x1A880] =	vst v63  }
0x56: {  	_ =	swait.ge [sflag:s0], $0x1000  }
0x57: {  	[sflag:s0] =	ssyncset.done $0x0  }
0x58: {  	[sflag:s0] =	ssyncadd.s32 $0xFFFFF000  }
0x59: {  	[tilespmem:s15], [sflag:$0x1] =	stream.indirect.gather [hbm4b:s20+s2], $0x80, s9, s2, $0xb8;
	[tilespmem:$0x1A880] =	vst v63  }
0x5a: {  	_ =	swait.ge [sflag:s3], $0x2800  }
0x5b: {  	[sflag:s3] =	ssyncset.done $0x0  }
0x5c: {  	s13 =	simm.s32 $0x80;
	[sflag:s3] =	ssyncadd.s32 $0xFFFFD800  }
0x5d: {  	[tilespmem:s4], [sflag:$0x2] =	stream.indirect.gather [hbm4b:s20+s2], $0x80, s13, s2, $0xb8;
	[tilespmem:$0x1A880] =	vst v63  }
0x5e: {  	s14 =	simm.s32 $0x1000  }
0x5f: {  	[spmem:s17] =	stream.indirect.scatter.add.f32 [tilespmem:s15], [sflag:$0x3], $0x80, s14, s2, $0xb8;
	[tilespmem:$0x1A880] =	vst v63  }
0x60: {  	_ =	swait.ge [sflag:s0], $0x2800  }
0x61: {  	[sflag:s0] =	ssyncset.done $0x0  }
0x62: {  	s13 =	simm.s32 $0x100;
	[sflag:s0] =	ssyncadd.s32 $0xFFFFD800  }
0x63: {  	[tilespmem:s15], [sflag:$0x1] =	stream.indirect.gather [hbm4b:s20+s2], $0x80, s13, s2, $0xb8;
	[tilespmem:$0x1A880] =	vst v63  }
0x64: {  	_ =	swait.ge [sflag:s5], $0x2800  }
0x65: {  	[sflag:s5] =	ssyncset.done $0x0  }
0x66: {  	s14 =	simm.s32 $0x1080;
	[sflag:s5] =	ssyncadd.s32 $0xFFFFD800  }
0x67: {  	[spmem:s17] =	stream.indirect.scatter.add.f32 [tilespmem:s4], [sflag:$0x3], $0x80, s14, s2, $0xb8;
	[tilespmem:$0x1A880] =	vst v63  }
0x68: {  	_ =	swait.ge [sflag:s0], $0x2800  }
0x69: {  	s12 =	simm.s32 $0x400;
	[sflag:s0] =	ssyncset.done $0x0  }
.LBB2_2:
0x6a: {  	p1 =	sne.s32 s12, $0x3800  }
0x6b: {  	[sflag:s0] =	ssyncadd.s32 $0xFFFFD800;
	s13 =	smov.u32 s12;
	s12 =	sadd.s32 $0x400, s12  }
0x6c: {  	_ =	swait.ge [sflag:s3], $0x2800  }
0x6d: {  	s13 =	sshra.s32 s13, $0x2;
	[sflag:s3] =	ssyncset.done $0x0  }
0x6e: {  	s14 =	sadd.s32 $0x80, s13;
	[sflag:s3] =	ssyncadd.s32 $0xFFFFD800  }
0x6f: {  	[tilespmem:s4], [sflag:$0x2] =	stream.indirect.gather [hbm4b:s20+s2], $0x80, s14, s2, $0xb8;
	[tilespmem:$0x1A880] =	vst v63  }
0x70: {  	s14 =	sadd.s32 $0x1000, s13  }
0x71: {  	[spmem:s17] =	stream.indirect.scatter.add.f32 [tilespmem:s15], [sflag:$0x3], $0x80, s14, s2, $0xb8;
	[tilespmem:$0x1A880] =	vst v63  }
0x72: {  	_ =	swait.ge [sflag:s0], $0x2800  }
0x73: {  	[sflag:s0] =	ssyncset.done $0x0  }
0x74: {  	s14 =	sadd.s32 $0x100, s13;
	[sflag:s0] =	ssyncadd.s32 $0xFFFFD800  }
0x75: {  	[tilespmem:s15], [sflag:$0x1] =	stream.indirect.gather [hbm4b:s20+s2], $0x80, s14, s2, $0xb8;
	[tilespmem:$0x1A880] =	vst v63  }
0x76: {  	_ =	swait.ge [sflag:s5], $0x2800  }
.Ltmp0:
0x77: {  	[sflag:s5] =	ssyncset.done $0x0;
	(pc) =	sbr.rel @p1 .LBB2_2-.Ltmp0, $4  }
0x78: {  	s13 =	sadd.s32 $0x1080, s13;
	[sflag:s5] =	ssyncadd.s32 $0xFFFFD800  }
0x79: {  	[spmem:s17] =	stream.indirect.scatter.add.f32 [tilespmem:s4], [sflag:$0x3], $0x80, s13, s2, $0xb8;
	[tilespmem:$0x1A880] =	vst v63  }
0x7a: {  	_ =	swait.ge [sflag:s0], $0x2800  }
0x7b: {  	[sflag:s0] =	ssyncset.done $0x0  }
0x7c: {  	[sflag:s0] =	ssyncadd.s32 $0xFFFFD800  }
0x7d: {  	_ =	swait.ge [sflag:s3], $0x2800  }
0x7e: {  	[sflag:s3] =	ssyncset.done $0x0  }
0x7f: {  	[sflag:s3] =	ssyncadd.s32 $0xFFFFD800  }
0x80: {  	[tilespmem:s4], [sflag:$0x2] =	stream.indirect.gather [hbm4b:s20+s2], $0x80, s6, s2, $0xb8;
	[tilespmem:$0x1A880] =	vst v63  }
0x81: {  	_ = 	snop  }
0x82: {  	[spmem:s17] =	stream.indirect.scatter.add.f32 [tilespmem:s15], [sflag:$0x3], $0x80, s7, s2, $0xb8;
	[tilespmem:$0x1A880] =	vst v63  }
0x83: {  	_ =	swait.ge [sflag:s0], $0x2800  }
0x84: {  	[sflag:s0] =	ssyncset.done $0x0  }
0x85: {  	[sflag:s0] =	ssyncadd.s32 $0xFFFFD800  }
0x86: {  	_ =	swait.ge [sflag:s5], $0x2800  }
0x87: {  	[sflag:s5] =	ssyncset.done $0x0  }
0x88: {  	[sflag:s5] =	ssyncadd.s32 $0xFFFFD800  }
0x89: {  	[spmem:s17] =	stream.indirect.scatter.add.f32 [tilespmem:s4], [sflag:$0x3], $0x80, s8, s2, $0xb8;
	[tilespmem:$0x1A880] =	vst v63  }
0x8a: {  	_ =	swait.ge [sflag:s0], $0x2800  }
0x8b: {  	[sflag:s0] =	ssyncset.done $0x0  }
0x8c: {  	s12 =	simm.s32 $0x0;
	s13 =	rddreg [dreg:$0x5];
	[sflag:s0] =	ssyncadd.s32 $0xFFFFD800  }
0x8d: {  	[tilespmem:s12], [sflag:$0x3] =	stream.linear.gather [hbm4b:s13+s12], $0x1000, $0x38;
	[tilespmem:$0x1A880] =	vst v63  }
0x8e: {  	_ =	swait.ge [sflag:s0], $0x1000  }
0x8f: {  	[sflag:s0] =	ssyncset.done $0x0  }
0x90: {  	s14 =	rddreg [dreg:$0x6];
	[sflag:s0] =	ssyncadd.s32 $0xFFFFF000  }
0x91: {  	[tilespmem:s1], [sflag:$0x3] =	stream.linear.gather [hbm4b:s14+s12], $0x1000, $0x38;
	[tilespmem:$0x1A880] =	vst v63  }
0x92: {  	_ =	swait.ge [sflag:s0], $0x1000  }
0x93: {  	[sflag:s0] =	ssyncset.done $0x0  }
0x94: {  	[sflag:s0] =	ssyncadd.s32 $0xFFFFF000  }
0x95: {  	[tilespmem:s15], [sflag:$0x1] =	stream.indirect.gather [hbm4b:s20+s2], $0x80, s12, s2, $0xb8;
	[tilespmem:$0x1A880] =	vst v63  }
0x96: {  	_ =	swait.ge [sflag:s3], $0x2800  }
0x97: {  	[sflag:s3] =	ssyncset.done $0x0  }
0x98: {  	s13 =	simm.s32 $0x80;
	[sflag:s3] =	ssyncadd.s32 $0xFFFFD800  }
0x99: {  	[tilespmem:s4], [sflag:$0x2] =	stream.indirect.gather [hbm4b:s20+s2], $0x80, s13, s2, $0xb8;
	[tilespmem:$0x1A880] =	vst v63  }
0x9a: {  	s14 =	simm.s32 $0x1000  }
0x9b: {  	[spmem:s17] =	stream.indirect.scatter.add.f32 [tilespmem:s15], [sflag:$0x3], $0x80, s14, s2, $0xb8;
	[tilespmem:$0x1A880] =	vst v63  }
0x9c: {  	_ =	swait.ge [sflag:s0], $0x2800  }
0x9d: {  	[sflag:s0] =	ssyncset.done $0x0  }
0x9e: {  	s13 =	simm.s32 $0x100;
	[sflag:s0] =	ssyncadd.s32 $0xFFFFD800  }
0x9f: {  	[tilespmem:s15], [sflag:$0x1] =	stream.indirect.gather [hbm4b:s20+s2], $0x80, s13, s2, $0xb8;
	[tilespmem:$0x1A880] =	vst v63  }
0xa0: {  	_ =	swait.ge [sflag:s5], $0x2800  }
0xa1: {  	[sflag:s5] =	ssyncset.done $0x0  }
0xa2: {  	s14 =	simm.s32 $0x1080;
	[sflag:s5] =	ssyncadd.s32 $0xFFFFD800  }
0xa3: {  	[spmem:s17] =	stream.indirect.scatter.add.f32 [tilespmem:s4], [sflag:$0x3], $0x80, s14, s2, $0xb8;
	[tilespmem:$0x1A880] =	vst v63  }
0xa4: {  	_ =	swait.ge [sflag:s0], $0x2800  }
0xa5: {  	s12 =	simm.s32 $0x400;
	[sflag:s0] =	ssyncset.done $0x0  }
.LBB2_4:
0xa6: {  	p1 =	sne.s32 s12, $0x3800  }
0xa7: {  	[sflag:s0] =	ssyncadd.s32 $0xFFFFD800;
	s13 =	smov.u32 s12;
	s12 =	sadd.s32 $0x400, s12  }
0xa8: {  	_ =	swait.ge [sflag:s3], $0x2800  }
0xa9: {  	s13 =	sshra.s32 s13, $0x2;
	[sflag:s3] =	ssyncset.done $0x0  }
0xaa: {  	s14 =	sadd.s32 $0x80, s13;
	[sflag:s3] =	ssyncadd.s32 $0xFFFFD800  }
0xab: {  	[tilespmem:s4], [sflag:$0x2] =	stream.indirect.gather [hbm4b:s20+s2], $0x80, s14, s2, $0xb8;
	[tilespmem:$0x1A880] =	vst v63  }
0xac: {  	s14 =	sadd.s32 $0x1000, s13  }
0xad: {  	[spmem:s17] =	stream.indirect.scatter.add.f32 [tilespmem:s15], [sflag:$0x3], $0x80, s14, s2, $0xb8;
	[tilespmem:$0x1A880] =	vst v63  }
0xae: {  	_ =	swait.ge [sflag:s0], $0x2800  }
0xaf: {  	[sflag:s0] =	ssyncset.done $0x0  }
0xb0: {  	s14 =	sadd.s32 $0x100, s13;
	[sflag:s0] =	ssyncadd.s32 $0xFFFFD800  }
0xb1: {  	[tilespmem:s15], [sflag:$0x1] =	stream.indirect.gather [hbm4b:s20+s2], $0x80, s14, s2, $0xb8;
	[tilespmem:$0x1A880] =	vst v63  }
0xb2: {  	_ =	swait.ge [sflag:s5], $0x2800  }
.Ltmp1:
0xb3: {  	[sflag:s5] =	ssyncset.done $0x0;
	(pc) =	sbr.rel @p1 .LBB2_4-.Ltmp1, $4  }
0xb4: {  	s13 =	sadd.s32 $0x1080, s13;
	[sflag:s5] =	ssyncadd.s32 $0xFFFFD800  }
0xb5: {  	[spmem:s17] =	stream.indirect.scatter.add.f32 [tilespmem:s4], [sflag:$0x3], $0x80, s13, s2, $0xb8;
	[tilespmem:$0x1A880] =	vst v63  }
0xb6: {  	_ =	swait.ge [sflag:s0], $0x2800  }
0xb7: {  	[sflag:s0] =	ssyncset.done $0x0  }
0xb8: {  	[sflag:s0] =	ssyncadd.s32 $0xFFFFD800  }
0xb9: {  	_ =	swait.ge [sflag:s3], $0x2800  }
0xba: {  	[sflag:s3] =	ssyncset.done $0x0  }
0xbb: {  	[sflag:s3] =	ssyncadd.s32 $0xFFFFD800  }
0xbc: {  	[tilespmem:s4], [sflag:$0x2] =	stream.indirect.gather [hbm4b:s20+s2], $0x80, s6, s2, $0xb8;
	[tilespmem:$0x1A880] =	vst v63  }
0xbd: {  	_ = 	snop  }
0xbe: {  	[spmem:s17] =	stream.indirect.scatter.add.f32 [tilespmem:s15], [sflag:$0x3], $0x80, s7, s2, $0xb8;
	[tilespmem:$0x1A880] =	vst v63  }
0xbf: {  	_ =	swait.ge [sflag:s0], $0x2800  }
0xc0: {  	[sflag:s0] =	ssyncset.done $0x0  }
0xc1: {  	[sflag:s0] =	ssyncadd.s32 $0xFFFFD800  }
0xc2: {  	_ =	swait.ge [sflag:s5], $0x2800  }
0xc3: {  	[sflag:s5] =	ssyncset.done $0x0  }
0xc4: {  	[sflag:s5] =	ssyncadd.s32 $0xFFFFD800  }
0xc5: {  	[spmem:s17] =	stream.indirect.scatter.add.f32 [tilespmem:s4], [sflag:$0x3], $0x80, s8, s2, $0xb8;
	[tilespmem:$0x1A880] =	vst v63  }
0xc6: {  	_ =	swait.ge [sflag:s0], $0x2800  }
0xc7: {  	[sflag:s0] =	ssyncset.done $0x0  }
0xc8: {  	s12 =	simm.s32 $0x0;
	s13 =	rddreg [dreg:$0x7];
	[sflag:s0] =	ssyncadd.s32 $0xFFFFD800  }
0xc9: {  	[tilespmem:s12], [sflag:$0x3] =	stream.linear.gather [hbm4b:s13+s12], $0x1000, $0x38;
	[tilespmem:$0x1A880] =	vst v63  }
0xca: {  	_ =	swait.ge [sflag:s0], $0x1000  }
0xcb: {  	[sflag:s0] =	ssyncset.done $0x0  }
0xcc: {  	s14 =	rddreg [dreg:$0x8];
	[sflag:s0] =	ssyncadd.s32 $0xFFFFF000  }
0xcd: {  	[tilespmem:s1], [sflag:$0x3] =	stream.linear.gather [hbm4b:s14+s12], $0x1000, $0x38;
	[tilespmem:$0x1A880] =	vst v63  }
0xce: {  	_ =	swait.ge [sflag:s0], $0x1000  }
0xcf: {  	[sflag:s0] =	ssyncset.done $0x0  }
0xd0: {  	[sflag:s0] =	ssyncadd.s32 $0xFFFFF000  }
0xd1: {  	[tilespmem:s15], [sflag:$0x1] =	stream.indirect.gather [hbm4b:s20+s2], $0x80, s12, s2, $0xb8;
	[tilespmem:$0x1A880] =	vst v63  }
0xd2: {  	_ =	swait.ge [sflag:s3], $0x2800  }
0xd3: {  	[sflag:s3] =	ssyncset.done $0x0  }
0xd4: {  	s13 =	simm.s32 $0x80;
	[sflag:s3] =	ssyncadd.s32 $0xFFFFD800  }
0xd5: {  	[tilespmem:s4], [sflag:$0x2] =	stream.indirect.gather [hbm4b:s20+s2], $0x80, s13, s2, $0xb8;
	[tilespmem:$0x1A880] =	vst v63  }
0xd6: {  	s14 =	simm.s32 $0x1000  }
0xd7: {  	[spmem:s17] =	stream.indirect.scatter.add.f32 [tilespmem:s15], [sflag:$0x3], $0x80, s14, s2, $0xb8;
	[tilespmem:$0x1A880] =	vst v63  }
0xd8: {  	_ =	swait.ge [sflag:s0], $0x2800  }
0xd9: {  	[sflag:s0] =	ssyncset.done $0x0  }
0xda: {  	s13 =	simm.s32 $0x100;
	[sflag:s0] =	ssyncadd.s32 $0xFFFFD800  }
0xdb: {  	[tilespmem:s15], [sflag:$0x1] =	stream.indirect.gather [hbm4b:s20+s2], $0x80, s13, s2, $0xb8;
	[tilespmem:$0x1A880] =	vst v63  }
0xdc: {  	_ =	swait.ge [sflag:s5], $0x2800  }
0xdd: {  	[sflag:s5] =	ssyncset.done $0x0  }
0xde: {  	s14 =	simm.s32 $0x1080;
	[sflag:s5] =	ssyncadd.s32 $0xFFFFD800  }
0xdf: {  	[spmem:s17] =	stream.indirect.scatter.add.f32 [tilespmem:s4], [sflag:$0x3], $0x80, s14, s2, $0xb8;
	[tilespmem:$0x1A880] =	vst v63  }
0xe0: {  	_ =	swait.ge [sflag:s0], $0x2800  }
0xe1: {  	s12 =	simm.s32 $0x400;
	[sflag:s0] =	ssyncset.done $0x0  }
.LBB2_6:
0xe2: {  	p1 =	sne.s32 s12, $0x3800  }
0xe3: {  	[sflag:s0] =	ssyncadd.s32 $0xFFFFD800;
	s13 =	smov.u32 s12;
	s12 =	sadd.s32 $0x400, s12  }
0xe4: {  	_ =	swait.ge [sflag:s3], $0x2800  }
0xe5: {  	s13 =	sshra.s32 s13, $0x2;
	[sflag:s3] =	ssyncset.done $0x0  }
0xe6: {  	s14 =	sadd.s32 $0x80, s13;
	[sflag:s3] =	ssyncadd.s32 $0xFFFFD800  }
0xe7: {  	[tilespmem:s4], [sflag:$0x2] =	stream.indirect.gather [hbm4b:s20+s2], $0x80, s14, s2, $0xb8;
	[tilespmem:$0x1A880] =	vst v63  }
0xe8: {  	s14 =	sadd.s32 $0x1000, s13  }
0xe9: {  	[spmem:s17] =	stream.indirect.scatter.add.f32 [tilespmem:s15], [sflag:$0x3], $0x80, s14, s2, $0xb8;
	[tilespmem:$0x1A880] =	vst v63  }
0xea: {  	_ =	swait.ge [sflag:s0], $0x2800  }
0xeb: {  	[sflag:s0] =	ssyncset.done $0x0  }
0xec: {  	s14 =	sadd.s32 $0x100, s13;
	[sflag:s0] =	ssyncadd.s32 $0xFFFFD800  }
0xed: {  	[tilespmem:s15], [sflag:$0x1] =	stream.indirect.gather [hbm4b:s20+s2], $0x80, s14, s2, $0xb8;
	[tilespmem:$0x1A880] =	vst v63  }
0xee: {  	_ =	swait.ge [sflag:s5], $0x2800  }
.Ltmp2:
0xef: {  	[sflag:s5] =	ssyncset.done $0x0;
	(pc) =	sbr.rel @p1 .LBB2_6-.Ltmp2, $4  }
0xf0: {  	s13 =	sadd.s32 $0x1080, s13;
	[sflag:s5] =	ssyncadd.s32 $0xFFFFD800  }
0xf1: {  	[spmem:s17] =	stream.indirect.scatter.add.f32 [tilespmem:s4], [sflag:$0x3], $0x80, s13, s2, $0xb8;
	[tilespmem:$0x1A880] =	vst v63  }
0xf2: {  	_ =	swait.ge [sflag:s0], $0x2800  }
0xf3: {  	[sflag:s0] =	ssyncset.done $0x0  }
0xf4: {  	[sflag:s0] =	ssyncadd.s32 $0xFFFFD800  }
0xf5: {  	_ =	swait.ge [sflag:s3], $0x2800  }
0xf6: {  	[sflag:s3] =	ssyncset.done $0x0  }
0xf7: {  	[sflag:s3] =	ssyncadd.s32 $0xFFFFD800  }
0xf8: {  	[tilespmem:s4], [sflag:$0x2] =	stream.indirect.gather [hbm4b:s20+s2], $0x80, s6, s2, $0xb8;
	[tilespmem:$0x1A880] =	vst v63  }
0xf9: {  	_ = 	snop  }
0xfa: {  	[spmem:s17] =	stream.indirect.scatter.add.f32 [tilespmem:s15], [sflag:$0x3], $0x80, s7, s2, $0xb8;
	[tilespmem:$0x1A880] =	vst v63  }
0xfb: {  	_ =	swait.ge [sflag:s0], $0x2800  }
0xfc: {  	[sflag:s0] =	ssyncset.done $0x0  }
0xfd: {  	[sflag:s0] =	ssyncadd.s32 $0xFFFFD800  }
0xfe: {  	_ =	swait.ge [sflag:s5], $0x2800  }
0xff: {  	[sflag:s5] =	ssyncset.done $0x0  }
0x100: {  	[sflag:s5] =	ssyncadd.s32 $0xFFFFD800  }
0x101: {  	[spmem:s17] =	stream.indirect.scatter.add.f32 [tilespmem:s4], [sflag:$0x3], $0x80, s8, s2, $0xb8;
	[tilespmem:$0x1A880] =	vst v63  }
0x102: {  	_ =	swait.ge [sflag:s0], $0x2800  }
0x103: {  	[sflag:s0] =	ssyncset.done $0x0  }
0x104: {  	s12 =	rddreg [dreg:$0x9];
	[sflag:s0] =	ssyncadd.s32 $0xFFFFD800  }
0x105: {  	[tilespmem:s9], [sflag:$0x3] =	stream.linear.gather [hbm4b:s12+s9], $0x1000, $0x38;
	[tilespmem:$0x1A880] =	vst v63  }
0x106: {  	_ =	swait.ge [sflag:s0], $0x1000  }
0x107: {  	[sflag:s0] =	ssyncset.done $0x0  }
0x108: {  	s13 =	rddreg [dreg:$0xa];
	[sflag:s0] =	ssyncadd.s32 $0xFFFFF000  }
0x109: {  	[tilespmem:s1], [sflag:$0x3] =	stream.linear.gather [hbm4b:s13+s9], $0x1000, $0x38;
	[tilespmem:$0x1A880] =	vst v63  }
0x10a: {  	_ =	swait.ge [sflag:s0], $0x1000  }
0x10b: {  	[sflag:s0] =	ssyncset.done $0x0  }
0x10c: {  	[sflag:s0] =	ssyncadd.s32 $0xFFFFF000  }
0x10d: {  	[tilespmem:s15], [sflag:$0x1] =	stream.indirect.gather [hbm4b:s20+s2], $0x80, s9, s2, $0xb8;
	[tilespmem:$0x1A880] =	vst v63  }
0x10e: {  	_ =	swait.ge [sflag:s3], $0x2800  }
0x10f: {  	[sflag:s3] =	ssyncset.done $0x0  }
0x110: {  	[sflag:s3] =	ssyncadd.s32 $0xFFFFD800  }
0x111: {  	[spmem:s17] =	stream.indirect.scatter.add.f32 [tilespmem:s15], [sflag:$0x3], $0x80, s1, s2, $0xb8;
	[tilespmem:$0x1A880] =	vst v63  }
0x112: {  	_ =	swait.ge [sflag:s0], $0x2800  }
0x113: {  	[sflag:s0] =	ssyncset.done $0x0  }
0x114: {  	s14 =	simm.s32 $0x80;
	[sflag:s0] =	ssyncadd.s32 $0xFFFFD800  }
0x115: {  	[tilespmem:s15], [sflag:$0x1] =	stream.indirect.gather [hbm4b:s20+s2], $0x80, s14, s2, $0xb8;
	[tilespmem:$0x1A880] =	vst v63  }
0x116: {  	_ =	swait.ge [sflag:s3], $0x2800  }
0x117: {  	[sflag:s3] =	ssyncset.done $0x0  }
0x118: {  	s13 =	simm.s32 $0x100;
	[sflag:s3] =	ssyncadd.s32 $0xFFFFD800  }
0x119: {  	[tilespmem:s4], [sflag:$0x2] =	stream.indirect.gather [hbm4b:s20+s2], $0x80, s13, s2, $0xb8;
	[tilespmem:$0x1A880] =	vst v63  }
0x11a: {  	s14 =	simm.s32 $0x1080  }
0x11b: {  	[spmem:s17] =	stream.indirect.scatter.add.f32 [tilespmem:s15], [sflag:$0x3], $0x80, s14, s2, $0xb8;
	[tilespmem:$0x1A880] =	vst v63  }
0x11c: {  	_ =	swait.ge [sflag:s0], $0x2800  }
0x11d: {  	[sflag:s0] =	ssyncset.done $0x0  }
0x11e: {  	s13 =	simm.s32 $0x180;
	[sflag:s0] =	ssyncadd.s32 $0xFFFFD800  }
0x11f: {  	[tilespmem:s15], [sflag:$0x1] =	stream.indirect.gather [hbm4b:s20+s2], $0x80, s13, s2, $0xb8;
	[tilespmem:$0x1A880] =	vst v63  }
0x120: {  	_ =	swait.ge [sflag:s5], $0x2800  }
0x121: {  	[sflag:s5] =	ssyncset.done $0x0  }
0x122: {  	s14 =	simm.s32 $0x1100;
	[sflag:s5] =	ssyncadd.s32 $0xFFFFD800  }
0x123: {  	[spmem:s17] =	stream.indirect.scatter.add.f32 [tilespmem:s4], [sflag:$0x3], $0x80, s14, s2, $0xb8;
	[tilespmem:$0x1A880] =	vst v63  }
0x124: {  	_ =	swait.ge [sflag:s0], $0x2800  }
0x125: {  	s12 =	simm.s32 $0xFFFFD000;
	[sflag:s0] =	ssyncset.done $0x0  }
.LBB2_8:
0x126: {  	p1 =	sne.s32 s12, $0xFFFFFC00  }
0x127: {  	[sflag:s0] =	ssyncadd.s32 $0xFFFFD800;
	s13 =	smov.u32 s12;
	s12 =	sadd.s32 $0x400, s12  }
0x128: {  	_ =	swait.ge [sflag:s3], $0x2800  }
0x129: {  	s13 =	sshra.s32 s13, $0x2;
	[sflag:s3] =	ssyncset.done $0x0  }
0x12a: {  	s14 =	sadd.s32 $0xE00, s13;
	[sflag:s3] =	ssyncadd.s32 $0xFFFFD800  }
0x12b: {  	[tilespmem:s4], [sflag:$0x2] =	stream.indirect.gather [hbm4b:s20+s2], $0x80, s14, s2, $0xb8;
	[tilespmem:$0x1A880] =	vst v63  }
0x12c: {  	s14 =	sadd.s32 $0x1D80, s13  }
0x12d: {  	[spmem:s17] =	stream.indirect.scatter.add.f32 [tilespmem:s15], [sflag:$0x3], $0x80, s14, s2, $0xb8;
	[tilespmem:$0x1A880] =	vst v63  }
0x12e: {  	_ =	swait.ge [sflag:s0], $0x2800  }
0x12f: {  	[sflag:s0] =	ssyncset.done $0x0  }
0x130: {  	s14 =	sadd.s32 $0xE80, s13;
	[sflag:s0] =	ssyncadd.s32 $0xFFFFD800  }
0x131: {  	[tilespmem:s15], [sflag:$0x1] =	stream.indirect.gather [hbm4b:s20+s2], $0x80, s14, s2, $0xb8;
	[tilespmem:$0x1A880] =	vst v63  }
0x132: {  	_ =	swait.ge [sflag:s5], $0x2800  }
.Ltmp3:
0x133: {  	[sflag:s5] =	ssyncset.done $0x0;
	(pc) =	sbr.rel @p1 .LBB2_8-.Ltmp3, $4  }
0x134: {  	s13 =	sadd.s32 $0x1E00, s13;
	[sflag:s5] =	ssyncadd.s32 $0xFFFFD800  }
0x135: {  	[spmem:s17] =	stream.indirect.scatter.add.f32 [tilespmem:s4], [sflag:$0x3], $0x80, s13, s2, $0xb8;
	[tilespmem:$0x1A880] =	vst v63  }
0x136: {  	_ =	swait.ge [sflag:s0], $0x2800  }
0x137: {  	[sflag:s0] =	ssyncset.done $0x0  }
0x138: {  	[sflag:s0] =	ssyncadd.s32 $0xFFFFD800  }
0x139: {  	_ =	swait.ge [sflag:s3], $0x2800  }
0x13a: {  	[sflag:s3] =	ssyncset.done $0x0  }
0x13b: {  	s12 =	simm.s32 $0xE00;
	[sflag:s3] =	ssyncadd.s32 $0xFFFFD800  }
0x13c: {  	[tilespmem:s4], [sflag:$0x2] =	stream.indirect.gather [hbm4b:s20+s2], $0x80, s12, s2, $0xb8;
	[tilespmem:$0x1A880] =	vst v63  }
0x13d: {  	s14 =	simm.s32 $0x1D80  }
0x13e: {  	[spmem:s17] =	stream.indirect.scatter.add.f32 [tilespmem:s15], [sflag:$0x3], $0x80, s14, s2, $0xb8;
	[tilespmem:$0x1A880] =	vst v63  }
0x13f: {  	_ =	swait.ge [sflag:s0], $0x2800  }
0x140: {  	[sflag:s0] =	ssyncset.done $0x0  }
0x141: {  	[sflag:s0] =	ssyncadd.s32 $0xFFFFD800  }
0x142: {  	_ =	swait.ge [sflag:s5], $0x2800  }
0x143: {  	[sflag:s5] =	ssyncset.done $0x0  }
0x144: {  	s13 =	simm.s32 $0x1E00;
	[sflag:s5] =	ssyncadd.s32 $0xFFFFD800  }
0x145: {  	[spmem:s17] =	stream.indirect.scatter.add.f32 [tilespmem:s4], [sflag:$0x3], $0x80, s13, s2, $0xb8;
	[tilespmem:$0x1A880] =	vst v63  }
0x146: {  	_ =	swait.ge [sflag:s0], $0x2800  }
0x147: {  	[sflag:s0] =	ssyncset.done $0x0  }
0x148: {  	[sflag:s0] =	ssyncadd.s32 $0xFFFFD800  }
0x149: {  	[bflag:$0x0] =	sbarrier.arrive $0xFFFF  }
0x14a: {  	[tilespmem:s15], [sflag:$0x4] =	stream.linear.gather [spmem:s23], $0x2800, $0x38;
	[tilespmem:$0x1A880] =	vst v63  }
0x14b: {  	_ =	swait.ge [sflag:s10], $0x2800  }
0x14c: {  	[sflag:s10] =	ssyncset.done $0x0  }
0x14d: {  	s14 =	rddreg [dreg:$0xb];
	[sflag:s10] =	ssyncadd.s32 $0xFFFFD800  }
0x14e: {  	[hbm4b:s14+s9] =	stream.linear.scatter [tilespmem:s15], [sflag:$0x3], $0x2800, $0x38;
	[tilespmem:$0x1A880] =	vst v63  }
0x14f: {  	_ =	swait.ge [sflag:s0], $0x2800  }
0x150: {  	[sflag:s0] =	ssyncset.done $0x0  }
0x151: {  	[sflag:s0] =	ssyncadd.s32 $0xFFFFD800  }
0x152: {  	[tilespmem:s15], [sflag:$0x4] =	stream.linear.gather [spmem:s24], $0x2800, $0x38;
	[tilespmem:$0x1A880] =	vst v63  }
0x153: {  	_ =	swait.ge [sflag:s10], $0x2800  }
0x154: {  	[sflag:s10] =	ssyncset.done $0x0  }
0x155: {  	s13 =	rddreg [dreg:$0xc];
	[sflag:s10] =	ssyncadd.s32 $0xFFFFD800  }
0x156: {  	[hbm4b:s13+s9] =	stream.linear.scatter [tilespmem:s15], [sflag:$0x3], $0x2800, $0x38;
	[tilespmem:$0x1A880] =	vst v63  }
0x157: {  	_ =	swait.ge [sflag:s0], $0x2800  }
0x158: {  	[sflag:s0] =	ssyncset.done $0x0  }
0x159: {  	[sflag:s0] =	ssyncadd.s32 $0xFFFFD800  }
0x15a: {  	[tilespmem:s15], [sflag:$0x4] =	stream.linear.gather [spmem:s25], $0x2800, $0x38;
	[tilespmem:$0x1A880] =	vst v63  }
0x15b: {  	_ =	swait.ge [sflag:s10], $0x2800  }
0x15c: {  	[sflag:s10] =	ssyncset.done $0x0  }
0x15d: {  	s14 =	rddreg [dreg:$0xd];
	[sflag:s10] =	ssyncadd.s32 $0xFFFFD800  }
0x15e: {  	[hbm4b:s14+s9] =	stream.linear.scatter [tilespmem:s15], [sflag:$0x3], $0x2800, $0x38;
	[tilespmem:$0x1A880] =	vst v63  }
0x15f: {  	_ =	swait.ge [sflag:s0], $0x2800  }
0x160: {  	[sflag:s0] =	ssyncset.done $0x0  }
0x161: {  	[sflag:s0] =	ssyncadd.s32 $0xFFFFD800  }
0x162: {  	[tilespmem:s15], [sflag:$0x4] =	stream.linear.gather [spmem:s26], $0x2800, $0x38;
	[tilespmem:$0x1A880] =	vst v63  }
0x163: {  	_ =	swait.ge [sflag:s10], $0x2800  }
0x164: {  	[sflag:s10] =	ssyncset.done $0x0  }
0x165: {  	s13 =	rddreg [dreg:$0xe];
	[sflag:s10] =	ssyncadd.s32 $0xFFFFD800  }
0x166: {  	[hbm4b:s13+s9] =	stream.linear.scatter [tilespmem:s15], [sflag:$0x3], $0x2800, $0x38;
	[tilespmem:$0x1A880] =	vst v63  }
0x167: {  	_ =	swait.ge [sflag:s0], $0x2800  }
0x168: {  	[sflag:s0] =	ssyncset.done $0x0  }
0x169: {  	[sflag:s0] =	ssyncadd.s32 $0xFFFFD800  }
0x16a: {  	[tilespmem:s15], [sflag:$0x4] =	stream.linear.gather [spmem:s28], $0x2800, $0x38;
	[tilespmem:$0x1A880] =	vst v63  }
0x16b: {  	_ =	swait.ge [sflag:s10], $0x2800  }
0x16c: {  	[sflag:s10] =	ssyncset.done $0x0  }
0x16d: {  	s14 =	rddreg [dreg:$0xf];
	[sflag:s10] =	ssyncadd.s32 $0xFFFFD800  }
0x16e: {  	[hbm4b:s14+s9] =	stream.linear.scatter [tilespmem:s15], [sflag:$0x3], $0x2800, $0x38;
	[tilespmem:$0x1A880] =	vst v63  }
0x16f: {  	_ =	swait.ge [sflag:s0], $0x2800  }
0x170: {  	[sflag:s0] =	ssyncset.done $0x0  }
0x171: {  	[sflag:s0] =	ssyncadd.s32 $0xFFFFD800  }
0x172: {  	[tilespmem:s15], [sflag:$0x4] =	stream.linear.gather [spmem:s29], $0x2800, $0x38;
	[tilespmem:$0x1A880] =	vst v63  }
0x173: {  	_ =	swait.ge [sflag:s10], $0x2800  }
0x174: {  	[sflag:s10] =	ssyncset.done $0x0  }
0x175: {  	[sflag:s10] =	ssyncadd.s32 $0xFFFFD800  }
0x176: {  	[hbm4b:s16+s9] =	stream.linear.scatter [tilespmem:s15], [sflag:$0x3], $0x2800, $0x38;
	[tilespmem:$0x1A880] =	vst v63  }
0x177: {  	_ =	swait.ge [sflag:s0], $0x2800  }
0x178: {  	[sflag:s0] =	ssyncset.done $0x0  }
0x179: {  	[sflag:s0] =	ssyncadd.s32 $0xFFFFD800  }
0x17a: {  	[tilespmem:s15], [sflag:$0x4] =	stream.linear.gather [spmem:s30], $0x2800, $0x38;
	[tilespmem:$0x1A880] =	vst v63  }
0x17b: {  	_ =	swait.ge [sflag:s10], $0x2800  }
0x17c: {  	[sflag:s10] =	ssyncset.done $0x0  }
0x17d: {  	[sflag:s10] =	ssyncadd.s32 $0xFFFFD800  }
0x17e: {  	[hbm4b:s18+s9] =	stream.linear.scatter [tilespmem:s15], [sflag:$0x3], $0x2800, $0x38;
	[tilespmem:$0x1A880] =	vst v63  }
0x17f: {  	_ =	swait.ge [sflag:s0], $0x2800  }
0x180: {  	[sflag:s0] =	ssyncset.done $0x0  }
0x181: {  	s12 =	simm.s32 @!p0 $0x2000;
	s13 =	simm.s32 @!p0 $0x4;
	[sflag:s0] =	ssyncadd.s32 $0xFFFFD800  }
0x182: {  	[tilespmem:s12], [sflag:$0x4] =	stream.linear.gather @!p0 [spmem:s31], $0x2800, $0x38;
	[tilespmem:$0x1A880] =	vst v63  }
0x183: {  	_ =	swait.ge @!p0 [sflag:s13], $0x2800  }
0x184: {  	s11 =	sadd.s32 $0x1, s11;
	[sflag:s13] =	ssyncset.done @!p0 $0x0  }
0x185: {  	p1 =	sne.s32 s11, s22;
	[sflag:s13] =	ssyncadd.s32 @!p0 $0xFFFFD800;
	s13 =	simm.s32 @!p0 $0x0  }
0x186: {  	[hbm4b:s19+s13] =	stream.linear.scatter @!p0 [tilespmem:s12], [sflag:$0x3], $0x2800, $0x38;
	[tilespmem:$0x1A880] =	vst v63  }
.Ltmp4:
0x187: {  	_ = 	snop;
	(pc) =	sbr.rel @p1 .LBB2_1-.Ltmp4, $4  }
0x188: {  	s12 =	simm.s32 @!p0 $0x3  }
0x189: {  	_ =	swait.ge @!p0 [sflag:s12], $0x2800  }
0x18a: {  	[sflag:s12] =	ssyncset.done @!p0 $0x0  }
0x18b: {  	[sflag:s12] =	ssyncadd.s32 @!p0 $0xFFFFD800  }
0x18c: {  	_ =	sfence.sel $0x180000  }
0x18d: {  	[bflag:$0x0] =	sbarrier.arrive $0xFFFF  }
0x18e: {  	_ =	strace $0x9000004D  }
0x18f: {  	s0 =	stileid.u32;
	[bflag:$0x2] =	sbarrier.arrive $0xFFFF  }
0x190: {  	p0 =	sne.s32 s0, $0x0;
	s0 =	rddreg [dreg:$0x2]  }
0x191: {  	s0 =	sadd.s32 @!p0 $0x100000, s0  }
0x192: {  	[sflag:s0] =	ssyncadd.tile.s32 @!p0 $0x1;
	_ =	shalt  }
.Lfunc_end2:
_tile_overlayer_lowered:
.L_overlay_start_2:
0x193: {  	(tag) =	ssettag $0x2  }
0x194: {  	s0 =	rddreg [dreg:$0x0];
	s2 =	stileid.u32  }
0x195: {  	s1 =	rddreg [dreg:$0x1];
	p0 =	sne.s32 s2, $0x0  }
0x196: {  	s3 =	rddreg [dreg:$0x2];
	[bflag:$0x3] =	sbarrier.arrive $0xFFFF;
	s2 =	simm.s32 @!p0 $0x1C03  }
0x197: {  	[timem:s3], [sflag:s2] =	dma.local @!p0 [hbm:s0], s1  }
0x198: {  	s0 =	simm.s32 @!p0 $0x3  }
0x199: {  	_ =	swait.ge @!p0 [sflag:s0], s1  }
0x19a: {  	s1 =	ssub.s32 @!p0 $0x0, s1;
	[sflag:s0] =	ssyncset.done @!p0 $0x0  }
0x19b: {  	[sflag:s0] =	ssyncadd.s32 @!p0 s1  }
0x19c: {  	[bflag:$0x3] =	sbarrier.arrive $0xFFFF  }
0x19d: {  	_ =	shalt  }

// kernel: kernel.27.cloned.1.call-start
scs
__scs_entry_jumppad:
0x0: {  	(pc) =	sbr.rel $0x88, $3  }
0x1: {  	(tag) =	ssettag $0x0;
	lr =	simm.s32 $0x1  }
0x2: {  	[smem:$0x3F8B] =	sst lr;
	_ =	strace $0xD0000000  }
0x3: {  	_ = 	snop  }
0x4: {  	_ = 	snop  }
0x5: {  	_ = 	snop  }
0x6: {  	_ = 	snop  }
0x7: {  	_ = 	snop  }
__scs_overlays_trampoline_lowered:
0x8: {  	[smem:$0x3F9A] =	sst s0  }
0x9: {  	[smem:$0x3F9B] =	sst s1  }
0xa: {  	[smem:$0x3F9C] =	sst s2  }
0xb: {  	[smem:$0x3F9D] =	sst s3  }
0xc: {  	[smem:$0x3F9E] =	sst s4  }
0xd: {  	[smem:$0x3F9F] =	sst s5  }
0xe: {  	[smem:$0x3FA0] =	sst s6  }
0xf: {  	[smem:$0x3FA1] =	sst s7  }
0x10: {  	[smem:$0x3FA2] =	sst s8  }
0x11: {  	[smem:$0x3FA3] =	sst s9;
	s0 =	simm.s32 @!p0 $0x0  }
0x12: {  	s1 =	sld [smem:$0x3F89];
	s0 =	simm.s32 @p0 $0x1  }
0x13: {  	[smem:$0x3FA4] =	sst s0;
	s0 =	simm.s32 @!p1 $0x0  }
0x14: {  	s2 =	sld [smem:$0x3F88];
	s0 =	simm.s32 @p1 $0x1  }
0x15: {  	[smem:$0x3FA5] =	sst s0;
	s0 =	simm.s32 @!p2 $0x0  }
0x16: {  	s3 =	sld [smem:$0x3FDB];
	s0 =	simm.s32 @p2 $0x1  }
0x17: {  	s4 =	simm.s32 $0x1BF5;
	[smem:$0x3FA7] =	sst s0  }
0x18: {  	s0 =	sld [smem:$0x3F8A];
	_ =	swait.ge [sflag:s4], $0x0  }
0x19: {  	s7 =	sld [smem:$0x3F8B]  }
0x1a: {  	s8 =	sadd.s32 $0xFFFFE003, lr  }
0x1b: {  	s9 =	sadd.s32 $0xFFFFFEF7, lr;
	s5 =	simm.s32 $0xFFFFFFFF;
	p2 =	slt.u32 s8, $0xFFFFF086  }
0x1c: {  	p1 =	slt.u32 s9, $0xF7A;
	s5 =	simm.s32 @!p2 $0x0  }
0x1d: {  	s5 =	simm.s32 @p1 $0x1;
	p0 =	seq.s32 s7, s2  }
0x1e: {  	s7 =	smul.u32 @!p0 $0xF7A, s2;
	p2 =	seq.s32 @!p0 s5, $0x0  }
0x1f: {  	s9 =	smul.u32 $0xF7A, s1;
	s8 =	simm.s32 @!p0 $0x1BF5;
	p2 =	por !p2, p0  }
0x20: {  	[sflag:s8] =	ssyncset.s32 @!p0 $0xFFFFF086;
	s6 =	sadd.s32 @!p0 s3, s7;
	s7 =	simm.s32 @!p0 $0x108  }
0x21: {  	s3 =	sadd.s32 s3, s9;
	s6 =	sadd.s32 @!p0 $0x88, s6;
	s7 =	simm.s32 @p2 $0x1082  }
0x22: {  	[simem:s7], [sflag:s8] =	dma.local @!p0 [hbm:s6], $0xF7A  }
0x23: {  	s9 =	sor.u32 $0xD0000000, s2;
	s6 =	simm.s32 $0x108;
	_ =	swait.ge @!p0 [sflag:s8], $0x0  }
0x24: {  	s3 =	sadd.s32 $0x88, s3;
	s6 =	simm.s32 @!p1 $0x1082;
	[sflag:s4] =	ssyncset.s32 $0xFFFFF086  }
0x25: {  	[simem:s6], [sflag:s4] =	dma.local [hbm:s3], $0xF7A  }
0x26: {  	[smem:$0x3F8B] =	sst s1;
	(tag) =	ssettag s2;
	_ =	strace s9  }
0x27: {  	s1 =	sld [smem:$0x3F9B]  }
0x28: {  	s2 =	sld [smem:$0x3F9C]  }
0x29: {  	s4 =	sld [smem:$0x3F9E]  }
0x2a: {  	p0 =	seq.s32 s5, $0x0;
	s5 =	sld [smem:$0x3F9F]  }
0x2b: {  	s6 =	sld [smem:$0x3FA0]  }
0x2c: {  	s7 =	sld [smem:$0x3FA1]  }
0x2d: {  	s3 =	simm.s32 $0x108;
	s8 =	sld [smem:$0x3FA2]  }
0x2e: {  	s3 =	simm.s32 @!p0 $0x1082;
	s9 =	sld [smem:$0x3FA3]  }
0x2f: {  	lr =	sadd.s32 s0, s3;
	s0 =	sld [smem:$0x3F9A]  }
0x30: {  	s3 =	sld [smem:$0x3F9D]  }
0x31: {  	[smem:$0x3FA6] =	sst s10  }
0x32: {  	s10 =	sld [smem:$0x3FA4];
	_ =	sdelay $0x3  }
0x33: {  	p0 =	seq.s32 s10, $0x1;
	s10 =	sld [smem:$0x3FA6];
	_ =	sdelay $0x3  }
0x34: {  	[smem:$0x3FA6] =	sst s10  }
0x35: {  	s10 =	sld [smem:$0x3FA5];
	_ =	sdelay $0x3  }
0x36: {  	p1 =	seq.s32 s10, $0x1;
	s10 =	sld [smem:$0x3FA6];
	_ =	sdelay $0x3  }
0x37: {  	[smem:$0x3FA6] =	sst s10  }
0x38: {  	s10 =	sld [smem:$0x3FA7]  }
0x39: {  	_ = 	snop;
	(pc) =	sbr.ind lr, $3  }
0x3a: {  	_ = 	snop  }
0x3b: {  	_ = 	snop  }
0x3c: {  	p2 =	seq.s32 s10, $0x1;
	s10 =	sld [smem:$0x3FA6]  }
0x3d: {  	_ =	shalt  }
0x3e: {  	_ =	shalt  }
0x3f: {  	_ =	shalt  }
0x40: {  	_ =	shalt  }
0x41: {  	_ =	shalt  }
0x42: {  	_ =	shalt  }
0x43: {  	_ =	shalt  }
0x44: {  	_ =	shalt  }
0x45: {  	_ =	shalt  }
0x46: {  	_ =	shalt  }
0x47: {  	_ =	shalt  }
0x48: {  	_ =	shalt  }
0x49: {  	_ =	shalt  }
0x4a: {  	_ =	shalt  }
0x4b: {  	_ =	shalt  }
0x4c: {  	_ =	shalt  }
0x4d: {  	_ =	shalt  }
0x4e: {  	_ =	shalt  }
0x4f: {  	_ =	shalt  }
0x50: {  	_ =	shalt  }
0x51: {  	_ =	shalt  }
0x52: {  	_ =	shalt  }
0x53: {  	_ =	shalt  }
0x54: {  	_ =	shalt  }
0x55: {  	_ =	shalt  }
0x56: {  	_ =	shalt  }
0x57: {  	_ =	shalt  }
0x58: {  	_ =	shalt  }
0x59: {  	_ =	shalt  }
0x5a: {  	_ =	shalt  }
0x5b: {  	_ =	shalt  }
0x5c: {  	_ =	shalt  }
0x5d: {  	_ =	shalt  }
0x5e: {  	_ =	shalt  }
0x5f: {  	_ =	shalt  }
0x60: {  	_ =	shalt  }
0x61: {  	_ =	shalt  }
0x62: {  	_ =	shalt  }
0x63: {  	_ =	shalt  }
0x64: {  	_ =	shalt  }
0x65: {  	_ =	shalt  }
0x66: {  	_ =	shalt  }
0x67: {  	_ =	shalt  }
0x68: {  	_ =	shalt  }
0x69: {  	_ =	shalt  }
0x6a: {  	_ =	shalt  }
0x6b: {  	_ =	shalt  }
0x6c: {  	_ =	shalt  }
0x6d: {  	_ =	shalt  }
0x6e: {  	_ =	shalt  }
0x6f: {  	_ =	shalt  }
0x70: {  	_ =	shalt  }
0x71: {  	_ =	shalt  }
0x72: {  	_ =	shalt  }
0x73: {  	_ =	shalt  }
0x74: {  	_ =	shalt  }
0x75: {  	_ =	shalt  }
0x76: {  	_ =	shalt  }
0x77: {  	_ =	shalt  }
0x78: {  	_ =	shalt  }
0x79: {  	_ =	shalt  }
0x7a: {  	_ =	shalt  }
0x7b: {  	_ =	shalt  }
0x7c: {  	_ =	shalt  }
0x7d: {  	_ =	shalt  }
0x7e: {  	_ =	shalt  }
0x7f: {  	_ =	shalt  }
0x80: {  	_ =	shalt  }
0x81: {  	_ =	shalt  }
0x82: {  	_ =	shalt  }
0x83: {  	_ =	shalt  }
0x84: {  	_ =	shalt  }
0x85: {  	_ =	shalt  }
0x86: {  	_ =	shalt  }
0x87: {  	_ =	shalt  }
.Lfunc_end0:
.L_simem_size_0:
called_computation.3_lowered:
.L_overlay_start_0:
0x88: {  	s2 =	sld [smem:$0x3FD9]  }
0x89: {  	s3 =	sld [smem:$0x3FFE];
	_ =	sdelay $0x1  }
0x8a: {  	s1 =	srdreg.scid  }
0x8b: {  	s0 =	sand.u32 $0x1, s1  }
0x8c: {  	s16 =	sshll.u32 s0, $0xA;
	s2 =	sadd.s32 s3, s2  }
0x8d: {  	s2 =	sadd.s32 s2, s16  }
0x8e: {  	[smem:$0x3FB2] =	sst s2  }
0x8f: {  	_ = 	snop  }
0x90: {  	(tm) =	ssettm $0x1  }
0x91: {  	s17 =	sld [smem:$0x3FFB];
	_ =	sdelay $0x3  }
0x92: {  	_ =	strace s17  }
0x93: {  	s2 =	sld [smem:$0x3FFC];
	_ =	sdelay $0x3  }
0x94: {  	_ =	strace s2  }
0x95: {  	s2 =	sld [smem:$0x3FFD];
	_ =	sdelay $0x3  }
0x96: {  	_ =	strace s2  }
0x97: {  	_ =	strace $0x8FFFFFFF  }
0x98: {  	s18 =	sld [smem:$0x3FDB];
	_ =	sdelay $0x1  }
0x99: {  	s19 =	simm.s32 $_scs_section_size  }
0x9a: {  	s4 =	simm.s32 $_size__tile_overlayer_lowered;
	s5 =	simm.s32 $_tile_overlayer_lowered  }
0x9b: {  	s22 =	simm.s32 $0x1BFF;
	s21 =	sshll.u32 s5, $0x1;
	s2 =	sadd.s32 s19, s18  }
0x9c: {  	s6 =	simm.s32 $0x0;
	s20 =	sshll.u32 s4, $0x1;
	s4 =	sadd.s32 s21, s2  }
0x9d: {  	[timem:s6], [sflag:s22] =	dma.local [hbm:s4], s20  }
0x9e: {  	_ =	swait.ge [sflag:s22], s20  }
0x9f: {  	s3 =	ssub.s32 $0x0, s20;
	[sflag:s22] =	ssyncset.done $0x0  }
0xa0: {  	[sflag:s22] =	ssyncadd.s32 s3;
	_ =	sdelay $0x1  }
0xa1: {  	s23 =	simm.s32 $0x1B8B  }
0xa2: {  	_ =	swait.ge [sflag:s23], $0x1  }
0xa3: {  	[sflag:s23] =	ssyncset.done $0x0  }
0xa4: {  	s25 =	simm.s32 $0x1B8E;
	s24 =	sld [smem:$0x3FFE];
	[sflag:s23] =	ssyncadd.s32 $0xFFFFFFFF  }
0xa5: {  	s26 =	simm.s32 $execute0_lowered;
	[smem:$0x3FD2] =	sst s25  }
0xa6: {  	s4 =	sshll.u32 s26, $0x1;
	_ =	strace $0x8000004F;
	[dreg:$0x1] =	wrdreg $0xFFFFFFFF  }
0xa7: {  	s28 =	simm.s32 $_size_execute0_lowered;
	s2 =	sadd.s32 s2, s4;
	[dreg:$0x0] =	wrdreg $0x0  }
0xa8: {  	s4 =	sshll.u32 s28, $0x1;
	[dreg:$0x2] =	wrdreg s2  }
0xa9: {  	[dreg:$0x3] =	wrdreg s4  }
0xaa: {  	[dreg:$0x4] =	wrdreg $0xC0  }
0xab: {  	_ =	task [dreg:s6], $0x5FFFF  }
0xac: {  	[dreg:$0x1] =	wrdreg $0xFFFFFFFF  }
0xad: {  	[dreg:$0x0] =	wrdreg $0x60  }
0xae: {  	[dreg:$0x2] =	wrdreg s24  }
0xaf: {  	[dreg:$0x3] =	wrdreg $0x70000  }
0xb0: {  	[dreg:$0x4] =	wrdreg $0x9  }
0xb1: {  	_ =	task.clear_ibuf [dreg:s6], $0x5FFFF;
	_ =	strace $0x9000004F  }
0xb2: {  	s29 =	simm.s32 $0x9;
	_ =	strace $0x80000051  }
0xb3: {  	_ =	swait.ge [sflag:s29], $0x1  }
0xb4: {  	[sflag:s29] =	ssyncadd.s32 $0xFFFFFFFF  }
0xb5: {  	_ =	strace $0x90000051  }
0xb6: {  	_ =	sfence  }
0xb7: {  	s30 =	sld [smem:$0x0];
	_ =	sdelay $0x2  }
0xb8: {  	s31 =	sshll.u32 s1, $0xD;
	s1 =	sshrl.u32 s1, $0x2  }
0xb9: {  	s3 =	sand.u32 $0x4000, s31;
	s1 =	sadd.s32 s1, s30  }
0xba: {  	s0 =	sor.u32 s3, s0;
	s1 =	sshll.u32 s1, $0x11  }
0xbb: {  	s0 =	sor.u32 s1, s0  }
0xbc: {  	s0 =	sadd.s32 $0x8F2B, s0  }
0xbd: {  	[sflag:s0] =	ssyncadd.remote.s32 $0x1  }
0xbe: {  	_ =	sfence.sel $0xFFFF  }
0xbf: {  	[dreg:$0x0] =	wrdreg $0xFFFFFFFF;
	(pc) =	sbr.abs _section_cstart, $3  }
0xc0: {  	[dreg:$0x1] =	wrdreg $0xFFFFFFFF  }
0xc1: {  	_ =	task.clear_ibuf [dreg:s6], $0x2FFFF;
	_ =	strace $0x9FFFFFFF  }
0xc2: {  	(tm) =	ssettm $0x7FFFFFFF  }
0xc3: {  	_ =	shalt  }
tec
execute0_lowered:
.L_overlay_start_1:
0x0: {  	(tag) =	ssettag $0x1  }
0x1: {  	s0 =	rddreg [dreg:$0x0]  }
0x2: {  	s1 =	srdreg.scid;
	s21 =	stileid.u32;
	s2 =	sadd.s32 $0x76000, s0  }
0x3: {  	s3 =	sand.u32 $0x1, s1;
	s22 =	sor.u32 $0x10, s21;
	s23 =	smul.u32 $0x2800, s21  }
0x4: {  	s1 =	ssub.s32 $0x2, s3;
	s4 =	sshll.u32 s3, $0xF;
	s3 =	smul.u32 $0x138800, s3  }
0x5: {  	s5 =	sshll.u32 s21, $0xB;
	s8 =	sor.u32 $0x20, s21;
	s9 =	smul.u32 $0x2800, s22  }
0x6: {  	s6 =	sadd.s32 $0x66000, s0;
	s11 =	sor.u32 $0x50, s21;
	s10 =	smul.u32 $0x2800, s8  }
0x7: {  	s12 =	sor.u32 $0x60, s21;
	s14 =	smul.u32 $0x2800, s11;
	s7 =	sshrl.u32 s1, $0x1  }
0x8: {  	s25 =	smul.u32 $0x2800, s12;
	s4 =	sor.u32 s5, s4;
	s1 =	ssub.s32 s1, s7  }
0x9: {  	s5 =	sadd.s32 s2, s4;
	s15 =	sor.u32 $0x200, s4;
	s16 =	sadd.s32 s6, s4  }
0xa: {  	s18 =	sor.u32 $0x400, s4;
	s4 =	sor.u32 $0x600, s4;
	[dreg:$0x3] =	wrdreg s5  }
0xb: {  	s7 =	sadd.s32 s3, s23;
	s10 =	sadd.s32 s3, s10;
	[dreg:$0x4] =	wrdreg s16  }
0xc: {  	s17 =	sadd.s32 s2, s15;
	s5 =	sadd.s32 s6, s15;
	s19 =	sadd.s32 s2, s18  }
0xd: {  	s20 =	sadd.s32 s6, s18;
	s2 =	sadd.s32 s2, s4;
	[dreg:$0x5] =	wrdreg s17  }
0xe: {  	s4 =	sadd.s32 s6, s4;
	s15 =	sor.u32 $0x70, s21;
	[dreg:$0x6] =	wrdreg s5  }
0xf: {  	s16 =	sadd.s32 s3, s9;
	s18 =	sadd.s32 s3, s14;
	[dreg:$0x7] =	wrdreg s19  }
0x10: {  	s9 =	simm.s32 $0x0;
	[dreg:$0x8] =	wrdreg s20;
	s17 =	smul.u32 $0x2800, s15  }
0x11: {  	s7 =	sshrl.u32 s7, $0x3;
	[dreg:$0x9] =	wrdreg s2;
	s5 =	smul.u32 $0xA000, s22  }
0x12: {  	s2 =	sor.u32 $0x30, s21;
	s19 =	sadd.s32 s3, s25;
	s25 =	smul.u32 $0xA000, s21  }
0x13: {  	[dreg:$0xa] =	wrdreg s4;
	s4 =	sor.u32 $0x40, s21;
	s24 =	smul.u32 $0x2800, s2  }
0x14: {  	s26 =	sshrl.u32 s16, $0x3;
	s20 =	sadd.s32 $0xAD200, s0;
	s13 =	smul.u32 $0x2800, s4  }
0x15: {  	[smem:$0x7FF] =	sst s9;
	s14 =	sadd.s32 s20, s26;
	s26 =	smul.u32 $0xA000, s8  }
0x16: {  	s16 =	sshrl.u32 s10, $0x3;
	s23 =	sshrl.u32 s18, $0x3;
	s2 =	smul.u32 $0xA000, s2  }
0x17: {  	s21 =	sadd.s32 $0x17200, s0;
	s7 =	sadd.s32 s20, s7;
	s8 =	smul.u32 $0xA000, s11  }
0x18: {  	p0 =	sgt.u32 s15, $0x7C;
	s11 =	smul.u32 $0xA000, s12;
	[dreg:$0xb] =	wrdreg s7  }
0x19: {  	s12 =	smul.u32 $0xA000, s15;
	[dreg:$0xc] =	wrdreg s14;
	s7 =	sadd.s32 s20, s16  }
0x1a: {  	s16 =	sadd.s32 s20, s23;
	s6 =	sadd.s32 s3, s24;
	s13 =	sadd.s32 s3, s13  }
0x1b: {  	s3 =	sadd.s32 s3, s17;
	[dreg:$0xd] =	wrdreg s7;
	s24 =	sshrl.u32 s19, $0x3  }
0x1c: {  	s7 =	smul.u32 $0xA000, s4;
	s10 =	sshrl.u32 s2, $0x2;
	s14 =	sshrl.u32 s11, $0x2  }
0x1d: {  	s15 =	sshrl.u32 s12, $0x2;
	s2 =	simm.s32 $0x50;
	s4 =	simm.s32 $0x4800  }
0x1e: {  	s11 =	simm.s32 $0x0;
	s6 =	sshrl.u32 s6, $0x3;
	s17 =	sshrl.u32 s13, $0x3  }
0x1f: {  	s18 =	sadd.s32 s20, s24;
	s3 =	sshrl.u32 s3, $0x3;
	s13 =	sshrl.u32 s8, $0x2  }
0x20: {  	s8 =	simm.s32 $0x1F80;
	s6 =	sadd.s32 s20, s6;
	s22 =	sadd.s32 s20, s17  }
0x21: {  	s17 =	rddreg [dreg:$0x1];
	s19 =	sadd.s32 s20, s3;
	s20 =	sadd.s32 $0x17800, s0  }
0x22: {  	s3 =	sshrl.u32 s25, $0x2;
	s0 =	sshrl.u32 s26, $0x2;
	[dreg:$0xe] =	wrdreg s6  }
0x23: {  	[dreg:$0xf] =	wrdreg s22;
	s22 =	smax.u32 s1, $0x1;
	s23 =	sadd.s32 s3, s17  }
0x24: {  	s6 =	sshrl.u32 s5, $0x2;
	s25 =	sadd.s32 s0, s17;
	s3 =	sshrl.u32 s7, $0x2  }
0x25: {  	s26 =	sadd.s32 s10, s17;
	s29 =	sadd.s32 s13, s17;
	s30 =	sadd.s32 s14, s17  }
0x26: {  	s31 =	sadd.s32 s15, s17;
	s15 =	simm.s32 $0x2000;
	s0 =	simm.s32 $0x3  }
0x27: {  	s1 =	simm.s32 $0x1000;
	s5 =	simm.s32 $0x2;
	s7 =	simm.s32 $0x1F00  }
0x28: {  	s10 =	simm.s32 $0x4;
	_ =	strace $0x80000050;
	s24 =	sadd.s32 s6, s17  }
0x29: {  	s28 =	sadd.s32 s3, s17;
	s3 =	simm.s32 $0x1;
	s6 =	simm.s32 $0xF80  }
.LBB2_1:
0x2a: {  	[tilespmem:s15], [sflag:$0x3] =	stream.linear.gather [hbm4b:s21+s9], $0x2800, $0x38;
	[tilespmem:$0x1A880] =	vst v63  }
0x2b: {  	_ =	swait.ge [sflag:s0], $0x2800  }
0x2c: {  	[sflag:s0] =	ssyncset.done $0x0  }
0x2d: {  	[sflag:s0] =	ssyncadd.s32 $0xFFFFD800  }
0x2e: {  	[spmem:s23] =	stream.linear.scatter [tilespmem:s15], [sflag:$0x3], $0x2800, $0x38;
	[tilespmem:$0x1A880] =	vst v63  }
0x2f: {  	_ =	swait.ge [sflag:s0], $0x2800  }
0x30: {  	[sflag:s0] =	ssyncset.done $0x0  }
0x31: {  	[sflag:s0] =	ssyncadd.s32 $0xFFFFD800  }
0x32: {  	[spmem:s24] =	stream.linear.scatter [tilespmem:s15], [sflag:$0x3], $0x2800, $0x38;
	[tilespmem:$0x1A880] =	vst v63  }
0x33: {  	_ =	swait.ge [sflag:s0], $0x2800  }
0x34: {  	[sflag:s0] =	ssyncset.done $0x0  }
0x35: {  	[sflag:s0] =	ssyncadd.s32 $0xFFFFD800  }
0x36: {  	[spmem:s25] =	stream.linear.scatter [tilespmem:s15], [sflag:$0x3], $0x2800, $0x38;
	[tilespmem:$0x1A880] =	vst v63  }
0x37: {  	_ =	swait.ge [sflag:s0], $0x2800  }
0x38: {  	[sflag:s0] =	ssyncset.done $0x0  }
0x39: {  	[sflag:s0] =	ssyncadd.s32 $0xFFFFD800  }
0x3a: {  	[spmem:s26] =	stream.linear.scatter [tilespmem:s15], [sflag:$0x3], $0x2800, $0x38;
	[tilespmem:$0x1A880] =	vst v63  }
0x3b: {  	_ =	swait.ge [sflag:s0], $0x2800  }
0x3c: {  	[sflag:s0] =	ssyncset.done $0x0  }
0x3d: {  	[sflag:s0] =	ssyncadd.s32 $0xFFFFD800  }
0x3e: {  	[spmem:s28] =	stream.linear.scatter [tilespmem:s15], [sflag:$0x3], $0x2800, $0x38;
	[tilespmem:$0x1A880] =	vst v63  }
0x3f: {  	_ =	swait.ge [sflag:s0], $0x2800  }
0x40: {  	[sflag:s0] =	ssyncset.done $0x0  }
0x41: {  	[sflag:s0] =	ssyncadd.s32 $0xFFFFD800  }
0x42: {  	[spmem:s29] =	stream.linear.scatter [tilespmem:s15], [sflag:$0x3], $0x2800, $0x38;
	[tilespmem:$0x1A880] =	vst v63  }
0x43: {  	_ =	swait.ge [sflag:s0], $0x2800  }
0x44: {  	[sflag:s0] =	ssyncset.done $0x0  }
0x45: {  	[sflag:s0] =	ssyncadd.s32 $0xFFFFD800  }
0x46: {  	[spmem:s30] =	stream.linear.scatter [tilespmem:s15], [sflag:$0x3], $0x2800, $0x38;
	[tilespmem:$0x1A880] =	vst v63  }
0x47: {  	_ =	swait.ge [sflag:s0], $0x2800  }
0x48: {  	[sflag:s0] =	ssyncset.done $0x0  }
0x49: {  	s12 =	simm.s32 @!p0 $0x2000;
	[sflag:s0] =	ssyncadd.s32 $0xFFFFD800  }
0x4a: {  	[spmem:s31] =	stream.linear.scatter @!p0 [tilespmem:s12], [sflag:$0x3], $0x2800, $0x38;
	[tilespmem:$0x1A880] =	vst v63  }
0x4b: {  	s12 =	simm.s32 @!p0 $0x3  }
0x4c: {  	_ =	swait.ge @!p0 [sflag:s12], $0x2800  }
0x4d: {  	[sflag:s12] =	ssyncset.done @!p0 $0x0  }
0x4e: {  	[sflag:s12] =	ssyncadd.s32 @!p0 $0xFFFFD800  }
0x4f: {  	[bflag:$0x0] =	sbarrier.arrive $0xFFFF  }
0x50: {  	s13 =	rddreg [dreg:$0x3]  }
0x51: {  	[tilespmem:s9], [sflag:$0x3] =	stream.linear.gather [hbm4b:s13+s9], $0x1000, $0x38;
	[tilespmem:$0x1A880] =	vst v63  }
0x52: {  	_ =	swait.ge [sflag:s0], $0x1000  }
0x53: {  	[sflag:s0] =	ssyncset.done $0x0  }
0x54: {  	s14 =	rddreg [dreg:$0x4];
	[sflag:s0] =	ssyncadd.s32 $0xFFFFF000  }
0x55: {  	[tilespmem:s1], [sflag:$0x3] =	stream.linear.gather [hbm4b:s14+s9], $0x1000, $0x38;
	[tilespmem:$0x1A880] =	vst v63  }
0x56: {  	_ =	swait.ge [sflag:s0], $0x1000  }
0x57: {  	[sflag:s0] =	ssyncset.done $0x0  }
0x58: {  	[sflag:s0] =	ssyncadd.s32 $0xFFFFF000  }
0x59: {  	[tilespmem:s15], [sflag:$0x1] =	stream.indirect.gather [hbm4b:s20+s2], $0x80, s9, s2, $0xb8;
	[tilespmem:$0x1A880] =	vst v63  }
0x5a: {  	_ =	swait.ge [sflag:s3], $0x2800  }
0x5b: {  	[sflag:s3] =	ssyncset.done $0x0  }
0x5c: {  	s13 =	simm.s32 $0x80;
	[sflag:s3] =	ssyncadd.s32 $0xFFFFD800  }
0x5d: {  	[tilespmem:s4], [sflag:$0x2] =	stream.indirect.gather [hbm4b:s20+s2], $0x80, s13, s2, $0xb8;
	[tilespmem:$0x1A880] =	vst v63  }
0x5e: {  	s14 =	simm.s32 $0x1000  }
0x5f: {  	[spmem:s17] =	stream.indirect.scatter.add.f32 [tilespmem:s15], [sflag:$0x3], $0x80, s14, s2, $0xb8;
	[tilespmem:$0x1A880] =	vst v63  }
0x60: {  	_ =	swait.ge [sflag:s0], $0x2800  }
0x61: {  	[sflag:s0] =	ssyncset.done $0x0  }
0x62: {  	s13 =	simm.s32 $0x100;
	[sflag:s0] =	ssyncadd.s32 $0xFFFFD800  }
0x63: {  	[tilespmem:s15], [sflag:$0x1] =	stream.indirect.gather [hbm4b:s20+s2], $0x80, s13, s2, $0xb8;
	[tilespmem:$0x1A880] =	vst v63  }
0x64: {  	_ =	swait.ge [sflag:s5], $0x2800  }
0x65: {  	[sflag:s5] =	ssyncset.done $0x0  }
0x66: {  	s14 =	simm.s32 $0x1080;
	[sflag:s5] =	ssyncadd.s32 $0xFFFFD800  }
0x67: {  	[spmem:s17] =	stream.indirect.scatter.add.f32 [tilespmem:s4], [sflag:$0x3], $0x80, s14, s2, $0xb8;
	[tilespmem:$0x1A880] =	vst v63  }
0x68: {  	_ =	swait.ge [sflag:s0], $0x2800  }
0x69: {  	s12 =	simm.s32 $0x400;
	[sflag:s0] =	ssyncset.done $0x0  }
.LBB2_2:
0x6a: {  	p1 =	sne.s32 s12, $0x3800  }
0x6b: {  	[sflag:s0] =	ssyncadd.s32 $0xFFFFD800;
	s13 =	smov.u32 s12;
	s12 =	sadd.s32 $0x400, s12  }
0x6c: {  	_ =	swait.ge [sflag:s3], $0x2800  }
0x6d: {  	s13 =	sshra.s32 s13, $0x2;
	[sflag:s3] =	ssyncset.done $0x0  }
0x6e: {  	s14 =	sadd.s32 $0x80, s13;
	[sflag:s3] =	ssyncadd.s32 $0xFFFFD800  }
0x6f: {  	[tilespmem:s4], [sflag:$0x2] =	stream.indirect.gather [hbm4b:s20+s2], $0x80, s14, s2, $0xb8;
	[tilespmem:$0x1A880] =	vst v63  }
0x70: {  	s14 =	sadd.s32 $0x1000, s13  }
0x71: {  	[spmem:s17] =	stream.indirect.scatter.add.f32 [tilespmem:s15], [sflag:$0x3], $0x80, s14, s2, $0xb8;
	[tilespmem:$0x1A880] =	vst v63  }
0x72: {  	_ =	swait.ge [sflag:s0], $0x2800  }
0x73: {  	[sflag:s0] =	ssyncset.done $0x0  }
0x74: {  	s14 =	sadd.s32 $0x100, s13;
	[sflag:s0] =	ssyncadd.s32 $0xFFFFD800  }
0x75: {  	[tilespmem:s15], [sflag:$0x1] =	stream.indirect.gather [hbm4b:s20+s2], $0x80, s14, s2, $0xb8;
	[tilespmem:$0x1A880] =	vst v63  }
0x76: {  	_ =	swait.ge [sflag:s5], $0x2800  }
.Ltmp0:
0x77: {  	[sflag:s5] =	ssyncset.done $0x0;
	(pc) =	sbr.rel @p1 .LBB2_2-.Ltmp0, $4  }
0x78: {  	s13 =	sadd.s32 $0x1080, s13;
	[sflag:s5] =	ssyncadd.s32 $0xFFFFD800  }
0x79: {  	[spmem:s17] =	stream.indirect.scatter.add.f32 [tilespmem:s4], [sflag:$0x3], $0x80, s13, s2, $0xb8;
	[tilespmem:$0x1A880] =	vst v63  }
0x7a: {  	_ =	swait.ge [sflag:s0], $0x2800  }
0x7b: {  	[sflag:s0] =	ssyncset.done $0x0  }
0x7c: {  	[sflag:s0] =	ssyncadd.s32 $0xFFFFD800  }
0x7d: {  	_ =	swait.ge [sflag:s3], $0x2800  }
0x7e: {  	[sflag:s3] =	ssyncset.done $0x0  }
0x7f: {  	[sflag:s3] =	ssyncadd.s32 $0xFFFFD800  }
0x80: {  	[tilespmem:s4], [sflag:$0x2] =	stream.indirect.gather [hbm4b:s20+s2], $0x80, s6, s2, $0xb8;
	[tilespmem:$0x1A880] =	vst v63  }
0x81: {  	_ = 	snop  }
0x82: {  	[spmem:s17] =	stream.indirect.scatter.add.f32 [tilespmem:s15], [sflag:$0x3], $0x80, s7, s2, $0xb8;
	[tilespmem:$0x1A880] =	vst v63  }
0x83: {  	_ =	swait.ge [sflag:s0], $0x2800  }
0x84: {  	[sflag:s0] =	ssyncset.done $0x0  }
0x85: {  	[sflag:s0] =	ssyncadd.s32 $0xFFFFD800  }
0x86: {  	_ =	swait.ge [sflag:s5], $0x2800  }
0x87: {  	[sflag:s5] =	ssyncset.done $0x0  }
0x88: {  	[sflag:s5] =	ssyncadd.s32 $0xFFFFD800  }
0x89: {  	[spmem:s17] =	stream.indirect.scatter.add.f32 [tilespmem:s4], [sflag:$0x3], $0x80, s8, s2, $0xb8;
	[tilespmem:$0x1A880] =	vst v63  }
0x8a: {  	_ =	swait.ge [sflag:s0], $0x2800  }
0x8b: {  	[sflag:s0] =	ssyncset.done $0x0  }
0x8c: {  	s12 =	simm.s32 $0x0;
	s13 =	rddreg [dreg:$0x5];
	[sflag:s0] =	ssyncadd.s32 $0xFFFFD800  }
0x8d: {  	[tilespmem:s12], [sflag:$0x3] =	stream.linear.gather [hbm4b:s13+s12], $0x1000, $0x38;
	[tilespmem:$0x1A880] =	vst v63  }
0x8e: {  	_ =	swait.ge [sflag:s0], $0x1000  }
0x8f: {  	[sflag:s0] =	ssyncset.done $0x0  }
0x90: {  	s14 =	rddreg [dreg:$0x6];
	[sflag:s0] =	ssyncadd.s32 $0xFFFFF000  }
0x91: {  	[tilespmem:s1], [sflag:$0x3] =	stream.linear.gather [hbm4b:s14+s12], $0x1000, $0x38;
	[tilespmem:$0x1A880] =	vst v63  }
0x92: {  	_ =	swait.ge [sflag:s0], $0x1000  }
0x93: {  	[sflag:s0] =	ssyncset.done $0x0  }
0x94: {  	[sflag:s0] =	ssyncadd.s32 $0xFFFFF000  }
0x95: {  	[tilespmem:s15], [sflag:$0x1] =	stream.indirect.gather [hbm4b:s20+s2], $0x80, s12, s2, $0xb8;
	[tilespmem:$0x1A880] =	vst v63  }
0x96: {  	_ =	swait.ge [sflag:s3], $0x2800  }
0x97: {  	[sflag:s3] =	ssyncset.done $0x0  }
0x98: {  	s13 =	simm.s32 $0x80;
	[sflag:s3] =	ssyncadd.s32 $0xFFFFD800  }
0x99: {  	[tilespmem:s4], [sflag:$0x2] =	stream.indirect.gather [hbm4b:s20+s2], $0x80, s13, s2, $0xb8;
	[tilespmem:$0x1A880] =	vst v63  }
0x9a: {  	s14 =	simm.s32 $0x1000  }
0x9b: {  	[spmem:s17] =	stream.indirect.scatter.add.f32 [tilespmem:s15], [sflag:$0x3], $0x80, s14, s2, $0xb8;
	[tilespmem:$0x1A880] =	vst v63  }
0x9c: {  	_ =	swait.ge [sflag:s0], $0x2800  }
0x9d: {  	[sflag:s0] =	ssyncset.done $0x0  }
0x9e: {  	s13 =	simm.s32 $0x100;
	[sflag:s0] =	ssyncadd.s32 $0xFFFFD800  }
0x9f: {  	[tilespmem:s15], [sflag:$0x1] =	stream.indirect.gather [hbm4b:s20+s2], $0x80, s13, s2, $0xb8;
	[tilespmem:$0x1A880] =	vst v63  }
0xa0: {  	_ =	swait.ge [sflag:s5], $0x2800  }
0xa1: {  	[sflag:s5] =	ssyncset.done $0x0  }
0xa2: {  	s14 =	simm.s32 $0x1080;
	[sflag:s5] =	ssyncadd.s32 $0xFFFFD800  }
0xa3: {  	[spmem:s17] =	stream.indirect.scatter.add.f32 [tilespmem:s4], [sflag:$0x3], $0x80, s14, s2, $0xb8;
	[tilespmem:$0x1A880] =	vst v63  }
0xa4: {  	_ =	swait.ge [sflag:s0], $0x2800  }
0xa5: {  	s12 =	simm.s32 $0x400;
	[sflag:s0] =	ssyncset.done $0x0  }
.LBB2_4:
0xa6: {  	p1 =	sne.s32 s12, $0x3800  }
0xa7: {  	[sflag:s0] =	ssyncadd.s32 $0xFFFFD800;
	s13 =	smov.u32 s12;
	s12 =	sadd.s32 $0x400, s12  }
0xa8: {  	_ =	swait.ge [sflag:s3], $0x2800  }
0xa9: {  	s13 =	sshra.s32 s13, $0x2;
	[sflag:s3] =	ssyncset.done $0x0  }
0xaa: {  	s14 =	sadd.s32 $0x80, s13;
	[sflag:s3] =	ssyncadd.s32 $0xFFFFD800  }
0xab: {  	[tilespmem:s4], [sflag:$0x2] =	stream.indirect.gather [hbm4b:s20+s2], $0x80, s14, s2, $0xb8;
	[tilespmem:$0x1A880] =	vst v63  }
0xac: {  	s14 =	sadd.s32 $0x1000, s13  }
0xad: {  	[spmem:s17] =	stream.indirect.scatter.add.f32 [tilespmem:s15], [sflag:$0x3], $0x80, s14, s2, $0xb8;
	[tilespmem:$0x1A880] =	vst v63  }
0xae: {  	_ =	swait.ge [sflag:s0], $0x2800  }
0xaf: {  	[sflag:s0] =	ssyncset.done $0x0  }
0xb0: {  	s14 =	sadd.s32 $0x100, s13;
	[sflag:s0] =	ssyncadd.s32 $0xFFFFD800  }
0xb1: {  	[tilespmem:s15], [sflag:$0x1] =	stream.indirect.gather [hbm4b:s20+s2], $0x80, s14, s2, $0xb8;
	[tilespmem:$0x1A880] =	vst v63  }
0xb2: {  	_ =	swait.ge [sflag:s5], $0x2800  }
.Ltmp1:
0xb3: {  	[sflag:s5] =	ssyncset.done $0x0;
	(pc) =	sbr.rel @p1 .LBB2_4-.Ltmp1, $4  }
0xb4: {  	s13 =	sadd.s32 $0x1080, s13;
	[sflag:s5] =	ssyncadd.s32 $0xFFFFD800  }
0xb5: {  	[spmem:s17] =	stream.indirect.scatter.add.f32 [tilespmem:s4], [sflag:$0x3], $0x80, s13, s2, $0xb8;
	[tilespmem:$0x1A880] =	vst v63  }
0xb6: {  	_ =	swait.ge [sflag:s0], $0x2800  }
0xb7: {  	[sflag:s0] =	ssyncset.done $0x0  }
0xb8: {  	[sflag:s0] =	ssyncadd.s32 $0xFFFFD800  }
0xb9: {  	_ =	swait.ge [sflag:s3], $0x2800  }
0xba: {  	[sflag:s3] =	ssyncset.done $0x0  }
0xbb: {  	[sflag:s3] =	ssyncadd.s32 $0xFFFFD800  }
0xbc: {  	[tilespmem:s4], [sflag:$0x2] =	stream.indirect.gather [hbm4b:s20+s2], $0x80, s6, s2, $0xb8;
	[tilespmem:$0x1A880] =	vst v63  }
0xbd: {  	_ = 	snop  }
0xbe: {  	[spmem:s17] =	stream.indirect.scatter.add.f32 [tilespmem:s15], [sflag:$0x3], $0x80, s7, s2, $0xb8;
	[tilespmem:$0x1A880] =	vst v63  }
0xbf: {  	_ =	swait.ge [sflag:s0], $0x2800  }
0xc0: {  	[sflag:s0] =	ssyncset.done $0x0  }
0xc1: {  	[sflag:s0] =	ssyncadd.s32 $0xFFFFD800  }
0xc2: {  	_ =	swait.ge [sflag:s5], $0x2800  }
0xc3: {  	[sflag:s5] =	ssyncset.done $0x0  }
0xc4: {  	[sflag:s5] =	ssyncadd.s32 $0xFFFFD800  }
0xc5: {  	[spmem:s17] =	stream.indirect.scatter.add.f32 [tilespmem:s4], [sflag:$0x3], $0x80, s8, s2, $0xb8;
	[tilespmem:$0x1A880] =	vst v63  }
0xc6: {  	_ =	swait.ge [sflag:s0], $0x2800  }
0xc7: {  	[sflag:s0] =	ssyncset.done $0x0  }
0xc8: {  	s12 =	simm.s32 $0x0;
	s13 =	rddreg [dreg:$0x7];
	[sflag:s0] =	ssyncadd.s32 $0xFFFFD800  }
0xc9: {  	[tilespmem:s12], [sflag:$0x3] =	stream.linear.gather [hbm4b:s13+s12], $0x1000, $0x38;
	[tilespmem:$0x1A880] =	vst v63  }
0xca: {  	_ =	swait.ge [sflag:s0], $0x1000  }
0xcb: {  	[sflag:s0] =	ssyncset.done $0x0  }
0xcc: {  	s14 =	rddreg [dreg:$0x8];
	[sflag:s0] =	ssyncadd.s32 $0xFFFFF000  }
0xcd: {  	[tilespmem:s1], [sflag:$0x3] =	stream.linear.gather [hbm4b:s14+s12], $0x1000, $0x38;
	[tilespmem:$0x1A880] =	vst v63  }
0xce: {  	_ =	swait.ge [sflag:s0], $0x1000  }
0xcf: {  	[sflag:s0] =	ssyncset.done $0x0  }
0xd0: {  	[sflag:s0] =	ssyncadd.s32 $0xFFFFF000  }
0xd1: {  	[tilespmem:s15], [sflag:$0x1] =	stream.indirect.gather [hbm4b:s20+s2], $0x80, s12, s2, $0xb8;
	[tilespmem:$0x1A880] =	vst v63  }
0xd2: {  	_ =	swait.ge [sflag:s3], $0x2800  }
0xd3: {  	[sflag:s3] =	ssyncset.done $0x0  }
0xd4: {  	s13 =	simm.s32 $0x80;
	[sflag:s3] =	ssyncadd.s32 $0xFFFFD800  }
0xd5: {  	[tilespmem:s4], [sflag:$0x2] =	stream.indirect.gather [hbm4b:s20+s2], $0x80, s13, s2, $0xb8;
	[tilespmem:$0x1A880] =	vst v63  }
0xd6: {  	s14 =	simm.s32 $0x1000  }
0xd7: {  	[spmem:s17] =	stream.indirect.scatter.add.f32 [tilespmem:s15], [sflag:$0x3], $0x80, s14, s2, $0xb8;
	[tilespmem:$0x1A880] =	vst v63  }
0xd8: {  	_ =	swait.ge [sflag:s0], $0x2800  }
0xd9: {  	[sflag:s0] =	ssyncset.done $0x0  }
0xda: {  	s13 =	simm.s32 $0x100;
	[sflag:s0] =	ssyncadd.s32 $0xFFFFD800  }
0xdb: {  	[tilespmem:s15], [sflag:$0x1] =	stream.indirect.gather [hbm4b:s20+s2], $0x80, s13, s2, $0xb8;
	[tilespmem:$0x1A880] =	vst v63  }
0xdc: {  	_ =	swait.ge [sflag:s5], $0x2800  }
0xdd: {  	[sflag:s5] =	ssyncset.done $0x0  }
0xde: {  	s14 =	simm.s32 $0x1080;
	[sflag:s5] =	ssyncadd.s32 $0xFFFFD800  }
0xdf: {  	[spmem:s17] =	stream.indirect.scatter.add.f32 [tilespmem:s4], [sflag:$0x3], $0x80, s14, s2, $0xb8;
	[tilespmem:$0x1A880] =	vst v63  }
0xe0: {  	_ =	swait.ge [sflag:s0], $0x2800  }
0xe1: {  	s12 =	simm.s32 $0x400;
	[sflag:s0] =	ssyncset.done $0x0  }
.LBB2_6:
0xe2: {  	p1 =	sne.s32 s12, $0x3800  }
0xe3: {  	[sflag:s0] =	ssyncadd.s32 $0xFFFFD800;
	s13 =	smov.u32 s12;
	s12 =	sadd.s32 $0x400, s12  }
0xe4: {  	_ =	swait.ge [sflag:s3], $0x2800  }
0xe5: {  	s13 =	sshra.s32 s13, $0x2;
	[sflag:s3] =	ssyncset.done $0x0  }
0xe6: {  	s14 =	sadd.s32 $0x80, s13;
	[sflag:s3] =	ssyncadd.s32 $0xFFFFD800  }
0xe7: {  	[tilespmem:s4], [sflag:$0x2] =	stream.indirect.gather [hbm4b:s20+s2], $0x80, s14, s2, $0xb8;
	[tilespmem:$0x1A880] =	vst v63  }
0xe8: {  	s14 =	sadd.s32 $0x1000, s13  }
0xe9: {  	[spmem:s17] =	stream.indirect.scatter.add.f32 [tilespmem:s15], [sflag:$0x3], $0x80, s14, s2, $0xb8;
	[tilespmem:$0x1A880] =	vst v63  }
0xea: {  	_ =	swait.ge [sflag:s0], $0x2800  }
0xeb: {  	[sflag:s0] =	ssyncset.done $0x0  }
0xec: {  	s14 =	sadd.s32 $0x100, s13;
	[sflag:s0] =	ssyncadd.s32 $0xFFFFD800  }
0xed: {  	[tilespmem:s15], [sflag:$0x1] =	stream.indirect.gather [hbm4b:s20+s2], $0x80, s14, s2, $0xb8;
	[tilespmem:$0x1A880] =	vst v63  }
0xee: {  	_ =	swait.ge [sflag:s5], $0x2800  }
.Ltmp2:
0xef: {  	[sflag:s5] =	ssyncset.done $0x0;
	(pc) =	sbr.rel @p1 .LBB2_6-.Ltmp2, $4  }
0xf0: {  	s13 =	sadd.s32 $0x1080, s13;
	[sflag:s5] =	ssyncadd.s32 $0xFFFFD800  }
0xf1: {  	[spmem:s17] =	stream.indirect.scatter.add.f32 [tilespmem:s4], [sflag:$0x3], $0x80, s13, s2, $0xb8;
	[tilespmem:$0x1A880] =	vst v63  }
0xf2: {  	_ =	swait.ge [sflag:s0], $0x2800  }
0xf3: {  	[sflag:s0] =	ssyncset.done $0x0  }
0xf4: {  	[sflag:s0] =	ssyncadd.s32 $0xFFFFD800  }
0xf5: {  	_ =	swait.ge [sflag:s3], $0x2800  }
0xf6: {  	[sflag:s3] =	ssyncset.done $0x0  }
0xf7: {  	[sflag:s3] =	ssyncadd.s32 $0xFFFFD800  }
0xf8: {  	[tilespmem:s4], [sflag:$0x2] =	stream.indirect.gather [hbm4b:s20+s2], $0x80, s6, s2, $0xb8;
	[tilespmem:$0x1A880] =	vst v63  }
0xf9: {  	_ = 	snop  }
0xfa: {  	[spmem:s17] =	stream.indirect.scatter.add.f32 [tilespmem:s15], [sflag:$0x3], $0x80, s7, s2, $0xb8;
	[tilespmem:$0x1A880] =	vst v63  }
0xfb: {  	_ =	swait.ge [sflag:s0], $0x2800  }
0xfc: {  	[sflag:s0] =	ssyncset.done $0x0  }
0xfd: {  	[sflag:s0] =	ssyncadd.s32 $0xFFFFD800  }
0xfe: {  	_ =	swait.ge [sflag:s5], $0x2800  }
0xff: {  	[sflag:s5] =	ssyncset.done $0x0  }
0x100: {  	[sflag:s5] =	ssyncadd.s32 $0xFFFFD800  }
0x101: {  	[spmem:s17] =	stream.indirect.scatter.add.f32 [tilespmem:s4], [sflag:$0x3], $0x80, s8, s2, $0xb8;
	[tilespmem:$0x1A880] =	vst v63  }
0x102: {  	_ =	swait.ge [sflag:s0], $0x2800  }
0x103: {  	[sflag:s0] =	ssyncset.done $0x0  }
0x104: {  	s12 =	rddreg [dreg:$0x9];
	[sflag:s0] =	ssyncadd.s32 $0xFFFFD800  }
0x105: {  	[tilespmem:s9], [sflag:$0x3] =	stream.linear.gather [hbm4b:s12+s9], $0x1000, $0x38;
	[tilespmem:$0x1A880] =	vst v63  }
0x106: {  	_ =	swait.ge [sflag:s0], $0x1000  }
0x107: {  	[sflag:s0] =	ssyncset.done $0x0  }
0x108: {  	s13 =	rddreg [dreg:$0xa];
	[sflag:s0] =	ssyncadd.s32 $0xFFFFF000  }
0x109: {  	[tilespmem:s1], [sflag:$0x3] =	stream.linear.gather [hbm4b:s13+s9], $0x1000, $0x38;
	[tilespmem:$0x1A880] =	vst v63  }
0x10a: {  	_ =	swait.ge [sflag:s0], $0x1000  }
0x10b: {  	[sflag:s0] =	ssyncset.done $0x0  }
0x10c: {  	[sflag:s0] =	ssyncadd.s32 $0xFFFFF000  }
0x10d: {  	[tilespmem:s15], [sflag:$0x1] =	stream.indirect.gather [hbm4b:s20+s2], $0x80, s9, s2, $0xb8;
	[tilespmem:$0x1A880] =	vst v63  }
0x10e: {  	_ =	swait.ge [sflag:s3], $0x2800  }
0x10f: {  	[sflag:s3] =	ssyncset.done $0x0  }
0x110: {  	[sflag:s3] =	ssyncadd.s32 $0xFFFFD800  }
0x111: {  	[spmem:s17] =	stream.indirect.scatter.add.f32 [tilespmem:s15], [sflag:$0x3], $0x80, s1, s2, $0xb8;
	[tilespmem:$0x1A880] =	vst v63  }
0x112: {  	_ =	swait.ge [sflag:s0], $0x2800  }
0x113: {  	[sflag:s0] =	ssyncset.done $0x0  }
0x114: {  	s14 =	simm.s32 $0x80;
	[sflag:s0] =	ssyncadd.s32 $0xFFFFD800  }
0x115: {  	[tilespmem:s15], [sflag:$0x1] =	stream.indirect.gather [hbm4b:s20+s2], $0x80, s14, s2, $0xb8;
	[tilespmem:$0x1A880] =	vst v63  }
0x116: {  	_ =	swait.ge [sflag:s3], $0x2800  }
0x117: {  	[sflag:s3] =	ssyncset.done $0x0  }
0x118: {  	s13 =	simm.s32 $0x100;
	[sflag:s3] =	ssyncadd.s32 $0xFFFFD800  }
0x119: {  	[tilespmem:s4], [sflag:$0x2] =	stream.indirect.gather [hbm4b:s20+s2], $0x80, s13, s2, $0xb8;
	[tilespmem:$0x1A880] =	vst v63  }
0x11a: {  	s14 =	simm.s32 $0x1080  }
0x11b: {  	[spmem:s17] =	stream.indirect.scatter.add.f32 [tilespmem:s15], [sflag:$0x3], $0x80, s14, s2, $0xb8;
	[tilespmem:$0x1A880] =	vst v63  }
0x11c: {  	_ =	swait.ge [sflag:s0], $0x2800  }
0x11d: {  	[sflag:s0] =	ssyncset.done $0x0  }
0x11e: {  	s13 =	simm.s32 $0x180;
	[sflag:s0] =	ssyncadd.s32 $0xFFFFD800  }
0x11f: {  	[tilespmem:s15], [sflag:$0x1] =	stream.indirect.gather [hbm4b:s20+s2], $0x80, s13, s2, $0xb8;
	[tilespmem:$0x1A880] =	vst v63  }
0x120: {  	_ =	swait.ge [sflag:s5], $0x2800  }
0x121: {  	[sflag:s5] =	ssyncset.done $0x0  }
0x122: {  	s14 =	simm.s32 $0x1100;
	[sflag:s5] =	ssyncadd.s32 $0xFFFFD800  }
0x123: {  	[spmem:s17] =	stream.indirect.scatter.add.f32 [tilespmem:s4], [sflag:$0x3], $0x80, s14, s2, $0xb8;
	[tilespmem:$0x1A880] =	vst v63  }
0x124: {  	_ =	swait.ge [sflag:s0], $0x2800  }
0x125: {  	s12 =	simm.s32 $0xFFFFD000;
	[sflag:s0] =	ssyncset.done $0x0  }
.LBB2_8:
0x126: {  	p1 =	sne.s32 s12, $0xFFFFFC00  }
0x127: {  	[sflag:s0] =	ssyncadd.s32 $0xFFFFD800;
	s13 =	smov.u32 s12;
	s12 =	sadd.s32 $0x400, s12  }
0x128: {  	_ =	swait.ge [sflag:s3], $0x2800  }
0x129: {  	s13 =	sshra.s32 s13, $0x2;
	[sflag:s3] =	ssyncset.done $0x0  }
0x12a: {  	s14 =	sadd.s32 $0xE00, s13;
	[sflag:s3] =	ssyncadd.s32 $0xFFFFD800  }
0x12b: {  	[tilespmem:s4], [sflag:$0x2] =	stream.indirect.gather [hbm4b:s20+s2], $0x80, s14, s2, $0xb8;
	[tilespmem:$0x1A880] =	vst v63  }
0x12c: {  	s14 =	sadd.s32 $0x1D80, s13  }
0x12d: {  	[spmem:s17] =	stream.indirect.scatter.add.f32 [tilespmem:s15], [sflag:$0x3], $0x80, s14, s2, $0xb8;
	[tilespmem:$0x1A880] =	vst v63  }
0x12e: {  	_ =	swait.ge [sflag:s0], $0x2800  }
0x12f: {  	[sflag:s0] =	ssyncset.done $0x0  }
0x130: {  	s14 =	sadd.s32 $0xE80, s13;
	[sflag:s0] =	ssyncadd.s32 $0xFFFFD800  }
0x131: {  	[tilespmem:s15], [sflag:$0x1] =	stream.indirect.gather [hbm4b:s20+s2], $0x80, s14, s2, $0xb8;
	[tilespmem:$0x1A880] =	vst v63  }
0x132: {  	_ =	swait.ge [sflag:s5], $0x2800  }
.Ltmp3:
0x133: {  	[sflag:s5] =	ssyncset.done $0x0;
	(pc) =	sbr.rel @p1 .LBB2_8-.Ltmp3, $4  }
0x134: {  	s13 =	sadd.s32 $0x1E00, s13;
	[sflag:s5] =	ssyncadd.s32 $0xFFFFD800  }
0x135: {  	[spmem:s17] =	stream.indirect.scatter.add.f32 [tilespmem:s4], [sflag:$0x3], $0x80, s13, s2, $0xb8;
	[tilespmem:$0x1A880] =	vst v63  }
0x136: {  	_ =	swait.ge [sflag:s0], $0x2800  }
0x137: {  	[sflag:s0] =	ssyncset.done $0x0  }
0x138: {  	[sflag:s0] =	ssyncadd.s32 $0xFFFFD800  }
0x139: {  	_ =	swait.ge [sflag:s3], $0x2800  }
0x13a: {  	[sflag:s3] =	ssyncset.done $0x0  }
0x13b: {  	s12 =	simm.s32 $0xE00;
	[sflag:s3] =	ssyncadd.s32 $0xFFFFD800  }
0x13c: {  	[tilespmem:s4], [sflag:$0x2] =	stream.indirect.gather [hbm4b:s20+s2], $0x80, s12, s2, $0xb8;
	[tilespmem:$0x1A880] =	vst v63  }
0x13d: {  	s14 =	simm.s32 $0x1D80  }
0x13e: {  	[spmem:s17] =	stream.indirect.scatter.add.f32 [tilespmem:s15], [sflag:$0x3], $0x80, s14, s2, $0xb8;
	[tilespmem:$0x1A880] =	vst v63  }
0x13f: {  	_ =	swait.ge [sflag:s0], $0x2800  }
0x140: {  	[sflag:s0] =	ssyncset.done $0x0  }
0x141: {  	[sflag:s0] =	ssyncadd.s32 $0xFFFFD800  }
0x142: {  	_ =	swait.ge [sflag:s5], $0x2800  }
0x143: {  	[sflag:s5] =	ssyncset.done $0x0  }
0x144: {  	s13 =	simm.s32 $0x1E00;
	[sflag:s5] =	ssyncadd.s32 $0xFFFFD800  }
0x145: {  	[spmem:s17] =	stream.indirect.scatter.add.f32 [tilespmem:s4], [sflag:$0x3], $0x80, s13, s2, $0xb8;
	[tilespmem:$0x1A880] =	vst v63  }
0x146: {  	_ =	swait.ge [sflag:s0], $0x2800  }
0x147: {  	[sflag:s0] =	ssyncset.done $0x0  }
0x148: {  	[sflag:s0] =	ssyncadd.s32 $0xFFFFD800  }
0x149: {  	[bflag:$0x0] =	sbarrier.arrive $0xFFFF  }
0x14a: {  	[tilespmem:s15], [sflag:$0x4] =	stream.linear.gather [spmem:s23], $0x2800, $0x38;
	[tilespmem:$0x1A880] =	vst v63  }
0x14b: {  	_ =	swait.ge [sflag:s10], $0x2800  }
0x14c: {  	[sflag:s10] =	ssyncset.done $0x0  }
0x14d: {  	s14 =	rddreg [dreg:$0xb];
	[sflag:s10] =	ssyncadd.s32 $0xFFFFD800  }
0x14e: {  	[hbm4b:s14+s9] =	stream.linear.scatter [tilespmem:s15], [sflag:$0x3], $0x2800, $0x38;
	[tilespmem:$0x1A880] =	vst v63  }
0x14f: {  	_ =	swait.ge [sflag:s0], $0x2800  }
0x150: {  	[sflag:s0] =	ssyncset.done $0x0  }
0x151: {  	[sflag:s0] =	ssyncadd.s32 $0xFFFFD800  }
0x152: {  	[tilespmem:s15], [sflag:$0x4] =	stream.linear.gather [spmem:s24], $0x2800, $0x38;
	[tilespmem:$0x1A880] =	vst v63  }
0x153: {  	_ =	swait.ge [sflag:s10], $0x2800  }
0x154: {  	[sflag:s10] =	ssyncset.done $0x0  }
0x155: {  	s13 =	rddreg [dreg:$0xc];
	[sflag:s10] =	ssyncadd.s32 $0xFFFFD800  }
0x156: {  	[hbm4b:s13+s9] =	stream.linear.scatter [tilespmem:s15], [sflag:$0x3], $0x2800, $0x38;
	[tilespmem:$0x1A880] =	vst v63  }
0x157: {  	_ =	swait.ge [sflag:s0], $0x2800  }
0x158: {  	[sflag:s0] =	ssyncset.done $0x0  }
0x159: {  	[sflag:s0] =	ssyncadd.s32 $0xFFFFD800  }
0x15a: {  	[tilespmem:s15], [sflag:$0x4] =	stream.linear.gather [spmem:s25], $0x2800, $0x38;
	[tilespmem:$0x1A880] =	vst v63  }
0x15b: {  	_ =	swait.ge [sflag:s10], $0x2800  }
0x15c: {  	[sflag:s10] =	ssyncset.done $0x0  }
0x15d: {  	s14 =	rddreg [dreg:$0xd];
	[sflag:s10] =	ssyncadd.s32 $0xFFFFD800  }
0x15e: {  	[hbm4b:s14+s9] =	stream.linear.scatter [tilespmem:s15], [sflag:$0x3], $0x2800, $0x38;
	[tilespmem:$0x1A880] =	vst v63  }
0x15f: {  	_ =	swait.ge [sflag:s0], $0x2800  }
0x160: {  	[sflag:s0] =	ssyncset.done $0x0  }
0x161: {  	[sflag:s0] =	ssyncadd.s32 $0xFFFFD800  }
0x162: {  	[tilespmem:s15], [sflag:$0x4] =	stream.linear.gather [spmem:s26], $0x2800, $0x38;
	[tilespmem:$0x1A880] =	vst v63  }
0x163: {  	_ =	swait.ge [sflag:s10], $0x2800  }
0x164: {  	[sflag:s10] =	ssyncset.done $0x0  }
0x165: {  	s13 =	rddreg [dreg:$0xe];
	[sflag:s10] =	ssyncadd.s32 $0xFFFFD800  }
0x166: {  	[hbm4b:s13+s9] =	stream.linear.scatter [tilespmem:s15], [sflag:$0x3], $0x2800, $0x38;
	[tilespmem:$0x1A880] =	vst v63  }
0x167: {  	_ =	swait.ge [sflag:s0], $0x2800  }
0x168: {  	[sflag:s0] =	ssyncset.done $0x0  }
0x169: {  	[sflag:s0] =	ssyncadd.s32 $0xFFFFD800  }
0x16a: {  	[tilespmem:s15], [sflag:$0x4] =	stream.linear.gather [spmem:s28], $0x2800, $0x38;
	[tilespmem:$0x1A880] =	vst v63  }
0x16b: {  	_ =	swait.ge [sflag:s10], $0x2800  }
0x16c: {  	[sflag:s10] =	ssyncset.done $0x0  }
0x16d: {  	s14 =	rddreg [dreg:$0xf];
	[sflag:s10] =	ssyncadd.s32 $0xFFFFD800  }
0x16e: {  	[hbm4b:s14+s9] =	stream.linear.scatter [tilespmem:s15], [sflag:$0x3], $0x2800, $0x38;
	[tilespmem:$0x1A880] =	vst v63  }
0x16f: {  	_ =	swait.ge [sflag:s0], $0x2800  }
0x170: {  	[sflag:s0] =	ssyncset.done $0x0  }
0x171: {  	[sflag:s0] =	ssyncadd.s32 $0xFFFFD800  }
0x172: {  	[tilespmem:s15], [sflag:$0x4] =	stream.linear.gather [spmem:s29], $0x2800, $0x38;
	[tilespmem:$0x1A880] =	vst v63  }
0x173: {  	_ =	swait.ge [sflag:s10], $0x2800  }
0x174: {  	[sflag:s10] =	ssyncset.done $0x0  }
0x175: {  	[sflag:s10] =	ssyncadd.s32 $0xFFFFD800  }
0x176: {  	[hbm4b:s16+s9] =	stream.linear.scatter [tilespmem:s15], [sflag:$0x3], $0x2800, $0x38;
	[tilespmem:$0x1A880] =	vst v63  }
0x177: {  	_ =	swait.ge [sflag:s0], $0x2800  }
0x178: {  	[sflag:s0] =	ssyncset.done $0x0  }
0x179: {  	[sflag:s0] =	ssyncadd.s32 $0xFFFFD800  }
0x17a: {  	[tilespmem:s15], [sflag:$0x4] =	stream.linear.gather [spmem:s30], $0x2800, $0x38;
	[tilespmem:$0x1A880] =	vst v63  }
0x17b: {  	_ =	swait.ge [sflag:s10], $0x2800  }
0x17c: {  	[sflag:s10] =	ssyncset.done $0x0  }
0x17d: {  	[sflag:s10] =	ssyncadd.s32 $0xFFFFD800  }
0x17e: {  	[hbm4b:s18+s9] =	stream.linear.scatter [tilespmem:s15], [sflag:$0x3], $0x2800, $0x38;
	[tilespmem:$0x1A880] =	vst v63  }
0x17f: {  	_ =	swait.ge [sflag:s0], $0x2800  }
0x180: {  	[sflag:s0] =	ssyncset.done $0x0  }
0x181: {  	s12 =	simm.s32 @!p0 $0x2000;
	s13 =	simm.s32 @!p0 $0x4;
	[sflag:s0] =	ssyncadd.s32 $0xFFFFD800  }
0x182: {  	[tilespmem:s12], [sflag:$0x4] =	stream.linear.gather @!p0 [spmem:s31], $0x2800, $0x38;
	[tilespmem:$0x1A880] =	vst v63  }
0x183: {  	_ =	swait.ge @!p0 [sflag:s13], $0x2800  }
0x184: {  	s11 =	sadd.s32 $0x1, s11;
	[sflag:s13] =	ssyncset.done @!p0 $0x0  }
0x185: {  	p1 =	sne.s32 s11, s22;
	[sflag:s13] =	ssyncadd.s32 @!p0 $0xFFFFD800;
	s13 =	simm.s32 @!p0 $0x0  }
0x186: {  	[hbm4b:s19+s13] =	stream.linear.scatter @!p0 [tilespmem:s12], [sflag:$0x3], $0x2800, $0x38;
	[tilespmem:$0x1A880] =	vst v63  }
.Ltmp4:
0x187: {  	_ = 	snop;
	(pc) =	sbr.rel @p1 .LBB2_1-.Ltmp4, $4  }
0x188: {  	s12 =	simm.s32 @!p0 $0x3  }
0x189: {  	_ =	swait.ge @!p0 [sflag:s12], $0x2800  }
0x18a: {  	[sflag:s12] =	ssyncset.done @!p0 $0x0  }
0x18b: {  	[sflag:s12] =	ssyncadd.s32 @!p0 $0xFFFFD800  }
0x18c: {  	_ =	sfence.sel $0x180000  }
0x18d: {  	[bflag:$0x0] =	sbarrier.arrive $0xFFFF  }
0x18e: {  	_ =	strace $0x90000050  }
0x18f: {  	s0 =	stileid.u32;
	[bflag:$0x2] =	sbarrier.arrive $0xFFFF  }
0x190: {  	p0 =	sne.s32 s0, $0x0;
	s0 =	rddreg [dreg:$0x2]  }
0x191: {  	s0 =	sadd.s32 @!p0 $0x100000, s0  }
0x192: {  	[sflag:s0] =	ssyncadd.tile.s32 @!p0 $0x1;
	_ =	shalt  }
.Lfunc_end2:
_tile_overlayer_lowered:
.L_overlay_start_2:
0x193: {  	(tag) =	ssettag $0x2  }
0x194: {  	s0 =	rddreg [dreg:$0x0];
	s2 =	stileid.u32  }
0x195: {  	s1 =	rddreg [dreg:$0x1];
	p0 =	sne.s32 s2, $0x0  }
0x196: {  	s3 =	rddreg [dreg:$0x2];
	[bflag:$0x3] =	sbarrier.arrive $0xFFFF;
	s2 =	simm.s32 @!p0 $0x1C03  }
0x197: {  	[timem:s3], [sflag:s2] =	dma.local @!p0 [hbm:s0], s1  }
0x198: {  	s0 =	simm.s32 @!p0 $0x3  }
0x199: {  	_ =	swait.ge @!p0 [sflag:s0], s1  }
0x19a: {  	s1 =	ssub.s32 @!p0 $0x0, s1;
	[sflag:s0] =	ssyncset.done @!p0 $0x0  }
0x19b: {  	[sflag:s0] =	ssyncadd.s32 @!p0 s1  }
0x19c: {  	[bflag:$0x3] =	sbarrier.arrive $0xFFFF  }
0x19d: {  	_ =	shalt  }

</sc_bundles>
